<compile_context>
chip_gen: v7x
topology: tpu7x:2x2x1
jax: 0.10.2.dev20260603
libtpu: 0.0.44.dev20260713+nightly
codegen_flags: <defaults>
</compile_context>

<pallas_src>
import jax
import jax.numpy as jnp
from jax import lax
from jax.experimental import pallas as pl
from jax.experimental.pallas import tpu as pltpu
from jax.experimental.pallas import tpu_sc as plsc

N = 10000
E = 320000
D = 128
HALF = D // 2
EPS = 1e-5

NC = 2
NS = 16
CHUNK = 128
NCHUNK = 157
EPT = NCHUNK * CHUNK
E_PAD = EPT * NS
NPAD = 10240
STRIPE = NPAD // NS
ZR = 64

_MESH = plsc.VectorSubcoreMesh(core_axis_name="c", subcore_axis_name="s")


DEG_SPLIT = NCHUNK // 2


def _make_sc_agg(compute_deg, NBUF, LOOK):
    SLACK = NBUF - LOOK
    out_type = [jax.ShapeDtypeStruct((NPAD, D), jnp.float32)]
    scratch = [
        pltpu.VMEM((NCHUNK, CHUNK), jnp.int32),
        pltpu.VMEM((NCHUNK, CHUNK), jnp.int32),
        pltpu.VMEM((NBUF, CHUNK, HALF), jnp.float32),
        pltpu.VMEM_SHARED((NPAD, HALF), jnp.float32),
    ] + [pltpu.SemaphoreType.DMA] * (2 * NBUF)
    if compute_deg:
        out_type.append(jax.ShapeDtypeStruct((NC * NPAD, 16), jnp.float32))
        scratch += [
            pltpu.VMEM((CHUNK, 16), jnp.float32),
            pltpu.VMEM_SHARED((NPAD, 16), jnp.float32),
        ]

    def body(h2n, srcpe, srcpo, dstp, zrows, zdeg, ones_h, *refs):
        if compute_deg:
            (agg_out, deg_out, src_v, dst_v, bufs, acc,
             *sems2) = refs
            sems = sems2[:2 * NBUF]
            ones_v, dacc = sems2[2 * NBUF:]
        else:
            agg_out, src_v, dst_v, bufs, acc, *sems = refs
        gsem = sems[:NBUF]
        ssem = sems[NBUF:]
        cid = lax.axis_index("c")
        sid = lax.axis_index("s")

        def zero_body(z, carry):
            pltpu.sync_copy(zrows, acc.at[pl.ds(sid * STRIPE + z * ZR, ZR)])
            return carry

        lax.fori_loop(0, STRIPE // ZR, zero_body, 0)
        if compute_deg:
            pltpu.sync_copy(zdeg, dacc.at[pl.ds(sid * STRIPE, STRIPE)])
            pltpu.sync_copy(ones_h, ones_v)
        plsc.subcore_barrier()

        @pl.when(cid == 0)
        def _():
            pltpu.sync_copy(srcpe.at[sid], src_v)

        @pl.when(cid == 1)
        def _():
            pltpu.sync_copy(srcpo.at[sid], src_v)

        pltpu.sync_copy(dstp.at[sid], dst_v)

        def start_gather(j, p):
            pltpu.async_copy(h2n.at[src_v.at[j]], bufs.at[p], gsem[p])

        def wait_gather(j, p):
            pltpu.make_async_copy(h2n.at[src_v.at[j]], bufs.at[p],
                                  gsem[p]).wait()

        def start_scatter(j, p):
            pltpu.async_copy(bufs.at[p], acc.at[dst_v.at[j]], ssem[p],
                             add=True)

        def wait_scatter(j, p):
            pltpu.make_async_copy(bufs.at[p], acc.at[dst_v.at[j]],
                                  ssem[p]).wait()

        def count_deg(k):
            if compute_deg:
                cond = jnp.where(cid == 0, k < DEG_SPLIT, k >= DEG_SPLIT)

                @pl.when(cond)
                def _():
                    pltpu.sync_copy(ones_v, dacc.at[dst_v.at[k]], add=True)

        def step(k, p, q, prefetch):
            wait_gather(k, p)
            start_scatter(k, p)
            count_deg(k)
            if prefetch:
                wait_scatter(k - SLACK, q)
                start_gather(k + LOOK, q)

        for m in range(LOOK):
            start_gather(m, m)
        for k in range(SLACK):
            wait_gather(k, k)
            start_scatter(k, k)
            count_deg(k)
            start_gather(k + LOOK, (k + LOOK) % NBUF)

        blocks = (NCHUNK - LOOK - SLACK) // NBUF
        rem = (NCHUNK - LOOK - SLACK) % NBUF

        def loop_body(ii, carry):
            for t in range(NBUF):
                k = SLACK + ii * NBUF + t
                step(k, (SLACK + t) % NBUF, t, True)
            return carry

        lax.fori_loop(0, blocks, loop_body, 0)
        for t in range(rem):
            k = SLACK + blocks * NBUF + t
            step(k, k % NBUF, (k - SLACK) % NBUF, True)
        for e in range(LOOK):
            k = NCHUNK - LOOK + e
            wait_gather(k, k % NBUF)
            start_scatter(k, k % NBUF)
            count_deg(k)
        for e in range(NBUF):
            k = NCHUNK - NBUF + e
            wait_scatter(k, k % NBUF)
        plsc.subcore_barrier()

        @pl.when(cid == 0)
        def _():
            pltpu.sync_copy(acc.at[pl.ds(sid * STRIPE, STRIPE)],
                            agg_out.at[pl.ds(sid * STRIPE, STRIPE), 0:HALF])

        @pl.when(cid == 1)
        def _():
            pltpu.sync_copy(acc.at[pl.ds(sid * STRIPE, STRIPE)],
                            agg_out.at[pl.ds(sid * STRIPE, STRIPE), HALF:D])

        if compute_deg:
            row0 = cid * NPAD + sid * STRIPE
            pltpu.sync_copy(dacc.at[pl.ds(sid * STRIPE, STRIPE)],
                            deg_out.at[pl.ds(row0, STRIPE)])

    return pl.kernel(
        body,
        out_type=tuple(out_type) if compute_deg else out_type[0],
        mesh=_MESH,
        scratch_types=scratch,
        compiler_params=pltpu.CompilerParams(use_tc_tiling_on_sc=False),
    )


_sc_agg_deg = _make_sc_agg(True, 4, 2)
_sc_agg = _make_sc_agg(False, 6, 3)


def _dot_t(a, w):
    return lax.dot_general(a, w, (((1,), (1,)), ((), ())),
                           preferred_element_type=jnp.float32)


def _vn_mlp_math(v, W1, b1, g1, t1, W2, b2, g2, t2):
    h1 = jnp.maximum(_dot_t(v, W1) + b1, 0.0)
    mu = jnp.mean(h1, axis=1, keepdims=True)
    va = jnp.mean(h1 * h1, axis=1, keepdims=True) - mu * mu
    h1 = (h1 - mu) * lax.rsqrt(va + EPS) * g1 + t1
    h2 = jnp.maximum(_dot_t(h1, W2) + b2, 0.0)
    mu = jnp.mean(h2, axis=1, keepdims=True)
    va = jnp.mean(h2 * h2, axis=1, keepdims=True) - mu * mu
    return (h2 - mu) * lax.rsqrt(va + EPS) * g2 + t2


def _deg_cols(degp):
    deg = degp[0:N, 0:1] + degp[NPAD:NPAD + N, 0:1]
    inv = 1.0 / jnp.maximum(deg, 1.0)
    return deg, inv, deg * inv


def _lin_of(h, aggp, inv, cvec, avn, Wl, bl, Wr):
    aggm = aggp[0:N, :] * inv + cvec * avn
    return _dot_t(aggm, Wl) + _dot_t(h, Wr) + bl + _dot_t(avn, Wr)


def _bn(lin, g, b, relu):
    mu = jnp.mean(lin, axis=0, keepdims=True)
    va = jnp.mean(lin * lin, axis=0, keepdims=True) - mu * mu
    out = (lin - mu) * lax.rsqrt(va + EPS) * g + b
    if relu:
        out = jnp.maximum(out, 0.0)
    return out


def _tc_fwd_body(h, aggp, degp, vn, Wl, bl, Wr, g, b,
                 W1, b1, g1, t1, W2, b2, g2, t2,
                 h_out, vn_out):
    _, inv, cvec = _deg_cols(degp)
    avn = vn[...]
    hh = h[...]
    lin = _lin_of(hh, aggp, inv, cvec, avn, Wl[...], bl[...], Wr[...])
    h_out[...] = _bn(lin, g[...], b[...], True)
    pooled = jnp.sum(hh, axis=0, keepdims=True)
    vn_out[...] = _vn_mlp_math(pooled + avn, W1[...], b1[...], g1[...], t1[...],
                               W2[...], b2[...], g2[...], t2[...])


def _tc_last_body(h, aggp, degp, vn, Wl, bl, Wr, g, b, h_out):
    _, inv, cvec = _deg_cols(degp)
    avn = vn[...]
    lin = _lin_of(h[...], aggp, inv, cvec, avn, Wl[...], bl[...], Wr[...])
    h_out[...] = _bn(lin, g[...], b[...], False)


_tc_fwd = pl.pallas_call(
    _tc_fwd_body,
    out_shape=(jax.ShapeDtypeStruct((N, D), jnp.float32),
               jax.ShapeDtypeStruct((1, D), jnp.float32)),
)

_tc_last = pl.pallas_call(
    _tc_last_body,
    out_shape=jax.ShapeDtypeStruct((N, D), jnp.float32),
)


def kernel(x, adj_t, params):
    src = adj_t[0].astype(jnp.int32)
    dst = adj_t[1].astype(jnp.int32)
    pad = E_PAD - E
    pad_ar = jnp.arange(pad, dtype=jnp.int32)
    src_p = jnp.concatenate([src, pad_ar % N])
    srcpe = (src_p * 2).reshape(NS, NCHUNK, CHUNK)
    srcpo = (src_p * 2 + 1).reshape(NS, NCHUNK, CHUNK)
    dstp = jnp.concatenate([dst, N + pad_ar % (NPAD - N)]).reshape(NS, NCHUNK, CHUNK)
    zrows = jnp.zeros((ZR, HALF), jnp.float32)
    zdeg = jnp.zeros((STRIPE, 16), jnp.float32)
    ones_h = jnp.ones((CHUNK, 16), jnp.float32)

    convs = params["convs"]
    bns = params["bns"]
    mlps = params["vn_mlps"]
    vn0 = params["vn"]

    def row(v):
        return v.reshape(1, -1)

    def mlp_args(m):
        return (m["W1"], row(m["b1"]), row(m["g1"]), row(m["t1"]),
                m["W2"], row(m["b2"]), row(m["g2"]), row(m["t2"]))

    def view2n(h):
        return h.reshape(2 * N, HALF)

    aggp, degp = _sc_agg_deg(view2n(x), srcpe, srcpo, dstp, zrows, zdeg, ones_h)
    h1, vn1 = _tc_fwd(
        x, aggp, degp, vn0,
        convs[0]["Wl"], row(convs[0]["bl"]), convs[0]["Wr"],
        row(bns[0]["g"]), row(bns[0]["b"]), *mlp_args(mlps[0]))

    aggp2 = _sc_agg(view2n(h1), srcpe, srcpo, dstp, zrows, zdeg, ones_h)
    h2, vn2 = _tc_fwd(
        h1, aggp2, degp, vn1,
        convs[1]["Wl"], row(convs[1]["bl"]), convs[1]["Wr"],
        row(bns[1]["g"]), row(bns[1]["b"]), *mlp_args(mlps[1]))

    aggp3 = _sc_agg(view2n(h2), srcpe, srcpo, dstp, zrows, zdeg, ones_h)
    h3 = _tc_last(
        h2, aggp3, degp, vn2,
        convs[2]["Wl"], row(convs[2]["bl"]), convs[2]["Wr"],
        row(bns[2]["g"]), row(bns[2]["b"]))
    return h3

# --- scband reference (transcript-rebuilt; emitter-appended) ---
"""Pipeline reference for scband-vngnn-25520695673457 (READ-ONLY COPY).

The authoritative reference and input builder live on the scoring server;
editing this copy changes nothing except your own understanding.
"""

import jax, jax.numpy as jnp
import numpy as np

N = 10000
E = 320000
D_IN = 128
D_H = 128
D_OUT = 128
NUM_LAYERS = 3
EPS = 1e-5


def _lin_init(key, out_d, in_d):
    k1, k2 = jax.random.split(key)
    bound = 1.0 / np.sqrt(in_d)
    W = jax.random.uniform(k1, (out_d, in_d), minval=-bound, maxval=bound, dtype=jnp.float32)
    b = jax.random.uniform(k2, (out_d,), minval=-bound, maxval=bound, dtype=jnp.float32)
    return W, b


def setup_inputs(seed: int = 0):
    key = jax.random.key(seed)
    ks = jax.random.split(key, 16)
    x = jax.random.normal(ks[0], (N, D_IN), dtype=jnp.float32)
    adj_t = jax.random.randint(ks[1], (2, E), 0, N)
    convs = []
    dims = [(D_IN, D_H), (D_H, D_H), (D_H, D_OUT)]
    for i, (din, dout) in enumerate(dims):
        kk = jax.random.split(ks[2 + i], 3)
        Wl, bl = _lin_init(kk[0], dout, din)
        Wr, _ = _lin_init(kk[1], dout, din)
        convs.append({"Wl": Wl, "bl": bl, "Wr": Wr})
    bns = [
        {"g": jnp.ones((D_H,), jnp.float32), "b": jnp.zeros((D_H,), jnp.float32)},
        {"g": jnp.ones((D_H,), jnp.float32), "b": jnp.zeros((D_H,), jnp.float32)},
        {"g": jnp.ones((D_OUT,), jnp.float32), "b": jnp.zeros((D_OUT,), jnp.float32)},
    ]
    vn_mlps = []
    mlp_in_dims = [D_IN, D_H]
    for i, din in enumerate(mlp_in_dims):
        kk = jax.random.split(ks[6 + i], 2)
        W1, b1 = _lin_init(kk[0], 2 * D_H, din)
        W2, b2 = _lin_init(kk[1], D_H, 2 * D_H)
        vn_mlps.append({
            "W1": W1, "b1": b1,
            "g1": jnp.ones((2 * D_H,), jnp.float32), "t1": jnp.zeros((2 * D_H,), jnp.float32),
            "W2": W2, "b2": b2,
            "g2": jnp.ones((D_H,), jnp.float32), "t2": jnp.zeros((D_H,), jnp.float32),
        })
    params = {
        "vn": jnp.zeros((1, D_IN), jnp.float32),  # torch init.constant_(0)
        "convs": convs,
        "bns": bns,
        "vn_mlps": vn_mlps,
    }
    return {"x": x, "adj_t": adj_t, "params": params}


def _layer_norm(h, g, t):
    mu = h.mean(axis=-1, keepdims=True)
    var = h.var(axis=-1, keepdims=True)
    return (h - mu) / jnp.sqrt(var + EPS) * g + t


def _batch_norm(h, g, b):
    mu = h.mean(axis=0)
    var = h.var(axis=0)
    return (h - mu) / jnp.sqrt(var + EPS) * g + b


def _sage_conv(h, p, src, dst, inv_deg):
    # PyG SAGEConv (aggr='mean'): out = lin_l(mean_{j in N(i)} x_j) + lin_r(x_i)
    agg = jax.ops.segment_sum(h[src], dst, num_segments=N) * inv_deg[:, None]
    return agg @ p["Wl"].T + p["bl"] + h @ p["Wr"].T


def _vn_mlp(v, p):
    h1 = jnp.maximum(v @ p["W1"].T + p["b1"], 0.0)
    h1 = _layer_norm(h1, p["g1"], p["t1"])
    h2 = jnp.maximum(h1 @ p["W2"].T + p["b2"], 0.0)
    h2 = _layer_norm(h2, p["g2"], p["t2"])
    return h2


def _forward(x, params, src, dst):
    deg = jax.ops.segment_sum(jnp.ones((src.shape[0],), jnp.float32), dst, num_segments=N)
    inv_deg = 1.0 / jnp.maximum(deg, 1.0)
    vn = params["vn"]  # [1, D_IN], num_virtual_nodes = 1
    embs = [x]
    for layer in range(NUM_LAYERS):
        avn = vn.sum(axis=0, keepdims=True)  # aggregation='sum'
        h = embs[layer] + avn
        h = _sage_conv(h, params["convs"][layer], src, dst, inv_deg)
        h = _batch_norm(h, params["bns"][layer]["g"], params["bns"][layer]["b"])
        if layer != NUM_LAYERS - 1:
            h = jnp.maximum(h, 0.0)  # relu; dropout p=0.0 is identity
        embs.append(h)
        if layer < NUM_LAYERS - 1:
            # vn_index='full': global_add_pool over all nodes of embs[layer]
            pooled = jnp.sum(embs[layer], axis=0, keepdims=True)
            vn_tmp = pooled + vn
            vn = _vn_mlp(vn_tmp, params["vn_mlps"][layer])
    return embs[-1]  # JK='last'


def reference(x, adj_t, params):
    src = adj_t[0]
    dst = adj_t[1]
    return _forward(x, params, src, dst)

if __name__ == "__main__":
    import jax
    _d = setup_inputs()
    print(jax.jit(kernel)(*tuple(_d.values())))

</pallas_src>

<mosaic_0001>
#map = affine_map<(d0, d1) -> (0, 0)>
#map1 = affine_map<(d0, d1) -> (0, 0, 0)>
module attributes {stable_mosaic.version = 14 : i64} {
  func.func @body(%arg0: i32, %arg1: i32, %arg2: memref<20000x64xf32, #tpu.memory_space<hbm>>, %arg3: memref<16x157x128xi32, #tpu.memory_space<hbm>>, %arg4: memref<16x157x128xi32, #tpu.memory_space<hbm>>, %arg5: memref<16x157x128xi32, #tpu.memory_space<hbm>>, %arg6: memref<64x64xf32, #tpu.memory_space<hbm>>, %arg7: memref<640x16xf32, #tpu.memory_space<hbm>>, %arg8: memref<128x16xf32, #tpu.memory_space<hbm>>, %arg9: memref<10240x128xf32, #tpu.memory_space<hbm>>, %arg10: memref<20480x16xf32, #tpu.memory_space<hbm>>, %arg11: memref<157x128xi32, #tpu.memory_space<vmem>>, %arg12: memref<157x128xi32, #tpu.memory_space<vmem>>, %arg13: memref<4x128x64xf32, #tpu.memory_space<vmem>>, %arg14: memref<10240x64xf32, #tpu.memory_space<vmem_shared>>, %arg15: memref<!tpu.dma_semaphore, #tpu.memory_space<semaphore_mem>>, %arg16: memref<!tpu.dma_semaphore, #tpu.memory_space<semaphore_mem>>, %arg17: memref<!tpu.dma_semaphore, #tpu.memory_space<semaphore_mem>>, %arg18: memref<!tpu.dma_semaphore, #tpu.memory_space<semaphore_mem>>, %arg19: memref<!tpu.dma_semaphore, #tpu.memory_space<semaphore_mem>>, %arg20: memref<!tpu.dma_semaphore, #tpu.memory_space<semaphore_mem>>, %arg21: memref<!tpu.dma_semaphore, #tpu.memory_space<semaphore_mem>>, %arg22: memref<!tpu.dma_semaphore, #tpu.memory_space<semaphore_mem>>, %arg23: memref<128x16xf32, #tpu.memory_space<vmem>>, %arg24: memref<10240x16xf32, #tpu.memory_space<vmem_shared>>) attributes {dimension_semantics = [#tpu.dimension_semantics<core_parallel>, #tpu.dimension_semantics<subcore_parallel>], iteration_bounds = array<i64: 2, 16>, scalar_prefetch = 0 : i64, scratch_operands = 14 : i64, tpu.core_type = #tpu.core_type<sc_vector_subcore>, window_params = [{transform_indices = #map}, {transform_indices = #map1}, {transform_indices = #map1}, {transform_indices = #map1}, {transform_indices = #map}, {transform_indices = #map}, {transform_indices = #map}, {transform_indices = #map}, {transform_indices = #map}]} {
    %scan3A = arith.constant 0 : i32
    %scan3A_0 = arith.constant 0 : i32
    %scan3A_1 = arith.constant 10 : i32
    %scan3A_2 = arith.addi %scan3A_0, %scan3A_1 : i32
    %scan3A_3 = arith.constant 1 : i32
    scf.for %scan3A_312 = %scan3A_0 to %scan3A_2 step %scan3A_3  : i32 {
      %mul3A_313 = arith.constant 640 : i32
      %mul3A_314 = arith.muli %arg1, %mul3A_313 : i32
      %mul3A_315 = arith.constant 64 : i32
      %mul3A_316 = arith.muli %scan3A_312, %mul3A_315 : i32
      %add3A_317 = arith.addi %mul3A_314, %mul3A_316 : i32
      "tpu.region"() ({
        %run_scoped3A = tpu.sem_alloc : memref<!tpu.dma_semaphore, #tpu.memory_space<semaphore_mem>>
        %dma_start3A_318 = arith.constant 0 : i32
        %dma_start3A_319 = tpu.memref_slice %arg14[%add3A_317, %dma_start3A_318] : memref<10240x64xf32, #tpu.memory_space<vmem_shared>> -> memref<64x64xf32, #tpu.memory_space<vmem_shared>>
        tpu.enqueue_dma source(%arg6 : memref<64x64xf32, #tpu.memory_space<hbm>>) target(%dma_start3A_319 : memref<64x64xf32, #tpu.memory_space<vmem_shared>>) target_semaphore(%run_scoped3A : memref<!tpu.dma_semaphore, #tpu.memory_space<semaphore_mem>>)
        %dma_wait3A_320 = arith.constant 0 : i32
        %dma_wait3A_321 = tpu.memref_slice %arg14[%add3A_317, %dma_wait3A_320] : memref<10240x64xf32, #tpu.memory_space<vmem_shared>> -> memref<64x64xf32, #tpu.memory_space<vmem_shared>>
        tpu.wait_dma2 semaphore(%run_scoped3A : memref<!tpu.dma_semaphore, #tpu.memory_space<semaphore_mem>>) src(%arg6 : memref<64x64xf32, #tpu.memory_space<hbm>>) dst(%dma_wait3A_321 : memref<64x64xf32, #tpu.memory_space<vmem_shared>>)
        tpu.yield
      }) : () -> ()
    }
    %scan3A_4 = arith.constant 10 : i32
    %mul3A = arith.constant 640 : i32
    %mul3A_5 = arith.muli %arg1, %mul3A : i32
    "tpu.region"() ({
      %run_scoped3A = tpu.sem_alloc : memref<!tpu.dma_semaphore, #tpu.memory_space<semaphore_mem>>
      %dma_start3A_312 = arith.constant 0 : i32
      %dma_start3A_313 = tpu.memref_slice %arg24[%mul3A_5, %dma_start3A_312] : memref<10240x16xf32, #tpu.memory_space<vmem_shared>> -> memref<640x16xf32, #tpu.memory_space<vmem_shared>>
      tpu.enqueue_dma source(%arg7 : memref<640x16xf32, #tpu.memory_space<hbm>>) target(%dma_start3A_313 : memref<640x16xf32, #tpu.memory_space<vmem_shared>>) target_semaphore(%run_scoped3A : memref<!tpu.dma_semaphore, #tpu.memory_space<semaphore_mem>>)
      %dma_wait3A_314 = arith.constant 0 : i32
      %dma_wait3A_315 = tpu.memref_slice %arg24[%mul3A_5, %dma_wait3A_314] : memref<10240x16xf32, #tpu.memory_space<vmem_shared>> -> memref<640x16xf32, #tpu.memory_space<vmem_shared>>
      tpu.wait_dma2 semaphore(%run_scoped3A : memref<!tpu.dma_semaphore, #tpu.memory_space<semaphore_mem>>) src(%arg7 : memref<640x16xf32, #tpu.memory_space<hbm>>) dst(%dma_wait3A_315 : memref<640x16xf32, #tpu.memory_space<vmem_shared>>)
      tpu.yield
    }) : () -> ()
    "tpu.region"() ({
      %run_scoped3A = tpu.sem_alloc : memref<!tpu.dma_semaphore, #tpu.memory_space<semaphore_mem>>
      tpu.enqueue_dma source(%arg8 : memref<128x16xf32, #tpu.memory_space<hbm>>) target(%arg23 : memref<128x16xf32, #tpu.memory_space<vmem>>) target_semaphore(%run_scoped3A : memref<!tpu.dma_semaphore, #tpu.memory_space<semaphore_mem>>)
      tpu.wait_dma2 semaphore(%run_scoped3A : memref<!tpu.dma_semaphore, #tpu.memory_space<semaphore_mem>>) src(%arg8 : memref<128x16xf32, #tpu.memory_space<hbm>>) dst(%arg23 : memref<128x16xf32, #tpu.memory_space<vmem>>)
      tpu.yield
    }) : () -> ()
    %barrier3A = arith.constant 0 : index
    tpu.barrier barrier_id(%barrier3A)
    %eq3A = arith.constant 0 : i32
    %eq3A_6 = arith.cmpi eq, %arg0, %eq3A : i32
    %convert_element_type3A = arith.extui %eq3A_6 : i1 to i32
    %cond3A = arith.constant 0 : i32
    %cond3A_7 = arith.cmpi ne, %convert_element_type3A, %cond3A : i32
    scf.if %cond3A_7 {
      "tpu.region"() ({
        %run_scoped3A = tpu.sem_alloc : memref<!tpu.dma_semaphore, #tpu.memory_space<semaphore_mem>>
        %dma_start3A_312 = arith.constant 0 : i32
        %dma_start3A_313 = arith.constant 0 : i32
        %dma_start3A_314 = tpu.memref_slice %arg3[%arg1, %dma_start3A_312, %dma_start3A_313] : memref<16x157x128xi32, #tpu.memory_space<hbm>> -> memref<1x157x128xi32, #tpu.memory_space<hbm>>
        %dma_start3A_315 = tpu.memref_squeeze %dma_start3A_314 : memref<1x157x128xi32, #tpu.memory_space<hbm>> -> memref<157x128xi32, #tpu.memory_space<hbm>>
        %dma_start3A_316 = arith.constant 0 : i32
        %dma_start3A_317 = arith.constant 0 : i32
        %dma_start3A_318 = tpu.memref_slice %arg3[%arg1, %dma_start3A_316, %dma_start3A_317] : memref<16x157x128xi32, #tpu.memory_space<hbm>> -> memref<1x157x128xi32, #tpu.memory_space<hbm>>
        %dma_start3A_319 = tpu.memref_squeeze %dma_start3A_318 : memref<1x157x128xi32, #tpu.memory_space<hbm>> -> memref<157x128xi32, #tpu.memory_space<hbm>>
        tpu.enqueue_dma source(%dma_start3A_319 : memref<157x128xi32, #tpu.memory_space<hbm>>) target(%arg11 : memref<157x128xi32, #tpu.memory_space<vmem>>) target_semaphore(%run_scoped3A : memref<!tpu.dma_semaphore, #tpu.memory_space<semaphore_mem>>)
        %dma_wait3A_320 = arith.constant 0 : i32
        %dma_wait3A_321 = arith.constant 0 : i32
        %dma_wait3A_322 = tpu.memref_slice %arg3[%arg1, %dma_wait3A_320, %dma_wait3A_321] : memref<16x157x128xi32, #tpu.memory_space<hbm>> -> memref<1x157x128xi32, #tpu.memory_space<hbm>>
        %dma_wait3A_323 = tpu.memref_squeeze %dma_wait3A_322 : memref<1x157x128xi32, #tpu.memory_space<hbm>> -> memref<157x128xi32, #tpu.memory_space<hbm>>
        %dma_wait3A_324 = arith.constant 0 : i32
        %dma_wait3A_325 = arith.constant 0 : i32
        %dma_wait3A_326 = tpu.memref_slice %arg3[%arg1, %dma_wait3A_324, %dma_wait3A_325] : memref<16x157x128xi32, #tpu.memory_space<hbm>> -> memref<1x157x128xi32, #tpu.memory_space<hbm>>
        %dma_wait3A_327 = tpu.memref_squeeze %dma_wait3A_326 : memref<1x157x128xi32, #tpu.memory_space<hbm>> -> memref<157x128xi32, #tpu.memory_space<hbm>>
        tpu.wait_dma2 semaphore(%run_scoped3A : memref<!tpu.dma_semaphore, #tpu.memory_space<semaphore_mem>>) src(%dma_wait3A_327 : memref<157x128xi32, #tpu.memory_space<hbm>>) dst(%arg11 : memref<157x128xi32, #tpu.memory_space<vmem>>)
        tpu.yield
      }) : () -> ()
    } else {
    }
    %eq3A_8 = arith.constant 1 : i32
    %eq3A_9 = arith.cmpi eq, %arg0, %eq3A_8 : i32
    %convert_element_type3A_10 = arith.extui %eq3A_9 : i1 to i32
    %cond3A_11 = arith.constant 0 : i32
    %cond3A_12 = arith.cmpi ne, %convert_element_type3A_10, %cond3A_11 : i32
    scf.if %cond3A_12 {
      "tpu.region"() ({
        %run_scoped3A = tpu.sem_alloc : memref<!tpu.dma_semaphore, #tpu.memory_space<semaphore_mem>>
        %dma_start3A_312 = arith.constant 0 : i32
        %dma_start3A_313 = arith.constant 0 : i32
        %dma_start3A_314 = tpu.memref_slice %arg4[%arg1, %dma_start3A_312, %dma_start3A_313] : memref<16x157x128xi32, #tpu.memory_space<hbm>> -> memref<1x157x128xi32, #tpu.memory_space<hbm>>
        %dma_start3A_315 = tpu.memref_squeeze %dma_start3A_314 : memref<1x157x128xi32, #tpu.memory_space<hbm>> -> memref<157x128xi32, #tpu.memory_space<hbm>>
        %dma_start3A_316 = arith.constant 0 : i32
        %dma_start3A_317 = arith.constant 0 : i32
        %dma_start3A_318 = tpu.memref_slice %arg4[%arg1, %dma_start3A_316, %dma_start3A_317] : memref<16x157x128xi32, #tpu.memory_space<hbm>> -> memref<1x157x128xi32, #tpu.memory_space<hbm>>
        %dma_start3A_319 = tpu.memref_squeeze %dma_start3A_318 : memref<1x157x128xi32, #tpu.memory_space<hbm>> -> memref<157x128xi32, #tpu.memory_space<hbm>>
        tpu.enqueue_dma source(%dma_start3A_319 : memref<157x128xi32, #tpu.memory_space<hbm>>) target(%arg11 : memref<157x128xi32, #tpu.memory_space<vmem>>) target_semaphore(%run_scoped3A : memref<!tpu.dma_semaphore, #tpu.memory_space<semaphore_mem>>)
        %dma_wait3A_320 = arith.constant 0 : i32
        %dma_wait3A_321 = arith.constant 0 : i32
        %dma_wait3A_322 = tpu.memref_slice %arg4[%arg1, %dma_wait3A_320, %dma_wait3A_321] : memref<16x157x128xi32, #tpu.memory_space<hbm>> -> memref<1x157x128xi32, #tpu.memory_space<hbm>>
        %dma_wait3A_323 = tpu.memref_squeeze %dma_wait3A_322 : memref<1x157x128xi32, #tpu.memory_space<hbm>> -> memref<157x128xi32, #tpu.memory_space<hbm>>
        %dma_wait3A_324 = arith.constant 0 : i32
        %dma_wait3A_325 = arith.constant 0 : i32
        %dma_wait3A_326 = tpu.memref_slice %arg4[%arg1, %dma_wait3A_324, %dma_wait3A_325] : memref<16x157x128xi32, #tpu.memory_space<hbm>> -> memref<1x157x128xi32, #tpu.memory_space<hbm>>
        %dma_wait3A_327 = tpu.memref_squeeze %dma_wait3A_326 : memref<1x157x128xi32, #tpu.memory_space<hbm>> -> memref<157x128xi32, #tpu.memory_space<hbm>>
        tpu.wait_dma2 semaphore(%run_scoped3A : memref<!tpu.dma_semaphore, #tpu.memory_space<semaphore_mem>>) src(%dma_wait3A_327 : memref<157x128xi32, #tpu.memory_space<hbm>>) dst(%arg11 : memref<157x128xi32, #tpu.memory_space<vmem>>)
        tpu.yield
      }) : () -> ()
    } else {
    }
    "tpu.region"() ({
      %run_scoped3A = tpu.sem_alloc : memref<!tpu.dma_semaphore, #tpu.memory_space<semaphore_mem>>
      %dma_start3A_312 = arith.constant 0 : i32
      %dma_start3A_313 = arith.constant 0 : i32
      %dma_start3A_314 = tpu.memref_slice %arg5[%arg1, %dma_start3A_312, %dma_start3A_313] : memref<16x157x128xi32, #tpu.memory_space<hbm>> -> memref<1x157x128xi32, #tpu.memory_space<hbm>>
      %dma_start3A_315 = tpu.memref_squeeze %dma_start3A_314 : memref<1x157x128xi32, #tpu.memory_space<hbm>> -> memref<157x128xi32, #tpu.memory_space<hbm>>
      %dma_start3A_316 = arith.constant 0 : i32
      %dma_start3A_317 = arith.constant 0 : i32
      %dma_start3A_318 = tpu.memref_slice %arg5[%arg1, %dma_start3A_316, %dma_start3A_317] : memref<16x157x128xi32, #tpu.memory_space<hbm>> -> memref<1x157x128xi32, #tpu.memory_space<hbm>>
      %dma_start3A_319 = tpu.memref_squeeze %dma_start3A_318 : memref<1x157x128xi32, #tpu.memory_space<hbm>> -> memref<157x128xi32, #tpu.memory_space<hbm>>
      tpu.enqueue_dma source(%dma_start3A_319 : memref<157x128xi32, #tpu.memory_space<hbm>>) target(%arg12 : memref<157x128xi32, #tpu.memory_space<vmem>>) target_semaphore(%run_scoped3A : memref<!tpu.dma_semaphore, #tpu.memory_space<semaphore_mem>>)
      %dma_wait3A_320 = arith.constant 0 : i32
      %dma_wait3A_321 = arith.constant 0 : i32
      %dma_wait3A_322 = tpu.memref_slice %arg5[%arg1, %dma_wait3A_320, %dma_wait3A_321] : memref<16x157x128xi32, #tpu.memory_space<hbm>> -> memref<1x157x128xi32, #tpu.memory_space<hbm>>
      %dma_wait3A_323 = tpu.memref_squeeze %dma_wait3A_322 : memref<1x157x128xi32, #tpu.memory_space<hbm>> -> memref<157x128xi32, #tpu.memory_space<hbm>>
      %dma_wait3A_324 = arith.constant 0 : i32
      %dma_wait3A_325 = arith.constant 0 : i32
      %dma_wait3A_326 = tpu.memref_slice %arg5[%arg1, %dma_wait3A_324, %dma_wait3A_325] : memref<16x157x128xi32, #tpu.memory_space<hbm>> -> memref<1x157x128xi32, #tpu.memory_space<hbm>>
      %dma_wait3A_327 = tpu.memref_squeeze %dma_wait3A_326 : memref<1x157x128xi32, #tpu.memory_space<hbm>> -> memref<157x128xi32, #tpu.memory_space<hbm>>
      tpu.wait_dma2 semaphore(%run_scoped3A : memref<!tpu.dma_semaphore, #tpu.memory_space<semaphore_mem>>) src(%dma_wait3A_327 : memref<157x128xi32, #tpu.memory_space<hbm>>) dst(%arg12 : memref<157x128xi32, #tpu.memory_space<vmem>>)
      tpu.yield
    }) : () -> ()
    %dma_start3A = arith.constant 0 : i32
    %dma_start3A_13 = arith.constant 0 : i32
    %dma_start3A_14 = arith.constant 0 : i32
    %dma_start3A_15 = arith.constant 0 : i32
    %dma_start3A_16 = tpu.memref_slice %arg13[%dma_start3A_13, %dma_start3A_14, %dma_start3A_15] : memref<4x128x64xf32, #tpu.memory_space<vmem>> -> memref<1x128x64xf32, #tpu.memory_space<vmem>>
    %dma_start3A_17 = tpu.memref_squeeze %dma_start3A_16 : memref<1x128x64xf32, #tpu.memory_space<vmem>> -> memref<128x64xf32, #tpu.memory_space<vmem>>
    %dma_start3A_18 = arith.constant 0 : i32
    %dma_start3A_19 = tpu.memref_slice %arg11[%dma_start3A, %dma_start3A_18] : memref<157x128xi32, #tpu.memory_space<vmem>> -> memref<1x128xi32, #tpu.memory_space<vmem>>
    %dma_start3A_20 = tpu.memref_squeeze %dma_start3A_19 : memref<1x128xi32, #tpu.memory_space<vmem>> -> memref<128xi32, #tpu.memory_space<vmem>>
    %dma_start3A_21 = arith.constant 0 : i32
    %dma_start3A_22 = arith.constant 0 : i32
    %dma_start3A_23 = tpu.memref_slice %arg2[%dma_start3A_21, %dma_start3A_22] : memref<20000x64xf32, #tpu.memory_space<hbm>> -> memref<20000x64xf32, #tpu.memory_space<hbm>>
    tpu.enqueue_indirect_dma source(%dma_start3A_23 : memref<20000x64xf32, #tpu.memory_space<hbm>>) target(%dma_start3A_17 : memref<128x64xf32, #tpu.memory_space<vmem>>) offsets(%dma_start3A_20 : memref<128xi32, #tpu.memory_space<vmem>>) semaphore(%arg15 : memref<!tpu.dma_semaphore, #tpu.memory_space<semaphore_mem>>)
    %dma_start3A_24 = arith.constant 1 : i32
    %dma_start3A_25 = arith.constant 1 : i32
    %dma_start3A_26 = arith.constant 0 : i32
    %dma_start3A_27 = arith.constant 0 : i32
    %dma_start3A_28 = tpu.memref_slice %arg13[%dma_start3A_25, %dma_start3A_26, %dma_start3A_27] : memref<4x128x64xf32, #tpu.memory_space<vmem>> -> memref<1x128x64xf32, #tpu.memory_space<vmem>>
    %dma_start3A_29 = tpu.memref_squeeze %dma_start3A_28 : memref<1x128x64xf32, #tpu.memory_space<vmem>> -> memref<128x64xf32, #tpu.memory_space<vmem>>
    %dma_start3A_30 = arith.constant 0 : i32
    %dma_start3A_31 = tpu.memref_slice %arg11[%dma_start3A_24, %dma_start3A_30] : memref<157x128xi32, #tpu.memory_space<vmem>> -> memref<1x128xi32, #tpu.memory_space<vmem>>
    %dma_start3A_32 = tpu.memref_squeeze %dma_start3A_31 : memref<1x128xi32, #tpu.memory_space<vmem>> -> memref<128xi32, #tpu.memory_space<vmem>>
    %dma_start3A_33 = arith.constant 0 : i32
    %dma_start3A_34 = arith.constant 0 : i32
    %dma_start3A_35 = tpu.memref_slice %arg2[%dma_start3A_33, %dma_start3A_34] : memref<20000x64xf32, #tpu.memory_space<hbm>> -> memref<20000x64xf32, #tpu.memory_space<hbm>>
    tpu.enqueue_indirect_dma source(%dma_start3A_35 : memref<20000x64xf32, #tpu.memory_space<hbm>>) target(%dma_start3A_29 : memref<128x64xf32, #tpu.memory_space<vmem>>) offsets(%dma_start3A_32 : memref<128xi32, #tpu.memory_space<vmem>>) semaphore(%arg16 : memref<!tpu.dma_semaphore, #tpu.memory_space<semaphore_mem>>)
    %dma_wait3A = arith.constant 0 : i32
    %dma_wait3A_36 = arith.constant 0 : i32
    %dma_wait3A_37 = arith.constant 0 : i32
    %dma_wait3A_38 = arith.constant 0 : i32
    %dma_wait3A_39 = tpu.memref_slice %arg13[%dma_wait3A_36, %dma_wait3A_37, %dma_wait3A_38] : memref<4x128x64xf32, #tpu.memory_space<vmem>> -> memref<1x128x64xf32, #tpu.memory_space<vmem>>
    %dma_wait3A_40 = tpu.memref_squeeze %dma_wait3A_39 : memref<1x128x64xf32, #tpu.memory_space<vmem>> -> memref<128x64xf32, #tpu.memory_space<vmem>>
    %dma_wait3A_41 = arith.constant 0 : i32
    %dma_wait3A_42 = tpu.memref_slice %arg11[%dma_wait3A, %dma_wait3A_41] : memref<157x128xi32, #tpu.memory_space<vmem>> -> memref<1x128xi32, #tpu.memory_space<vmem>>
    %dma_wait3A_43 = tpu.memref_squeeze %dma_wait3A_42 : memref<1x128xi32, #tpu.memory_space<vmem>> -> memref<128xi32, #tpu.memory_space<vmem>>
    %dma_wait3A_44 = arith.constant 0 : i32
    %dma_wait3A_45 = arith.constant 0 : i32
    %dma_wait3A_46 = tpu.memref_slice %arg2[%dma_wait3A_44, %dma_wait3A_45] : memref<20000x64xf32, #tpu.memory_space<hbm>> -> memref<20000x64xf32, #tpu.memory_space<hbm>>
    tpu.wait_indirect_dma semaphore(%arg15 : memref<!tpu.dma_semaphore, #tpu.memory_space<semaphore_mem>>) src(%dma_wait3A_46 : memref<20000x64xf32, #tpu.memory_space<hbm>>) dst(%dma_wait3A_40 : memref<128x64xf32, #tpu.memory_space<vmem>>)
    %dma_start3A_47 = arith.constant 0 : i32
    %dma_start3A_48 = arith.constant 0 : i32
    %dma_start3A_49 = arith.constant 0 : i32
    %dma_start3A_50 = arith.constant 0 : i32
    %dma_start3A_51 = tpu.memref_slice %arg13[%dma_start3A_47, %dma_start3A_49, %dma_start3A_50] : memref<4x128x64xf32, #tpu.memory_space<vmem>> -> memref<1x128x64xf32, #tpu.memory_space<vmem>>
    %dma_start3A_52 = tpu.memref_squeeze %dma_start3A_51 : memref<1x128x64xf32, #tpu.memory_space<vmem>> -> memref<128x64xf32, #tpu.memory_space<vmem>>
    %dma_start3A_53 = arith.constant 0 : i32
    %dma_start3A_54 = tpu.memref_slice %arg12[%dma_start3A_48, %dma_start3A_53] : memref<157x128xi32, #tpu.memory_space<vmem>> -> memref<1x128xi32, #tpu.memory_space<vmem>>
    %dma_start3A_55 = tpu.memref_squeeze %dma_start3A_54 : memref<1x128xi32, #tpu.memory_space<vmem>> -> memref<128xi32, #tpu.memory_space<vmem>>
    %dma_start3A_56 = arith.constant 0 : i32
    %dma_start3A_57 = arith.constant 0 : i32
    %dma_start3A_58 = tpu.memref_slice %arg14[%dma_start3A_56, %dma_start3A_57] : memref<10240x64xf32, #tpu.memory_space<vmem_shared>> -> memref<10240x64xf32, #tpu.memory_space<vmem_shared>>
    tpu.enqueue_indirect_dma source(%dma_start3A_52 : memref<128x64xf32, #tpu.memory_space<vmem>>) target(%dma_start3A_58 : memref<10240x64xf32, #tpu.memory_space<vmem_shared>>) offsets(%dma_start3A_55 : memref<128xi32, #tpu.memory_space<vmem>>) semaphore(%arg19 : memref<!tpu.dma_semaphore, #tpu.memory_space<semaphore_mem>>) {add = true}
    %eq3A_59 = arith.constant 0 : i32
    %eq3A_60 = arith.cmpi eq, %arg0, %eq3A_59 : i32
    %jit3A = arith.constant true
    %jit3A_61 = arith.constant false
    %select_n3A = arith.select %eq3A_60, %jit3A, %jit3A_61 : i1
    %convert_element_type3A_62 = arith.extui %select_n3A : i1 to i32
    %cond3A_63 = arith.constant 0 : i32
    %cond3A_64 = arith.cmpi ne, %convert_element_type3A_62, %cond3A_63 : i32
    scf.if %cond3A_64 {
      %run_scoped3A = arith.constant 0 : i32
      "tpu.region"() ({
        %run_scoped3A_312 = tpu.sem_alloc : memref<!tpu.dma_semaphore, #tpu.memory_space<semaphore_mem>>
        %dma_start3A_313 = arith.constant 0 : i32
        %dma_start3A_314 = tpu.memref_slice %arg12[%run_scoped3A, %dma_start3A_313] : memref<157x128xi32, #tpu.memory_space<vmem>> -> memref<1x128xi32, #tpu.memory_space<vmem>>
        %dma_start3A_315 = tpu.memref_squeeze %dma_start3A_314 : memref<1x128xi32, #tpu.memory_space<vmem>> -> memref<128xi32, #tpu.memory_space<vmem>>
        %dma_start3A_316 = arith.constant 0 : i32
        %dma_start3A_317 = arith.constant 0 : i32
        %dma_start3A_318 = tpu.memref_slice %arg24[%dma_start3A_316, %dma_start3A_317] : memref<10240x16xf32, #tpu.memory_space<vmem_shared>> -> memref<10240x16xf32, #tpu.memory_space<vmem_shared>>
        tpu.enqueue_indirect_dma source(%arg23 : memref<128x16xf32, #tpu.memory_space<vmem>>) target(%dma_start3A_318 : memref<10240x16xf32, #tpu.memory_space<vmem_shared>>) offsets(%dma_start3A_315 : memref<128xi32, #tpu.memory_space<vmem>>) semaphore(%run_scoped3A_312 : memref<!tpu.dma_semaphore, #tpu.memory_space<semaphore_mem>>) {add = true}
        %dma_wait3A_319 = arith.constant 0 : i32
        %dma_wait3A_320 = tpu.memref_slice %arg12[%run_scoped3A, %dma_wait3A_319] : memref<157x128xi32, #tpu.memory_space<vmem>> -> memref<1x128xi32, #tpu.memory_space<vmem>>
        %dma_wait3A_321 = tpu.memref_squeeze %dma_wait3A_320 : memref<1x128xi32, #tpu.memory_space<vmem>> -> memref<128xi32, #tpu.memory_space<vmem>>
        %dma_wait3A_322 = arith.constant 0 : i32
        %dma_wait3A_323 = arith.constant 0 : i32
        %dma_wait3A_324 = tpu.memref_slice %arg24[%dma_wait3A_322, %dma_wait3A_323] : memref<10240x16xf32, #tpu.memory_space<vmem_shared>> -> memref<10240x16xf32, #tpu.memory_space<vmem_shared>>
        tpu.wait_indirect_dma semaphore(%run_scoped3A_312 : memref<!tpu.dma_semaphore, #tpu.memory_space<semaphore_mem>>) src(%arg23 : memref<128x16xf32, #tpu.memory_space<vmem>>) dst(%dma_wait3A_324 : memref<10240x16xf32, #tpu.memory_space<vmem_shared>>)
        tpu.yield
      }) : () -> ()
    } else {
    }
    %dma_start3A_65 = arith.constant 2 : i32
    %dma_start3A_66 = arith.constant 2 : i32
    %dma_start3A_67 = arith.constant 0 : i32
    %dma_start3A_68 = arith.constant 0 : i32
    %dma_start3A_69 = tpu.memref_slice %arg13[%dma_start3A_66, %dma_start3A_67, %dma_start3A_68] : memref<4x128x64xf32, #tpu.memory_space<vmem>> -> memref<1x128x64xf32, #tpu.memory_space<vmem>>
    %dma_start3A_70 = tpu.memref_squeeze %dma_start3A_69 : memref<1x128x64xf32, #tpu.memory_space<vmem>> -> memref<128x64xf32, #tpu.memory_space<vmem>>
    %dma_start3A_71 = arith.constant 0 : i32
    %dma_start3A_72 = tpu.memref_slice %arg11[%dma_start3A_65, %dma_start3A_71] : memref<157x128xi32, #tpu.memory_space<vmem>> -> memref<1x128xi32, #tpu.memory_space<vmem>>
    %dma_start3A_73 = tpu.memref_squeeze %dma_start3A_72 : memref<1x128xi32, #tpu.memory_space<vmem>> -> memref<128xi32, #tpu.memory_space<vmem>>
    %dma_start3A_74 = arith.constant 0 : i32
    %dma_start3A_75 = arith.constant 0 : i32
    %dma_start3A_76 = tpu.memref_slice %arg2[%dma_start3A_74, %dma_start3A_75] : memref<20000x64xf32, #tpu.memory_space<hbm>> -> memref<20000x64xf32, #tpu.memory_space<hbm>>
    tpu.enqueue_indirect_dma source(%dma_start3A_76 : memref<20000x64xf32, #tpu.memory_space<hbm>>) target(%dma_start3A_70 : memref<128x64xf32, #tpu.memory_space<vmem>>) offsets(%dma_start3A_73 : memref<128xi32, #tpu.memory_space<vmem>>) semaphore(%arg17 : memref<!tpu.dma_semaphore, #tpu.memory_space<semaphore_mem>>)
    %dma_wait3A_77 = arith.constant 1 : i32
    %dma_wait3A_78 = arith.constant 1 : i32
    %dma_wait3A_79 = arith.constant 0 : i32
    %dma_wait3A_80 = arith.constant 0 : i32
    %dma_wait3A_81 = tpu.memref_slice %arg13[%dma_wait3A_78, %dma_wait3A_79, %dma_wait3A_80] : memref<4x128x64xf32, #tpu.memory_space<vmem>> -> memref<1x128x64xf32, #tpu.memory_space<vmem>>
    %dma_wait3A_82 = tpu.memref_squeeze %dma_wait3A_81 : memref<1x128x64xf32, #tpu.memory_space<vmem>> -> memref<128x64xf32, #tpu.memory_space<vmem>>
    %dma_wait3A_83 = arith.constant 0 : i32
    %dma_wait3A_84 = tpu.memref_slice %arg11[%dma_wait3A_77, %dma_wait3A_83] : memref<157x128xi32, #tpu.memory_space<vmem>> -> memref<1x128xi32, #tpu.memory_space<vmem>>
    %dma_wait3A_85 = tpu.memref_squeeze %dma_wait3A_84 : memref<1x128xi32, #tpu.memory_space<vmem>> -> memref<128xi32, #tpu.memory_space<vmem>>
    %dma_wait3A_86 = arith.constant 0 : i32
    %dma_wait3A_87 = arith.constant 0 : i32
    %dma_wait3A_88 = tpu.memref_slice %arg2[%dma_wait3A_86, %dma_wait3A_87] : memref<20000x64xf32, #tpu.memory_space<hbm>> -> memref<20000x64xf32, #tpu.memory_space<hbm>>
    tpu.wait_indirect_dma semaphore(%arg16 : memref<!tpu.dma_semaphore, #tpu.memory_space<semaphore_mem>>) src(%dma_wait3A_88 : memref<20000x64xf32, #tpu.memory_space<hbm>>) dst(%dma_wait3A_82 : memref<128x64xf32, #tpu.memory_space<vmem>>)
    %dma_start3A_89 = arith.constant 1 : i32
    %dma_start3A_90 = arith.constant 1 : i32
    %dma_start3A_91 = arith.constant 0 : i32
    %dma_start3A_92 = arith.constant 0 : i32
    %dma_start3A_93 = tpu.memref_slice %arg13[%dma_start3A_89, %dma_start3A_91, %dma_start3A_92] : memref<4x128x64xf32, #tpu.memory_space<vmem>> -> memref<1x128x64xf32, #tpu.memory_space<vmem>>
    %dma_start3A_94 = tpu.memref_squeeze %dma_start3A_93 : memref<1x128x64xf32, #tpu.memory_space<vmem>> -> memref<128x64xf32, #tpu.memory_space<vmem>>
    %dma_start3A_95 = arith.constant 0 : i32
    %dma_start3A_96 = tpu.memref_slice %arg12[%dma_start3A_90, %dma_start3A_95] : memref<157x128xi32, #tpu.memory_space<vmem>> -> memref<1x128xi32, #tpu.memory_space<vmem>>
    %dma_start3A_97 = tpu.memref_squeeze %dma_start3A_96 : memref<1x128xi32, #tpu.memory_space<vmem>> -> memref<128xi32, #tpu.memory_space<vmem>>
    %dma_start3A_98 = arith.constant 0 : i32
    %dma_start3A_99 = arith.constant 0 : i32
    %dma_start3A_100 = tpu.memref_slice %arg14[%dma_start3A_98, %dma_start3A_99] : memref<10240x64xf32, #tpu.memory_space<vmem_shared>> -> memref<10240x64xf32, #tpu.memory_space<vmem_shared>>
    tpu.enqueue_indirect_dma source(%dma_start3A_94 : memref<128x64xf32, #tpu.memory_space<vmem>>) target(%dma_start3A_100 : memref<10240x64xf32, #tpu.memory_space<vmem_shared>>) offsets(%dma_start3A_97 : memref<128xi32, #tpu.memory_space<vmem>>) semaphore(%arg20 : memref<!tpu.dma_semaphore, #tpu.memory_space<semaphore_mem>>) {add = true}
    %eq3A_101 = arith.constant 0 : i32
    %eq3A_102 = arith.cmpi eq, %arg0, %eq3A_101 : i32
    %jit3A_103 = arith.constant true
    %jit3A_104 = arith.constant false
    %select_n3A_105 = arith.select %eq3A_102, %jit3A_103, %jit3A_104 : i1
    %convert_element_type3A_106 = arith.extui %select_n3A_105 : i1 to i32
    %cond3A_107 = arith.constant 0 : i32
    %cond3A_108 = arith.cmpi ne, %convert_element_type3A_106, %cond3A_107 : i32
    scf.if %cond3A_108 {
      %run_scoped3A = arith.constant 1 : i32
      "tpu.region"() ({
        %run_scoped3A_312 = tpu.sem_alloc : memref<!tpu.dma_semaphore, #tpu.memory_space<semaphore_mem>>
        %dma_start3A_313 = arith.constant 0 : i32
        %dma_start3A_314 = tpu.memref_slice %arg12[%run_scoped3A, %dma_start3A_313] : memref<157x128xi32, #tpu.memory_space<vmem>> -> memref<1x128xi32, #tpu.memory_space<vmem>>
        %dma_start3A_315 = tpu.memref_squeeze %dma_start3A_314 : memref<1x128xi32, #tpu.memory_space<vmem>> -> memref<128xi32, #tpu.memory_space<vmem>>
        %dma_start3A_316 = arith.constant 0 : i32
        %dma_start3A_317 = arith.constant 0 : i32
        %dma_start3A_318 = tpu.memref_slice %arg24[%dma_start3A_316, %dma_start3A_317] : memref<10240x16xf32, #tpu.memory_space<vmem_shared>> -> memref<10240x16xf32, #tpu.memory_space<vmem_shared>>
        tpu.enqueue_indirect_dma source(%arg23 : memref<128x16xf32, #tpu.memory_space<vmem>>) target(%dma_start3A_318 : memref<10240x16xf32, #tpu.memory_space<vmem_shared>>) offsets(%dma_start3A_315 : memref<128xi32, #tpu.memory_space<vmem>>) semaphore(%run_scoped3A_312 : memref<!tpu.dma_semaphore, #tpu.memory_space<semaphore_mem>>) {add = true}
        %dma_wait3A_319 = arith.constant 0 : i32
        %dma_wait3A_320 = tpu.memref_slice %arg12[%run_scoped3A, %dma_wait3A_319] : memref<157x128xi32, #tpu.memory_space<vmem>> -> memref<1x128xi32, #tpu.memory_space<vmem>>
        %dma_wait3A_321 = tpu.memref_squeeze %dma_wait3A_320 : memref<1x128xi32, #tpu.memory_space<vmem>> -> memref<128xi32, #tpu.memory_space<vmem>>
        %dma_wait3A_322 = arith.constant 0 : i32
        %dma_wait3A_323 = arith.constant 0 : i32
        %dma_wait3A_324 = tpu.memref_slice %arg24[%dma_wait3A_322, %dma_wait3A_323] : memref<10240x16xf32, #tpu.memory_space<vmem_shared>> -> memref<10240x16xf32, #tpu.memory_space<vmem_shared>>
        tpu.wait_indirect_dma semaphore(%run_scoped3A_312 : memref<!tpu.dma_semaphore, #tpu.memory_space<semaphore_mem>>) src(%arg23 : memref<128x16xf32, #tpu.memory_space<vmem>>) dst(%dma_wait3A_324 : memref<10240x16xf32, #tpu.memory_space<vmem_shared>>)
        tpu.yield
      }) : () -> ()
    } else {
    }
    %dma_start3A_109 = arith.constant 3 : i32
    %dma_start3A_110 = arith.constant 3 : i32
    %dma_start3A_111 = arith.constant 0 : i32
    %dma_start3A_112 = arith.constant 0 : i32
    %dma_start3A_113 = tpu.memref_slice %arg13[%dma_start3A_110, %dma_start3A_111, %dma_start3A_112] : memref<4x128x64xf32, #tpu.memory_space<vmem>> -> memref<1x128x64xf32, #tpu.memory_space<vmem>>
    %dma_start3A_114 = tpu.memref_squeeze %dma_start3A_113 : memref<1x128x64xf32, #tpu.memory_space<vmem>> -> memref<128x64xf32, #tpu.memory_space<vmem>>
    %dma_start3A_115 = arith.constant 0 : i32
    %dma_start3A_116 = tpu.memref_slice %arg11[%dma_start3A_109, %dma_start3A_115] : memref<157x128xi32, #tpu.memory_space<vmem>> -> memref<1x128xi32, #tpu.memory_space<vmem>>
    %dma_start3A_117 = tpu.memref_squeeze %dma_start3A_116 : memref<1x128xi32, #tpu.memory_space<vmem>> -> memref<128xi32, #tpu.memory_space<vmem>>
    %dma_start3A_118 = arith.constant 0 : i32
    %dma_start3A_119 = arith.constant 0 : i32
    %dma_start3A_120 = tpu.memref_slice %arg2[%dma_start3A_118, %dma_start3A_119] : memref<20000x64xf32, #tpu.memory_space<hbm>> -> memref<20000x64xf32, #tpu.memory_space<hbm>>
    tpu.enqueue_indirect_dma source(%dma_start3A_120 : memref<20000x64xf32, #tpu.memory_space<hbm>>) target(%dma_start3A_114 : memref<128x64xf32, #tpu.memory_space<vmem>>) offsets(%dma_start3A_117 : memref<128xi32, #tpu.memory_space<vmem>>) semaphore(%arg18 : memref<!tpu.dma_semaphore, #tpu.memory_space<semaphore_mem>>)
    %scan3A_121 = arith.constant 0 : i32
    %scan3A_122 = arith.constant 0 : i32
    %scan3A_123 = arith.constant 38 : i32
    %scan3A_124 = arith.addi %scan3A_122, %scan3A_123 : i32
    %scan3A_125 = arith.constant 1 : i32
    scf.for %scan3A_312 = %scan3A_122 to %scan3A_124 step %scan3A_125  : i32 {
      %mul3A_313 = arith.constant 4 : i32
      %mul3A_314 = arith.muli %scan3A_312, %mul3A_313 : i32
      %add3A_315 = arith.constant 2 : i32
      %add3A_316 = arith.addi %add3A_315, %mul3A_314 : i32
      %add3A_317 = arith.constant 0 : i32
      %add3A_318 = arith.addi %add3A_316, %add3A_317 : i32
      %dma_wait3A_319 = arith.constant 2 : i32
      %dma_wait3A_320 = arith.constant 0 : i32
      %dma_wait3A_321 = arith.constant 0 : i32
      %dma_wait3A_322 = tpu.memref_slice %arg13[%dma_wait3A_319, %dma_wait3A_320, %dma_wait3A_321] : memref<4x128x64xf32, #tpu.memory_space<vmem>> -> memref<1x128x64xf32, #tpu.memory_space<vmem>>
      %dma_wait3A_323 = tpu.memref_squeeze %dma_wait3A_322 : memref<1x128x64xf32, #tpu.memory_space<vmem>> -> memref<128x64xf32, #tpu.memory_space<vmem>>
      %dma_wait3A_324 = arith.constant 0 : i32
      %dma_wait3A_325 = tpu.memref_slice %arg11[%add3A_318, %dma_wait3A_324] : memref<157x128xi32, #tpu.memory_space<vmem>> -> memref<1x128xi32, #tpu.memory_space<vmem>>
      %dma_wait3A_326 = tpu.memref_squeeze %dma_wait3A_325 : memref<1x128xi32, #tpu.memory_space<vmem>> -> memref<128xi32, #tpu.memory_space<vmem>>
      %dma_wait3A_327 = arith.constant 0 : i32
      %dma_wait3A_328 = arith.constant 0 : i32
      %dma_wait3A_329 = tpu.memref_slice %arg2[%dma_wait3A_327, %dma_wait3A_328] : memref<20000x64xf32, #tpu.memory_space<hbm>> -> memref<20000x64xf32, #tpu.memory_space<hbm>>
      tpu.wait_indirect_dma semaphore(%arg17 : memref<!tpu.dma_semaphore, #tpu.memory_space<semaphore_mem>>) src(%dma_wait3A_329 : memref<20000x64xf32, #tpu.memory_space<hbm>>) dst(%dma_wait3A_323 : memref<128x64xf32, #tpu.memory_space<vmem>>)
      %dma_start3A_330 = arith.constant 2 : i32
      %dma_start3A_331 = arith.constant 0 : i32
      %dma_start3A_332 = arith.constant 0 : i32
      %dma_start3A_333 = tpu.memref_slice %arg13[%dma_start3A_330, %dma_start3A_331, %dma_start3A_332] : memref<4x128x64xf32, #tpu.memory_space<vmem>> -> memref<1x128x64xf32, #tpu.memory_space<vmem>>
      %dma_start3A_334 = tpu.memref_squeeze %dma_start3A_333 : memref<1x128x64xf32, #tpu.memory_space<vmem>> -> memref<128x64xf32, #tpu.memory_space<vmem>>
      %dma_start3A_335 = arith.constant 0 : i32
      %dma_start3A_336 = tpu.memref_slice %arg12[%add3A_318, %dma_start3A_335] : memref<157x128xi32, #tpu.memory_space<vmem>> -> memref<1x128xi32, #tpu.memory_space<vmem>>
      %dma_start3A_337 = tpu.memref_squeeze %dma_start3A_336 : memref<1x128xi32, #tpu.memory_space<vmem>> -> memref<128xi32, #tpu.memory_space<vmem>>
      %dma_start3A_338 = arith.constant 0 : i32
      %dma_start3A_339 = arith.constant 0 : i32
      %dma_start3A_340 = tpu.memref_slice %arg14[%dma_start3A_338, %dma_start3A_339] : memref<10240x64xf32, #tpu.memory_space<vmem_shared>> -> memref<10240x64xf32, #tpu.memory_space<vmem_shared>>
      tpu.enqueue_indirect_dma source(%dma_start3A_334 : memref<128x64xf32, #tpu.memory_space<vmem>>) target(%dma_start3A_340 : memref<10240x64xf32, #tpu.memory_space<vmem_shared>>) offsets(%dma_start3A_337 : memref<128xi32, #tpu.memory_space<vmem>>) semaphore(%arg21 : memref<!tpu.dma_semaphore, #tpu.memory_space<semaphore_mem>>) {add = true}
      %eq3A_341 = arith.constant 0 : i32
      %eq3A_342 = arith.cmpi eq, %arg0, %eq3A_341 : i32
      %lt3A = arith.constant 78 : i32
      %lt3A_343 = arith.cmpi slt, %add3A_318, %lt3A : i32
      %ge3A = arith.constant 78 : i32
      %ge3A_344 = arith.cmpi sge, %add3A_318, %ge3A : i32
      %select_n3A_345 = arith.select %eq3A_342, %lt3A_343, %ge3A_344 : i1
      %convert_element_type3A_346 = arith.extui %select_n3A_345 : i1 to i32
      %cond3A_347 = arith.constant 0 : i32
      %cond3A_348 = arith.cmpi ne, %convert_element_type3A_346, %cond3A_347 : i32
      scf.if %cond3A_348 {
        "tpu.region"() ({
          %run_scoped3A = tpu.sem_alloc : memref<!tpu.dma_semaphore, #tpu.memory_space<semaphore_mem>>
          %dma_start3A_566 = arith.constant 0 : i32
          %dma_start3A_567 = tpu.memref_slice %arg12[%add3A_318, %dma_start3A_566] : memref<157x128xi32, #tpu.memory_space<vmem>> -> memref<1x128xi32, #tpu.memory_space<vmem>>
          %dma_start3A_568 = tpu.memref_squeeze %dma_start3A_567 : memref<1x128xi32, #tpu.memory_space<vmem>> -> memref<128xi32, #tpu.memory_space<vmem>>
          %dma_start3A_569 = arith.constant 0 : i32
          %dma_start3A_570 = arith.constant 0 : i32
          %dma_start3A_571 = tpu.memref_slice %arg24[%dma_start3A_569, %dma_start3A_570] : memref<10240x16xf32, #tpu.memory_space<vmem_shared>> -> memref<10240x16xf32, #tpu.memory_space<vmem_shared>>
          tpu.enqueue_indirect_dma source(%arg23 : memref<128x16xf32, #tpu.memory_space<vmem>>) target(%dma_start3A_571 : memref<10240x16xf32, #tpu.memory_space<vmem_shared>>) offsets(%dma_start3A_568 : memref<128xi32, #tpu.memory_space<vmem>>) semaphore(%run_scoped3A : memref<!tpu.dma_semaphore, #tpu.memory_space<semaphore_mem>>) {add = true}
          %dma_wait3A_572 = arith.constant 0 : i32
          %dma_wait3A_573 = tpu.memref_slice %arg12[%add3A_318, %dma_wait3A_572] : memref<157x128xi32, #tpu.memory_space<vmem>> -> memref<1x128xi32, #tpu.memory_space<vmem>>
          %dma_wait3A_574 = tpu.memref_squeeze %dma_wait3A_573 : memref<1x128xi32, #tpu.memory_space<vmem>> -> memref<128xi32, #tpu.memory_space<vmem>>
          %dma_wait3A_575 = arith.constant 0 : i32
          %dma_wait3A_576 = arith.constant 0 : i32
          %dma_wait3A_577 = tpu.memref_slice %arg24[%dma_wait3A_575, %dma_wait3A_576] : memref<10240x16xf32, #tpu.memory_space<vmem_shared>> -> memref<10240x16xf32, #tpu.memory_space<vmem_shared>>
          tpu.wait_indirect_dma semaphore(%run_scoped3A : memref<!tpu.dma_semaphore, #tpu.memory_space<semaphore_mem>>) src(%arg23 : memref<128x16xf32, #tpu.memory_space<vmem>>) dst(%dma_wait3A_577 : memref<10240x16xf32, #tpu.memory_space<vmem_shared>>)
          tpu.yield
        }) : () -> ()
      } else {
      }
      %sub3A = arith.constant 2 : i32
      %sub3A_349 = arith.subi %add3A_318, %sub3A : i32
      %dma_wait3A_350 = arith.constant 0 : i32
      %dma_wait3A_351 = arith.constant 0 : i32
      %dma_wait3A_352 = arith.constant 0 : i32
      %dma_wait3A_353 = tpu.memref_slice %arg13[%dma_wait3A_350, %dma_wait3A_351, %dma_wait3A_352] : memref<4x128x64xf32, #tpu.memory_space<vmem>> -> memref<1x128x64xf32, #tpu.memory_space<vmem>>
      %dma_wait3A_354 = tpu.memref_squeeze %dma_wait3A_353 : memref<1x128x64xf32, #tpu.memory_space<vmem>> -> memref<128x64xf32, #tpu.memory_space<vmem>>
      %dma_wait3A_355 = arith.constant 0 : i32
      %dma_wait3A_356 = tpu.memref_slice %arg12[%sub3A_349, %dma_wait3A_355] : memref<157x128xi32, #tpu.memory_space<vmem>> -> memref<1x128xi32, #tpu.memory_space<vmem>>
      %dma_wait3A_357 = tpu.memref_squeeze %dma_wait3A_356 : memref<1x128xi32, #tpu.memory_space<vmem>> -> memref<128xi32, #tpu.memory_space<vmem>>
      %dma_wait3A_358 = arith.constant 0 : i32
      %dma_wait3A_359 = arith.constant 0 : i32
      %dma_wait3A_360 = tpu.memref_slice %arg14[%dma_wait3A_358, %dma_wait3A_359] : memref<10240x64xf32, #tpu.memory_space<vmem_shared>> -> memref<10240x64xf32, #tpu.memory_space<vmem_shared>>
      tpu.wait_indirect_dma semaphore(%arg19 : memref<!tpu.dma_semaphore, #tpu.memory_space<semaphore_mem>>) src(%dma_wait3A_354 : memref<128x64xf32, #tpu.memory_space<vmem>>) dst(%dma_wait3A_360 : memref<10240x64xf32, #tpu.memory_space<vmem_shared>>)
      %add3A_361 = arith.constant 2 : i32
      %add3A_362 = arith.addi %add3A_318, %add3A_361 : i32
      %dma_start3A_363 = arith.constant 0 : i32
      %dma_start3A_364 = arith.constant 0 : i32
      %dma_start3A_365 = arith.constant 0 : i32
      %dma_start3A_366 = tpu.memref_slice %arg13[%dma_start3A_363, %dma_start3A_364, %dma_start3A_365] : memref<4x128x64xf32, #tpu.memory_space<vmem>> -> memref<1x128x64xf32, #tpu.memory_space<vmem>>
      %dma_start3A_367 = tpu.memref_squeeze %dma_start3A_366 : memref<1x128x64xf32, #tpu.memory_space<vmem>> -> memref<128x64xf32, #tpu.memory_space<vmem>>
      %dma_start3A_368 = arith.constant 0 : i32
      %dma_start3A_369 = tpu.memref_slice %arg11[%add3A_362, %dma_start3A_368] : memref<157x128xi32, #tpu.memory_space<vmem>> -> memref<1x128xi32, #tpu.memory_space<vmem>>
      %dma_start3A_370 = tpu.memref_squeeze %dma_start3A_369 : memref<1x128xi32, #tpu.memory_space<vmem>> -> memref<128xi32, #tpu.memory_space<vmem>>
      %dma_start3A_371 = arith.constant 0 : i32
      %dma_start3A_372 = arith.constant 0 : i32
      %dma_start3A_373 = tpu.memref_slice %arg2[%dma_start3A_371, %dma_start3A_372] : memref<20000x64xf32, #tpu.memory_space<hbm>> -> memref<20000x64xf32, #tpu.memory_space<hbm>>
      tpu.enqueue_indirect_dma source(%dma_start3A_373 : memref<20000x64xf32, #tpu.memory_space<hbm>>) target(%dma_start3A_367 : memref<128x64xf32, #tpu.memory_space<vmem>>) offsets(%dma_start3A_370 : memref<128xi32, #tpu.memory_space<vmem>>) semaphore(%arg15 : memref<!tpu.dma_semaphore, #tpu.memory_space<semaphore_mem>>)
      %mul3A_374 = arith.constant 4 : i32
      %mul3A_375 = arith.muli %scan3A_312, %mul3A_374 : i32
      %add3A_376 = arith.constant 2 : i32
      %add3A_377 = arith.addi %add3A_376, %mul3A_375 : i32
      %add3A_378 = arith.constant 1 : i32
      %add3A_379 = arith.addi %add3A_377, %add3A_378 : i32
      %dma_wait3A_380 = arith.constant 3 : i32
      %dma_wait3A_381 = arith.constant 0 : i32
      %dma_wait3A_382 = arith.constant 0 : i32
      %dma_wait3A_383 = tpu.memref_slice %arg13[%dma_wait3A_380, %dma_wait3A_381, %dma_wait3A_382] : memref<4x128x64xf32, #tpu.memory_space<vmem>> -> memref<1x128x64xf32, #tpu.memory_space<vmem>>
      %dma_wait3A_384 = tpu.memref_squeeze %dma_wait3A_383 : memref<1x128x64xf32, #tpu.memory_space<vmem>> -> memref<128x64xf32, #tpu.memory_space<vmem>>
      %dma_wait3A_385 = arith.constant 0 : i32
      %dma_wait3A_386 = tpu.memref_slice %arg11[%add3A_379, %dma_wait3A_385] : memref<157x128xi32, #tpu.memory_space<vmem>> -> memref<1x128xi32, #tpu.memory_space<vmem>>
      %dma_wait3A_387 = tpu.memref_squeeze %dma_wait3A_386 : memref<1x128xi32, #tpu.memory_space<vmem>> -> memref<128xi32, #tpu.memory_space<vmem>>
      %dma_wait3A_388 = arith.constant 0 : i32
      %dma_wait3A_389 = arith.constant 0 : i32
      %dma_wait3A_390 = tpu.memref_slice %arg2[%dma_wait3A_388, %dma_wait3A_389] : memref<20000x64xf32, #tpu.memory_space<hbm>> -> memref<20000x64xf32, #tpu.memory_space<hbm>>
      tpu.wait_indirect_dma semaphore(%arg18 : memref<!tpu.dma_semaphore, #tpu.memory_space<semaphore_mem>>) src(%dma_wait3A_390 : memref<20000x64xf32, #tpu.memory_space<hbm>>) dst(%dma_wait3A_384 : memref<128x64xf32, #tpu.memory_space<vmem>>)
      %dma_start3A_391 = arith.constant 3 : i32
      %dma_start3A_392 = arith.constant 0 : i32
      %dma_start3A_393 = arith.constant 0 : i32
      %dma_start3A_394 = tpu.memref_slice %arg13[%dma_start3A_391, %dma_start3A_392, %dma_start3A_393] : memref<4x128x64xf32, #tpu.memory_space<vmem>> -> memref<1x128x64xf32, #tpu.memory_space<vmem>>
      %dma_start3A_395 = tpu.memref_squeeze %dma_start3A_394 : memref<1x128x64xf32, #tpu.memory_space<vmem>> -> memref<128x64xf32, #tpu.memory_space<vmem>>
      %dma_start3A_396 = arith.constant 0 : i32
      %dma_start3A_397 = tpu.memref_slice %arg12[%add3A_379, %dma_start3A_396] : memref<157x128xi32, #tpu.memory_space<vmem>> -> memref<1x128xi32, #tpu.memory_space<vmem>>
      %dma_start3A_398 = tpu.memref_squeeze %dma_start3A_397 : memref<1x128xi32, #tpu.memory_space<vmem>> -> memref<128xi32, #tpu.memory_space<vmem>>
      %dma_start3A_399 = arith.constant 0 : i32
      %dma_start3A_400 = arith.constant 0 : i32
      %dma_start3A_401 = tpu.memref_slice %arg14[%dma_start3A_399, %dma_start3A_400] : memref<10240x64xf32, #tpu.memory_space<vmem_shared>> -> memref<10240x64xf32, #tpu.memory_space<vmem_shared>>
      tpu.enqueue_indirect_dma source(%dma_start3A_395 : memref<128x64xf32, #tpu.memory_space<vmem>>) target(%dma_start3A_401 : memref<10240x64xf32, #tpu.memory_space<vmem_shared>>) offsets(%dma_start3A_398 : memref<128xi32, #tpu.memory_space<vmem>>) semaphore(%arg22 : memref<!tpu.dma_semaphore, #tpu.memory_space<semaphore_mem>>) {add = true}
      %eq3A_402 = arith.constant 0 : i32
      %eq3A_403 = arith.cmpi eq, %arg0, %eq3A_402 : i32
      %lt3A_404 = arith.constant 78 : i32
      %lt3A_405 = arith.cmpi slt, %add3A_379, %lt3A_404 : i32
      %ge3A_406 = arith.constant 78 : i32
      %ge3A_407 = arith.cmpi sge, %add3A_379, %ge3A_406 : i32
      %select_n3A_408 = arith.select %eq3A_403, %lt3A_405, %ge3A_407 : i1
      %convert_element_type3A_409 = arith.extui %select_n3A_408 : i1 to i32
      %cond3A_410 = arith.constant 0 : i32
      %cond3A_411 = arith.cmpi ne, %convert_element_type3A_409, %cond3A_410 : i32
      scf.if %cond3A_411 {
        "tpu.region"() ({
          %run_scoped3A = tpu.sem_alloc : memref<!tpu.dma_semaphore, #tpu.memory_space<semaphore_mem>>
          %dma_start3A_566 = arith.constant 0 : i32
          %dma_start3A_567 = tpu.memref_slice %arg12[%add3A_379, %dma_start3A_566] : memref<157x128xi32, #tpu.memory_space<vmem>> -> memref<1x128xi32, #tpu.memory_space<vmem>>
          %dma_start3A_568 = tpu.memref_squeeze %dma_start3A_567 : memref<1x128xi32, #tpu.memory_space<vmem>> -> memref<128xi32, #tpu.memory_space<vmem>>
          %dma_start3A_569 = arith.constant 0 : i32
          %dma_start3A_570 = arith.constant 0 : i32
          %dma_start3A_571 = tpu.memref_slice %arg24[%dma_start3A_569, %dma_start3A_570] : memref<10240x16xf32, #tpu.memory_space<vmem_shared>> -> memref<10240x16xf32, #tpu.memory_space<vmem_shared>>
          tpu.enqueue_indirect_dma source(%arg23 : memref<128x16xf32, #tpu.memory_space<vmem>>) target(%dma_start3A_571 : memref<10240x16xf32, #tpu.memory_space<vmem_shared>>) offsets(%dma_start3A_568 : memref<128xi32, #tpu.memory_space<vmem>>) semaphore(%run_scoped3A : memref<!tpu.dma_semaphore, #tpu.memory_space<semaphore_mem>>) {add = true}
          %dma_wait3A_572 = arith.constant 0 : i32
          %dma_wait3A_573 = tpu.memref_slice %arg12[%add3A_379, %dma_wait3A_572] : memref<157x128xi32, #tpu.memory_space<vmem>> -> memref<1x128xi32, #tpu.memory_space<vmem>>
          %dma_wait3A_574 = tpu.memref_squeeze %dma_wait3A_573 : memref<1x128xi32, #tpu.memory_space<vmem>> -> memref<128xi32, #tpu.memory_space<vmem>>
          %dma_wait3A_575 = arith.constant 0 : i32
          %dma_wait3A_576 = arith.constant 0 : i32
          %dma_wait3A_577 = tpu.memref_slice %arg24[%dma_wait3A_575, %dma_wait3A_576] : memref<10240x16xf32, #tpu.memory_space<vmem_shared>> -> memref<10240x16xf32, #tpu.memory_space<vmem_shared>>
          tpu.wait_indirect_dma semaphore(%run_scoped3A : memref<!tpu.dma_semaphore, #tpu.memory_space<semaphore_mem>>) src(%arg23 : memref<128x16xf32, #tpu.memory_space<vmem>>) dst(%dma_wait3A_577 : memref<10240x16xf32, #tpu.memory_space<vmem_shared>>)
          tpu.yield
        }) : () -> ()
      } else {
      }
      %sub3A_412 = arith.constant 2 : i32
      %sub3A_413 = arith.subi %add3A_379, %sub3A_412 : i32
      %dma_wait3A_414 = arith.constant 1 : i32
      %dma_wait3A_415 = arith.constant 0 : i32
      %dma_wait3A_416 = arith.constant 0 : i32
      %dma_wait3A_417 = tpu.memref_slice %arg13[%dma_wait3A_414, %dma_wait3A_415, %dma_wait3A_416] : memref<4x128x64xf32, #tpu.memory_space<vmem>> -> memref<1x128x64xf32, #tpu.memory_space<vmem>>
      %dma_wait3A_418 = tpu.memref_squeeze %dma_wait3A_417 : memref<1x128x64xf32, #tpu.memory_space<vmem>> -> memref<128x64xf32, #tpu.memory_space<vmem>>
      %dma_wait3A_419 = arith.constant 0 : i32
      %dma_wait3A_420 = tpu.memref_slice %arg12[%sub3A_413, %dma_wait3A_419] : memref<157x128xi32, #tpu.memory_space<vmem>> -> memref<1x128xi32, #tpu.memory_space<vmem>>
      %dma_wait3A_421 = tpu.memref_squeeze %dma_wait3A_420 : memref<1x128xi32, #tpu.memory_space<vmem>> -> memref<128xi32, #tpu.memory_space<vmem>>
      %dma_wait3A_422 = arith.constant 0 : i32
      %dma_wait3A_423 = arith.constant 0 : i32
      %dma_wait3A_424 = tpu.memref_slice %arg14[%dma_wait3A_422, %dma_wait3A_423] : memref<10240x64xf32, #tpu.memory_space<vmem_shared>> -> memref<10240x64xf32, #tpu.memory_space<vmem_shared>>
      tpu.wait_indirect_dma semaphore(%arg20 : memref<!tpu.dma_semaphore, #tpu.memory_space<semaphore_mem>>) src(%dma_wait3A_418 : memref<128x64xf32, #tpu.memory_space<vmem>>) dst(%dma_wait3A_424 : memref<10240x64xf32, #tpu.memory_space<vmem_shared>>)
      %add3A_425 = arith.constant 2 : i32
      %add3A_426 = arith.addi %add3A_379, %add3A_425 : i32
      %dma_start3A_427 = arith.constant 1 : i32
      %dma_start3A_428 = arith.constant 0 : i32
      %dma_start3A_429 = arith.constant 0 : i32
      %dma_start3A_430 = tpu.memref_slice %arg13[%dma_start3A_427, %dma_start3A_428, %dma_start3A_429] : memref<4x128x64xf32, #tpu.memory_space<vmem>> -> memref<1x128x64xf32, #tpu.memory_space<vmem>>
      %dma_start3A_431 = tpu.memref_squeeze %dma_start3A_430 : memref<1x128x64xf32, #tpu.memory_space<vmem>> -> memref<128x64xf32, #tpu.memory_space<vmem>>
      %dma_start3A_432 = arith.constant 0 : i32
      %dma_start3A_433 = tpu.memref_slice %arg11[%add3A_426, %dma_start3A_432] : memref<157x128xi32, #tpu.memory_space<vmem>> -> memref<1x128xi32, #tpu.memory_space<vmem>>
      %dma_start3A_434 = tpu.memref_squeeze %dma_start3A_433 : memref<1x128xi32, #tpu.memory_space<vmem>> -> memref<128xi32, #tpu.memory_space<vmem>>
      %dma_start3A_435 = arith.constant 0 : i32
      %dma_start3A_436 = arith.constant 0 : i32
      %dma_start3A_437 = tpu.memref_slice %arg2[%dma_start3A_435, %dma_start3A_436] : memref<20000x64xf32, #tpu.memory_space<hbm>> -> memref<20000x64xf32, #tpu.memory_space<hbm>>
      tpu.enqueue_indirect_dma source(%dma_start3A_437 : memref<20000x64xf32, #tpu.memory_space<hbm>>) target(%dma_start3A_431 : memref<128x64xf32, #tpu.memory_space<vmem>>) offsets(%dma_start3A_434 : memref<128xi32, #tpu.memory_space<vmem>>) semaphore(%arg16 : memref<!tpu.dma_semaphore, #tpu.memory_space<semaphore_mem>>)
      %mul3A_438 = arith.constant 4 : i32
      %mul3A_439 = arith.muli %scan3A_312, %mul3A_438 : i32
      %add3A_440 = arith.constant 2 : i32
      %add3A_441 = arith.addi %add3A_440, %mul3A_439 : i32
      %add3A_442 = arith.constant 2 : i32
      %add3A_443 = arith.addi %add3A_441, %add3A_442 : i32
      %dma_wait3A_444 = arith.constant 0 : i32
      %dma_wait3A_445 = arith.constant 0 : i32
      %dma_wait3A_446 = arith.constant 0 : i32
      %dma_wait3A_447 = tpu.memref_slice %arg13[%dma_wait3A_444, %dma_wait3A_445, %dma_wait3A_446] : memref<4x128x64xf32, #tpu.memory_space<vmem>> -> memref<1x128x64xf32, #tpu.memory_space<vmem>>
      %dma_wait3A_448 = tpu.memref_squeeze %dma_wait3A_447 : memref<1x128x64xf32, #tpu.memory_space<vmem>> -> memref<128x64xf32, #tpu.memory_space<vmem>>
      %dma_wait3A_449 = arith.constant 0 : i32
      %dma_wait3A_450 = tpu.memref_slice %arg11[%add3A_443, %dma_wait3A_449] : memref<157x128xi32, #tpu.memory_space<vmem>> -> memref<1x128xi32, #tpu.memory_space<vmem>>
      %dma_wait3A_451 = tpu.memref_squeeze %dma_wait3A_450 : memref<1x128xi32, #tpu.memory_space<vmem>> -> memref<128xi32, #tpu.memory_space<vmem>>
      %dma_wait3A_452 = arith.constant 0 : i32
      %dma_wait3A_453 = arith.constant 0 : i32
      %dma_wait3A_454 = tpu.memref_slice %arg2[%dma_wait3A_452, %dma_wait3A_453] : memref<20000x64xf32, #tpu.memory_space<hbm>> -> memref<20000x64xf32, #tpu.memory_space<hbm>>
      tpu.wait_indirect_dma semaphore(%arg15 : memref<!tpu.dma_semaphore, #tpu.memory_space<semaphore_mem>>) src(%dma_wait3A_454 : memref<20000x64xf32, #tpu.memory_space<hbm>>) dst(%dma_wait3A_448 : memref<128x64xf32, #tpu.memory_space<vmem>>)
      %dma_start3A_455 = arith.constant 0 : i32
      %dma_start3A_456 = arith.constant 0 : i32
      %dma_start3A_457 = arith.constant 0 : i32
      %dma_start3A_458 = tpu.memref_slice %arg13[%dma_start3A_455, %dma_start3A_456, %dma_start3A_457] : memref<4x128x64xf32, #tpu.memory_space<vmem>> -> memref<1x128x64xf32, #tpu.memory_space<vmem>>
      %dma_start3A_459 = tpu.memref_squeeze %dma_start3A_458 : memref<1x128x64xf32, #tpu.memory_space<vmem>> -> memref<128x64xf32, #tpu.memory_space<vmem>>
      %dma_start3A_460 = arith.constant 0 : i32
      %dma_start3A_461 = tpu.memref_slice %arg12[%add3A_443, %dma_start3A_460] : memref<157x128xi32, #tpu.memory_space<vmem>> -> memref<1x128xi32, #tpu.memory_space<vmem>>
      %dma_start3A_462 = tpu.memref_squeeze %dma_start3A_461 : memref<1x128xi32, #tpu.memory_space<vmem>> -> memref<128xi32, #tpu.memory_space<vmem>>
      %dma_start3A_463 = arith.constant 0 : i32
      %dma_start3A_464 = arith.constant 0 : i32
      %dma_start3A_465 = tpu.memref_slice %arg14[%dma_start3A_463, %dma_start3A_464] : memref<10240x64xf32, #tpu.memory_space<vmem_shared>> -> memref<10240x64xf32, #tpu.memory_space<vmem_shared>>
      tpu.enqueue_indirect_dma source(%dma_start3A_459 : memref<128x64xf32, #tpu.memory_space<vmem>>) target(%dma_start3A_465 : memref<10240x64xf32, #tpu.memory_space<vmem_shared>>) offsets(%dma_start3A_462 : memref<128xi32, #tpu.memory_space<vmem>>) semaphore(%arg19 : memref<!tpu.dma_semaphore, #tpu.memory_space<semaphore_mem>>) {add = true}
      %eq3A_466 = arith.constant 0 : i32
      %eq3A_467 = arith.cmpi eq, %arg0, %eq3A_466 : i32
      %lt3A_468 = arith.constant 78 : i32
      %lt3A_469 = arith.cmpi slt, %add3A_443, %lt3A_468 : i32
      %ge3A_470 = arith.constant 78 : i32
      %ge3A_471 = arith.cmpi sge, %add3A_443, %ge3A_470 : i32
      %select_n3A_472 = arith.select %eq3A_467, %lt3A_469, %ge3A_471 : i1
      %convert_element_type3A_473 = arith.extui %select_n3A_472 : i1 to i32
      %cond3A_474 = arith.constant 0 : i32
      %cond3A_475 = arith.cmpi ne, %convert_element_type3A_473, %cond3A_474 : i32
      scf.if %cond3A_475 {
        "tpu.region"() ({
          %run_scoped3A = tpu.sem_alloc : memref<!tpu.dma_semaphore, #tpu.memory_space<semaphore_mem>>
          %dma_start3A_566 = arith.constant 0 : i32
          %dma_start3A_567 = tpu.memref_slice %arg12[%add3A_443, %dma_start3A_566] : memref<157x128xi32, #tpu.memory_space<vmem>> -> memref<1x128xi32, #tpu.memory_space<vmem>>
          %dma_start3A_568 = tpu.memref_squeeze %dma_start3A_567 : memref<1x128xi32, #tpu.memory_space<vmem>> -> memref<128xi32, #tpu.memory_space<vmem>>
          %dma_start3A_569 = arith.constant 0 : i32
          %dma_start3A_570 = arith.constant 0 : i32
          %dma_start3A_571 = tpu.memref_slice %arg24[%dma_start3A_569, %dma_start3A_570] : memref<10240x16xf32, #tpu.memory_space<vmem_shared>> -> memref<10240x16xf32, #tpu.memory_space<vmem_shared>>
          tpu.enqueue_indirect_dma source(%arg23 : memref<128x16xf32, #tpu.memory_space<vmem>>) target(%dma_start3A_571 : memref<10240x16xf32, #tpu.memory_space<vmem_shared>>) offsets(%dma_start3A_568 : memref<128xi32, #tpu.memory_space<vmem>>) semaphore(%run_scoped3A : memref<!tpu.dma_semaphore, #tpu.memory_space<semaphore_mem>>) {add = true}
          %dma_wait3A_572 = arith.constant 0 : i32
          %dma_wait3A_573 = tpu.memref_slice %arg12[%add3A_443, %dma_wait3A_572] : memref<157x128xi32, #tpu.memory_space<vmem>> -> memref<1x128xi32, #tpu.memory_space<vmem>>
          %dma_wait3A_574 = tpu.memref_squeeze %dma_wait3A_573 : memref<1x128xi32, #tpu.memory_space<vmem>> -> memref<128xi32, #tpu.memory_space<vmem>>
          %dma_wait3A_575 = arith.constant 0 : i32
          %dma_wait3A_576 = arith.constant 0 : i32
          %dma_wait3A_577 = tpu.memref_slice %arg24[%dma_wait3A_575, %dma_wait3A_576] : memref<10240x16xf32, #tpu.memory_space<vmem_shared>> -> memref<10240x16xf32, #tpu.memory_space<vmem_shared>>
          tpu.wait_indirect_dma semaphore(%run_scoped3A : memref<!tpu.dma_semaphore, #tpu.memory_space<semaphore_mem>>) src(%arg23 : memref<128x16xf32, #tpu.memory_space<vmem>>) dst(%dma_wait3A_577 : memref<10240x16xf32, #tpu.memory_space<vmem_shared>>)
          tpu.yield
        }) : () -> ()
      } else {
      }
      %sub3A_476 = arith.constant 2 : i32
      %sub3A_477 = arith.subi %add3A_443, %sub3A_476 : i32
      %dma_wait3A_478 = arith.constant 2 : i32
      %dma_wait3A_479 = arith.constant 0 : i32
      %dma_wait3A_480 = arith.constant 0 : i32
      %dma_wait3A_481 = tpu.memref_slice %arg13[%dma_wait3A_478, %dma_wait3A_479, %dma_wait3A_480] : memref<4x128x64xf32, #tpu.memory_space<vmem>> -> memref<1x128x64xf32, #tpu.memory_space<vmem>>
      %dma_wait3A_482 = tpu.memref_squeeze %dma_wait3A_481 : memref<1x128x64xf32, #tpu.memory_space<vmem>> -> memref<128x64xf32, #tpu.memory_space<vmem>>
      %dma_wait3A_483 = arith.constant 0 : i32
      %dma_wait3A_484 = tpu.memref_slice %arg12[%sub3A_477, %dma_wait3A_483] : memref<157x128xi32, #tpu.memory_space<vmem>> -> memref<1x128xi32, #tpu.memory_space<vmem>>
      %dma_wait3A_485 = tpu.memref_squeeze %dma_wait3A_484 : memref<1x128xi32, #tpu.memory_space<vmem>> -> memref<128xi32, #tpu.memory_space<vmem>>
      %dma_wait3A_486 = arith.constant 0 : i32
      %dma_wait3A_487 = arith.constant 0 : i32
      %dma_wait3A_488 = tpu.memref_slice %arg14[%dma_wait3A_486, %dma_wait3A_487] : memref<10240x64xf32, #tpu.memory_space<vmem_shared>> -> memref<10240x64xf32, #tpu.memory_space<vmem_shared>>
      tpu.wait_indirect_dma semaphore(%arg21 : memref<!tpu.dma_semaphore, #tpu.memory_space<semaphore_mem>>) src(%dma_wait3A_482 : memref<128x64xf32, #tpu.memory_space<vmem>>) dst(%dma_wait3A_488 : memref<10240x64xf32, #tpu.memory_space<vmem_shared>>)
      %add3A_489 = arith.constant 2 : i32
      %add3A_490 = arith.addi %add3A_443, %add3A_489 : i32
      %dma_start3A_491 = arith.constant 2 : i32
      %dma_start3A_492 = arith.constant 0 : i32
      %dma_start3A_493 = arith.constant 0 : i32
      %dma_start3A_494 = tpu.memref_slice %arg13[%dma_start3A_491, %dma_start3A_492, %dma_start3A_493] : memref<4x128x64xf32, #tpu.memory_space<vmem>> -> memref<1x128x64xf32, #tpu.memory_space<vmem>>
      %dma_start3A_495 = tpu.memref_squeeze %dma_start3A_494 : memref<1x128x64xf32, #tpu.memory_space<vmem>> -> memref<128x64xf32, #tpu.memory_space<vmem>>
      %dma_start3A_496 = arith.constant 0 : i32
      %dma_start3A_497 = tpu.memref_slice %arg11[%add3A_490, %dma_start3A_496] : memref<157x128xi32, #tpu.memory_space<vmem>> -> memref<1x128xi32, #tpu.memory_space<vmem>>
      %dma_start3A_498 = tpu.memref_squeeze %dma_start3A_497 : memref<1x128xi32, #tpu.memory_space<vmem>> -> memref<128xi32, #tpu.memory_space<vmem>>
      %dma_start3A_499 = arith.constant 0 : i32
      %dma_start3A_500 = arith.constant 0 : i32
      %dma_start3A_501 = tpu.memref_slice %arg2[%dma_start3A_499, %dma_start3A_500] : memref<20000x64xf32, #tpu.memory_space<hbm>> -> memref<20000x64xf32, #tpu.memory_space<hbm>>
      tpu.enqueue_indirect_dma source(%dma_start3A_501 : memref<20000x64xf32, #tpu.memory_space<hbm>>) target(%dma_start3A_495 : memref<128x64xf32, #tpu.memory_space<vmem>>) offsets(%dma_start3A_498 : memref<128xi32, #tpu.memory_space<vmem>>) semaphore(%arg17 : memref<!tpu.dma_semaphore, #tpu.memory_space<semaphore_mem>>)
      %mul3A_502 = arith.constant 4 : i32
      %mul3A_503 = arith.muli %scan3A_312, %mul3A_502 : i32
      %add3A_504 = arith.constant 2 : i32
      %add3A_505 = arith.addi %add3A_504, %mul3A_503 : i32
      %add3A_506 = arith.constant 3 : i32
      %add3A_507 = arith.addi %add3A_505, %add3A_506 : i32
      %dma_wait3A_508 = arith.constant 1 : i32
      %dma_wait3A_509 = arith.constant 0 : i32
      %dma_wait3A_510 = arith.constant 0 : i32
      %dma_wait3A_511 = tpu.memref_slice %arg13[%dma_wait3A_508, %dma_wait3A_509, %dma_wait3A_510] : memref<4x128x64xf32, #tpu.memory_space<vmem>> -> memref<1x128x64xf32, #tpu.memory_space<vmem>>
      %dma_wait3A_512 = tpu.memref_squeeze %dma_wait3A_511 : memref<1x128x64xf32, #tpu.memory_space<vmem>> -> memref<128x64xf32, #tpu.memory_space<vmem>>
      %dma_wait3A_513 = arith.constant 0 : i32
      %dma_wait3A_514 = tpu.memref_slice %arg11[%add3A_507, %dma_wait3A_513] : memref<157x128xi32, #tpu.memory_space<vmem>> -> memref<1x128xi32, #tpu.memory_space<vmem>>
      %dma_wait3A_515 = tpu.memref_squeeze %dma_wait3A_514 : memref<1x128xi32, #tpu.memory_space<vmem>> -> memref<128xi32, #tpu.memory_space<vmem>>
      %dma_wait3A_516 = arith.constant 0 : i32
      %dma_wait3A_517 = arith.constant 0 : i32
      %dma_wait3A_518 = tpu.memref_slice %arg2[%dma_wait3A_516, %dma_wait3A_517] : memref<20000x64xf32, #tpu.memory_space<hbm>> -> memref<20000x64xf32, #tpu.memory_space<hbm>>
      tpu.wait_indirect_dma semaphore(%arg16 : memref<!tpu.dma_semaphore, #tpu.memory_space<semaphore_mem>>) src(%dma_wait3A_518 : memref<20000x64xf32, #tpu.memory_space<hbm>>) dst(%dma_wait3A_512 : memref<128x64xf32, #tpu.memory_space<vmem>>)
      %dma_start3A_519 = arith.constant 1 : i32
      %dma_start3A_520 = arith.constant 0 : i32
      %dma_start3A_521 = arith.constant 0 : i32
      %dma_start3A_522 = tpu.memref_slice %arg13[%dma_start3A_519, %dma_start3A_520, %dma_start3A_521] : memref<4x128x64xf32, #tpu.memory_space<vmem>> -> memref<1x128x64xf32, #tpu.memory_space<vmem>>
      %dma_start3A_523 = tpu.memref_squeeze %dma_start3A_522 : memref<1x128x64xf32, #tpu.memory_space<vmem>> -> memref<128x64xf32, #tpu.memory_space<vmem>>
      %dma_start3A_524 = arith.constant 0 : i32
      %dma_start3A_525 = tpu.memref_slice %arg12[%add3A_507, %dma_start3A_524] : memref<157x128xi32, #tpu.memory_space<vmem>> -> memref<1x128xi32, #tpu.memory_space<vmem>>
      %dma_start3A_526 = tpu.memref_squeeze %dma_start3A_525 : memref<1x128xi32, #tpu.memory_space<vmem>> -> memref<128xi32, #tpu.memory_space<vmem>>
      %dma_start3A_527 = arith.constant 0 : i32
      %dma_start3A_528 = arith.constant 0 : i32
      %dma_start3A_529 = tpu.memref_slice %arg14[%dma_start3A_527, %dma_start3A_528] : memref<10240x64xf32, #tpu.memory_space<vmem_shared>> -> memref<10240x64xf32, #tpu.memory_space<vmem_shared>>
      tpu.enqueue_indirect_dma source(%dma_start3A_523 : memref<128x64xf32, #tpu.memory_space<vmem>>) target(%dma_start3A_529 : memref<10240x64xf32, #tpu.memory_space<vmem_shared>>) offsets(%dma_start3A_526 : memref<128xi32, #tpu.memory_space<vmem>>) semaphore(%arg20 : memref<!tpu.dma_semaphore, #tpu.memory_space<semaphore_mem>>) {add = true}
      %eq3A_530 = arith.constant 0 : i32
      %eq3A_531 = arith.cmpi eq, %arg0, %eq3A_530 : i32
      %lt3A_532 = arith.constant 78 : i32
      %lt3A_533 = arith.cmpi slt, %add3A_507, %lt3A_532 : i32
      %ge3A_534 = arith.constant 78 : i32
      %ge3A_535 = arith.cmpi sge, %add3A_507, %ge3A_534 : i32
      %select_n3A_536 = arith.select %eq3A_531, %lt3A_533, %ge3A_535 : i1
      %convert_element_type3A_537 = arith.extui %select_n3A_536 : i1 to i32
      %cond3A_538 = arith.constant 0 : i32
      %cond3A_539 = arith.cmpi ne, %convert_element_type3A_537, %cond3A_538 : i32
      scf.if %cond3A_539 {
        "tpu.region"() ({
          %run_scoped3A = tpu.sem_alloc : memref<!tpu.dma_semaphore, #tpu.memory_space<semaphore_mem>>
          %dma_start3A_566 = arith.constant 0 : i32
          %dma_start3A_567 = tpu.memref_slice %arg12[%add3A_507, %dma_start3A_566] : memref<157x128xi32, #tpu.memory_space<vmem>> -> memref<1x128xi32, #tpu.memory_space<vmem>>
          %dma_start3A_568 = tpu.memref_squeeze %dma_start3A_567 : memref<1x128xi32, #tpu.memory_space<vmem>> -> memref<128xi32, #tpu.memory_space<vmem>>
          %dma_start3A_569 = arith.constant 0 : i32
          %dma_start3A_570 = arith.constant 0 : i32
          %dma_start3A_571 = tpu.memref_slice %arg24[%dma_start3A_569, %dma_start3A_570] : memref<10240x16xf32, #tpu.memory_space<vmem_shared>> -> memref<10240x16xf32, #tpu.memory_space<vmem_shared>>
          tpu.enqueue_indirect_dma source(%arg23 : memref<128x16xf32, #tpu.memory_space<vmem>>) target(%dma_start3A_571 : memref<10240x16xf32, #tpu.memory_space<vmem_shared>>) offsets(%dma_start3A_568 : memref<128xi32, #tpu.memory_space<vmem>>) semaphore(%run_scoped3A : memref<!tpu.dma_semaphore, #tpu.memory_space<semaphore_mem>>) {add = true}
          %dma_wait3A_572 = arith.constant 0 : i32
          %dma_wait3A_573 = tpu.memref_slice %arg12[%add3A_507, %dma_wait3A_572] : memref<157x128xi32, #tpu.memory_space<vmem>> -> memref<1x128xi32, #tpu.memory_space<vmem>>
          %dma_wait3A_574 = tpu.memref_squeeze %dma_wait3A_573 : memref<1x128xi32, #tpu.memory_space<vmem>> -> memref<128xi32, #tpu.memory_space<vmem>>
          %dma_wait3A_575 = arith.constant 0 : i32
          %dma_wait3A_576 = arith.constant 0 : i32
          %dma_wait3A_577 = tpu.memref_slice %arg24[%dma_wait3A_575, %dma_wait3A_576] : memref<10240x16xf32, #tpu.memory_space<vmem_shared>> -> memref<10240x16xf32, #tpu.memory_space<vmem_shared>>
          tpu.wait_indirect_dma semaphore(%run_scoped3A : memref<!tpu.dma_semaphore, #tpu.memory_space<semaphore_mem>>) src(%arg23 : memref<128x16xf32, #tpu.memory_space<vmem>>) dst(%dma_wait3A_577 : memref<10240x16xf32, #tpu.memory_space<vmem_shared>>)
          tpu.yield
        }) : () -> ()
      } else {
      }
      %sub3A_540 = arith.constant 2 : i32
      %sub3A_541 = arith.subi %add3A_507, %sub3A_540 : i32
      %dma_wait3A_542 = arith.constant 3 : i32
      %dma_wait3A_543 = arith.constant 0 : i32
      %dma_wait3A_544 = arith.constant 0 : i32
      %dma_wait3A_545 = tpu.memref_slice %arg13[%dma_wait3A_542, %dma_wait3A_543, %dma_wait3A_544] : memref<4x128x64xf32, #tpu.memory_space<vmem>> -> memref<1x128x64xf32, #tpu.memory_space<vmem>>
      %dma_wait3A_546 = tpu.memref_squeeze %dma_wait3A_545 : memref<1x128x64xf32, #tpu.memory_space<vmem>> -> memref<128x64xf32, #tpu.memory_space<vmem>>
      %dma_wait3A_547 = arith.constant 0 : i32
      %dma_wait3A_548 = tpu.memref_slice %arg12[%sub3A_541, %dma_wait3A_547] : memref<157x128xi32, #tpu.memory_space<vmem>> -> memref<1x128xi32, #tpu.memory_space<vmem>>
      %dma_wait3A_549 = tpu.memref_squeeze %dma_wait3A_548 : memref<1x128xi32, #tpu.memory_space<vmem>> -> memref<128xi32, #tpu.memory_space<vmem>>
      %dma_wait3A_550 = arith.constant 0 : i32
      %dma_wait3A_551 = arith.constant 0 : i32
      %dma_wait3A_552 = tpu.memref_slice %arg14[%dma_wait3A_550, %dma_wait3A_551] : memref<10240x64xf32, #tpu.memory_space<vmem_shared>> -> memref<10240x64xf32, #tpu.memory_space<vmem_shared>>
      tpu.wait_indirect_dma semaphore(%arg22 : memref<!tpu.dma_semaphore, #tpu.memory_space<semaphore_mem>>) src(%dma_wait3A_546 : memref<128x64xf32, #tpu.memory_space<vmem>>) dst(%dma_wait3A_552 : memref<10240x64xf32, #tpu.memory_space<vmem_shared>>)
      %add3A_553 = arith.constant 2 : i32
      %add3A_554 = arith.addi %add3A_507, %add3A_553 : i32
      %dma_start3A_555 = arith.constant 3 : i32
      %dma_start3A_556 = arith.constant 0 : i32
      %dma_start3A_557 = arith.constant 0 : i32
      %dma_start3A_558 = tpu.memref_slice %arg13[%dma_start3A_555, %dma_start3A_556, %dma_start3A_557] : memref<4x128x64xf32, #tpu.memory_space<vmem>> -> memref<1x128x64xf32, #tpu.memory_space<vmem>>
      %dma_start3A_559 = tpu.memref_squeeze %dma_start3A_558 : memref<1x128x64xf32, #tpu.memory_space<vmem>> -> memref<128x64xf32, #tpu.memory_space<vmem>>
      %dma_start3A_560 = arith.constant 0 : i32
      %dma_start3A_561 = tpu.memref_slice %arg11[%add3A_554, %dma_start3A_560] : memref<157x128xi32, #tpu.memory_space<vmem>> -> memref<1x128xi32, #tpu.memory_space<vmem>>
      %dma_start3A_562 = tpu.memref_squeeze %dma_start3A_561 : memref<1x128xi32, #tpu.memory_space<vmem>> -> memref<128xi32, #tpu.memory_space<vmem>>
      %dma_start3A_563 = arith.constant 0 : i32
      %dma_start3A_564 = arith.constant 0 : i32
      %dma_start3A_565 = tpu.memref_slice %arg2[%dma_start3A_563, %dma_start3A_564] : memref<20000x64xf32, #tpu.memory_space<hbm>> -> memref<20000x64xf32, #tpu.memory_space<hbm>>
      tpu.enqueue_indirect_dma source(%dma_start3A_565 : memref<20000x64xf32, #tpu.memory_space<hbm>>) target(%dma_start3A_559 : memref<128x64xf32, #tpu.memory_space<vmem>>) offsets(%dma_start3A_562 : memref<128xi32, #tpu.memory_space<vmem>>) semaphore(%arg18 : memref<!tpu.dma_semaphore, #tpu.memory_space<semaphore_mem>>)
    }
    %scan3A_126 = arith.constant 38 : i32
    %dma_wait3A_127 = arith.constant 154 : i32
    %dma_wait3A_128 = arith.constant 2 : i32
    %dma_wait3A_129 = arith.constant 0 : i32
    %dma_wait3A_130 = arith.constant 0 : i32
    %dma_wait3A_131 = tpu.memref_slice %arg13[%dma_wait3A_128, %dma_wait3A_129, %dma_wait3A_130] : memref<4x128x64xf32, #tpu.memory_space<vmem>> -> memref<1x128x64xf32, #tpu.memory_space<vmem>>
    %dma_wait3A_132 = tpu.memref_squeeze %dma_wait3A_131 : memref<1x128x64xf32, #tpu.memory_space<vmem>> -> memref<128x64xf32, #tpu.memory_space<vmem>>
    %dma_wait3A_133 = arith.constant 0 : i32
    %dma_wait3A_134 = tpu.memref_slice %arg11[%dma_wait3A_127, %dma_wait3A_133] : memref<157x128xi32, #tpu.memory_space<vmem>> -> memref<1x128xi32, #tpu.memory_space<vmem>>
    %dma_wait3A_135 = tpu.memref_squeeze %dma_wait3A_134 : memref<1x128xi32, #tpu.memory_space<vmem>> -> memref<128xi32, #tpu.memory_space<vmem>>
    %dma_wait3A_136 = arith.constant 0 : i32
    %dma_wait3A_137 = arith.constant 0 : i32
    %dma_wait3A_138 = tpu.memref_slice %arg2[%dma_wait3A_136, %dma_wait3A_137] : memref<20000x64xf32, #tpu.memory_space<hbm>> -> memref<20000x64xf32, #tpu.memory_space<hbm>>
    tpu.wait_indirect_dma semaphore(%arg17 : memref<!tpu.dma_semaphore, #tpu.memory_space<semaphore_mem>>) src(%dma_wait3A_138 : memref<20000x64xf32, #tpu.memory_space<hbm>>) dst(%dma_wait3A_132 : memref<128x64xf32, #tpu.memory_space<vmem>>)
    %dma_start3A_139 = arith.constant 2 : i32
    %dma_start3A_140 = arith.constant 154 : i32
    %dma_start3A_141 = arith.constant 0 : i32
    %dma_start3A_142 = arith.constant 0 : i32
    %dma_start3A_143 = tpu.memref_slice %arg13[%dma_start3A_139, %dma_start3A_141, %dma_start3A_142] : memref<4x128x64xf32, #tpu.memory_space<vmem>> -> memref<1x128x64xf32, #tpu.memory_space<vmem>>
    %dma_start3A_144 = tpu.memref_squeeze %dma_start3A_143 : memref<1x128x64xf32, #tpu.memory_space<vmem>> -> memref<128x64xf32, #tpu.memory_space<vmem>>
    %dma_start3A_145 = arith.constant 0 : i32
    %dma_start3A_146 = tpu.memref_slice %arg12[%dma_start3A_140, %dma_start3A_145] : memref<157x128xi32, #tpu.memory_space<vmem>> -> memref<1x128xi32, #tpu.memory_space<vmem>>
    %dma_start3A_147 = tpu.memref_squeeze %dma_start3A_146 : memref<1x128xi32, #tpu.memory_space<vmem>> -> memref<128xi32, #tpu.memory_space<vmem>>
    %dma_start3A_148 = arith.constant 0 : i32
    %dma_start3A_149 = arith.constant 0 : i32
    %dma_start3A_150 = tpu.memref_slice %arg14[%dma_start3A_148, %dma_start3A_149] : memref<10240x64xf32, #tpu.memory_space<vmem_shared>> -> memref<10240x64xf32, #tpu.memory_space<vmem_shared>>
    tpu.enqueue_indirect_dma source(%dma_start3A_144 : memref<128x64xf32, #tpu.memory_space<vmem>>) target(%dma_start3A_150 : memref<10240x64xf32, #tpu.memory_space<vmem_shared>>) offsets(%dma_start3A_147 : memref<128xi32, #tpu.memory_space<vmem>>) semaphore(%arg21 : memref<!tpu.dma_semaphore, #tpu.memory_space<semaphore_mem>>) {add = true}
    %eq3A_151 = arith.constant 0 : i32
    %eq3A_152 = arith.cmpi eq, %arg0, %eq3A_151 : i32
    %jit3A_153 = arith.constant false
    %jit3A_154 = arith.constant true
    %select_n3A_155 = arith.select %eq3A_152, %jit3A_153, %jit3A_154 : i1
    %convert_element_type3A_156 = arith.extui %select_n3A_155 : i1 to i32
    %cond3A_157 = arith.constant 0 : i32
    %cond3A_158 = arith.cmpi ne, %convert_element_type3A_156, %cond3A_157 : i32
    scf.if %cond3A_158 {
      %run_scoped3A = arith.constant 154 : i32
      "tpu.region"() ({
        %run_scoped3A_312 = tpu.sem_alloc : memref<!tpu.dma_semaphore, #tpu.memory_space<semaphore_mem>>
        %dma_start3A_313 = arith.constant 0 : i32
        %dma_start3A_314 = tpu.memref_slice %arg12[%run_scoped3A, %dma_start3A_313] : memref<157x128xi32, #tpu.memory_space<vmem>> -> memref<1x128xi32, #tpu.memory_space<vmem>>
        %dma_start3A_315 = tpu.memref_squeeze %dma_start3A_314 : memref<1x128xi32, #tpu.memory_space<vmem>> -> memref<128xi32, #tpu.memory_space<vmem>>
        %dma_start3A_316 = arith.constant 0 : i32
        %dma_start3A_317 = arith.constant 0 : i32
        %dma_start3A_318 = tpu.memref_slice %arg24[%dma_start3A_316, %dma_start3A_317] : memref<10240x16xf32, #tpu.memory_space<vmem_shared>> -> memref<10240x16xf32, #tpu.memory_space<vmem_shared>>
        tpu.enqueue_indirect_dma source(%arg23 : memref<128x16xf32, #tpu.memory_space<vmem>>) target(%dma_start3A_318 : memref<10240x16xf32, #tpu.memory_space<vmem_shared>>) offsets(%dma_start3A_315 : memref<128xi32, #tpu.memory_space<vmem>>) semaphore(%run_scoped3A_312 : memref<!tpu.dma_semaphore, #tpu.memory_space<semaphore_mem>>) {add = true}
        %dma_wait3A_319 = arith.constant 0 : i32
        %dma_wait3A_320 = tpu.memref_slice %arg12[%run_scoped3A, %dma_wait3A_319] : memref<157x128xi32, #tpu.memory_space<vmem>> -> memref<1x128xi32, #tpu.memory_space<vmem>>
        %dma_wait3A_321 = tpu.memref_squeeze %dma_wait3A_320 : memref<1x128xi32, #tpu.memory_space<vmem>> -> memref<128xi32, #tpu.memory_space<vmem>>
        %dma_wait3A_322 = arith.constant 0 : i32
        %dma_wait3A_323 = arith.constant 0 : i32
        %dma_wait3A_324 = tpu.memref_slice %arg24[%dma_wait3A_322, %dma_wait3A_323] : memref<10240x16xf32, #tpu.memory_space<vmem_shared>> -> memref<10240x16xf32, #tpu.memory_space<vmem_shared>>
        tpu.wait_indirect_dma semaphore(%run_scoped3A_312 : memref<!tpu.dma_semaphore, #tpu.memory_space<semaphore_mem>>) src(%arg23 : memref<128x16xf32, #tpu.memory_space<vmem>>) dst(%dma_wait3A_324 : memref<10240x16xf32, #tpu.memory_space<vmem_shared>>)
        tpu.yield
      }) : () -> ()
    } else {
    }
    %dma_wait3A_159 = arith.constant 0 : i32
    %dma_wait3A_160 = arith.constant 152 : i32
    %dma_wait3A_161 = arith.constant 0 : i32
    %dma_wait3A_162 = arith.constant 0 : i32
    %dma_wait3A_163 = tpu.memref_slice %arg13[%dma_wait3A_159, %dma_wait3A_161, %dma_wait3A_162] : memref<4x128x64xf32, #tpu.memory_space<vmem>> -> memref<1x128x64xf32, #tpu.memory_space<vmem>>
    %dma_wait3A_164 = tpu.memref_squeeze %dma_wait3A_163 : memref<1x128x64xf32, #tpu.memory_space<vmem>> -> memref<128x64xf32, #tpu.memory_space<vmem>>
    %dma_wait3A_165 = arith.constant 0 : i32
    %dma_wait3A_166 = tpu.memref_slice %arg12[%dma_wait3A_160, %dma_wait3A_165] : memref<157x128xi32, #tpu.memory_space<vmem>> -> memref<1x128xi32, #tpu.memory_space<vmem>>
    %dma_wait3A_167 = tpu.memref_squeeze %dma_wait3A_166 : memref<1x128xi32, #tpu.memory_space<vmem>> -> memref<128xi32, #tpu.memory_space<vmem>>
    %dma_wait3A_168 = arith.constant 0 : i32
    %dma_wait3A_169 = arith.constant 0 : i32
    %dma_wait3A_170 = tpu.memref_slice %arg14[%dma_wait3A_168, %dma_wait3A_169] : memref<10240x64xf32, #tpu.memory_space<vmem_shared>> -> memref<10240x64xf32, #tpu.memory_space<vmem_shared>>
    tpu.wait_indirect_dma semaphore(%arg19 : memref<!tpu.dma_semaphore, #tpu.memory_space<semaphore_mem>>) src(%dma_wait3A_164 : memref<128x64xf32, #tpu.memory_space<vmem>>) dst(%dma_wait3A_170 : memref<10240x64xf32, #tpu.memory_space<vmem_shared>>)
    %dma_start3A_171 = arith.constant 156 : i32
    %dma_start3A_172 = arith.constant 0 : i32
    %dma_start3A_173 = arith.constant 0 : i32
    %dma_start3A_174 = arith.constant 0 : i32
    %dma_start3A_175 = tpu.memref_slice %arg13[%dma_start3A_172, %dma_start3A_173, %dma_start3A_174] : memref<4x128x64xf32, #tpu.memory_space<vmem>> -> memref<1x128x64xf32, #tpu.memory_space<vmem>>
    %dma_start3A_176 = tpu.memref_squeeze %dma_start3A_175 : memref<1x128x64xf32, #tpu.memory_space<vmem>> -> memref<128x64xf32, #tpu.memory_space<vmem>>
    %dma_start3A_177 = arith.constant 0 : i32
    %dma_start3A_178 = tpu.memref_slice %arg11[%dma_start3A_171, %dma_start3A_177] : memref<157x128xi32, #tpu.memory_space<vmem>> -> memref<1x128xi32, #tpu.memory_space<vmem>>
    %dma_start3A_179 = tpu.memref_squeeze %dma_start3A_178 : memref<1x128xi32, #tpu.memory_space<vmem>> -> memref<128xi32, #tpu.memory_space<vmem>>
    %dma_start3A_180 = arith.constant 0 : i32
    %dma_start3A_181 = arith.constant 0 : i32
    %dma_start3A_182 = tpu.memref_slice %arg2[%dma_start3A_180, %dma_start3A_181] : memref<20000x64xf32, #tpu.memory_space<hbm>> -> memref<20000x64xf32, #tpu.memory_space<hbm>>
    tpu.enqueue_indirect_dma source(%dma_start3A_182 : memref<20000x64xf32, #tpu.memory_space<hbm>>) target(%dma_start3A_176 : memref<128x64xf32, #tpu.memory_space<vmem>>) offsets(%dma_start3A_179 : memref<128xi32, #tpu.memory_space<vmem>>) semaphore(%arg15 : memref<!tpu.dma_semaphore, #tpu.memory_space<semaphore_mem>>)
    %dma_wait3A_183 = arith.constant 155 : i32
    %dma_wait3A_184 = arith.constant 3 : i32
    %dma_wait3A_185 = arith.constant 0 : i32
    %dma_wait3A_186 = arith.constant 0 : i32
    %dma_wait3A_187 = tpu.memref_slice %arg13[%dma_wait3A_184, %dma_wait3A_185, %dma_wait3A_186] : memref<4x128x64xf32, #tpu.memory_space<vmem>> -> memref<1x128x64xf32, #tpu.memory_space<vmem>>
    %dma_wait3A_188 = tpu.memref_squeeze %dma_wait3A_187 : memref<1x128x64xf32, #tpu.memory_space<vmem>> -> memref<128x64xf32, #tpu.memory_space<vmem>>
    %dma_wait3A_189 = arith.constant 0 : i32
    %dma_wait3A_190 = tpu.memref_slice %arg11[%dma_wait3A_183, %dma_wait3A_189] : memref<157x128xi32, #tpu.memory_space<vmem>> -> memref<1x128xi32, #tpu.memory_space<vmem>>
    %dma_wait3A_191 = tpu.memref_squeeze %dma_wait3A_190 : memref<1x128xi32, #tpu.memory_space<vmem>> -> memref<128xi32, #tpu.memory_space<vmem>>
    %dma_wait3A_192 = arith.constant 0 : i32
    %dma_wait3A_193 = arith.constant 0 : i32
    %dma_wait3A_194 = tpu.memref_slice %arg2[%dma_wait3A_192, %dma_wait3A_193] : memref<20000x64xf32, #tpu.memory_space<hbm>> -> memref<20000x64xf32, #tpu.memory_space<hbm>>
    tpu.wait_indirect_dma semaphore(%arg18 : memref<!tpu.dma_semaphore, #tpu.memory_space<semaphore_mem>>) src(%dma_wait3A_194 : memref<20000x64xf32, #tpu.memory_space<hbm>>) dst(%dma_wait3A_188 : memref<128x64xf32, #tpu.memory_space<vmem>>)
    %dma_start3A_195 = arith.constant 3 : i32
    %dma_start3A_196 = arith.constant 155 : i32
    %dma_start3A_197 = arith.constant 0 : i32
    %dma_start3A_198 = arith.constant 0 : i32
    %dma_start3A_199 = tpu.memref_slice %arg13[%dma_start3A_195, %dma_start3A_197, %dma_start3A_198] : memref<4x128x64xf32, #tpu.memory_space<vmem>> -> memref<1x128x64xf32, #tpu.memory_space<vmem>>
    %dma_start3A_200 = tpu.memref_squeeze %dma_start3A_199 : memref<1x128x64xf32, #tpu.memory_space<vmem>> -> memref<128x64xf32, #tpu.memory_space<vmem>>
    %dma_start3A_201 = arith.constant 0 : i32
    %dma_start3A_202 = tpu.memref_slice %arg12[%dma_start3A_196, %dma_start3A_201] : memref<157x128xi32, #tpu.memory_space<vmem>> -> memref<1x128xi32, #tpu.memory_space<vmem>>
    %dma_start3A_203 = tpu.memref_squeeze %dma_start3A_202 : memref<1x128xi32, #tpu.memory_space<vmem>> -> memref<128xi32, #tpu.memory_space<vmem>>
    %dma_start3A_204 = arith.constant 0 : i32
    %dma_start3A_205 = arith.constant 0 : i32
    %dma_start3A_206 = tpu.memref_slice %arg14[%dma_start3A_204, %dma_start3A_205] : memref<10240x64xf32, #tpu.memory_space<vmem_shared>> -> memref<10240x64xf32, #tpu.memory_space<vmem_shared>>
    tpu.enqueue_indirect_dma source(%dma_start3A_200 : memref<128x64xf32, #tpu.memory_space<vmem>>) target(%dma_start3A_206 : memref<10240x64xf32, #tpu.memory_space<vmem_shared>>) offsets(%dma_start3A_203 : memref<128xi32, #tpu.memory_space<vmem>>) semaphore(%arg22 : memref<!tpu.dma_semaphore, #tpu.memory_space<semaphore_mem>>) {add = true}
    %eq3A_207 = arith.constant 0 : i32
    %eq3A_208 = arith.cmpi eq, %arg0, %eq3A_207 : i32
    %jit3A_209 = arith.constant false
    %jit3A_210 = arith.constant true
    %select_n3A_211 = arith.select %eq3A_208, %jit3A_209, %jit3A_210 : i1
    %convert_element_type3A_212 = arith.extui %select_n3A_211 : i1 to i32
    %cond3A_213 = arith.constant 0 : i32
    %cond3A_214 = arith.cmpi ne, %convert_element_type3A_212, %cond3A_213 : i32
    scf.if %cond3A_214 {
      %run_scoped3A = arith.constant 155 : i32
      "tpu.region"() ({
        %run_scoped3A_312 = tpu.sem_alloc : memref<!tpu.dma_semaphore, #tpu.memory_space<semaphore_mem>>
        %dma_start3A_313 = arith.constant 0 : i32
        %dma_start3A_314 = tpu.memref_slice %arg12[%run_scoped3A, %dma_start3A_313] : memref<157x128xi32, #tpu.memory_space<vmem>> -> memref<1x128xi32, #tpu.memory_space<vmem>>
        %dma_start3A_315 = tpu.memref_squeeze %dma_start3A_314 : memref<1x128xi32, #tpu.memory_space<vmem>> -> memref<128xi32, #tpu.memory_space<vmem>>
        %dma_start3A_316 = arith.constant 0 : i32
        %dma_start3A_317 = arith.constant 0 : i32
        %dma_start3A_318 = tpu.memref_slice %arg24[%dma_start3A_316, %dma_start3A_317] : memref<10240x16xf32, #tpu.memory_space<vmem_shared>> -> memref<10240x16xf32, #tpu.memory_space<vmem_shared>>
        tpu.enqueue_indirect_dma source(%arg23 : memref<128x16xf32, #tpu.memory_space<vmem>>) target(%dma_start3A_318 : memref<10240x16xf32, #tpu.memory_space<vmem_shared>>) offsets(%dma_start3A_315 : memref<128xi32, #tpu.memory_space<vmem>>) semaphore(%run_scoped3A_312 : memref<!tpu.dma_semaphore, #tpu.memory_space<semaphore_mem>>) {add = true}
        %dma_wait3A_319 = arith.constant 0 : i32
        %dma_wait3A_320 = tpu.memref_slice %arg12[%run_scoped3A, %dma_wait3A_319] : memref<157x128xi32, #tpu.memory_space<vmem>> -> memref<1x128xi32, #tpu.memory_space<vmem>>
        %dma_wait3A_321 = tpu.memref_squeeze %dma_wait3A_320 : memref<1x128xi32, #tpu.memory_space<vmem>> -> memref<128xi32, #tpu.memory_space<vmem>>
        %dma_wait3A_322 = arith.constant 0 : i32
        %dma_wait3A_323 = arith.constant 0 : i32
        %dma_wait3A_324 = tpu.memref_slice %arg24[%dma_wait3A_322, %dma_wait3A_323] : memref<10240x16xf32, #tpu.memory_space<vmem_shared>> -> memref<10240x16xf32, #tpu.memory_space<vmem_shared>>
        tpu.wait_indirect_dma semaphore(%run_scoped3A_312 : memref<!tpu.dma_semaphore, #tpu.memory_space<semaphore_mem>>) src(%arg23 : memref<128x16xf32, #tpu.memory_space<vmem>>) dst(%dma_wait3A_324 : memref<10240x16xf32, #tpu.memory_space<vmem_shared>>)
        tpu.yield
      }) : () -> ()
    } else {
    }
    %dma_wait3A_215 = arith.constant 156 : i32
    %dma_wait3A_216 = arith.constant 0 : i32
    %dma_wait3A_217 = arith.constant 0 : i32
    %dma_wait3A_218 = arith.constant 0 : i32
    %dma_wait3A_219 = tpu.memref_slice %arg13[%dma_wait3A_216, %dma_wait3A_217, %dma_wait3A_218] : memref<4x128x64xf32, #tpu.memory_space<vmem>> -> memref<1x128x64xf32, #tpu.memory_space<vmem>>
    %dma_wait3A_220 = tpu.memref_squeeze %dma_wait3A_219 : memref<1x128x64xf32, #tpu.memory_space<vmem>> -> memref<128x64xf32, #tpu.memory_space<vmem>>
    %dma_wait3A_221 = arith.constant 0 : i32
    %dma_wait3A_222 = tpu.memref_slice %arg11[%dma_wait3A_215, %dma_wait3A_221] : memref<157x128xi32, #tpu.memory_space<vmem>> -> memref<1x128xi32, #tpu.memory_space<vmem>>
    %dma_wait3A_223 = tpu.memref_squeeze %dma_wait3A_222 : memref<1x128xi32, #tpu.memory_space<vmem>> -> memref<128xi32, #tpu.memory_space<vmem>>
    %dma_wait3A_224 = arith.constant 0 : i32
    %dma_wait3A_225 = arith.constant 0 : i32
    %dma_wait3A_226 = tpu.memref_slice %arg2[%dma_wait3A_224, %dma_wait3A_225] : memref<20000x64xf32, #tpu.memory_space<hbm>> -> memref<20000x64xf32, #tpu.memory_space<hbm>>
    tpu.wait_indirect_dma semaphore(%arg15 : memref<!tpu.dma_semaphore, #tpu.memory_space<semaphore_mem>>) src(%dma_wait3A_226 : memref<20000x64xf32, #tpu.memory_space<hbm>>) dst(%dma_wait3A_220 : memref<128x64xf32, #tpu.memory_space<vmem>>)
    %dma_start3A_227 = arith.constant 0 : i32
    %dma_start3A_228 = arith.constant 156 : i32
    %dma_start3A_229 = arith.constant 0 : i32
    %dma_start3A_230 = arith.constant 0 : i32
    %dma_start3A_231 = tpu.memref_slice %arg13[%dma_start3A_227, %dma_start3A_229, %dma_start3A_230] : memref<4x128x64xf32, #tpu.memory_space<vmem>> -> memref<1x128x64xf32, #tpu.memory_space<vmem>>
    %dma_start3A_232 = tpu.memref_squeeze %dma_start3A_231 : memref<1x128x64xf32, #tpu.memory_space<vmem>> -> memref<128x64xf32, #tpu.memory_space<vmem>>
    %dma_start3A_233 = arith.constant 0 : i32
    %dma_start3A_234 = tpu.memref_slice %arg12[%dma_start3A_228, %dma_start3A_233] : memref<157x128xi32, #tpu.memory_space<vmem>> -> memref<1x128xi32, #tpu.memory_space<vmem>>
    %dma_start3A_235 = tpu.memref_squeeze %dma_start3A_234 : memref<1x128xi32, #tpu.memory_space<vmem>> -> memref<128xi32, #tpu.memory_space<vmem>>
    %dma_start3A_236 = arith.constant 0 : i32
    %dma_start3A_237 = arith.constant 0 : i32
    %dma_start3A_238 = tpu.memref_slice %arg14[%dma_start3A_236, %dma_start3A_237] : memref<10240x64xf32, #tpu.memory_space<vmem_shared>> -> memref<10240x64xf32, #tpu.memory_space<vmem_shared>>
    tpu.enqueue_indirect_dma source(%dma_start3A_232 : memref<128x64xf32, #tpu.memory_space<vmem>>) target(%dma_start3A_238 : memref<10240x64xf32, #tpu.memory_space<vmem_shared>>) offsets(%dma_start3A_235 : memref<128xi32, #tpu.memory_space<vmem>>) semaphore(%arg19 : memref<!tpu.dma_semaphore, #tpu.memory_space<semaphore_mem>>) {add = true}
    %eq3A_239 = arith.constant 0 : i32
    %eq3A_240 = arith.cmpi eq, %arg0, %eq3A_239 : i32
    %jit3A_241 = arith.constant false
    %jit3A_242 = arith.constant true
    %select_n3A_243 = arith.select %eq3A_240, %jit3A_241, %jit3A_242 : i1
    %convert_element_type3A_244 = arith.extui %select_n3A_243 : i1 to i32
    %cond3A_245 = arith.constant 0 : i32
    %cond3A_246 = arith.cmpi ne, %convert_element_type3A_244, %cond3A_245 : i32
    scf.if %cond3A_246 {
      %run_scoped3A = arith.constant 156 : i32
      "tpu.region"() ({
        %run_scoped3A_312 = tpu.sem_alloc : memref<!tpu.dma_semaphore, #tpu.memory_space<semaphore_mem>>
        %dma_start3A_313 = arith.constant 0 : i32
        %dma_start3A_314 = tpu.memref_slice %arg12[%run_scoped3A, %dma_start3A_313] : memref<157x128xi32, #tpu.memory_space<vmem>> -> memref<1x128xi32, #tpu.memory_space<vmem>>
        %dma_start3A_315 = tpu.memref_squeeze %dma_start3A_314 : memref<1x128xi32, #tpu.memory_space<vmem>> -> memref<128xi32, #tpu.memory_space<vmem>>
        %dma_start3A_316 = arith.constant 0 : i32
        %dma_start3A_317 = arith.constant 0 : i32
        %dma_start3A_318 = tpu.memref_slice %arg24[%dma_start3A_316, %dma_start3A_317] : memref<10240x16xf32, #tpu.memory_space<vmem_shared>> -> memref<10240x16xf32, #tpu.memory_space<vmem_shared>>
        tpu.enqueue_indirect_dma source(%arg23 : memref<128x16xf32, #tpu.memory_space<vmem>>) target(%dma_start3A_318 : memref<10240x16xf32, #tpu.memory_space<vmem_shared>>) offsets(%dma_start3A_315 : memref<128xi32, #tpu.memory_space<vmem>>) semaphore(%run_scoped3A_312 : memref<!tpu.dma_semaphore, #tpu.memory_space<semaphore_mem>>) {add = true}
        %dma_wait3A_319 = arith.constant 0 : i32
        %dma_wait3A_320 = tpu.memref_slice %arg12[%run_scoped3A, %dma_wait3A_319] : memref<157x128xi32, #tpu.memory_space<vmem>> -> memref<1x128xi32, #tpu.memory_space<vmem>>
        %dma_wait3A_321 = tpu.memref_squeeze %dma_wait3A_320 : memref<1x128xi32, #tpu.memory_space<vmem>> -> memref<128xi32, #tpu.memory_space<vmem>>
        %dma_wait3A_322 = arith.constant 0 : i32
        %dma_wait3A_323 = arith.constant 0 : i32
        %dma_wait3A_324 = tpu.memref_slice %arg24[%dma_wait3A_322, %dma_wait3A_323] : memref<10240x16xf32, #tpu.memory_space<vmem_shared>> -> memref<10240x16xf32, #tpu.memory_space<vmem_shared>>
        tpu.wait_indirect_dma semaphore(%run_scoped3A_312 : memref<!tpu.dma_semaphore, #tpu.memory_space<semaphore_mem>>) src(%arg23 : memref<128x16xf32, #tpu.memory_space<vmem>>) dst(%dma_wait3A_324 : memref<10240x16xf32, #tpu.memory_space<vmem_shared>>)
        tpu.yield
      }) : () -> ()
    } else {
    }
    %dma_wait3A_247 = arith.constant 1 : i32
    %dma_wait3A_248 = arith.constant 153 : i32
    %dma_wait3A_249 = arith.constant 0 : i32
    %dma_wait3A_250 = arith.constant 0 : i32
    %dma_wait3A_251 = tpu.memref_slice %arg13[%dma_wait3A_247, %dma_wait3A_249, %dma_wait3A_250] : memref<4x128x64xf32, #tpu.memory_space<vmem>> -> memref<1x128x64xf32, #tpu.memory_space<vmem>>
    %dma_wait3A_252 = tpu.memref_squeeze %dma_wait3A_251 : memref<1x128x64xf32, #tpu.memory_space<vmem>> -> memref<128x64xf32, #tpu.memory_space<vmem>>
    %dma_wait3A_253 = arith.constant 0 : i32
    %dma_wait3A_254 = tpu.memref_slice %arg12[%dma_wait3A_248, %dma_wait3A_253] : memref<157x128xi32, #tpu.memory_space<vmem>> -> memref<1x128xi32, #tpu.memory_space<vmem>>
    %dma_wait3A_255 = tpu.memref_squeeze %dma_wait3A_254 : memref<1x128xi32, #tpu.memory_space<vmem>> -> memref<128xi32, #tpu.memory_space<vmem>>
    %dma_wait3A_256 = arith.constant 0 : i32
    %dma_wait3A_257 = arith.constant 0 : i32
    %dma_wait3A_258 = tpu.memref_slice %arg14[%dma_wait3A_256, %dma_wait3A_257] : memref<10240x64xf32, #tpu.memory_space<vmem_shared>> -> memref<10240x64xf32, #tpu.memory_space<vmem_shared>>
    tpu.wait_indirect_dma semaphore(%arg20 : memref<!tpu.dma_semaphore, #tpu.memory_space<semaphore_mem>>) src(%dma_wait3A_252 : memref<128x64xf32, #tpu.memory_space<vmem>>) dst(%dma_wait3A_258 : memref<10240x64xf32, #tpu.memory_space<vmem_shared>>)
    %dma_wait3A_259 = arith.constant 2 : i32
    %dma_wait3A_260 = arith.constant 154 : i32
    %dma_wait3A_261 = arith.constant 0 : i32
    %dma_wait3A_262 = arith.constant 0 : i32
    %dma_wait3A_263 = tpu.memref_slice %arg13[%dma_wait3A_259, %dma_wait3A_261, %dma_wait3A_262] : memref<4x128x64xf32, #tpu.memory_space<vmem>> -> memref<1x128x64xf32, #tpu.memory_space<vmem>>
    %dma_wait3A_264 = tpu.memref_squeeze %dma_wait3A_263 : memref<1x128x64xf32, #tpu.memory_space<vmem>> -> memref<128x64xf32, #tpu.memory_space<vmem>>
    %dma_wait3A_265 = arith.constant 0 : i32
    %dma_wait3A_266 = tpu.memref_slice %arg12[%dma_wait3A_260, %dma_wait3A_265] : memref<157x128xi32, #tpu.memory_space<vmem>> -> memref<1x128xi32, #tpu.memory_space<vmem>>
    %dma_wait3A_267 = tpu.memref_squeeze %dma_wait3A_266 : memref<1x128xi32, #tpu.memory_space<vmem>> -> memref<128xi32, #tpu.memory_space<vmem>>
    %dma_wait3A_268 = arith.constant 0 : i32
    %dma_wait3A_269 = arith.constant 0 : i32
    %dma_wait3A_270 = tpu.memref_slice %arg14[%dma_wait3A_268, %dma_wait3A_269] : memref<10240x64xf32, #tpu.memory_space<vmem_shared>> -> memref<10240x64xf32, #tpu.memory_space<vmem_shared>>
    tpu.wait_indirect_dma semaphore(%arg21 : memref<!tpu.dma_semaphore, #tpu.memory_space<semaphore_mem>>) src(%dma_wait3A_264 : memref<128x64xf32, #tpu.memory_space<vmem>>) dst(%dma_wait3A_270 : memref<10240x64xf32, #tpu.memory_space<vmem_shared>>)
    %dma_wait3A_271 = arith.constant 3 : i32
    %dma_wait3A_272 = arith.constant 155 : i32
    %dma_wait3A_273 = arith.constant 0 : i32
    %dma_wait3A_274 = arith.constant 0 : i32
    %dma_wait3A_275 = tpu.memref_slice %arg13[%dma_wait3A_271, %dma_wait3A_273, %dma_wait3A_274] : memref<4x128x64xf32, #tpu.memory_space<vmem>> -> memref<1x128x64xf32, #tpu.memory_space<vmem>>
    %dma_wait3A_276 = tpu.memref_squeeze %dma_wait3A_275 : memref<1x128x64xf32, #tpu.memory_space<vmem>> -> memref<128x64xf32, #tpu.memory_space<vmem>>
    %dma_wait3A_277 = arith.constant 0 : i32
    %dma_wait3A_278 = tpu.memref_slice %arg12[%dma_wait3A_272, %dma_wait3A_277] : memref<157x128xi32, #tpu.memory_space<vmem>> -> memref<1x128xi32, #tpu.memory_space<vmem>>
    %dma_wait3A_279 = tpu.memref_squeeze %dma_wait3A_278 : memref<1x128xi32, #tpu.memory_space<vmem>> -> memref<128xi32, #tpu.memory_space<vmem>>
    %dma_wait3A_280 = arith.constant 0 : i32
    %dma_wait3A_281 = arith.constant 0 : i32
    %dma_wait3A_282 = tpu.memref_slice %arg14[%dma_wait3A_280, %dma_wait3A_281] : memref<10240x64xf32, #tpu.memory_space<vmem_shared>> -> memref<10240x64xf32, #tpu.memory_space<vmem_shared>>
    tpu.wait_indirect_dma semaphore(%arg22 : memref<!tpu.dma_semaphore, #tpu.memory_space<semaphore_mem>>) src(%dma_wait3A_276 : memref<128x64xf32, #tpu.memory_space<vmem>>) dst(%dma_wait3A_282 : memref<10240x64xf32, #tpu.memory_space<vmem_shared>>)
    %dma_wait3A_283 = arith.constant 0 : i32
    %dma_wait3A_284 = arith.constant 156 : i32
    %dma_wait3A_285 = arith.constant 0 : i32
    %dma_wait3A_286 = arith.constant 0 : i32
    %dma_wait3A_287 = tpu.memref_slice %arg13[%dma_wait3A_283, %dma_wait3A_285, %dma_wait3A_286] : memref<4x128x64xf32, #tpu.memory_space<vmem>> -> memref<1x128x64xf32, #tpu.memory_space<vmem>>
    %dma_wait3A_288 = tpu.memref_squeeze %dma_wait3A_287 : memref<1x128x64xf32, #tpu.memory_space<vmem>> -> memref<128x64xf32, #tpu.memory_space<vmem>>
    %dma_wait3A_289 = arith.constant 0 : i32
    %dma_wait3A_290 = tpu.memref_slice %arg12[%dma_wait3A_284, %dma_wait3A_289] : memref<157x128xi32, #tpu.memory_space<vmem>> -> memref<1x128xi32, #tpu.memory_space<vmem>>
    %dma_wait3A_291 = tpu.memref_squeeze %dma_wait3A_290 : memref<1x128xi32, #tpu.memory_space<vmem>> -> memref<128xi32, #tpu.memory_space<vmem>>
    %dma_wait3A_292 = arith.constant 0 : i32
    %dma_wait3A_293 = arith.constant 0 : i32
    %dma_wait3A_294 = tpu.memref_slice %arg14[%dma_wait3A_292, %dma_wait3A_293] : memref<10240x64xf32, #tpu.memory_space<vmem_shared>> -> memref<10240x64xf32, #tpu.memory_space<vmem_shared>>
    tpu.wait_indirect_dma semaphore(%arg19 : memref<!tpu.dma_semaphore, #tpu.memory_space<semaphore_mem>>) src(%dma_wait3A_288 : memref<128x64xf32, #tpu.memory_space<vmem>>) dst(%dma_wait3A_294 : memref<10240x64xf32, #tpu.memory_space<vmem_shared>>)
    %barrier3A_295 = arith.constant 0 : index
    tpu.barrier barrier_id(%barrier3A_295)
    %eq3A_296 = arith.constant 0 : i32
    %eq3A_297 = arith.cmpi eq, %arg0, %eq3A_296 : i32
    %convert_element_type3A_298 = arith.extui %eq3A_297 : i1 to i32
    %cond3A_299 = arith.constant 0 : i32
    %cond3A_300 = arith.cmpi ne, %convert_element_type3A_298, %cond3A_299 : i32
    scf.if %cond3A_300 {
      %mul3A_312 = arith.constant 640 : i32
      %mul3A_313 = arith.muli %arg1, %mul3A_312 : i32
      %mul3A_314 = arith.constant 640 : i32
      %mul3A_315 = arith.muli %arg1, %mul3A_314 : i32
      "tpu.region"() ({
        %run_scoped3A = tpu.sem_alloc : memref<!tpu.dma_semaphore, #tpu.memory_space<semaphore_mem>>
        %dma_start3A_316 = arith.constant 0 : i32
        %dma_start3A_317 = tpu.memref_slice %arg9[%mul3A_315, %dma_start3A_316] : memref<10240x128xf32, #tpu.memory_space<hbm>> -> memref<640x64xf32, #tpu.memory_space<hbm>>
        %dma_start3A_318 = arith.constant 0 : i32
        %dma_start3A_319 = tpu.memref_slice %arg14[%mul3A_313, %dma_start3A_318] : memref<10240x64xf32, #tpu.memory_space<vmem_shared>> -> memref<640x64xf32, #tpu.memory_space<vmem_shared>>
        tpu.enqueue_dma source(%dma_start3A_319 : memref<640x64xf32, #tpu.memory_space<vmem_shared>>) target(%dma_start3A_317 : memref<640x64xf32, #tpu.memory_space<hbm>>) target_semaphore(%run_scoped3A : memref<!tpu.dma_semaphore, #tpu.memory_space<semaphore_mem>>)
        %dma_wait3A_320 = arith.constant 0 : i32
        %dma_wait3A_321 = tpu.memref_slice %arg9[%mul3A_315, %dma_wait3A_320] : memref<10240x128xf32, #tpu.memory_space<hbm>> -> memref<640x64xf32, #tpu.memory_space<hbm>>
        %dma_wait3A_322 = arith.constant 0 : i32
        %dma_wait3A_323 = tpu.memref_slice %arg14[%mul3A_313, %dma_wait3A_322] : memref<10240x64xf32, #tpu.memory_space<vmem_shared>> -> memref<640x64xf32, #tpu.memory_space<vmem_shared>>
        tpu.wait_dma2 semaphore(%run_scoped3A : memref<!tpu.dma_semaphore, #tpu.memory_space<semaphore_mem>>) src(%dma_wait3A_323 : memref<640x64xf32, #tpu.memory_space<vmem_shared>>) dst(%dma_wait3A_321 : memref<640x64xf32, #tpu.memory_space<hbm>>)
        tpu.yield
      }) : () -> ()
    } else {
    }
    %eq3A_301 = arith.constant 1 : i32
    %eq3A_302 = arith.cmpi eq, %arg0, %eq3A_301 : i32
    %convert_element_type3A_303 = arith.extui %eq3A_302 : i1 to i32
    %cond3A_304 = arith.constant 0 : i32
    %cond3A_305 = arith.cmpi ne, %convert_element_type3A_303, %cond3A_304 : i32
    scf.if %cond3A_305 {
      %mul3A_312 = arith.constant 640 : i32
      %mul3A_313 = arith.muli %arg1, %mul3A_312 : i32
      %mul3A_314 = arith.constant 640 : i32
      %mul3A_315 = arith.muli %arg1, %mul3A_314 : i32
      "tpu.region"() ({
        %run_scoped3A = tpu.sem_alloc : memref<!tpu.dma_semaphore, #tpu.memory_space<semaphore_mem>>
        %dma_start3A_316 = arith.constant 64 : i32
        %dma_start3A_317 = tpu.memref_slice %arg9[%mul3A_315, %dma_start3A_316] : memref<10240x128xf32, #tpu.memory_space<hbm>> -> memref<640x64xf32, #tpu.memory_space<hbm>>
        %dma_start3A_318 = arith.constant 0 : i32
        %dma_start3A_319 = tpu.memref_slice %arg14[%mul3A_313, %dma_start3A_318] : memref<10240x64xf32, #tpu.memory_space<vmem_shared>> -> memref<640x64xf32, #tpu.memory_space<vmem_shared>>
        tpu.enqueue_dma source(%dma_start3A_319 : memref<640x64xf32, #tpu.memory_space<vmem_shared>>) target(%dma_start3A_317 : memref<640x64xf32, #tpu.memory_space<hbm>>) target_semaphore(%run_scoped3A : memref<!tpu.dma_semaphore, #tpu.memory_space<semaphore_mem>>)
        %dma_wait3A_320 = arith.constant 64 : i32
        %dma_wait3A_321 = tpu.memref_slice %arg9[%mul3A_315, %dma_wait3A_320] : memref<10240x128xf32, #tpu.memory_space<hbm>> -> memref<640x64xf32, #tpu.memory_space<hbm>>
        %dma_wait3A_322 = arith.constant 0 : i32
        %dma_wait3A_323 = tpu.memref_slice %arg14[%mul3A_313, %dma_wait3A_322] : memref<10240x64xf32, #tpu.memory_space<vmem_shared>> -> memref<640x64xf32, #tpu.memory_space<vmem_shared>>
        tpu.wait_dma2 semaphore(%run_scoped3A : memref<!tpu.dma_semaphore, #tpu.memory_space<semaphore_mem>>) src(%dma_wait3A_323 : memref<640x64xf32, #tpu.memory_space<vmem_shared>>) dst(%dma_wait3A_321 : memref<640x64xf32, #tpu.memory_space<hbm>>)
        tpu.yield
      }) : () -> ()
    } else {
    }
    %mul3A_306 = arith.constant 10240 : i32
    %mul3A_307 = arith.muli %arg0, %mul3A_306 : i32
    %mul3A_308 = arith.constant 640 : i32
    %mul3A_309 = arith.muli %arg1, %mul3A_308 : i32
    %add3A = arith.addi %mul3A_307, %mul3A_309 : i32
    %mul3A_310 = arith.constant 640 : i32
    %mul3A_311 = arith.muli %arg1, %mul3A_310 : i32
    "tpu.region"() ({
      %run_scoped3A = tpu.sem_alloc : memref<!tpu.dma_semaphore, #tpu.memory_space<semaphore_mem>>
      %dma_start3A_312 = arith.constant 0 : i32
      %dma_start3A_313 = tpu.memref_slice %arg10[%add3A, %dma_start3A_312] : memref<20480x16xf32, #tpu.memory_space<hbm>> -> memref<640x16xf32, #tpu.memory_space<hbm>>
      %dma_start3A_314 = arith.constant 0 : i32
      %dma_start3A_315 = tpu.memref_slice %arg24[%mul3A_311, %dma_start3A_314] : memref<10240x16xf32, #tpu.memory_space<vmem_shared>> -> memref<640x16xf32, #tpu.memory_space<vmem_shared>>
      tpu.enqueue_dma source(%dma_start3A_315 : memref<640x16xf32, #tpu.memory_space<vmem_shared>>) target(%dma_start3A_313 : memref<640x16xf32, #tpu.memory_space<hbm>>) target_semaphore(%run_scoped3A : memref<!tpu.dma_semaphore, #tpu.memory_space<semaphore_mem>>)
      %dma_wait3A_316 = arith.constant 0 : i32
      %dma_wait3A_317 = tpu.memref_slice %arg10[%add3A, %dma_wait3A_316] : memref<20480x16xf32, #tpu.memory_space<hbm>> -> memref<640x16xf32, #tpu.memory_space<hbm>>
      %dma_wait3A_318 = arith.constant 0 : i32
      %dma_wait3A_319 = tpu.memref_slice %arg24[%mul3A_311, %dma_wait3A_318] : memref<10240x16xf32, #tpu.memory_space<vmem_shared>> -> memref<640x16xf32, #tpu.memory_space<vmem_shared>>
      tpu.wait_dma2 semaphore(%run_scoped3A : memref<!tpu.dma_semaphore, #tpu.memory_space<semaphore_mem>>) src(%dma_wait3A_319 : memref<640x16xf32, #tpu.memory_space<vmem_shared>>) dst(%dma_wait3A_317 : memref<640x16xf32, #tpu.memory_space<hbm>>)
      tpu.yield
    }) : () -> ()
    return
  }
}

#map = affine_map<(d0, d1) -> (0, 0)>
#map1 = affine_map<(d0, d1) -> (0, 0, 0)>
module attributes {stable_mosaic.version = 14 : i64} {
  func.func @body(%arg0: i32, %arg1: i32, %arg2: memref<20000x64xf32, #tpu.memory_space<hbm>>, %arg3: memref<16x157x128xi32, #tpu.memory_space<hbm>>, %arg4: memref<16x157x128xi32, #tpu.memory_space<hbm>>, %arg5: memref<16x157x128xi32, #tpu.memory_space<hbm>>, %arg6: memref<64x64xf32, #tpu.memory_space<hbm>>, %arg7: memref<640x16xf32, #tpu.memory_space<hbm>>, %arg8: memref<128x16xf32, #tpu.memory_space<hbm>>, %arg9: memref<10240x128xf32, #tpu.memory_space<hbm>>, %arg10: memref<157x128xi32, #tpu.memory_space<vmem>>, %arg11: memref<157x128xi32, #tpu.memory_space<vmem>>, %arg12: memref<6x128x64xf32, #tpu.memory_space<vmem>>, %arg13: memref<10240x64xf32, #tpu.memory_space<vmem_shared>>, %arg14: memref<!tpu.dma_semaphore, #tpu.memory_space<semaphore_mem>>, %arg15: memref<!tpu.dma_semaphore, #tpu.memory_space<semaphore_mem>>, %arg16: memref<!tpu.dma_semaphore, #tpu.memory_space<semaphore_mem>>, %arg17: memref<!tpu.dma_semaphore, #tpu.memory_space<semaphore_mem>>, %arg18: memref<!tpu.dma_semaphore, #tpu.memory_space<semaphore_mem>>, %arg19: memref<!tpu.dma_semaphore, #tpu.memory_space<semaphore_mem>>, %arg20: memref<!tpu.dma_semaphore, #tpu.memory_space<semaphore_mem>>, %arg21: memref<!tpu.dma_semaphore, #tpu.memory_space<semaphore_mem>>, %arg22: memref<!tpu.dma_semaphore, #tpu.memory_space<semaphore_mem>>, %arg23: memref<!tpu.dma_semaphore, #tpu.memory_space<semaphore_mem>>, %arg24: memref<!tpu.dma_semaphore, #tpu.memory_space<semaphore_mem>>, %arg25: memref<!tpu.dma_semaphore, #tpu.memory_space<semaphore_mem>>) attributes {dimension_semantics = [#tpu.dimension_semantics<core_parallel>, #tpu.dimension_semantics<subcore_parallel>], iteration_bounds = array<i64: 2, 16>, scalar_prefetch = 0 : i64, scratch_operands = 16 : i64, tpu.core_type = #tpu.core_type<sc_vector_subcore>, window_params = [{transform_indices = #map}, {transform_indices = #map1}, {transform_indices = #map1}, {transform_indices = #map1}, {transform_indices = #map}, {transform_indices = #map}, {transform_indices = #map}, {transform_indices = #map}]} {
    %scan3A = arith.constant 0 : i32
    %scan3A_0 = arith.constant 0 : i32
    %scan3A_1 = arith.constant 10 : i32
    %scan3A_2 = arith.addi %scan3A_0, %scan3A_1 : i32
    %scan3A_3 = arith.constant 1 : i32
    scf.for %scan3A_363 = %scan3A_0 to %scan3A_2 step %scan3A_3  : i32 {
      %mul3A = arith.constant 640 : i32
      %mul3A_364 = arith.muli %arg1, %mul3A : i32
      %mul3A_365 = arith.constant 64 : i32
      %mul3A_366 = arith.muli %scan3A_363, %mul3A_365 : i32
      %add3A = arith.addi %mul3A_364, %mul3A_366 : i32
      "tpu.region"() ({
        %run_scoped3A = tpu.sem_alloc : memref<!tpu.dma_semaphore, #tpu.memory_space<semaphore_mem>>
        %dma_start3A_367 = arith.constant 0 : i32
        %dma_start3A_368 = tpu.memref_slice %arg13[%add3A, %dma_start3A_367] : memref<10240x64xf32, #tpu.memory_space<vmem_shared>> -> memref<64x64xf32, #tpu.memory_space<vmem_shared>>
        tpu.enqueue_dma source(%arg6 : memref<64x64xf32, #tpu.memory_space<hbm>>) target(%dma_start3A_368 : memref<64x64xf32, #tpu.memory_space<vmem_shared>>) target_semaphore(%run_scoped3A : memref<!tpu.dma_semaphore, #tpu.memory_space<semaphore_mem>>)
        %dma_wait3A_369 = arith.constant 0 : i32
        %dma_wait3A_370 = tpu.memref_slice %arg13[%add3A, %dma_wait3A_369] : memref<10240x64xf32, #tpu.memory_space<vmem_shared>> -> memref<64x64xf32, #tpu.memory_space<vmem_shared>>
        tpu.wait_dma2 semaphore(%run_scoped3A : memref<!tpu.dma_semaphore, #tpu.memory_space<semaphore_mem>>) src(%arg6 : memref<64x64xf32, #tpu.memory_space<hbm>>) dst(%dma_wait3A_370 : memref<64x64xf32, #tpu.memory_space<vmem_shared>>)
        tpu.yield
      }) : () -> ()
    }
    %scan3A_4 = arith.constant 10 : i32
    %barrier3A = arith.constant 0 : index
    tpu.barrier barrier_id(%barrier3A)
    %eq3A = arith.constant 0 : i32
    %eq3A_5 = arith.cmpi eq, %arg0, %eq3A : i32
    %convert_element_type3A = arith.extui %eq3A_5 : i1 to i32
    %cond3A = arith.constant 0 : i32
    %cond3A_6 = arith.cmpi ne, %convert_element_type3A, %cond3A : i32
    scf.if %cond3A_6 {
      "tpu.region"() ({
        %run_scoped3A = tpu.sem_alloc : memref<!tpu.dma_semaphore, #tpu.memory_space<semaphore_mem>>
        %dma_start3A_363 = arith.constant 0 : i32
        %dma_start3A_364 = arith.constant 0 : i32
        %dma_start3A_365 = tpu.memref_slice %arg3[%arg1, %dma_start3A_363, %dma_start3A_364] : memref<16x157x128xi32, #tpu.memory_space<hbm>> -> memref<1x157x128xi32, #tpu.memory_space<hbm>>
        %dma_start3A_366 = tpu.memref_squeeze %dma_start3A_365 : memref<1x157x128xi32, #tpu.memory_space<hbm>> -> memref<157x128xi32, #tpu.memory_space<hbm>>
        %dma_start3A_367 = arith.constant 0 : i32
        %dma_start3A_368 = arith.constant 0 : i32
        %dma_start3A_369 = tpu.memref_slice %arg3[%arg1, %dma_start3A_367, %dma_start3A_368] : memref<16x157x128xi32, #tpu.memory_space<hbm>> -> memref<1x157x128xi32, #tpu.memory_space<hbm>>
        %dma_start3A_370 = tpu.memref_squeeze %dma_start3A_369 : memref<1x157x128xi32, #tpu.memory_space<hbm>> -> memref<157x128xi32, #tpu.memory_space<hbm>>
        tpu.enqueue_dma source(%dma_start3A_370 : memref<157x128xi32, #tpu.memory_space<hbm>>) target(%arg10 : memref<157x128xi32, #tpu.memory_space<vmem>>) target_semaphore(%run_scoped3A : memref<!tpu.dma_semaphore, #tpu.memory_space<semaphore_mem>>)
        %dma_wait3A_371 = arith.constant 0 : i32
        %dma_wait3A_372 = arith.constant 0 : i32
        %dma_wait3A_373 = tpu.memref_slice %arg3[%arg1, %dma_wait3A_371, %dma_wait3A_372] : memref<16x157x128xi32, #tpu.memory_space<hbm>> -> memref<1x157x128xi32, #tpu.memory_space<hbm>>
        %dma_wait3A_374 = tpu.memref_squeeze %dma_wait3A_373 : memref<1x157x128xi32, #tpu.memory_space<hbm>> -> memref<157x128xi32, #tpu.memory_space<hbm>>
        %dma_wait3A_375 = arith.constant 0 : i32
        %dma_wait3A_376 = arith.constant 0 : i32
        %dma_wait3A_377 = tpu.memref_slice %arg3[%arg1, %dma_wait3A_375, %dma_wait3A_376] : memref<16x157x128xi32, #tpu.memory_space<hbm>> -> memref<1x157x128xi32, #tpu.memory_space<hbm>>
        %dma_wait3A_378 = tpu.memref_squeeze %dma_wait3A_377 : memref<1x157x128xi32, #tpu.memory_space<hbm>> -> memref<157x128xi32, #tpu.memory_space<hbm>>
        tpu.wait_dma2 semaphore(%run_scoped3A : memref<!tpu.dma_semaphore, #tpu.memory_space<semaphore_mem>>) src(%dma_wait3A_378 : memref<157x128xi32, #tpu.memory_space<hbm>>) dst(%arg10 : memref<157x128xi32, #tpu.memory_space<vmem>>)
        tpu.yield
      }) : () -> ()
    } else {
    }
    %eq3A_7 = arith.constant 1 : i32
    %eq3A_8 = arith.cmpi eq, %arg0, %eq3A_7 : i32
    %convert_element_type3A_9 = arith.extui %eq3A_8 : i1 to i32
    %cond3A_10 = arith.constant 0 : i32
    %cond3A_11 = arith.cmpi ne, %convert_element_type3A_9, %cond3A_10 : i32
    scf.if %cond3A_11 {
      "tpu.region"() ({
        %run_scoped3A = tpu.sem_alloc : memref<!tpu.dma_semaphore, #tpu.memory_space<semaphore_mem>>
        %dma_start3A_363 = arith.constant 0 : i32
        %dma_start3A_364 = arith.constant 0 : i32
        %dma_start3A_365 = tpu.memref_slice %arg4[%arg1, %dma_start3A_363, %dma_start3A_364] : memref<16x157x128xi32, #tpu.memory_space<hbm>> -> memref<1x157x128xi32, #tpu.memory_space<hbm>>
        %dma_start3A_366 = tpu.memref_squeeze %dma_start3A_365 : memref<1x157x128xi32, #tpu.memory_space<hbm>> -> memref<157x128xi32, #tpu.memory_space<hbm>>
        %dma_start3A_367 = arith.constant 0 : i32
        %dma_start3A_368 = arith.constant 0 : i32
        %dma_start3A_369 = tpu.memref_slice %arg4[%arg1, %dma_start3A_367, %dma_start3A_368] : memref<16x157x128xi32, #tpu.memory_space<hbm>> -> memref<1x157x128xi32, #tpu.memory_space<hbm>>
        %dma_start3A_370 = tpu.memref_squeeze %dma_start3A_369 : memref<1x157x128xi32, #tpu.memory_space<hbm>> -> memref<157x128xi32, #tpu.memory_space<hbm>>
        tpu.enqueue_dma source(%dma_start3A_370 : memref<157x128xi32, #tpu.memory_space<hbm>>) target(%arg10 : memref<157x128xi32, #tpu.memory_space<vmem>>) target_semaphore(%run_scoped3A : memref<!tpu.dma_semaphore, #tpu.memory_space<semaphore_mem>>)
        %dma_wait3A_371 = arith.constant 0 : i32
        %dma_wait3A_372 = arith.constant 0 : i32
        %dma_wait3A_373 = tpu.memref_slice %arg4[%arg1, %dma_wait3A_371, %dma_wait3A_372] : memref<16x157x128xi32, #tpu.memory_space<hbm>> -> memref<1x157x128xi32, #tpu.memory_space<hbm>>
        %dma_wait3A_374 = tpu.memref_squeeze %dma_wait3A_373 : memref<1x157x128xi32, #tpu.memory_space<hbm>> -> memref<157x128xi32, #tpu.memory_space<hbm>>
        %dma_wait3A_375 = arith.constant 0 : i32
        %dma_wait3A_376 = arith.constant 0 : i32
        %dma_wait3A_377 = tpu.memref_slice %arg4[%arg1, %dma_wait3A_375, %dma_wait3A_376] : memref<16x157x128xi32, #tpu.memory_space<hbm>> -> memref<1x157x128xi32, #tpu.memory_space<hbm>>
        %dma_wait3A_378 = tpu.memref_squeeze %dma_wait3A_377 : memref<1x157x128xi32, #tpu.memory_space<hbm>> -> memref<157x128xi32, #tpu.memory_space<hbm>>
        tpu.wait_dma2 semaphore(%run_scoped3A : memref<!tpu.dma_semaphore, #tpu.memory_space<semaphore_mem>>) src(%dma_wait3A_378 : memref<157x128xi32, #tpu.memory_space<hbm>>) dst(%arg10 : memref<157x128xi32, #tpu.memory_space<vmem>>)
        tpu.yield
      }) : () -> ()
    } else {
    }
    "tpu.region"() ({
      %run_scoped3A = tpu.sem_alloc : memref<!tpu.dma_semaphore, #tpu.memory_space<semaphore_mem>>
      %dma_start3A_363 = arith.constant 0 : i32
      %dma_start3A_364 = arith.constant 0 : i32
      %dma_start3A_365 = tpu.memref_slice %arg5[%arg1, %dma_start3A_363, %dma_start3A_364] : memref<16x157x128xi32, #tpu.memory_space<hbm>> -> memref<1x157x128xi32, #tpu.memory_space<hbm>>
      %dma_start3A_366 = tpu.memref_squeeze %dma_start3A_365 : memref<1x157x128xi32, #tpu.memory_space<hbm>> -> memref<157x128xi32, #tpu.memory_space<hbm>>
      %dma_start3A_367 = arith.constant 0 : i32
      %dma_start3A_368 = arith.constant 0 : i32
      %dma_start3A_369 = tpu.memref_slice %arg5[%arg1, %dma_start3A_367, %dma_start3A_368] : memref<16x157x128xi32, #tpu.memory_space<hbm>> -> memref<1x157x128xi32, #tpu.memory_space<hbm>>
      %dma_start3A_370 = tpu.memref_squeeze %dma_start3A_369 : memref<1x157x128xi32, #tpu.memory_space<hbm>> -> memref<157x128xi32, #tpu.memory_space<hbm>>
      tpu.enqueue_dma source(%dma_start3A_370 : memref<157x128xi32, #tpu.memory_space<hbm>>) target(%arg11 : memref<157x128xi32, #tpu.memory_space<vmem>>) target_semaphore(%run_scoped3A : memref<!tpu.dma_semaphore, #tpu.memory_space<semaphore_mem>>)
      %dma_wait3A_371 = arith.constant 0 : i32
      %dma_wait3A_372 = arith.constant 0 : i32
      %dma_wait3A_373 = tpu.memref_slice %arg5[%arg1, %dma_wait3A_371, %dma_wait3A_372] : memref<16x157x128xi32, #tpu.memory_space<hbm>> -> memref<1x157x128xi32, #tpu.memory_space<hbm>>
      %dma_wait3A_374 = tpu.memref_squeeze %dma_wait3A_373 : memref<1x157x128xi32, #tpu.memory_space<hbm>> -> memref<157x128xi32, #tpu.memory_space<hbm>>
      %dma_wait3A_375 = arith.constant 0 : i32
      %dma_wait3A_376 = arith.constant 0 : i32
      %dma_wait3A_377 = tpu.memref_slice %arg5[%arg1, %dma_wait3A_375, %dma_wait3A_376] : memref<16x157x128xi32, #tpu.memory_space<hbm>> -> memref<1x157x128xi32, #tpu.memory_space<hbm>>
      %dma_wait3A_378 = tpu.memref_squeeze %dma_wait3A_377 : memref<1x157x128xi32, #tpu.memory_space<hbm>> -> memref<157x128xi32, #tpu.memory_space<hbm>>
      tpu.wait_dma2 semaphore(%run_scoped3A : memref<!tpu.dma_semaphore, #tpu.memory_space<semaphore_mem>>) src(%dma_wait3A_378 : memref<157x128xi32, #tpu.memory_space<hbm>>) dst(%arg11 : memref<157x128xi32, #tpu.memory_space<vmem>>)
      tpu.yield
    }) : () -> ()
    %dma_start3A = arith.constant 0 : i32
    %dma_start3A_12 = arith.constant 0 : i32
    %dma_start3A_13 = arith.constant 0 : i32
    %dma_start3A_14 = arith.constant 0 : i32
    %dma_start3A_15 = tpu.memref_slice %arg12[%dma_start3A_12, %dma_start3A_13, %dma_start3A_14] : memref<6x128x64xf32, #tpu.memory_space<vmem>> -> memref<1x128x64xf32, #tpu.memory_space<vmem>>
    %dma_start3A_16 = tpu.memref_squeeze %dma_start3A_15 : memref<1x128x64xf32, #tpu.memory_space<vmem>> -> memref<128x64xf32, #tpu.memory_space<vmem>>
    %dma_start3A_17 = arith.constant 0 : i32
    %dma_start3A_18 = tpu.memref_slice %arg10[%dma_start3A, %dma_start3A_17] : memref<157x128xi32, #tpu.memory_space<vmem>> -> memref<1x128xi32, #tpu.memory_space<vmem>>
    %dma_start3A_19 = tpu.memref_squeeze %dma_start3A_18 : memref<1x128xi32, #tpu.memory_space<vmem>> -> memref<128xi32, #tpu.memory_space<vmem>>
    %dma_start3A_20 = arith.constant 0 : i32
    %dma_start3A_21 = arith.constant 0 : i32
    %dma_start3A_22 = tpu.memref_slice %arg2[%dma_start3A_20, %dma_start3A_21] : memref<20000x64xf32, #tpu.memory_space<hbm>> -> memref<20000x64xf32, #tpu.memory_space<hbm>>
    tpu.enqueue_indirect_dma source(%dma_start3A_22 : memref<20000x64xf32, #tpu.memory_space<hbm>>) target(%dma_start3A_16 : memref<128x64xf32, #tpu.memory_space<vmem>>) offsets(%dma_start3A_19 : memref<128xi32, #tpu.memory_space<vmem>>) semaphore(%arg14 : memref<!tpu.dma_semaphore, #tpu.memory_space<semaphore_mem>>)
    %dma_start3A_23 = arith.constant 1 : i32
    %dma_start3A_24 = arith.constant 1 : i32
    %dma_start3A_25 = arith.constant 0 : i32
    %dma_start3A_26 = arith.constant 0 : i32
    %dma_start3A_27 = tpu.memref_slice %arg12[%dma_start3A_24, %dma_start3A_25, %dma_start3A_26] : memref<6x128x64xf32, #tpu.memory_space<vmem>> -> memref<1x128x64xf32, #tpu.memory_space<vmem>>
    %dma_start3A_28 = tpu.memref_squeeze %dma_start3A_27 : memref<1x128x64xf32, #tpu.memory_space<vmem>> -> memref<128x64xf32, #tpu.memory_space<vmem>>
    %dma_start3A_29 = arith.constant 0 : i32
    %dma_start3A_30 = tpu.memref_slice %arg10[%dma_start3A_23, %dma_start3A_29] : memref<157x128xi32, #tpu.memory_space<vmem>> -> memref<1x128xi32, #tpu.memory_space<vmem>>
    %dma_start3A_31 = tpu.memref_squeeze %dma_start3A_30 : memref<1x128xi32, #tpu.memory_space<vmem>> -> memref<128xi32, #tpu.memory_space<vmem>>
    %dma_start3A_32 = arith.constant 0 : i32
    %dma_start3A_33 = arith.constant 0 : i32
    %dma_start3A_34 = tpu.memref_slice %arg2[%dma_start3A_32, %dma_start3A_33] : memref<20000x64xf32, #tpu.memory_space<hbm>> -> memref<20000x64xf32, #tpu.memory_space<hbm>>
    tpu.enqueue_indirect_dma source(%dma_start3A_34 : memref<20000x64xf32, #tpu.memory_space<hbm>>) target(%dma_start3A_28 : memref<128x64xf32, #tpu.memory_space<vmem>>) offsets(%dma_start3A_31 : memref<128xi32, #tpu.memory_space<vmem>>) semaphore(%arg15 : memref<!tpu.dma_semaphore, #tpu.memory_space<semaphore_mem>>)
    %dma_start3A_35 = arith.constant 2 : i32
    %dma_start3A_36 = arith.constant 2 : i32
    %dma_start3A_37 = arith.constant 0 : i32
    %dma_start3A_38 = arith.constant 0 : i32
    %dma_start3A_39 = tpu.memref_slice %arg12[%dma_start3A_36, %dma_start3A_37, %dma_start3A_38] : memref<6x128x64xf32, #tpu.memory_space<vmem>> -> memref<1x128x64xf32, #tpu.memory_space<vmem>>
    %dma_start3A_40 = tpu.memref_squeeze %dma_start3A_39 : memref<1x128x64xf32, #tpu.memory_space<vmem>> -> memref<128x64xf32, #tpu.memory_space<vmem>>
    %dma_start3A_41 = arith.constant 0 : i32
    %dma_start3A_42 = tpu.memref_slice %arg10[%dma_start3A_35, %dma_start3A_41] : memref<157x128xi32, #tpu.memory_space<vmem>> -> memref<1x128xi32, #tpu.memory_space<vmem>>
    %dma_start3A_43 = tpu.memref_squeeze %dma_start3A_42 : memref<1x128xi32, #tpu.memory_space<vmem>> -> memref<128xi32, #tpu.memory_space<vmem>>
    %dma_start3A_44 = arith.constant 0 : i32
    %dma_start3A_45 = arith.constant 0 : i32
    %dma_start3A_46 = tpu.memref_slice %arg2[%dma_start3A_44, %dma_start3A_45] : memref<20000x64xf32, #tpu.memory_space<hbm>> -> memref<20000x64xf32, #tpu.memory_space<hbm>>
    tpu.enqueue_indirect_dma source(%dma_start3A_46 : memref<20000x64xf32, #tpu.memory_space<hbm>>) target(%dma_start3A_40 : memref<128x64xf32, #tpu.memory_space<vmem>>) offsets(%dma_start3A_43 : memref<128xi32, #tpu.memory_space<vmem>>) semaphore(%arg16 : memref<!tpu.dma_semaphore, #tpu.memory_space<semaphore_mem>>)
    %dma_wait3A = arith.constant 0 : i32
    %dma_wait3A_47 = arith.constant 0 : i32
    %dma_wait3A_48 = arith.constant 0 : i32
    %dma_wait3A_49 = arith.constant 0 : i32
    %dma_wait3A_50 = tpu.memref_slice %arg12[%dma_wait3A_47, %dma_wait3A_48, %dma_wait3A_49] : memref<6x128x64xf32, #tpu.memory_space<vmem>> -> memref<1x128x64xf32, #tpu.memory_space<vmem>>
    %dma_wait3A_51 = tpu.memref_squeeze %dma_wait3A_50 : memref<1x128x64xf32, #tpu.memory_space<vmem>> -> memref<128x64xf32, #tpu.memory_space<vmem>>
    %dma_wait3A_52 = arith.constant 0 : i32
    %dma_wait3A_53 = tpu.memref_slice %arg10[%dma_wait3A, %dma_wait3A_52] : memref<157x128xi32, #tpu.memory_space<vmem>> -> memref<1x128xi32, #tpu.memory_space<vmem>>
    %dma_wait3A_54 = tpu.memref_squeeze %dma_wait3A_53 : memref<1x128xi32, #tpu.memory_space<vmem>> -> memref<128xi32, #tpu.memory_space<vmem>>
    %dma_wait3A_55 = arith.constant 0 : i32
    %dma_wait3A_56 = arith.constant 0 : i32
    %dma_wait3A_57 = tpu.memref_slice %arg2[%dma_wait3A_55, %dma_wait3A_56] : memref<20000x64xf32, #tpu.memory_space<hbm>> -> memref<20000x64xf32, #tpu.memory_space<hbm>>
    tpu.wait_indirect_dma semaphore(%arg14 : memref<!tpu.dma_semaphore, #tpu.memory_space<semaphore_mem>>) src(%dma_wait3A_57 : memref<20000x64xf32, #tpu.memory_space<hbm>>) dst(%dma_wait3A_51 : memref<128x64xf32, #tpu.memory_space<vmem>>)
    %dma_start3A_58 = arith.constant 0 : i32
    %dma_start3A_59 = arith.constant 0 : i32
    %dma_start3A_60 = arith.constant 0 : i32
    %dma_start3A_61 = arith.constant 0 : i32
    %dma_start3A_62 = tpu.memref_slice %arg12[%dma_start3A_58, %dma_start3A_60, %dma_start3A_61] : memref<6x128x64xf32, #tpu.memory_space<vmem>> -> memref<1x128x64xf32, #tpu.memory_space<vmem>>
    %dma_start3A_63 = tpu.memref_squeeze %dma_start3A_62 : memref<1x128x64xf32, #tpu.memory_space<vmem>> -> memref<128x64xf32, #tpu.memory_space<vmem>>
    %dma_start3A_64 = arith.constant 0 : i32
    %dma_start3A_65 = tpu.memref_slice %arg11[%dma_start3A_59, %dma_start3A_64] : memref<157x128xi32, #tpu.memory_space<vmem>> -> memref<1x128xi32, #tpu.memory_space<vmem>>
    %dma_start3A_66 = tpu.memref_squeeze %dma_start3A_65 : memref<1x128xi32, #tpu.memory_space<vmem>> -> memref<128xi32, #tpu.memory_space<vmem>>
    %dma_start3A_67 = arith.constant 0 : i32
    %dma_start3A_68 = arith.constant 0 : i32
    %dma_start3A_69 = tpu.memref_slice %arg13[%dma_start3A_67, %dma_start3A_68] : memref<10240x64xf32, #tpu.memory_space<vmem_shared>> -> memref<10240x64xf32, #tpu.memory_space<vmem_shared>>
    tpu.enqueue_indirect_dma source(%dma_start3A_63 : memref<128x64xf32, #tpu.memory_space<vmem>>) target(%dma_start3A_69 : memref<10240x64xf32, #tpu.memory_space<vmem_shared>>) offsets(%dma_start3A_66 : memref<128xi32, #tpu.memory_space<vmem>>) semaphore(%arg20 : memref<!tpu.dma_semaphore, #tpu.memory_space<semaphore_mem>>) {add = true}
    %dma_start3A_70 = arith.constant 3 : i32
    %dma_start3A_71 = arith.constant 3 : i32
    %dma_start3A_72 = arith.constant 0 : i32
    %dma_start3A_73 = arith.constant 0 : i32
    %dma_start3A_74 = tpu.memref_slice %arg12[%dma_start3A_71, %dma_start3A_72, %dma_start3A_73] : memref<6x128x64xf32, #tpu.memory_space<vmem>> -> memref<1x128x64xf32, #tpu.memory_space<vmem>>
    %dma_start3A_75 = tpu.memref_squeeze %dma_start3A_74 : memref<1x128x64xf32, #tpu.memory_space<vmem>> -> memref<128x64xf32, #tpu.memory_space<vmem>>
    %dma_start3A_76 = arith.constant 0 : i32
    %dma_start3A_77 = tpu.memref_slice %arg10[%dma_start3A_70, %dma_start3A_76] : memref<157x128xi32, #tpu.memory_space<vmem>> -> memref<1x128xi32, #tpu.memory_space<vmem>>
    %dma_start3A_78 = tpu.memref_squeeze %dma_start3A_77 : memref<1x128xi32, #tpu.memory_space<vmem>> -> memref<128xi32, #tpu.memory_space<vmem>>
    %dma_start3A_79 = arith.constant 0 : i32
    %dma_start3A_80 = arith.constant 0 : i32
    %dma_start3A_81 = tpu.memref_slice %arg2[%dma_start3A_79, %dma_start3A_80] : memref<20000x64xf32, #tpu.memory_space<hbm>> -> memref<20000x64xf32, #tpu.memory_space<hbm>>
    tpu.enqueue_indirect_dma source(%dma_start3A_81 : memref<20000x64xf32, #tpu.memory_space<hbm>>) target(%dma_start3A_75 : memref<128x64xf32, #tpu.memory_space<vmem>>) offsets(%dma_start3A_78 : memref<128xi32, #tpu.memory_space<vmem>>) semaphore(%arg17 : memref<!tpu.dma_semaphore, #tpu.memory_space<semaphore_mem>>)
    %dma_wait3A_82 = arith.constant 1 : i32
    %dma_wait3A_83 = arith.constant 1 : i32
    %dma_wait3A_84 = arith.constant 0 : i32
    %dma_wait3A_85 = arith.constant 0 : i32
    %dma_wait3A_86 = tpu.memref_slice %arg12[%dma_wait3A_83, %dma_wait3A_84, %dma_wait3A_85] : memref<6x128x64xf32, #tpu.memory_space<vmem>> -> memref<1x128x64xf32, #tpu.memory_space<vmem>>
    %dma_wait3A_87 = tpu.memref_squeeze %dma_wait3A_86 : memref<1x128x64xf32, #tpu.memory_space<vmem>> -> memref<128x64xf32, #tpu.memory_space<vmem>>
    %dma_wait3A_88 = arith.constant 0 : i32
    %dma_wait3A_89 = tpu.memref_slice %arg10[%dma_wait3A_82, %dma_wait3A_88] : memref<157x128xi32, #tpu.memory_space<vmem>> -> memref<1x128xi32, #tpu.memory_space<vmem>>
    %dma_wait3A_90 = tpu.memref_squeeze %dma_wait3A_89 : memref<1x128xi32, #tpu.memory_space<vmem>> -> memref<128xi32, #tpu.memory_space<vmem>>
    %dma_wait3A_91 = arith.constant 0 : i32
    %dma_wait3A_92 = arith.constant 0 : i32
    %dma_wait3A_93 = tpu.memref_slice %arg2[%dma_wait3A_91, %dma_wait3A_92] : memref<20000x64xf32, #tpu.memory_space<hbm>> -> memref<20000x64xf32, #tpu.memory_space<hbm>>
    tpu.wait_indirect_dma semaphore(%arg15 : memref<!tpu.dma_semaphore, #tpu.memory_space<semaphore_mem>>) src(%dma_wait3A_93 : memref<20000x64xf32, #tpu.memory_space<hbm>>) dst(%dma_wait3A_87 : memref<128x64xf32, #tpu.memory_space<vmem>>)
    %dma_start3A_94 = arith.constant 1 : i32
    %dma_start3A_95 = arith.constant 1 : i32
    %dma_start3A_96 = arith.constant 0 : i32
    %dma_start3A_97 = arith.constant 0 : i32
    %dma_start3A_98 = tpu.memref_slice %arg12[%dma_start3A_94, %dma_start3A_96, %dma_start3A_97] : memref<6x128x64xf32, #tpu.memory_space<vmem>> -> memref<1x128x64xf32, #tpu.memory_space<vmem>>
    %dma_start3A_99 = tpu.memref_squeeze %dma_start3A_98 : memref<1x128x64xf32, #tpu.memory_space<vmem>> -> memref<128x64xf32, #tpu.memory_space<vmem>>
    %dma_start3A_100 = arith.constant 0 : i32
    %dma_start3A_101 = tpu.memref_slice %arg11[%dma_start3A_95, %dma_start3A_100] : memref<157x128xi32, #tpu.memory_space<vmem>> -> memref<1x128xi32, #tpu.memory_space<vmem>>
    %dma_start3A_102 = tpu.memref_squeeze %dma_start3A_101 : memref<1x128xi32, #tpu.memory_space<vmem>> -> memref<128xi32, #tpu.memory_space<vmem>>
    %dma_start3A_103 = arith.constant 0 : i32
    %dma_start3A_104 = arith.constant 0 : i32
    %dma_start3A_105 = tpu.memref_slice %arg13[%dma_start3A_103, %dma_start3A_104] : memref<10240x64xf32, #tpu.memory_space<vmem_shared>> -> memref<10240x64xf32, #tpu.memory_space<vmem_shared>>
    tpu.enqueue_indirect_dma source(%dma_start3A_99 : memref<128x64xf32, #tpu.memory_space<vmem>>) target(%dma_start3A_105 : memref<10240x64xf32, #tpu.memory_space<vmem_shared>>) offsets(%dma_start3A_102 : memref<128xi32, #tpu.memory_space<vmem>>) semaphore(%arg21 : memref<!tpu.dma_semaphore, #tpu.memory_space<semaphore_mem>>) {add = true}
    %dma_start3A_106 = arith.constant 4 : i32
    %dma_start3A_107 = arith.constant 4 : i32
    %dma_start3A_108 = arith.constant 0 : i32
    %dma_start3A_109 = arith.constant 0 : i32
    %dma_start3A_110 = tpu.memref_slice %arg12[%dma_start3A_107, %dma_start3A_108, %dma_start3A_109] : memref<6x128x64xf32, #tpu.memory_space<vmem>> -> memref<1x128x64xf32, #tpu.memory_space<vmem>>
    %dma_start3A_111 = tpu.memref_squeeze %dma_start3A_110 : memref<1x128x64xf32, #tpu.memory_space<vmem>> -> memref<128x64xf32, #tpu.memory_space<vmem>>
    %dma_start3A_112 = arith.constant 0 : i32
    %dma_start3A_113 = tpu.memref_slice %arg10[%dma_start3A_106, %dma_start3A_112] : memref<157x128xi32, #tpu.memory_space<vmem>> -> memref<1x128xi32, #tpu.memory_space<vmem>>
    %dma_start3A_114 = tpu.memref_squeeze %dma_start3A_113 : memref<1x128xi32, #tpu.memory_space<vmem>> -> memref<128xi32, #tpu.memory_space<vmem>>
    %dma_start3A_115 = arith.constant 0 : i32
    %dma_start3A_116 = arith.constant 0 : i32
    %dma_start3A_117 = tpu.memref_slice %arg2[%dma_start3A_115, %dma_start3A_116] : memref<20000x64xf32, #tpu.memory_space<hbm>> -> memref<20000x64xf32, #tpu.memory_space<hbm>>
    tpu.enqueue_indirect_dma source(%dma_start3A_117 : memref<20000x64xf32, #tpu.memory_space<hbm>>) target(%dma_start3A_111 : memref<128x64xf32, #tpu.memory_space<vmem>>) offsets(%dma_start3A_114 : memref<128xi32, #tpu.memory_space<vmem>>) semaphore(%arg18 : memref<!tpu.dma_semaphore, #tpu.memory_space<semaphore_mem>>)
    %dma_wait3A_118 = arith.constant 2 : i32
    %dma_wait3A_119 = arith.constant 2 : i32
    %dma_wait3A_120 = arith.constant 0 : i32
    %dma_wait3A_121 = arith.constant 0 : i32
    %dma_wait3A_122 = tpu.memref_slice %arg12[%dma_wait3A_119, %dma_wait3A_120, %dma_wait3A_121] : memref<6x128x64xf32, #tpu.memory_space<vmem>> -> memref<1x128x64xf32, #tpu.memory_space<vmem>>
    %dma_wait3A_123 = tpu.memref_squeeze %dma_wait3A_122 : memref<1x128x64xf32, #tpu.memory_space<vmem>> -> memref<128x64xf32, #tpu.memory_space<vmem>>
    %dma_wait3A_124 = arith.constant 0 : i32
    %dma_wait3A_125 = tpu.memref_slice %arg10[%dma_wait3A_118, %dma_wait3A_124] : memref<157x128xi32, #tpu.memory_space<vmem>> -> memref<1x128xi32, #tpu.memory_space<vmem>>
    %dma_wait3A_126 = tpu.memref_squeeze %dma_wait3A_125 : memref<1x128xi32, #tpu.memory_space<vmem>> -> memref<128xi32, #tpu.memory_space<vmem>>
    %dma_wait3A_127 = arith.constant 0 : i32
    %dma_wait3A_128 = arith.constant 0 : i32
    %dma_wait3A_129 = tpu.memref_slice %arg2[%dma_wait3A_127, %dma_wait3A_128] : memref<20000x64xf32, #tpu.memory_space<hbm>> -> memref<20000x64xf32, #tpu.memory_space<hbm>>
    tpu.wait_indirect_dma semaphore(%arg16 : memref<!tpu.dma_semaphore, #tpu.memory_space<semaphore_mem>>) src(%dma_wait3A_129 : memref<20000x64xf32, #tpu.memory_space<hbm>>) dst(%dma_wait3A_123 : memref<128x64xf32, #tpu.memory_space<vmem>>)
    %dma_start3A_130 = arith.constant 2 : i32
    %dma_start3A_131 = arith.constant 2 : i32
    %dma_start3A_132 = arith.constant 0 : i32
    %dma_start3A_133 = arith.constant 0 : i32
    %dma_start3A_134 = tpu.memref_slice %arg12[%dma_start3A_130, %dma_start3A_132, %dma_start3A_133] : memref<6x128x64xf32, #tpu.memory_space<vmem>> -> memref<1x128x64xf32, #tpu.memory_space<vmem>>
    %dma_start3A_135 = tpu.memref_squeeze %dma_start3A_134 : memref<1x128x64xf32, #tpu.memory_space<vmem>> -> memref<128x64xf32, #tpu.memory_space<vmem>>
    %dma_start3A_136 = arith.constant 0 : i32
    %dma_start3A_137 = tpu.memref_slice %arg11[%dma_start3A_131, %dma_start3A_136] : memref<157x128xi32, #tpu.memory_space<vmem>> -> memref<1x128xi32, #tpu.memory_space<vmem>>
    %dma_start3A_138 = tpu.memref_squeeze %dma_start3A_137 : memref<1x128xi32, #tpu.memory_space<vmem>> -> memref<128xi32, #tpu.memory_space<vmem>>
    %dma_start3A_139 = arith.constant 0 : i32
    %dma_start3A_140 = arith.constant 0 : i32
    %dma_start3A_141 = tpu.memref_slice %arg13[%dma_start3A_139, %dma_start3A_140] : memref<10240x64xf32, #tpu.memory_space<vmem_shared>> -> memref<10240x64xf32, #tpu.memory_space<vmem_shared>>
    tpu.enqueue_indirect_dma source(%dma_start3A_135 : memref<128x64xf32, #tpu.memory_space<vmem>>) target(%dma_start3A_141 : memref<10240x64xf32, #tpu.memory_space<vmem_shared>>) offsets(%dma_start3A_138 : memref<128xi32, #tpu.memory_space<vmem>>) semaphore(%arg22 : memref<!tpu.dma_semaphore, #tpu.memory_space<semaphore_mem>>) {add = true}
    %dma_start3A_142 = arith.constant 5 : i32
    %dma_start3A_143 = arith.constant 5 : i32
    %dma_start3A_144 = arith.constant 0 : i32
    %dma_start3A_145 = arith.constant 0 : i32
    %dma_start3A_146 = tpu.memref_slice %arg12[%dma_start3A_143, %dma_start3A_144, %dma_start3A_145] : memref<6x128x64xf32, #tpu.memory_space<vmem>> -> memref<1x128x64xf32, #tpu.memory_space<vmem>>
    %dma_start3A_147 = tpu.memref_squeeze %dma_start3A_146 : memref<1x128x64xf32, #tpu.memory_space<vmem>> -> memref<128x64xf32, #tpu.memory_space<vmem>>
    %dma_start3A_148 = arith.constant 0 : i32
    %dma_start3A_149 = tpu.memref_slice %arg10[%dma_start3A_142, %dma_start3A_148] : memref<157x128xi32, #tpu.memory_space<vmem>> -> memref<1x128xi32, #tpu.memory_space<vmem>>
    %dma_start3A_150 = tpu.memref_squeeze %dma_start3A_149 : memref<1x128xi32, #tpu.memory_space<vmem>> -> memref<128xi32, #tpu.memory_space<vmem>>
    %dma_start3A_151 = arith.constant 0 : i32
    %dma_start3A_152 = arith.constant 0 : i32
    %dma_start3A_153 = tpu.memref_slice %arg2[%dma_start3A_151, %dma_start3A_152] : memref<20000x64xf32, #tpu.memory_space<hbm>> -> memref<20000x64xf32, #tpu.memory_space<hbm>>
    tpu.enqueue_indirect_dma source(%dma_start3A_153 : memref<20000x64xf32, #tpu.memory_space<hbm>>) target(%dma_start3A_147 : memref<128x64xf32, #tpu.memory_space<vmem>>) offsets(%dma_start3A_150 : memref<128xi32, #tpu.memory_space<vmem>>) semaphore(%arg19 : memref<!tpu.dma_semaphore, #tpu.memory_space<semaphore_mem>>)
    %scan3A_154 = arith.constant 0 : i32
    %scan3A_155 = arith.constant 0 : i32
    %scan3A_156 = arith.constant 25 : i32
    %scan3A_157 = arith.addi %scan3A_155, %scan3A_156 : i32
    %scan3A_158 = arith.constant 1 : i32
    scf.for %scan3A_363 = %scan3A_155 to %scan3A_157 step %scan3A_158  : i32 {
      %mul3A = arith.constant 6 : i32
      %mul3A_364 = arith.muli %scan3A_363, %mul3A : i32
      %add3A = arith.constant 3 : i32
      %add3A_365 = arith.addi %add3A, %mul3A_364 : i32
      %add3A_366 = arith.constant 0 : i32
      %add3A_367 = arith.addi %add3A_365, %add3A_366 : i32
      %dma_wait3A_368 = arith.constant 3 : i32
      %dma_wait3A_369 = arith.constant 0 : i32
      %dma_wait3A_370 = arith.constant 0 : i32
      %dma_wait3A_371 = tpu.memref_slice %arg12[%dma_wait3A_368, %dma_wait3A_369, %dma_wait3A_370] : memref<6x128x64xf32, #tpu.memory_space<vmem>> -> memref<1x128x64xf32, #tpu.memory_space<vmem>>
      %dma_wait3A_372 = tpu.memref_squeeze %dma_wait3A_371 : memref<1x128x64xf32, #tpu.memory_space<vmem>> -> memref<128x64xf32, #tpu.memory_space<vmem>>
      %dma_wait3A_373 = arith.constant 0 : i32
      %dma_wait3A_374 = tpu.memref_slice %arg10[%add3A_367, %dma_wait3A_373] : memref<157x128xi32, #tpu.memory_space<vmem>> -> memref<1x128xi32, #tpu.memory_space<vmem>>
      %dma_wait3A_375 = tpu.memref_squeeze %dma_wait3A_374 : memref<1x128xi32, #tpu.memory_space<vmem>> -> memref<128xi32, #tpu.memory_space<vmem>>
      %dma_wait3A_376 = arith.constant 0 : i32
      %dma_wait3A_377 = arith.constant 0 : i32
      %dma_wait3A_378 = tpu.memref_slice %arg2[%dma_wait3A_376, %dma_wait3A_377] : memref<20000x64xf32, #tpu.memory_space<hbm>> -> memref<20000x64xf32, #tpu.memory_space<hbm>>
      tpu.wait_indirect_dma semaphore(%arg17 : memref<!tpu.dma_semaphore, #tpu.memory_space<semaphore_mem>>) src(%dma_wait3A_378 : memref<20000x64xf32, #tpu.memory_space<hbm>>) dst(%dma_wait3A_372 : memref<128x64xf32, #tpu.memory_space<vmem>>)
      %dma_start3A_379 = arith.constant 3 : i32
      %dma_start3A_380 = arith.constant 0 : i32
      %dma_start3A_381 = arith.constant 0 : i32
      %dma_start3A_382 = tpu.memref_slice %arg12[%dma_start3A_379, %dma_start3A_380, %dma_start3A_381] : memref<6x128x64xf32, #tpu.memory_space<vmem>> -> memref<1x128x64xf32, #tpu.memory_space<vmem>>
      %dma_start3A_383 = tpu.memref_squeeze %dma_start3A_382 : memref<1x128x64xf32, #tpu.memory_space<vmem>> -> memref<128x64xf32, #tpu.memory_space<vmem>>
      %dma_start3A_384 = arith.constant 0 : i32
      %dma_start3A_385 = tpu.memref_slice %arg11[%add3A_367, %dma_start3A_384] : memref<157x128xi32, #tpu.memory_space<vmem>> -> memref<1x128xi32, #tpu.memory_space<vmem>>
      %dma_start3A_386 = tpu.memref_squeeze %dma_start3A_385 : memref<1x128xi32, #tpu.memory_space<vmem>> -> memref<128xi32, #tpu.memory_space<vmem>>
      %dma_start3A_387 = arith.constant 0 : i32
      %dma_start3A_388 = arith.constant 0 : i32
      %dma_start3A_389 = tpu.memref_slice %arg13[%dma_start3A_387, %dma_start3A_388] : memref<10240x64xf32, #tpu.memory_space<vmem_shared>> -> memref<10240x64xf32, #tpu.memory_space<vmem_shared>>
      tpu.enqueue_indirect_dma source(%dma_start3A_383 : memref<128x64xf32, #tpu.memory_space<vmem>>) target(%dma_start3A_389 : memref<10240x64xf32, #tpu.memory_space<vmem_shared>>) offsets(%dma_start3A_386 : memref<128xi32, #tpu.memory_space<vmem>>) semaphore(%arg23 : memref<!tpu.dma_semaphore, #tpu.memory_space<semaphore_mem>>) {add = true}
      %sub3A = arith.constant 3 : i32
      %sub3A_390 = arith.subi %add3A_367, %sub3A : i32
      %dma_wait3A_391 = arith.constant 0 : i32
      %dma_wait3A_392 = arith.constant 0 : i32
      %dma_wait3A_393 = arith.constant 0 : i32
      %dma_wait3A_394 = tpu.memref_slice %arg12[%dma_wait3A_391, %dma_wait3A_392, %dma_wait3A_393] : memref<6x128x64xf32, #tpu.memory_space<vmem>> -> memref<1x128x64xf32, #tpu.memory_space<vmem>>
      %dma_wait3A_395 = tpu.memref_squeeze %dma_wait3A_394 : memref<1x128x64xf32, #tpu.memory_space<vmem>> -> memref<128x64xf32, #tpu.memory_space<vmem>>
      %dma_wait3A_396 = arith.constant 0 : i32
      %dma_wait3A_397 = tpu.memref_slice %arg11[%sub3A_390, %dma_wait3A_396] : memref<157x128xi32, #tpu.memory_space<vmem>> -> memref<1x128xi32, #tpu.memory_space<vmem>>
      %dma_wait3A_398 = tpu.memref_squeeze %dma_wait3A_397 : memref<1x128xi32, #tpu.memory_space<vmem>> -> memref<128xi32, #tpu.memory_space<vmem>>
      %dma_wait3A_399 = arith.constant 0 : i32
      %dma_wait3A_400 = arith.constant 0 : i32
      %dma_wait3A_401 = tpu.memref_slice %arg13[%dma_wait3A_399, %dma_wait3A_400] : memref<10240x64xf32, #tpu.memory_space<vmem_shared>> -> memref<10240x64xf32, #tpu.memory_space<vmem_shared>>
      tpu.wait_indirect_dma semaphore(%arg20 : memref<!tpu.dma_semaphore, #tpu.memory_space<semaphore_mem>>) src(%dma_wait3A_395 : memref<128x64xf32, #tpu.memory_space<vmem>>) dst(%dma_wait3A_401 : memref<10240x64xf32, #tpu.memory_space<vmem_shared>>)
      %add3A_402 = arith.constant 3 : i32
      %add3A_403 = arith.addi %add3A_367, %add3A_402 : i32
      %dma_start3A_404 = arith.constant 0 : i32
      %dma_start3A_405 = arith.constant 0 : i32
      %dma_start3A_406 = arith.constant 0 : i32
      %dma_start3A_407 = tpu.memref_slice %arg12[%dma_start3A_404, %dma_start3A_405, %dma_start3A_406] : memref<6x128x64xf32, #tpu.memory_space<vmem>> -> memref<1x128x64xf32, #tpu.memory_space<vmem>>
      %dma_start3A_408 = tpu.memref_squeeze %dma_start3A_407 : memref<1x128x64xf32, #tpu.memory_space<vmem>> -> memref<128x64xf32, #tpu.memory_space<vmem>>
      %dma_start3A_409 = arith.constant 0 : i32
      %dma_start3A_410 = tpu.memref_slice %arg10[%add3A_403, %dma_start3A_409] : memref<157x128xi32, #tpu.memory_space<vmem>> -> memref<1x128xi32, #tpu.memory_space<vmem>>
      %dma_start3A_411 = tpu.memref_squeeze %dma_start3A_410 : memref<1x128xi32, #tpu.memory_space<vmem>> -> memref<128xi32, #tpu.memory_space<vmem>>
      %dma_start3A_412 = arith.constant 0 : i32
      %dma_start3A_413 = arith.constant 0 : i32
      %dma_start3A_414 = tpu.memref_slice %arg2[%dma_start3A_412, %dma_start3A_413] : memref<20000x64xf32, #tpu.memory_space<hbm>> -> memref<20000x64xf32, #tpu.memory_space<hbm>>
      tpu.enqueue_indirect_dma source(%dma_start3A_414 : memref<20000x64xf32, #tpu.memory_space<hbm>>) target(%dma_start3A_408 : memref<128x64xf32, #tpu.memory_space<vmem>>) offsets(%dma_start3A_411 : memref<128xi32, #tpu.memory_space<vmem>>) semaphore(%arg14 : memref<!tpu.dma_semaphore, #tpu.memory_space<semaphore_mem>>)
      %mul3A_415 = arith.constant 6 : i32
      %mul3A_416 = arith.muli %scan3A_363, %mul3A_415 : i32
      %add3A_417 = arith.constant 3 : i32
      %add3A_418 = arith.addi %add3A_417, %mul3A_416 : i32
      %add3A_419 = arith.constant 1 : i32
      %add3A_420 = arith.addi %add3A_418, %add3A_419 : i32
      %dma_wait3A_421 = arith.constant 4 : i32
      %dma_wait3A_422 = arith.constant 0 : i32
      %dma_wait3A_423 = arith.constant 0 : i32
      %dma_wait3A_424 = tpu.memref_slice %arg12[%dma_wait3A_421, %dma_wait3A_422, %dma_wait3A_423] : memref<6x128x64xf32, #tpu.memory_space<vmem>> -> memref<1x128x64xf32, #tpu.memory_space<vmem>>
      %dma_wait3A_425 = tpu.memref_squeeze %dma_wait3A_424 : memref<1x128x64xf32, #tpu.memory_space<vmem>> -> memref<128x64xf32, #tpu.memory_space<vmem>>
      %dma_wait3A_426 = arith.constant 0 : i32
      %dma_wait3A_427 = tpu.memref_slice %arg10[%add3A_420, %dma_wait3A_426] : memref<157x128xi32, #tpu.memory_space<vmem>> -> memref<1x128xi32, #tpu.memory_space<vmem>>
      %dma_wait3A_428 = tpu.memref_squeeze %dma_wait3A_427 : memref<1x128xi32, #tpu.memory_space<vmem>> -> memref<128xi32, #tpu.memory_space<vmem>>
      %dma_wait3A_429 = arith.constant 0 : i32
      %dma_wait3A_430 = arith.constant 0 : i32
      %dma_wait3A_431 = tpu.memref_slice %arg2[%dma_wait3A_429, %dma_wait3A_430] : memref<20000x64xf32, #tpu.memory_space<hbm>> -> memref<20000x64xf32, #tpu.memory_space<hbm>>
      tpu.wait_indirect_dma semaphore(%arg18 : memref<!tpu.dma_semaphore, #tpu.memory_space<semaphore_mem>>) src(%dma_wait3A_431 : memref<20000x64xf32, #tpu.memory_space<hbm>>) dst(%dma_wait3A_425 : memref<128x64xf32, #tpu.memory_space<vmem>>)
      %dma_start3A_432 = arith.constant 4 : i32
      %dma_start3A_433 = arith.constant 0 : i32
      %dma_start3A_434 = arith.constant 0 : i32
      %dma_start3A_435 = tpu.memref_slice %arg12[%dma_start3A_432, %dma_start3A_433, %dma_start3A_434] : memref<6x128x64xf32, #tpu.memory_space<vmem>> -> memref<1x128x64xf32, #tpu.memory_space<vmem>>
      %dma_start3A_436 = tpu.memref_squeeze %dma_start3A_435 : memref<1x128x64xf32, #tpu.memory_space<vmem>> -> memref<128x64xf32, #tpu.memory_space<vmem>>
      %dma_start3A_437 = arith.constant 0 : i32
      %dma_start3A_438 = tpu.memref_slice %arg11[%add3A_420, %dma_start3A_437] : memref<157x128xi32, #tpu.memory_space<vmem>> -> memref<1x128xi32, #tpu.memory_space<vmem>>
      %dma_start3A_439 = tpu.memref_squeeze %dma_start3A_438 : memref<1x128xi32, #tpu.memory_space<vmem>> -> memref<128xi32, #tpu.memory_space<vmem>>
      %dma_start3A_440 = arith.constant 0 : i32
      %dma_start3A_441 = arith.constant 0 : i32
      %dma_start3A_442 = tpu.memref_slice %arg13[%dma_start3A_440, %dma_start3A_441] : memref<10240x64xf32, #tpu.memory_space<vmem_shared>> -> memref<10240x64xf32, #tpu.memory_space<vmem_shared>>
      tpu.enqueue_indirect_dma source(%dma_start3A_436 : memref<128x64xf32, #tpu.memory_space<vmem>>) target(%dma_start3A_442 : memref<10240x64xf32, #tpu.memory_space<vmem_shared>>) offsets(%dma_start3A_439 : memref<128xi32, #tpu.memory_space<vmem>>) semaphore(%arg24 : memref<!tpu.dma_semaphore, #tpu.memory_space<semaphore_mem>>) {add = true}
      %sub3A_443 = arith.constant 3 : i32
      %sub3A_444 = arith.subi %add3A_420, %sub3A_443 : i32
      %dma_wait3A_445 = arith.constant 1 : i32
      %dma_wait3A_446 = arith.constant 0 : i32
      %dma_wait3A_447 = arith.constant 0 : i32
      %dma_wait3A_448 = tpu.memref_slice %arg12[%dma_wait3A_445, %dma_wait3A_446, %dma_wait3A_447] : memref<6x128x64xf32, #tpu.memory_space<vmem>> -> memref<1x128x64xf32, #tpu.memory_space<vmem>>
      %dma_wait3A_449 = tpu.memref_squeeze %dma_wait3A_448 : memref<1x128x64xf32, #tpu.memory_space<vmem>> -> memref<128x64xf32, #tpu.memory_space<vmem>>
      %dma_wait3A_450 = arith.constant 0 : i32
      %dma_wait3A_451 = tpu.memref_slice %arg11[%sub3A_444, %dma_wait3A_450] : memref<157x128xi32, #tpu.memory_space<vmem>> -> memref<1x128xi32, #tpu.memory_space<vmem>>
      %dma_wait3A_452 = tpu.memref_squeeze %dma_wait3A_451 : memref<1x128xi32, #tpu.memory_space<vmem>> -> memref<128xi32, #tpu.memory_space<vmem>>
      %dma_wait3A_453 = arith.constant 0 : i32
      %dma_wait3A_454 = arith.constant 0 : i32
      %dma_wait3A_455 = tpu.memref_slice %arg13[%dma_wait3A_453, %dma_wait3A_454] : memref<10240x64xf32, #tpu.memory_space<vmem_shared>> -> memref<10240x64xf32, #tpu.memory_space<vmem_shared>>
      tpu.wait_indirect_dma semaphore(%arg21 : memref<!tpu.dma_semaphore, #tpu.memory_space<semaphore_mem>>) src(%dma_wait3A_449 : memref<128x64xf32, #tpu.memory_space<vmem>>) dst(%dma_wait3A_455 : memref<10240x64xf32, #tpu.memory_space<vmem_shared>>)
      %add3A_456 = arith.constant 3 : i32
      %add3A_457 = arith.addi %add3A_420, %add3A_456 : i32
      %dma_start3A_458 = arith.constant 1 : i32
      %dma_start3A_459 = arith.constant 0 : i32
      %dma_start3A_460 = arith.constant 0 : i32
      %dma_start3A_461 = tpu.memref_slice %arg12[%dma_start3A_458, %dma_start3A_459, %dma_start3A_460] : memref<6x128x64xf32, #tpu.memory_space<vmem>> -> memref<1x128x64xf32, #tpu.memory_space<vmem>>
      %dma_start3A_462 = tpu.memref_squeeze %dma_start3A_461 : memref<1x128x64xf32, #tpu.memory_space<vmem>> -> memref<128x64xf32, #tpu.memory_space<vmem>>
      %dma_start3A_463 = arith.constant 0 : i32
      %dma_start3A_464 = tpu.memref_slice %arg10[%add3A_457, %dma_start3A_463] : memref<157x128xi32, #tpu.memory_space<vmem>> -> memref<1x128xi32, #tpu.memory_space<vmem>>
      %dma_start3A_465 = tpu.memref_squeeze %dma_start3A_464 : memref<1x128xi32, #tpu.memory_space<vmem>> -> memref<128xi32, #tpu.memory_space<vmem>>
      %dma_start3A_466 = arith.constant 0 : i32
      %dma_start3A_467 = arith.constant 0 : i32
      %dma_start3A_468 = tpu.memref_slice %arg2[%dma_start3A_466, %dma_start3A_467] : memref<20000x64xf32, #tpu.memory_space<hbm>> -> memref<20000x64xf32, #tpu.memory_space<hbm>>
      tpu.enqueue_indirect_dma source(%dma_start3A_468 : memref<20000x64xf32, #tpu.memory_space<hbm>>) target(%dma_start3A_462 : memref<128x64xf32, #tpu.memory_space<vmem>>) offsets(%dma_start3A_465 : memref<128xi32, #tpu.memory_space<vmem>>) semaphore(%arg15 : memref<!tpu.dma_semaphore, #tpu.memory_space<semaphore_mem>>)
      %mul3A_469 = arith.constant 6 : i32
      %mul3A_470 = arith.muli %scan3A_363, %mul3A_469 : i32
      %add3A_471 = arith.constant 3 : i32
      %add3A_472 = arith.addi %add3A_471, %mul3A_470 : i32
      %add3A_473 = arith.constant 2 : i32
      %add3A_474 = arith.addi %add3A_472, %add3A_473 : i32
      %dma_wait3A_475 = arith.constant 5 : i32
      %dma_wait3A_476 = arith.constant 0 : i32
      %dma_wait3A_477 = arith.constant 0 : i32
      %dma_wait3A_478 = tpu.memref_slice %arg12[%dma_wait3A_475, %dma_wait3A_476, %dma_wait3A_477] : memref<6x128x64xf32, #tpu.memory_space<vmem>> -> memref<1x128x64xf32, #tpu.memory_space<vmem>>
      %dma_wait3A_479 = tpu.memref_squeeze %dma_wait3A_478 : memref<1x128x64xf32, #tpu.memory_space<vmem>> -> memref<128x64xf32, #tpu.memory_space<vmem>>
      %dma_wait3A_480 = arith.constant 0 : i32
      %dma_wait3A_481 = tpu.memref_slice %arg10[%add3A_474, %dma_wait3A_480] : memref<157x128xi32, #tpu.memory_space<vmem>> -> memref<1x128xi32, #tpu.memory_space<vmem>>
      %dma_wait3A_482 = tpu.memref_squeeze %dma_wait3A_481 : memref<1x128xi32, #tpu.memory_space<vmem>> -> memref<128xi32, #tpu.memory_space<vmem>>
      %dma_wait3A_483 = arith.constant 0 : i32
      %dma_wait3A_484 = arith.constant 0 : i32
      %dma_wait3A_485 = tpu.memref_slice %arg2[%dma_wait3A_483, %dma_wait3A_484] : memref<20000x64xf32, #tpu.memory_space<hbm>> -> memref<20000x64xf32, #tpu.memory_space<hbm>>
      tpu.wait_indirect_dma semaphore(%arg19 : memref<!tpu.dma_semaphore, #tpu.memory_space<semaphore_mem>>) src(%dma_wait3A_485 : memref<20000x64xf32, #tpu.memory_space<hbm>>) dst(%dma_wait3A_479 : memref<128x64xf32, #tpu.memory_space<vmem>>)
      %dma_start3A_486 = arith.constant 5 : i32
      %dma_start3A_487 = arith.constant 0 : i32
      %dma_start3A_488 = arith.constant 0 : i32
      %dma_start3A_489 = tpu.memref_slice %arg12[%dma_start3A_486, %dma_start3A_487, %dma_start3A_488] : memref<6x128x64xf32, #tpu.memory_space<vmem>> -> memref<1x128x64xf32, #tpu.memory_space<vmem>>
      %dma_start3A_490 = tpu.memref_squeeze %dma_start3A_489 : memref<1x128x64xf32, #tpu.memory_space<vmem>> -> memref<128x64xf32, #tpu.memory_space<vmem>>
      %dma_start3A_491 = arith.constant 0 : i32
      %dma_start3A_492 = tpu.memref_slice %arg11[%add3A_474, %dma_start3A_491] : memref<157x128xi32, #tpu.memory_space<vmem>> -> memref<1x128xi32, #tpu.memory_space<vmem>>
      %dma_start3A_493 = tpu.memref_squeeze %dma_start3A_492 : memref<1x128xi32, #tpu.memory_space<vmem>> -> memref<128xi32, #tpu.memory_space<vmem>>
      %dma_start3A_494 = arith.constant 0 : i32
      %dma_start3A_495 = arith.constant 0 : i32
      %dma_start3A_496 = tpu.memref_slice %arg13[%dma_start3A_494, %dma_start3A_495] : memref<10240x64xf32, #tpu.memory_space<vmem_shared>> -> memref<10240x64xf32, #tpu.memory_space<vmem_shared>>
      tpu.enqueue_indirect_dma source(%dma_start3A_490 : memref<128x64xf32, #tpu.memory_space<vmem>>) target(%dma_start3A_496 : memref<10240x64xf32, #tpu.memory_space<vmem_shared>>) offsets(%dma_start3A_493 : memref<128xi32, #tpu.memory_space<vmem>>) semaphore(%arg25 : memref<!tpu.dma_semaphore, #tpu.memory_space<semaphore_mem>>) {add = true}
      %sub3A_497 = arith.constant 3 : i32
      %sub3A_498 = arith.subi %add3A_474, %sub3A_497 : i32
      %dma_wait3A_499 = arith.constant 2 : i32
      %dma_wait3A_500 = arith.constant 0 : i32
      %dma_wait3A_501 = arith.constant 0 : i32
      %dma_wait3A_502 = tpu.memref_slice %arg12[%dma_wait3A_499, %dma_wait3A_500, %dma_wait3A_501] : memref<6x128x64xf32, #tpu.memory_space<vmem>> -> memref<1x128x64xf32, #tpu.memory_space<vmem>>
      %dma_wait3A_503 = tpu.memref_squeeze %dma_wait3A_502 : memref<1x128x64xf32, #tpu.memory_space<vmem>> -> memref<128x64xf32, #tpu.memory_space<vmem>>
      %dma_wait3A_504 = arith.constant 0 : i32
      %dma_wait3A_505 = tpu.memref_slice %arg11[%sub3A_498, %dma_wait3A_504] : memref<157x128xi32, #tpu.memory_space<vmem>> -> memref<1x128xi32, #tpu.memory_space<vmem>>
      %dma_wait3A_506 = tpu.memref_squeeze %dma_wait3A_505 : memref<1x128xi32, #tpu.memory_space<vmem>> -> memref<128xi32, #tpu.memory_space<vmem>>
      %dma_wait3A_507 = arith.constant 0 : i32
      %dma_wait3A_508 = arith.constant 0 : i32
      %dma_wait3A_509 = tpu.memref_slice %arg13[%dma_wait3A_507, %dma_wait3A_508] : memref<10240x64xf32, #tpu.memory_space<vmem_shared>> -> memref<10240x64xf32, #tpu.memory_space<vmem_shared>>
      tpu.wait_indirect_dma semaphore(%arg22 : memref<!tpu.dma_semaphore, #tpu.memory_space<semaphore_mem>>) src(%dma_wait3A_503 : memref<128x64xf32, #tpu.memory_space<vmem>>) dst(%dma_wait3A_509 : memref<10240x64xf32, #tpu.memory_space<vmem_shared>>)
      %add3A_510 = arith.constant 3 : i32
      %add3A_511 = arith.addi %add3A_474, %add3A_510 : i32
      %dma_start3A_512 = arith.constant 2 : i32
      %dma_start3A_513 = arith.constant 0 : i32
      %dma_start3A_514 = arith.constant 0 : i32
      %dma_start3A_515 = tpu.memref_slice %arg12[%dma_start3A_512, %dma_start3A_513, %dma_start3A_514] : memref<6x128x64xf32, #tpu.memory_space<vmem>> -> memref<1x128x64xf32, #tpu.memory_space<vmem>>
      %dma_start3A_516 = tpu.memref_squeeze %dma_start3A_515 : memref<1x128x64xf32, #tpu.memory_space<vmem>> -> memref<128x64xf32, #tpu.memory_space<vmem>>
      %dma_start3A_517 = arith.constant 0 : i32
      %dma_start3A_518 = tpu.memref_slice %arg10[%add3A_511, %dma_start3A_517] : memref<157x128xi32, #tpu.memory_space<vmem>> -> memref<1x128xi32, #tpu.memory_space<vmem>>
      %dma_start3A_519 = tpu.memref_squeeze %dma_start3A_518 : memref<1x128xi32, #tpu.memory_space<vmem>> -> memref<128xi32, #tpu.memory_space<vmem>>
      %dma_start3A_520 = arith.constant 0 : i32
      %dma_start3A_521 = arith.constant 0 : i32
      %dma_start3A_522 = tpu.memref_slice %arg2[%dma_start3A_520, %dma_start3A_521] : memref<20000x64xf32, #tpu.memory_space<hbm>> -> memref<20000x64xf32, #tpu.memory_space<hbm>>
      tpu.enqueue_indirect_dma source(%dma_start3A_522 : memref<20000x64xf32, #tpu.memory_space<hbm>>) target(%dma_start3A_516 : memref<128x64xf32, #tpu.memory_space<vmem>>) offsets(%dma_start3A_519 : memref<128xi32, #tpu.memory_space<vmem>>) semaphore(%arg16 : memref<!tpu.dma_semaphore, #tpu.memory_space<semaphore_mem>>)
      %mul3A_523 = arith.constant 6 : i32
      %mul3A_524 = arith.muli %scan3A_363, %mul3A_523 : i32
      %add3A_525 = arith.constant 3 : i32
      %add3A_526 = arith.addi %add3A_525, %mul3A_524 : i32
      %add3A_527 = arith.constant 3 : i32
      %add3A_528 = arith.addi %add3A_526, %add3A_527 : i32
      %dma_wait3A_529 = arith.constant 0 : i32
      %dma_wait3A_530 = arith.constant 0 : i32
      %dma_wait3A_531 = arith.constant 0 : i32
      %dma_wait3A_532 = tpu.memref_slice %arg12[%dma_wait3A_529, %dma_wait3A_530, %dma_wait3A_531] : memref<6x128x64xf32, #tpu.memory_space<vmem>> -> memref<1x128x64xf32, #tpu.memory_space<vmem>>
      %dma_wait3A_533 = tpu.memref_squeeze %dma_wait3A_532 : memref<1x128x64xf32, #tpu.memory_space<vmem>> -> memref<128x64xf32, #tpu.memory_space<vmem>>
      %dma_wait3A_534 = arith.constant 0 : i32
      %dma_wait3A_535 = tpu.memref_slice %arg10[%add3A_528, %dma_wait3A_534] : memref<157x128xi32, #tpu.memory_space<vmem>> -> memref<1x128xi32, #tpu.memory_space<vmem>>
      %dma_wait3A_536 = tpu.memref_squeeze %dma_wait3A_535 : memref<1x128xi32, #tpu.memory_space<vmem>> -> memref<128xi32, #tpu.memory_space<vmem>>
      %dma_wait3A_537 = arith.constant 0 : i32
      %dma_wait3A_538 = arith.constant 0 : i32
      %dma_wait3A_539 = tpu.memref_slice %arg2[%dma_wait3A_537, %dma_wait3A_538] : memref<20000x64xf32, #tpu.memory_space<hbm>> -> memref<20000x64xf32, #tpu.memory_space<hbm>>
      tpu.wait_indirect_dma semaphore(%arg14 : memref<!tpu.dma_semaphore, #tpu.memory_space<semaphore_mem>>) src(%dma_wait3A_539 : memref<20000x64xf32, #tpu.memory_space<hbm>>) dst(%dma_wait3A_533 : memref<128x64xf32, #tpu.memory_space<vmem>>)
      %dma_start3A_540 = arith.constant 0 : i32
      %dma_start3A_541 = arith.constant 0 : i32
      %dma_start3A_542 = arith.constant 0 : i32
      %dma_start3A_543 = tpu.memref_slice %arg12[%dma_start3A_540, %dma_start3A_541, %dma_start3A_542] : memref<6x128x64xf32, #tpu.memory_space<vmem>> -> memref<1x128x64xf32, #tpu.memory_space<vmem>>
      %dma_start3A_544 = tpu.memref_squeeze %dma_start3A_543 : memref<1x128x64xf32, #tpu.memory_space<vmem>> -> memref<128x64xf32, #tpu.memory_space<vmem>>
      %dma_start3A_545 = arith.constant 0 : i32
      %dma_start3A_546 = tpu.memref_slice %arg11[%add3A_528, %dma_start3A_545] : memref<157x128xi32, #tpu.memory_space<vmem>> -> memref<1x128xi32, #tpu.memory_space<vmem>>
      %dma_start3A_547 = tpu.memref_squeeze %dma_start3A_546 : memref<1x128xi32, #tpu.memory_space<vmem>> -> memref<128xi32, #tpu.memory_space<vmem>>
      %dma_start3A_548 = arith.constant 0 : i32
      %dma_start3A_549 = arith.constant 0 : i32
      %dma_start3A_550 = tpu.memref_slice %arg13[%dma_start3A_548, %dma_start3A_549] : memref<10240x64xf32, #tpu.memory_space<vmem_shared>> -> memref<10240x64xf32, #tpu.memory_space<vmem_shared>>
      tpu.enqueue_indirect_dma source(%dma_start3A_544 : memref<128x64xf32, #tpu.memory_space<vmem>>) target(%dma_start3A_550 : memref<10240x64xf32, #tpu.memory_space<vmem_shared>>) offsets(%dma_start3A_547 : memref<128xi32, #tpu.memory_space<vmem>>) semaphore(%arg20 : memref<!tpu.dma_semaphore, #tpu.memory_space<semaphore_mem>>) {add = true}
      %sub3A_551 = arith.constant 3 : i32
      %sub3A_552 = arith.subi %add3A_528, %sub3A_551 : i32
      %dma_wait3A_553 = arith.constant 3 : i32
      %dma_wait3A_554 = arith.constant 0 : i32
      %dma_wait3A_555 = arith.constant 0 : i32
      %dma_wait3A_556 = tpu.memref_slice %arg12[%dma_wait3A_553, %dma_wait3A_554, %dma_wait3A_555] : memref<6x128x64xf32, #tpu.memory_space<vmem>> -> memref<1x128x64xf32, #tpu.memory_space<vmem>>
      %dma_wait3A_557 = tpu.memref_squeeze %dma_wait3A_556 : memref<1x128x64xf32, #tpu.memory_space<vmem>> -> memref<128x64xf32, #tpu.memory_space<vmem>>
      %dma_wait3A_558 = arith.constant 0 : i32
      %dma_wait3A_559 = tpu.memref_slice %arg11[%sub3A_552, %dma_wait3A_558] : memref<157x128xi32, #tpu.memory_space<vmem>> -> memref<1x128xi32, #tpu.memory_space<vmem>>
      %dma_wait3A_560 = tpu.memref_squeeze %dma_wait3A_559 : memref<1x128xi32, #tpu.memory_space<vmem>> -> memref<128xi32, #tpu.memory_space<vmem>>
      %dma_wait3A_561 = arith.constant 0 : i32
      %dma_wait3A_562 = arith.constant 0 : i32
      %dma_wait3A_563 = tpu.memref_slice %arg13[%dma_wait3A_561, %dma_wait3A_562] : memref<10240x64xf32, #tpu.memory_space<vmem_shared>> -> memref<10240x64xf32, #tpu.memory_space<vmem_shared>>
      tpu.wait_indirect_dma semaphore(%arg23 : memref<!tpu.dma_semaphore, #tpu.memory_space<semaphore_mem>>) src(%dma_wait3A_557 : memref<128x64xf32, #tpu.memory_space<vmem>>) dst(%dma_wait3A_563 : memref<10240x64xf32, #tpu.memory_space<vmem_shared>>)
      %add3A_564 = arith.constant 3 : i32
      %add3A_565 = arith.addi %add3A_528, %add3A_564 : i32
      %dma_start3A_566 = arith.constant 3 : i32
      %dma_start3A_567 = arith.constant 0 : i32
      %dma_start3A_568 = arith.constant 0 : i32
      %dma_start3A_569 = tpu.memref_slice %arg12[%dma_start3A_566, %dma_start3A_567, %dma_start3A_568] : memref<6x128x64xf32, #tpu.memory_space<vmem>> -> memref<1x128x64xf32, #tpu.memory_space<vmem>>
      %dma_start3A_570 = tpu.memref_squeeze %dma_start3A_569 : memref<1x128x64xf32, #tpu.memory_space<vmem>> -> memref<128x64xf32, #tpu.memory_space<vmem>>
      %dma_start3A_571 = arith.constant 0 : i32
      %dma_start3A_572 = tpu.memref_slice %arg10[%add3A_565, %dma_start3A_571] : memref<157x128xi32, #tpu.memory_space<vmem>> -> memref<1x128xi32, #tpu.memory_space<vmem>>
      %dma_start3A_573 = tpu.memref_squeeze %dma_start3A_572 : memref<1x128xi32, #tpu.memory_space<vmem>> -> memref<128xi32, #tpu.memory_space<vmem>>
      %dma_start3A_574 = arith.constant 0 : i32
      %dma_start3A_575 = arith.constant 0 : i32
      %dma_start3A_576 = tpu.memref_slice %arg2[%dma_start3A_574, %dma_start3A_575] : memref<20000x64xf32, #tpu.memory_space<hbm>> -> memref<20000x64xf32, #tpu.memory_space<hbm>>
      tpu.enqueue_indirect_dma source(%dma_start3A_576 : memref<20000x64xf32, #tpu.memory_space<hbm>>) target(%dma_start3A_570 : memref<128x64xf32, #tpu.memory_space<vmem>>) offsets(%dma_start3A_573 : memref<128xi32, #tpu.memory_space<vmem>>) semaphore(%arg17 : memref<!tpu.dma_semaphore, #tpu.memory_space<semaphore_mem>>)
      %mul3A_577 = arith.constant 6 : i32
      %mul3A_578 = arith.muli %scan3A_363, %mul3A_577 : i32
      %add3A_579 = arith.constant 3 : i32
      %add3A_580 = arith.addi %add3A_579, %mul3A_578 : i32
      %add3A_581 = arith.constant 4 : i32
      %add3A_582 = arith.addi %add3A_580, %add3A_581 : i32
      %dma_wait3A_583 = arith.constant 1 : i32
      %dma_wait3A_584 = arith.constant 0 : i32
      %dma_wait3A_585 = arith.constant 0 : i32
      %dma_wait3A_586 = tpu.memref_slice %arg12[%dma_wait3A_583, %dma_wait3A_584, %dma_wait3A_585] : memref<6x128x64xf32, #tpu.memory_space<vmem>> -> memref<1x128x64xf32, #tpu.memory_space<vmem>>
      %dma_wait3A_587 = tpu.memref_squeeze %dma_wait3A_586 : memref<1x128x64xf32, #tpu.memory_space<vmem>> -> memref<128x64xf32, #tpu.memory_space<vmem>>
      %dma_wait3A_588 = arith.constant 0 : i32
      %dma_wait3A_589 = tpu.memref_slice %arg10[%add3A_582, %dma_wait3A_588] : memref<157x128xi32, #tpu.memory_space<vmem>> -> memref<1x128xi32, #tpu.memory_space<vmem>>
      %dma_wait3A_590 = tpu.memref_squeeze %dma_wait3A_589 : memref<1x128xi32, #tpu.memory_space<vmem>> -> memref<128xi32, #tpu.memory_space<vmem>>
      %dma_wait3A_591 = arith.constant 0 : i32
      %dma_wait3A_592 = arith.constant 0 : i32
      %dma_wait3A_593 = tpu.memref_slice %arg2[%dma_wait3A_591, %dma_wait3A_592] : memref<20000x64xf32, #tpu.memory_space<hbm>> -> memref<20000x64xf32, #tpu.memory_space<hbm>>
      tpu.wait_indirect_dma semaphore(%arg15 : memref<!tpu.dma_semaphore, #tpu.memory_space<semaphore_mem>>) src(%dma_wait3A_593 : memref<20000x64xf32, #tpu.memory_space<hbm>>) dst(%dma_wait3A_587 : memref<128x64xf32, #tpu.memory_space<vmem>>)
      %dma_start3A_594 = arith.constant 1 : i32
      %dma_start3A_595 = arith.constant 0 : i32
      %dma_start3A_596 = arith.constant 0 : i32
      %dma_start3A_597 = tpu.memref_slice %arg12[%dma_start3A_594, %dma_start3A_595, %dma_start3A_596] : memref<6x128x64xf32, #tpu.memory_space<vmem>> -> memref<1x128x64xf32, #tpu.memory_space<vmem>>
      %dma_start3A_598 = tpu.memref_squeeze %dma_start3A_597 : memref<1x128x64xf32, #tpu.memory_space<vmem>> -> memref<128x64xf32, #tpu.memory_space<vmem>>
      %dma_start3A_599 = arith.constant 0 : i32
      %dma_start3A_600 = tpu.memref_slice %arg11[%add3A_582, %dma_start3A_599] : memref<157x128xi32, #tpu.memory_space<vmem>> -> memref<1x128xi32, #tpu.memory_space<vmem>>
      %dma_start3A_601 = tpu.memref_squeeze %dma_start3A_600 : memref<1x128xi32, #tpu.memory_space<vmem>> -> memref<128xi32, #tpu.memory_space<vmem>>
      %dma_start3A_602 = arith.constant 0 : i32
      %dma_start3A_603 = arith.constant 0 : i32
      %dma_start3A_604 = tpu.memref_slice %arg13[%dma_start3A_602, %dma_start3A_603] : memref<10240x64xf32, #tpu.memory_space<vmem_shared>> -> memref<10240x64xf32, #tpu.memory_space<vmem_shared>>
      tpu.enqueue_indirect_dma source(%dma_start3A_598 : memref<128x64xf32, #tpu.memory_space<vmem>>) target(%dma_start3A_604 : memref<10240x64xf32, #tpu.memory_space<vmem_shared>>) offsets(%dma_start3A_601 : memref<128xi32, #tpu.memory_space<vmem>>) semaphore(%arg21 : memref<!tpu.dma_semaphore, #tpu.memory_space<semaphore_mem>>) {add = true}
      %sub3A_605 = arith.constant 3 : i32
      %sub3A_606 = arith.subi %add3A_582, %sub3A_605 : i32
      %dma_wait3A_607 = arith.constant 4 : i32
      %dma_wait3A_608 = arith.constant 0 : i32
      %dma_wait3A_609 = arith.constant 0 : i32
      %dma_wait3A_610 = tpu.memref_slice %arg12[%dma_wait3A_607, %dma_wait3A_608, %dma_wait3A_609] : memref<6x128x64xf32, #tpu.memory_space<vmem>> -> memref<1x128x64xf32, #tpu.memory_space<vmem>>
      %dma_wait3A_611 = tpu.memref_squeeze %dma_wait3A_610 : memref<1x128x64xf32, #tpu.memory_space<vmem>> -> memref<128x64xf32, #tpu.memory_space<vmem>>
      %dma_wait3A_612 = arith.constant 0 : i32
      %dma_wait3A_613 = tpu.memref_slice %arg11[%sub3A_606, %dma_wait3A_612] : memref<157x128xi32, #tpu.memory_space<vmem>> -> memref<1x128xi32, #tpu.memory_space<vmem>>
      %dma_wait3A_614 = tpu.memref_squeeze %dma_wait3A_613 : memref<1x128xi32, #tpu.memory_space<vmem>> -> memref<128xi32, #tpu.memory_space<vmem>>
      %dma_wait3A_615 = arith.constant 0 : i32
      %dma_wait3A_616 = arith.constant 0 : i32
      %dma_wait3A_617 = tpu.memref_slice %arg13[%dma_wait3A_615, %dma_wait3A_616] : memref<10240x64xf32, #tpu.memory_space<vmem_shared>> -> memref<10240x64xf32, #tpu.memory_space<vmem_shared>>
      tpu.wait_indirect_dma semaphore(%arg24 : memref<!tpu.dma_semaphore, #tpu.memory_space<semaphore_mem>>) src(%dma_wait3A_611 : memref<128x64xf32, #tpu.memory_space<vmem>>) dst(%dma_wait3A_617 : memref<10240x64xf32, #tpu.memory_space<vmem_shared>>)
      %add3A_618 = arith.constant 3 : i32
      %add3A_619 = arith.addi %add3A_582, %add3A_618 : i32
      %dma_start3A_620 = arith.constant 4 : i32
      %dma_start3A_621 = arith.constant 0 : i32
      %dma_start3A_622 = arith.constant 0 : i32
      %dma_start3A_623 = tpu.memref_slice %arg12[%dma_start3A_620, %dma_start3A_621, %dma_start3A_622] : memref<6x128x64xf32, #tpu.memory_space<vmem>> -> memref<1x128x64xf32, #tpu.memory_space<vmem>>
      %dma_start3A_624 = tpu.memref_squeeze %dma_start3A_623 : memref<1x128x64xf32, #tpu.memory_space<vmem>> -> memref<128x64xf32, #tpu.memory_space<vmem>>
      %dma_start3A_625 = arith.constant 0 : i32
      %dma_start3A_626 = tpu.memref_slice %arg10[%add3A_619, %dma_start3A_625] : memref<157x128xi32, #tpu.memory_space<vmem>> -> memref<1x128xi32, #tpu.memory_space<vmem>>
      %dma_start3A_627 = tpu.memref_squeeze %dma_start3A_626 : memref<1x128xi32, #tpu.memory_space<vmem>> -> memref<128xi32, #tpu.memory_space<vmem>>
      %dma_start3A_628 = arith.constant 0 : i32
      %dma_start3A_629 = arith.constant 0 : i32
      %dma_start3A_630 = tpu.memref_slice %arg2[%dma_start3A_628, %dma_start3A_629] : memref<20000x64xf32, #tpu.memory_space<hbm>> -> memref<20000x64xf32, #tpu.memory_space<hbm>>
      tpu.enqueue_indirect_dma source(%dma_start3A_630 : memref<20000x64xf32, #tpu.memory_space<hbm>>) target(%dma_start3A_624 : memref<128x64xf32, #tpu.memory_space<vmem>>) offsets(%dma_start3A_627 : memref<128xi32, #tpu.memory_space<vmem>>) semaphore(%arg18 : memref<!tpu.dma_semaphore, #tpu.memory_space<semaphore_mem>>)
      %mul3A_631 = arith.constant 6 : i32
      %mul3A_632 = arith.muli %scan3A_363, %mul3A_631 : i32
      %add3A_633 = arith.constant 3 : i32
      %add3A_634 = arith.addi %add3A_633, %mul3A_632 : i32
      %add3A_635 = arith.constant 5 : i32
      %add3A_636 = arith.addi %add3A_634, %add3A_635 : i32
      %dma_wait3A_637 = arith.constant 2 : i32
      %dma_wait3A_638 = arith.constant 0 : i32
      %dma_wait3A_639 = arith.constant 0 : i32
      %dma_wait3A_640 = tpu.memref_slice %arg12[%dma_wait3A_637, %dma_wait3A_638, %dma_wait3A_639] : memref<6x128x64xf32, #tpu.memory_space<vmem>> -> memref<1x128x64xf32, #tpu.memory_space<vmem>>
      %dma_wait3A_641 = tpu.memref_squeeze %dma_wait3A_640 : memref<1x128x64xf32, #tpu.memory_space<vmem>> -> memref<128x64xf32, #tpu.memory_space<vmem>>
      %dma_wait3A_642 = arith.constant 0 : i32
      %dma_wait3A_643 = tpu.memref_slice %arg10[%add3A_636, %dma_wait3A_642] : memref<157x128xi32, #tpu.memory_space<vmem>> -> memref<1x128xi32, #tpu.memory_space<vmem>>
      %dma_wait3A_644 = tpu.memref_squeeze %dma_wait3A_643 : memref<1x128xi32, #tpu.memory_space<vmem>> -> memref<128xi32, #tpu.memory_space<vmem>>
      %dma_wait3A_645 = arith.constant 0 : i32
      %dma_wait3A_646 = arith.constant 0 : i32
      %dma_wait3A_647 = tpu.memref_slice %arg2[%dma_wait3A_645, %dma_wait3A_646] : memref<20000x64xf32, #tpu.memory_space<hbm>> -> memref<20000x64xf32, #tpu.memory_space<hbm>>
      tpu.wait_indirect_dma semaphore(%arg16 : memref<!tpu.dma_semaphore, #tpu.memory_space<semaphore_mem>>) src(%dma_wait3A_647 : memref<20000x64xf32, #tpu.memory_space<hbm>>) dst(%dma_wait3A_641 : memref<128x64xf32, #tpu.memory_space<vmem>>)
      %dma_start3A_648 = arith.constant 2 : i32
      %dma_start3A_649 = arith.constant 0 : i32
      %dma_start3A_650 = arith.constant 0 : i32
      %dma_start3A_651 = tpu.memref_slice %arg12[%dma_start3A_648, %dma_start3A_649, %dma_start3A_650] : memref<6x128x64xf32, #tpu.memory_space<vmem>> -> memref<1x128x64xf32, #tpu.memory_space<vmem>>
      %dma_start3A_652 = tpu.memref_squeeze %dma_start3A_651 : memref<1x128x64xf32, #tpu.memory_space<vmem>> -> memref<128x64xf32, #tpu.memory_space<vmem>>
      %dma_start3A_653 = arith.constant 0 : i32
      %dma_start3A_654 = tpu.memref_slice %arg11[%add3A_636, %dma_start3A_653] : memref<157x128xi32, #tpu.memory_space<vmem>> -> memref<1x128xi32, #tpu.memory_space<vmem>>
      %dma_start3A_655 = tpu.memref_squeeze %dma_start3A_654 : memref<1x128xi32, #tpu.memory_space<vmem>> -> memref<128xi32, #tpu.memory_space<vmem>>
      %dma_start3A_656 = arith.constant 0 : i32
      %dma_start3A_657 = arith.constant 0 : i32
      %dma_start3A_658 = tpu.memref_slice %arg13[%dma_start3A_656, %dma_start3A_657] : memref<10240x64xf32, #tpu.memory_space<vmem_shared>> -> memref<10240x64xf32, #tpu.memory_space<vmem_shared>>
      tpu.enqueue_indirect_dma source(%dma_start3A_652 : memref<128x64xf32, #tpu.memory_space<vmem>>) target(%dma_start3A_658 : memref<10240x64xf32, #tpu.memory_space<vmem_shared>>) offsets(%dma_start3A_655 : memref<128xi32, #tpu.memory_space<vmem>>) semaphore(%arg22 : memref<!tpu.dma_semaphore, #tpu.memory_space<semaphore_mem>>) {add = true}
      %sub3A_659 = arith.constant 3 : i32
      %sub3A_660 = arith.subi %add3A_636, %sub3A_659 : i32
      %dma_wait3A_661 = arith.constant 5 : i32
      %dma_wait3A_662 = arith.constant 0 : i32
      %dma_wait3A_663 = arith.constant 0 : i32
      %dma_wait3A_664 = tpu.memref_slice %arg12[%dma_wait3A_661, %dma_wait3A_662, %dma_wait3A_663] : memref<6x128x64xf32, #tpu.memory_space<vmem>> -> memref<1x128x64xf32, #tpu.memory_space<vmem>>
      %dma_wait3A_665 = tpu.memref_squeeze %dma_wait3A_664 : memref<1x128x64xf32, #tpu.memory_space<vmem>> -> memref<128x64xf32, #tpu.memory_space<vmem>>
      %dma_wait3A_666 = arith.constant 0 : i32
      %dma_wait3A_667 = tpu.memref_slice %arg11[%sub3A_660, %dma_wait3A_666] : memref<157x128xi32, #tpu.memory_space<vmem>> -> memref<1x128xi32, #tpu.memory_space<vmem>>
      %dma_wait3A_668 = tpu.memref_squeeze %dma_wait3A_667 : memref<1x128xi32, #tpu.memory_space<vmem>> -> memref<128xi32, #tpu.memory_space<vmem>>
      %dma_wait3A_669 = arith.constant 0 : i32
      %dma_wait3A_670 = arith.constant 0 : i32
      %dma_wait3A_671 = tpu.memref_slice %arg13[%dma_wait3A_669, %dma_wait3A_670] : memref<10240x64xf32, #tpu.memory_space<vmem_shared>> -> memref<10240x64xf32, #tpu.memory_space<vmem_shared>>
      tpu.wait_indirect_dma semaphore(%arg25 : memref<!tpu.dma_semaphore, #tpu.memory_space<semaphore_mem>>) src(%dma_wait3A_665 : memref<128x64xf32, #tpu.memory_space<vmem>>) dst(%dma_wait3A_671 : memref<10240x64xf32, #tpu.memory_space<vmem_shared>>)
      %add3A_672 = arith.constant 3 : i32
      %add3A_673 = arith.addi %add3A_636, %add3A_672 : i32
      %dma_start3A_674 = arith.constant 5 : i32
      %dma_start3A_675 = arith.constant 0 : i32
      %dma_start3A_676 = arith.constant 0 : i32
      %dma_start3A_677 = tpu.memref_slice %arg12[%dma_start3A_674, %dma_start3A_675, %dma_start3A_676] : memref<6x128x64xf32, #tpu.memory_space<vmem>> -> memref<1x128x64xf32, #tpu.memory_space<vmem>>
      %dma_start3A_678 = tpu.memref_squeeze %dma_start3A_677 : memref<1x128x64xf32, #tpu.memory_space<vmem>> -> memref<128x64xf32, #tpu.memory_space<vmem>>
      %dma_start3A_679 = arith.constant 0 : i32
      %dma_start3A_680 = tpu.memref_slice %arg10[%add3A_673, %dma_start3A_679] : memref<157x128xi32, #tpu.memory_space<vmem>> -> memref<1x128xi32, #tpu.memory_space<vmem>>
      %dma_start3A_681 = tpu.memref_squeeze %dma_start3A_680 : memref<1x128xi32, #tpu.memory_space<vmem>> -> memref<128xi32, #tpu.memory_space<vmem>>
      %dma_start3A_682 = arith.constant 0 : i32
      %dma_start3A_683 = arith.constant 0 : i32
      %dma_start3A_684 = tpu.memref_slice %arg2[%dma_start3A_682, %dma_start3A_683] : memref<20000x64xf32, #tpu.memory_space<hbm>> -> memref<20000x64xf32, #tpu.memory_space<hbm>>
      tpu.enqueue_indirect_dma source(%dma_start3A_684 : memref<20000x64xf32, #tpu.memory_space<hbm>>) target(%dma_start3A_678 : memref<128x64xf32, #tpu.memory_space<vmem>>) offsets(%dma_start3A_681 : memref<128xi32, #tpu.memory_space<vmem>>) semaphore(%arg19 : memref<!tpu.dma_semaphore, #tpu.memory_space<semaphore_mem>>)
    }
    %scan3A_159 = arith.constant 25 : i32
    %dma_wait3A_160 = arith.constant 153 : i32
    %dma_wait3A_161 = arith.constant 3 : i32
    %dma_wait3A_162 = arith.constant 0 : i32
    %dma_wait3A_163 = arith.constant 0 : i32
    %dma_wait3A_164 = tpu.memref_slice %arg12[%dma_wait3A_161, %dma_wait3A_162, %dma_wait3A_163] : memref<6x128x64xf32, #tpu.memory_space<vmem>> -> memref<1x128x64xf32, #tpu.memory_space<vmem>>
    %dma_wait3A_165 = tpu.memref_squeeze %dma_wait3A_164 : memref<1x128x64xf32, #tpu.memory_space<vmem>> -> memref<128x64xf32, #tpu.memory_space<vmem>>
    %dma_wait3A_166 = arith.constant 0 : i32
    %dma_wait3A_167 = tpu.memref_slice %arg10[%dma_wait3A_160, %dma_wait3A_166] : memref<157x128xi32, #tpu.memory_space<vmem>> -> memref<1x128xi32, #tpu.memory_space<vmem>>
    %dma_wait3A_168 = tpu.memref_squeeze %dma_wait3A_167 : memref<1x128xi32, #tpu.memory_space<vmem>> -> memref<128xi32, #tpu.memory_space<vmem>>
    %dma_wait3A_169 = arith.constant 0 : i32
    %dma_wait3A_170 = arith.constant 0 : i32
    %dma_wait3A_171 = tpu.memref_slice %arg2[%dma_wait3A_169, %dma_wait3A_170] : memref<20000x64xf32, #tpu.memory_space<hbm>> -> memref<20000x64xf32, #tpu.memory_space<hbm>>
    tpu.wait_indirect_dma semaphore(%arg17 : memref<!tpu.dma_semaphore, #tpu.memory_space<semaphore_mem>>) src(%dma_wait3A_171 : memref<20000x64xf32, #tpu.memory_space<hbm>>) dst(%dma_wait3A_165 : memref<128x64xf32, #tpu.memory_space<vmem>>)
    %dma_start3A_172 = arith.constant 3 : i32
    %dma_start3A_173 = arith.constant 153 : i32
    %dma_start3A_174 = arith.constant 0 : i32
    %dma_start3A_175 = arith.constant 0 : i32
    %dma_start3A_176 = tpu.memref_slice %arg12[%dma_start3A_172, %dma_start3A_174, %dma_start3A_175] : memref<6x128x64xf32, #tpu.memory_space<vmem>> -> memref<1x128x64xf32, #tpu.memory_space<vmem>>
    %dma_start3A_177 = tpu.memref_squeeze %dma_start3A_176 : memref<1x128x64xf32, #tpu.memory_space<vmem>> -> memref<128x64xf32, #tpu.memory_space<vmem>>
    %dma_start3A_178 = arith.constant 0 : i32
    %dma_start3A_179 = tpu.memref_slice %arg11[%dma_start3A_173, %dma_start3A_178] : memref<157x128xi32, #tpu.memory_space<vmem>> -> memref<1x128xi32, #tpu.memory_space<vmem>>
    %dma_start3A_180 = tpu.memref_squeeze %dma_start3A_179 : memref<1x128xi32, #tpu.memory_space<vmem>> -> memref<128xi32, #tpu.memory_space<vmem>>
    %dma_start3A_181 = arith.constant 0 : i32
    %dma_start3A_182 = arith.constant 0 : i32
    %dma_start3A_183 = tpu.memref_slice %arg13[%dma_start3A_181, %dma_start3A_182] : memref<10240x64xf32, #tpu.memory_space<vmem_shared>> -> memref<10240x64xf32, #tpu.memory_space<vmem_shared>>
    tpu.enqueue_indirect_dma source(%dma_start3A_177 : memref<128x64xf32, #tpu.memory_space<vmem>>) target(%dma_start3A_183 : memref<10240x64xf32, #tpu.memory_space<vmem_shared>>) offsets(%dma_start3A_180 : memref<128xi32, #tpu.memory_space<vmem>>) semaphore(%arg23 : memref<!tpu.dma_semaphore, #tpu.memory_space<semaphore_mem>>) {add = true}
    %dma_wait3A_184 = arith.constant 0 : i32
    %dma_wait3A_185 = arith.constant 150 : i32
    %dma_wait3A_186 = arith.constant 0 : i32
    %dma_wait3A_187 = arith.constant 0 : i32
    %dma_wait3A_188 = tpu.memref_slice %arg12[%dma_wait3A_184, %dma_wait3A_186, %dma_wait3A_187] : memref<6x128x64xf32, #tpu.memory_space<vmem>> -> memref<1x128x64xf32, #tpu.memory_space<vmem>>
    %dma_wait3A_189 = tpu.memref_squeeze %dma_wait3A_188 : memref<1x128x64xf32, #tpu.memory_space<vmem>> -> memref<128x64xf32, #tpu.memory_space<vmem>>
    %dma_wait3A_190 = arith.constant 0 : i32
    %dma_wait3A_191 = tpu.memref_slice %arg11[%dma_wait3A_185, %dma_wait3A_190] : memref<157x128xi32, #tpu.memory_space<vmem>> -> memref<1x128xi32, #tpu.memory_space<vmem>>
    %dma_wait3A_192 = tpu.memref_squeeze %dma_wait3A_191 : memref<1x128xi32, #tpu.memory_space<vmem>> -> memref<128xi32, #tpu.memory_space<vmem>>
    %dma_wait3A_193 = arith.constant 0 : i32
    %dma_wait3A_194 = arith.constant 0 : i32
    %dma_wait3A_195 = tpu.memref_slice %arg13[%dma_wait3A_193, %dma_wait3A_194] : memref<10240x64xf32, #tpu.memory_space<vmem_shared>> -> memref<10240x64xf32, #tpu.memory_space<vmem_shared>>
    tpu.wait_indirect_dma semaphore(%arg20 : memref<!tpu.dma_semaphore, #tpu.memory_space<semaphore_mem>>) src(%dma_wait3A_189 : memref<128x64xf32, #tpu.memory_space<vmem>>) dst(%dma_wait3A_195 : memref<10240x64xf32, #tpu.memory_space<vmem_shared>>)
    %dma_start3A_196 = arith.constant 156 : i32
    %dma_start3A_197 = arith.constant 0 : i32
    %dma_start3A_198 = arith.constant 0 : i32
    %dma_start3A_199 = arith.constant 0 : i32
    %dma_start3A_200 = tpu.memref_slice %arg12[%dma_start3A_197, %dma_start3A_198, %dma_start3A_199] : memref<6x128x64xf32, #tpu.memory_space<vmem>> -> memref<1x128x64xf32, #tpu.memory_space<vmem>>
    %dma_start3A_201 = tpu.memref_squeeze %dma_start3A_200 : memref<1x128x64xf32, #tpu.memory_space<vmem>> -> memref<128x64xf32, #tpu.memory_space<vmem>>
    %dma_start3A_202 = arith.constant 0 : i32
    %dma_start3A_203 = tpu.memref_slice %arg10[%dma_start3A_196, %dma_start3A_202] : memref<157x128xi32, #tpu.memory_space<vmem>> -> memref<1x128xi32, #tpu.memory_space<vmem>>
    %dma_start3A_204 = tpu.memref_squeeze %dma_start3A_203 : memref<1x128xi32, #tpu.memory_space<vmem>> -> memref<128xi32, #tpu.memory_space<vmem>>
    %dma_start3A_205 = arith.constant 0 : i32
    %dma_start3A_206 = arith.constant 0 : i32
    %dma_start3A_207 = tpu.memref_slice %arg2[%dma_start3A_205, %dma_start3A_206] : memref<20000x64xf32, #tpu.memory_space<hbm>> -> memref<20000x64xf32, #tpu.memory_space<hbm>>
    tpu.enqueue_indirect_dma source(%dma_start3A_207 : memref<20000x64xf32, #tpu.memory_space<hbm>>) target(%dma_start3A_201 : memref<128x64xf32, #tpu.memory_space<vmem>>) offsets(%dma_start3A_204 : memref<128xi32, #tpu.memory_space<vmem>>) semaphore(%arg14 : memref<!tpu.dma_semaphore, #tpu.memory_space<semaphore_mem>>)
    %dma_wait3A_208 = arith.constant 154 : i32
    %dma_wait3A_209 = arith.constant 4 : i32
    %dma_wait3A_210 = arith.constant 0 : i32
    %dma_wait3A_211 = arith.constant 0 : i32
    %dma_wait3A_212 = tpu.memref_slice %arg12[%dma_wait3A_209, %dma_wait3A_210, %dma_wait3A_211] : memref<6x128x64xf32, #tpu.memory_space<vmem>> -> memref<1x128x64xf32, #tpu.memory_space<vmem>>
    %dma_wait3A_213 = tpu.memref_squeeze %dma_wait3A_212 : memref<1x128x64xf32, #tpu.memory_space<vmem>> -> memref<128x64xf32, #tpu.memory_space<vmem>>
    %dma_wait3A_214 = arith.constant 0 : i32
    %dma_wait3A_215 = tpu.memref_slice %arg10[%dma_wait3A_208, %dma_wait3A_214] : memref<157x128xi32, #tpu.memory_space<vmem>> -> memref<1x128xi32, #tpu.memory_space<vmem>>
    %dma_wait3A_216 = tpu.memref_squeeze %dma_wait3A_215 : memref<1x128xi32, #tpu.memory_space<vmem>> -> memref<128xi32, #tpu.memory_space<vmem>>
    %dma_wait3A_217 = arith.constant 0 : i32
    %dma_wait3A_218 = arith.constant 0 : i32
    %dma_wait3A_219 = tpu.memref_slice %arg2[%dma_wait3A_217, %dma_wait3A_218] : memref<20000x64xf32, #tpu.memory_space<hbm>> -> memref<20000x64xf32, #tpu.memory_space<hbm>>
    tpu.wait_indirect_dma semaphore(%arg18 : memref<!tpu.dma_semaphore, #tpu.memory_space<semaphore_mem>>) src(%dma_wait3A_219 : memref<20000x64xf32, #tpu.memory_space<hbm>>) dst(%dma_wait3A_213 : memref<128x64xf32, #tpu.memory_space<vmem>>)
    %dma_start3A_220 = arith.constant 4 : i32
    %dma_start3A_221 = arith.constant 154 : i32
    %dma_start3A_222 = arith.constant 0 : i32
    %dma_start3A_223 = arith.constant 0 : i32
    %dma_start3A_224 = tpu.memref_slice %arg12[%dma_start3A_220, %dma_start3A_222, %dma_start3A_223] : memref<6x128x64xf32, #tpu.memory_space<vmem>> -> memref<1x128x64xf32, #tpu.memory_space<vmem>>
    %dma_start3A_225 = tpu.memref_squeeze %dma_start3A_224 : memref<1x128x64xf32, #tpu.memory_space<vmem>> -> memref<128x64xf32, #tpu.memory_space<vmem>>
    %dma_start3A_226 = arith.constant 0 : i32
    %dma_start3A_227 = tpu.memref_slice %arg11[%dma_start3A_221, %dma_start3A_226] : memref<157x128xi32, #tpu.memory_space<vmem>> -> memref<1x128xi32, #tpu.memory_space<vmem>>
    %dma_start3A_228 = tpu.memref_squeeze %dma_start3A_227 : memref<1x128xi32, #tpu.memory_space<vmem>> -> memref<128xi32, #tpu.memory_space<vmem>>
    %dma_start3A_229 = arith.constant 0 : i32
    %dma_start3A_230 = arith.constant 0 : i32
    %dma_start3A_231 = tpu.memref_slice %arg13[%dma_start3A_229, %dma_start3A_230] : memref<10240x64xf32, #tpu.memory_space<vmem_shared>> -> memref<10240x64xf32, #tpu.memory_space<vmem_shared>>
    tpu.enqueue_indirect_dma source(%dma_start3A_225 : memref<128x64xf32, #tpu.memory_space<vmem>>) target(%dma_start3A_231 : memref<10240x64xf32, #tpu.memory_space<vmem_shared>>) offsets(%dma_start3A_228 : memref<128xi32, #tpu.memory_space<vmem>>) semaphore(%arg24 : memref<!tpu.dma_semaphore, #tpu.memory_space<semaphore_mem>>) {add = true}
    %dma_wait3A_232 = arith.constant 155 : i32
    %dma_wait3A_233 = arith.constant 5 : i32
    %dma_wait3A_234 = arith.constant 0 : i32
    %dma_wait3A_235 = arith.constant 0 : i32
    %dma_wait3A_236 = tpu.memref_slice %arg12[%dma_wait3A_233, %dma_wait3A_234, %dma_wait3A_235] : memref<6x128x64xf32, #tpu.memory_space<vmem>> -> memref<1x128x64xf32, #tpu.memory_space<vmem>>
    %dma_wait3A_237 = tpu.memref_squeeze %dma_wait3A_236 : memref<1x128x64xf32, #tpu.memory_space<vmem>> -> memref<128x64xf32, #tpu.memory_space<vmem>>
    %dma_wait3A_238 = arith.constant 0 : i32
    %dma_wait3A_239 = tpu.memref_slice %arg10[%dma_wait3A_232, %dma_wait3A_238] : memref<157x128xi32, #tpu.memory_space<vmem>> -> memref<1x128xi32, #tpu.memory_space<vmem>>
    %dma_wait3A_240 = tpu.memref_squeeze %dma_wait3A_239 : memref<1x128xi32, #tpu.memory_space<vmem>> -> memref<128xi32, #tpu.memory_space<vmem>>
    %dma_wait3A_241 = arith.constant 0 : i32
    %dma_wait3A_242 = arith.constant 0 : i32
    %dma_wait3A_243 = tpu.memref_slice %arg2[%dma_wait3A_241, %dma_wait3A_242] : memref<20000x64xf32, #tpu.memory_space<hbm>> -> memref<20000x64xf32, #tpu.memory_space<hbm>>
    tpu.wait_indirect_dma semaphore(%arg19 : memref<!tpu.dma_semaphore, #tpu.memory_space<semaphore_mem>>) src(%dma_wait3A_243 : memref<20000x64xf32, #tpu.memory_space<hbm>>) dst(%dma_wait3A_237 : memref<128x64xf32, #tpu.memory_space<vmem>>)
    %dma_start3A_244 = arith.constant 5 : i32
    %dma_start3A_245 = arith.constant 155 : i32
    %dma_start3A_246 = arith.constant 0 : i32
    %dma_start3A_247 = arith.constant 0 : i32
    %dma_start3A_248 = tpu.memref_slice %arg12[%dma_start3A_244, %dma_start3A_246, %dma_start3A_247] : memref<6x128x64xf32, #tpu.memory_space<vmem>> -> memref<1x128x64xf32, #tpu.memory_space<vmem>>
    %dma_start3A_249 = tpu.memref_squeeze %dma_start3A_248 : memref<1x128x64xf32, #tpu.memory_space<vmem>> -> memref<128x64xf32, #tpu.memory_space<vmem>>
    %dma_start3A_250 = arith.constant 0 : i32
    %dma_start3A_251 = tpu.memref_slice %arg11[%dma_start3A_245, %dma_start3A_250] : memref<157x128xi32, #tpu.memory_space<vmem>> -> memref<1x128xi32, #tpu.memory_space<vmem>>
    %dma_start3A_252 = tpu.memref_squeeze %dma_start3A_251 : memref<1x128xi32, #tpu.memory_space<vmem>> -> memref<128xi32, #tpu.memory_space<vmem>>
    %dma_start3A_253 = arith.constant 0 : i32
    %dma_start3A_254 = arith.constant 0 : i32
    %dma_start3A_255 = tpu.memref_slice %arg13[%dma_start3A_253, %dma_start3A_254] : memref<10240x64xf32, #tpu.memory_space<vmem_shared>> -> memref<10240x64xf32, #tpu.memory_space<vmem_shared>>
    tpu.enqueue_indirect_dma source(%dma_start3A_249 : memref<128x64xf32, #tpu.memory_space<vmem>>) target(%dma_start3A_255 : memref<10240x64xf32, #tpu.memory_space<vmem_shared>>) offsets(%dma_start3A_252 : memref<128xi32, #tpu.memory_space<vmem>>) semaphore(%arg25 : memref<!tpu.dma_semaphore, #tpu.memory_space<semaphore_mem>>) {add = true}
    %dma_wait3A_256 = arith.constant 156 : i32
    %dma_wait3A_257 = arith.constant 0 : i32
    %dma_wait3A_258 = arith.constant 0 : i32
    %dma_wait3A_259 = arith.constant 0 : i32
    %dma_wait3A_260 = tpu.memref_slice %arg12[%dma_wait3A_257, %dma_wait3A_258, %dma_wait3A_259] : memref<6x128x64xf32, #tpu.memory_space<vmem>> -> memref<1x128x64xf32, #tpu.memory_space<vmem>>
    %dma_wait3A_261 = tpu.memref_squeeze %dma_wait3A_260 : memref<1x128x64xf32, #tpu.memory_space<vmem>> -> memref<128x64xf32, #tpu.memory_space<vmem>>
    %dma_wait3A_262 = arith.constant 0 : i32
    %dma_wait3A_263 = tpu.memref_slice %arg10[%dma_wait3A_256, %dma_wait3A_262] : memref<157x128xi32, #tpu.memory_space<vmem>> -> memref<1x128xi32, #tpu.memory_space<vmem>>
    %dma_wait3A_264 = tpu.memref_squeeze %dma_wait3A_263 : memref<1x128xi32, #tpu.memory_space<vmem>> -> memref<128xi32, #tpu.memory_space<vmem>>
    %dma_wait3A_265 = arith.constant 0 : i32
    %dma_wait3A_266 = arith.constant 0 : i32
    %dma_wait3A_267 = tpu.memref_slice %arg2[%dma_wait3A_265, %dma_wait3A_266] : memref<20000x64xf32, #tpu.memory_space<hbm>> -> memref<20000x64xf32, #tpu.memory_space<hbm>>
    tpu.wait_indirect_dma semaphore(%arg14 : memref<!tpu.dma_semaphore, #tpu.memory_space<semaphore_mem>>) src(%dma_wait3A_267 : memref<20000x64xf32, #tpu.memory_space<hbm>>) dst(%dma_wait3A_261 : memref<128x64xf32, #tpu.memory_space<vmem>>)
    %dma_start3A_268 = arith.constant 0 : i32
    %dma_start3A_269 = arith.constant 156 : i32
    %dma_start3A_270 = arith.constant 0 : i32
    %dma_start3A_271 = arith.constant 0 : i32
    %dma_start3A_272 = tpu.memref_slice %arg12[%dma_start3A_268, %dma_start3A_270, %dma_start3A_271] : memref<6x128x64xf32, #tpu.memory_space<vmem>> -> memref<1x128x64xf32, #tpu.memory_space<vmem>>
    %dma_start3A_273 = tpu.memref_squeeze %dma_start3A_272 : memref<1x128x64xf32, #tpu.memory_space<vmem>> -> memref<128x64xf32, #tpu.memory_space<vmem>>
    %dma_start3A_274 = arith.constant 0 : i32
    %dma_start3A_275 = tpu.memref_slice %arg11[%dma_start3A_269, %dma_start3A_274] : memref<157x128xi32, #tpu.memory_space<vmem>> -> memref<1x128xi32, #tpu.memory_space<vmem>>
    %dma_start3A_276 = tpu.memref_squeeze %dma_start3A_275 : memref<1x128xi32, #tpu.memory_space<vmem>> -> memref<128xi32, #tpu.memory_space<vmem>>
    %dma_start3A_277 = arith.constant 0 : i32
    %dma_start3A_278 = arith.constant 0 : i32
    %dma_start3A_279 = tpu.memref_slice %arg13[%dma_start3A_277, %dma_start3A_278] : memref<10240x64xf32, #tpu.memory_space<vmem_shared>> -> memref<10240x64xf32, #tpu.memory_space<vmem_shared>>
    tpu.enqueue_indirect_dma source(%dma_start3A_273 : memref<128x64xf32, #tpu.memory_space<vmem>>) target(%dma_start3A_279 : memref<10240x64xf32, #tpu.memory_space<vmem_shared>>) offsets(%dma_start3A_276 : memref<128xi32, #tpu.memory_space<vmem>>) semaphore(%arg20 : memref<!tpu.dma_semaphore, #tpu.memory_space<semaphore_mem>>) {add = true}
    %dma_wait3A_280 = arith.constant 1 : i32
    %dma_wait3A_281 = arith.constant 151 : i32
    %dma_wait3A_282 = arith.constant 0 : i32
    %dma_wait3A_283 = arith.constant 0 : i32
    %dma_wait3A_284 = tpu.memref_slice %arg12[%dma_wait3A_280, %dma_wait3A_282, %dma_wait3A_283] : memref<6x128x64xf32, #tpu.memory_space<vmem>> -> memref<1x128x64xf32, #tpu.memory_space<vmem>>
    %dma_wait3A_285 = tpu.memref_squeeze %dma_wait3A_284 : memref<1x128x64xf32, #tpu.memory_space<vmem>> -> memref<128x64xf32, #tpu.memory_space<vmem>>
    %dma_wait3A_286 = arith.constant 0 : i32
    %dma_wait3A_287 = tpu.memref_slice %arg11[%dma_wait3A_281, %dma_wait3A_286] : memref<157x128xi32, #tpu.memory_space<vmem>> -> memref<1x128xi32, #tpu.memory_space<vmem>>
    %dma_wait3A_288 = tpu.memref_squeeze %dma_wait3A_287 : memref<1x128xi32, #tpu.memory_space<vmem>> -> memref<128xi32, #tpu.memory_space<vmem>>
    %dma_wait3A_289 = arith.constant 0 : i32
    %dma_wait3A_290 = arith.constant 0 : i32
    %dma_wait3A_291 = tpu.memref_slice %arg13[%dma_wait3A_289, %dma_wait3A_290] : memref<10240x64xf32, #tpu.memory_space<vmem_shared>> -> memref<10240x64xf32, #tpu.memory_space<vmem_shared>>
    tpu.wait_indirect_dma semaphore(%arg21 : memref<!tpu.dma_semaphore, #tpu.memory_space<semaphore_mem>>) src(%dma_wait3A_285 : memref<128x64xf32, #tpu.memory_space<vmem>>) dst(%dma_wait3A_291 : memref<10240x64xf32, #tpu.memory_space<vmem_shared>>)
    %dma_wait3A_292 = arith.constant 2 : i32
    %dma_wait3A_293 = arith.constant 152 : i32
    %dma_wait3A_294 = arith.constant 0 : i32
    %dma_wait3A_295 = arith.constant 0 : i32
    %dma_wait3A_296 = tpu.memref_slice %arg12[%dma_wait3A_292, %dma_wait3A_294, %dma_wait3A_295] : memref<6x128x64xf32, #tpu.memory_space<vmem>> -> memref<1x128x64xf32, #tpu.memory_space<vmem>>
    %dma_wait3A_297 = tpu.memref_squeeze %dma_wait3A_296 : memref<1x128x64xf32, #tpu.memory_space<vmem>> -> memref<128x64xf32, #tpu.memory_space<vmem>>
    %dma_wait3A_298 = arith.constant 0 : i32
    %dma_wait3A_299 = tpu.memref_slice %arg11[%dma_wait3A_293, %dma_wait3A_298] : memref<157x128xi32, #tpu.memory_space<vmem>> -> memref<1x128xi32, #tpu.memory_space<vmem>>
    %dma_wait3A_300 = tpu.memref_squeeze %dma_wait3A_299 : memref<1x128xi32, #tpu.memory_space<vmem>> -> memref<128xi32, #tpu.memory_space<vmem>>
    %dma_wait3A_301 = arith.constant 0 : i32
    %dma_wait3A_302 = arith.constant 0 : i32
    %dma_wait3A_303 = tpu.memref_slice %arg13[%dma_wait3A_301, %dma_wait3A_302] : memref<10240x64xf32, #tpu.memory_space<vmem_shared>> -> memref<10240x64xf32, #tpu.memory_space<vmem_shared>>
    tpu.wait_indirect_dma semaphore(%arg22 : memref<!tpu.dma_semaphore, #tpu.memory_space<semaphore_mem>>) src(%dma_wait3A_297 : memref<128x64xf32, #tpu.memory_space<vmem>>) dst(%dma_wait3A_303 : memref<10240x64xf32, #tpu.memory_space<vmem_shared>>)
    %dma_wait3A_304 = arith.constant 3 : i32
    %dma_wait3A_305 = arith.constant 153 : i32
    %dma_wait3A_306 = arith.constant 0 : i32
    %dma_wait3A_307 = arith.constant 0 : i32
    %dma_wait3A_308 = tpu.memref_slice %arg12[%dma_wait3A_304, %dma_wait3A_306, %dma_wait3A_307] : memref<6x128x64xf32, #tpu.memory_space<vmem>> -> memref<1x128x64xf32, #tpu.memory_space<vmem>>
    %dma_wait3A_309 = tpu.memref_squeeze %dma_wait3A_308 : memref<1x128x64xf32, #tpu.memory_space<vmem>> -> memref<128x64xf32, #tpu.memory_space<vmem>>
    %dma_wait3A_310 = arith.constant 0 : i32
    %dma_wait3A_311 = tpu.memref_slice %arg11[%dma_wait3A_305, %dma_wait3A_310] : memref<157x128xi32, #tpu.memory_space<vmem>> -> memref<1x128xi32, #tpu.memory_space<vmem>>
    %dma_wait3A_312 = tpu.memref_squeeze %dma_wait3A_311 : memref<1x128xi32, #tpu.memory_space<vmem>> -> memref<128xi32, #tpu.memory_space<vmem>>
    %dma_wait3A_313 = arith.constant 0 : i32
    %dma_wait3A_314 = arith.constant 0 : i32
    %dma_wait3A_315 = tpu.memref_slice %arg13[%dma_wait3A_313, %dma_wait3A_314] : memref<10240x64xf32, #tpu.memory_space<vmem_shared>> -> memref<10240x64xf32, #tpu.memory_space<vmem_shared>>
    tpu.wait_indirect_dma semaphore(%arg23 : memref<!tpu.dma_semaphore, #tpu.memory_space<semaphore_mem>>) src(%dma_wait3A_309 : memref<128x64xf32, #tpu.memory_space<vmem>>) dst(%dma_wait3A_315 : memref<10240x64xf32, #tpu.memory_space<vmem_shared>>)
    %dma_wait3A_316 = arith.constant 4 : i32
    %dma_wait3A_317 = arith.constant 154 : i32
    %dma_wait3A_318 = arith.constant 0 : i32
    %dma_wait3A_319 = arith.constant 0 : i32
    %dma_wait3A_320 = tpu.memref_slice %arg12[%dma_wait3A_316, %dma_wait3A_318, %dma_wait3A_319] : memref<6x128x64xf32, #tpu.memory_space<vmem>> -> memref<1x128x64xf32, #tpu.memory_space<vmem>>
    %dma_wait3A_321 = tpu.memref_squeeze %dma_wait3A_320 : memref<1x128x64xf32, #tpu.memory_space<vmem>> -> memref<128x64xf32, #tpu.memory_space<vmem>>
    %dma_wait3A_322 = arith.constant 0 : i32
    %dma_wait3A_323 = tpu.memref_slice %arg11[%dma_wait3A_317, %dma_wait3A_322] : memref<157x128xi32, #tpu.memory_space<vmem>> -> memref<1x128xi32, #tpu.memory_space<vmem>>
    %dma_wait3A_324 = tpu.memref_squeeze %dma_wait3A_323 : memref<1x128xi32, #tpu.memory_space<vmem>> -> memref<128xi32, #tpu.memory_space<vmem>>
    %dma_wait3A_325 = arith.constant 0 : i32
    %dma_wait3A_326 = arith.constant 0 : i32
    %dma_wait3A_327 = tpu.memref_slice %arg13[%dma_wait3A_325, %dma_wait3A_326] : memref<10240x64xf32, #tpu.memory_space<vmem_shared>> -> memref<10240x64xf32, #tpu.memory_space<vmem_shared>>
    tpu.wait_indirect_dma semaphore(%arg24 : memref<!tpu.dma_semaphore, #tpu.memory_space<semaphore_mem>>) src(%dma_wait3A_321 : memref<128x64xf32, #tpu.memory_space<vmem>>) dst(%dma_wait3A_327 : memref<10240x64xf32, #tpu.memory_space<vmem_shared>>)
    %dma_wait3A_328 = arith.constant 5 : i32
    %dma_wait3A_329 = arith.constant 155 : i32
    %dma_wait3A_330 = arith.constant 0 : i32
    %dma_wait3A_331 = arith.constant 0 : i32
    %dma_wait3A_332 = tpu.memref_slice %arg12[%dma_wait3A_328, %dma_wait3A_330, %dma_wait3A_331] : memref<6x128x64xf32, #tpu.memory_space<vmem>> -> memref<1x128x64xf32, #tpu.memory_space<vmem>>
    %dma_wait3A_333 = tpu.memref_squeeze %dma_wait3A_332 : memref<1x128x64xf32, #tpu.memory_space<vmem>> -> memref<128x64xf32, #tpu.memory_space<vmem>>
    %dma_wait3A_334 = arith.constant 0 : i32
    %dma_wait3A_335 = tpu.memref_slice %arg11[%dma_wait3A_329, %dma_wait3A_334] : memref<157x128xi32, #tpu.memory_space<vmem>> -> memref<1x128xi32, #tpu.memory_space<vmem>>
    %dma_wait3A_336 = tpu.memref_squeeze %dma_wait3A_335 : memref<1x128xi32, #tpu.memory_space<vmem>> -> memref<128xi32, #tpu.memory_space<vmem>>
    %dma_wait3A_337 = arith.constant 0 : i32
    %dma_wait3A_338 = arith.constant 0 : i32
    %dma_wait3A_339 = tpu.memref_slice %arg13[%dma_wait3A_337, %dma_wait3A_338] : memref<10240x64xf32, #tpu.memory_space<vmem_shared>> -> memref<10240x64xf32, #tpu.memory_space<vmem_shared>>
    tpu.wait_indirect_dma semaphore(%arg25 : memref<!tpu.dma_semaphore, #tpu.memory_space<semaphore_mem>>) src(%dma_wait3A_333 : memref<128x64xf32, #tpu.memory_space<vmem>>) dst(%dma_wait3A_339 : memref<10240x64xf32, #tpu.memory_space<vmem_shared>>)
    %dma_wait3A_340 = arith.constant 0 : i32
    %dma_wait3A_341 = arith.constant 156 : i32
    %dma_wait3A_342 = arith.constant 0 : i32
    %dma_wait3A_343 = arith.constant 0 : i32
    %dma_wait3A_344 = tpu.memref_slice %arg12[%dma_wait3A_340, %dma_wait3A_342, %dma_wait3A_343] : memref<6x128x64xf32, #tpu.memory_space<vmem>> -> memref<1x128x64xf32, #tpu.memory_space<vmem>>
    %dma_wait3A_345 = tpu.memref_squeeze %dma_wait3A_344 : memref<1x128x64xf32, #tpu.memory_space<vmem>> -> memref<128x64xf32, #tpu.memory_space<vmem>>
    %dma_wait3A_346 = arith.constant 0 : i32
    %dma_wait3A_347 = tpu.memref_slice %arg11[%dma_wait3A_341, %dma_wait3A_346] : memref<157x128xi32, #tpu.memory_space<vmem>> -> memref<1x128xi32, #tpu.memory_space<vmem>>
    %dma_wait3A_348 = tpu.memref_squeeze %dma_wait3A_347 : memref<1x128xi32, #tpu.memory_space<vmem>> -> memref<128xi32, #tpu.memory_space<vmem>>
    %dma_wait3A_349 = arith.constant 0 : i32
    %dma_wait3A_350 = arith.constant 0 : i32
    %dma_wait3A_351 = tpu.memref_slice %arg13[%dma_wait3A_349, %dma_wait3A_350] : memref<10240x64xf32, #tpu.memory_space<vmem_shared>> -> memref<10240x64xf32, #tpu.memory_space<vmem_shared>>
    tpu.wait_indirect_dma semaphore(%arg20 : memref<!tpu.dma_semaphore, #tpu.memory_space<semaphore_mem>>) src(%dma_wait3A_345 : memref<128x64xf32, #tpu.memory_space<vmem>>) dst(%dma_wait3A_351 : memref<10240x64xf32, #tpu.memory_space<vmem_shared>>)
    %barrier3A_352 = arith.constant 0 : index
    tpu.barrier barrier_id(%barrier3A_352)
    %eq3A_353 = arith.constant 0 : i32
    %eq3A_354 = arith.cmpi eq, %arg0, %eq3A_353 : i32
    %convert_element_type3A_355 = arith.extui %eq3A_354 : i1 to i32
    %cond3A_356 = arith.constant 0 : i32
    %cond3A_357 = arith.cmpi ne, %convert_element_type3A_355, %cond3A_356 : i32
    scf.if %cond3A_357 {
      %mul3A = arith.constant 640 : i32
      %mul3A_363 = arith.muli %arg1, %mul3A : i32
      %mul3A_364 = arith.constant 640 : i32
      %mul3A_365 = arith.muli %arg1, %mul3A_364 : i32
      "tpu.region"() ({
        %run_scoped3A = tpu.sem_alloc : memref<!tpu.dma_semaphore, #tpu.memory_space<semaphore_mem>>
        %dma_start3A_366 = arith.constant 0 : i32
        %dma_start3A_367 = tpu.memref_slice %arg9[%mul3A_365, %dma_start3A_366] : memref<10240x128xf32, #tpu.memory_space<hbm>> -> memref<640x64xf32, #tpu.memory_space<hbm>>
        %dma_start3A_368 = arith.constant 0 : i32
        %dma_start3A_369 = tpu.memref_slice %arg13[%mul3A_363, %dma_start3A_368] : memref<10240x64xf32, #tpu.memory_space<vmem_shared>> -> memref<640x64xf32, #tpu.memory_space<vmem_shared>>
        tpu.enqueue_dma source(%dma_start3A_369 : memref<640x64xf32, #tpu.memory_space<vmem_shared>>) target(%dma_start3A_367 : memref<640x64xf32, #tpu.memory_space<hbm>>) target_semaphore(%run_scoped3A : memref<!tpu.dma_semaphore, #tpu.memory_space<semaphore_mem>>)
        %dma_wait3A_370 = arith.constant 0 : i32
        %dma_wait3A_371 = tpu.memref_slice %arg9[%mul3A_365, %dma_wait3A_370] : memref<10240x128xf32, #tpu.memory_space<hbm>> -> memref<640x64xf32, #tpu.memory_space<hbm>>
        %dma_wait3A_372 = arith.constant 0 : i32
        %dma_wait3A_373 = tpu.memref_slice %arg13[%mul3A_363, %dma_wait3A_372] : memref<10240x64xf32, #tpu.memory_space<vmem_shared>> -> memref<640x64xf32, #tpu.memory_space<vmem_shared>>
        tpu.wait_dma2 semaphore(%run_scoped3A : memref<!tpu.dma_semaphore, #tpu.memory_space<semaphore_mem>>) src(%dma_wait3A_373 : memref<640x64xf32, #tpu.memory_space<vmem_shared>>) dst(%dma_wait3A_371 : memref<640x64xf32, #tpu.memory_space<hbm>>)
        tpu.yield
      }) : () -> ()
    } else {
    }
    %eq3A_358 = arith.constant 1 : i32
    %eq3A_359 = arith.cmpi eq, %arg0, %eq3A_358 : i32
    %convert_element_type3A_360 = arith.extui %eq3A_359 : i1 to i32
    %cond3A_361 = arith.constant 0 : i32
    %cond3A_362 = arith.cmpi ne, %convert_element_type3A_360, %cond3A_361 : i32
    scf.if %cond3A_362 {
      %mul3A = arith.constant 640 : i32
      %mul3A_363 = arith.muli %arg1, %mul3A : i32
      %mul3A_364 = arith.constant 640 : i32
      %mul3A_365 = arith.muli %arg1, %mul3A_364 : i32
      "tpu.region"() ({
        %run_scoped3A = tpu.sem_alloc : memref<!tpu.dma_semaphore, #tpu.memory_space<semaphore_mem>>
        %dma_start3A_366 = arith.constant 64 : i32
        %dma_start3A_367 = tpu.memref_slice %arg9[%mul3A_365, %dma_start3A_366] : memref<10240x128xf32, #tpu.memory_space<hbm>> -> memref<640x64xf32, #tpu.memory_space<hbm>>
        %dma_start3A_368 = arith.constant 0 : i32
        %dma_start3A_369 = tpu.memref_slice %arg13[%mul3A_363, %dma_start3A_368] : memref<10240x64xf32, #tpu.memory_space<vmem_shared>> -> memref<640x64xf32, #tpu.memory_space<vmem_shared>>
        tpu.enqueue_dma source(%dma_start3A_369 : memref<640x64xf32, #tpu.memory_space<vmem_shared>>) target(%dma_start3A_367 : memref<640x64xf32, #tpu.memory_space<hbm>>) target_semaphore(%run_scoped3A : memref<!tpu.dma_semaphore, #tpu.memory_space<semaphore_mem>>)
        %dma_wait3A_370 = arith.constant 64 : i32
        %dma_wait3A_371 = tpu.memref_slice %arg9[%mul3A_365, %dma_wait3A_370] : memref<10240x128xf32, #tpu.memory_space<hbm>> -> memref<640x64xf32, #tpu.memory_space<hbm>>
        %dma_wait3A_372 = arith.constant 0 : i32
        %dma_wait3A_373 = tpu.memref_slice %arg13[%mul3A_363, %dma_wait3A_372] : memref<10240x64xf32, #tpu.memory_space<vmem_shared>> -> memref<640x64xf32, #tpu.memory_space<vmem_shared>>
        tpu.wait_dma2 semaphore(%run_scoped3A : memref<!tpu.dma_semaphore, #tpu.memory_space<semaphore_mem>>) src(%dma_wait3A_373 : memref<640x64xf32, #tpu.memory_space<vmem_shared>>) dst(%dma_wait3A_371 : memref<640x64xf32, #tpu.memory_space<hbm>>)
        tpu.yield
      }) : () -> ()
    } else {
    }
    return
  }
}

#map = affine_map<(d0, d1) -> (0, 0)>
#map1 = affine_map<(d0, d1) -> (0, 0, 0)>
module attributes {stable_mosaic.version = 14 : i64} {
  func.func @body(%arg0: i32, %arg1: i32, %arg2: memref<20000x64xf32, #tpu.memory_space<hbm>>, %arg3: memref<16x157x128xi32, #tpu.memory_space<hbm>>, %arg4: memref<16x157x128xi32, #tpu.memory_space<hbm>>, %arg5: memref<16x157x128xi32, #tpu.memory_space<hbm>>, %arg6: memref<64x64xf32, #tpu.memory_space<hbm>>, %arg7: memref<640x16xf32, #tpu.memory_space<hbm>>, %arg8: memref<128x16xf32, #tpu.memory_space<hbm>>, %arg9: memref<10240x128xf32, #tpu.memory_space<hbm>>, %arg10: memref<157x128xi32, #tpu.memory_space<vmem>>, %arg11: memref<157x128xi32, #tpu.memory_space<vmem>>, %arg12: memref<6x128x64xf32, #tpu.memory_space<vmem>>, %arg13: memref<10240x64xf32, #tpu.memory_space<vmem_shared>>, %arg14: memref<!tpu.dma_semaphore, #tpu.memory_space<semaphore_mem>>, %arg15: memref<!tpu.dma_semaphore, #tpu.memory_space<semaphore_mem>>, %arg16: memref<!tpu.dma_semaphore, #tpu.memory_space<semaphore_mem>>, %arg17: memref<!tpu.dma_semaphore, #tpu.memory_space<semaphore_mem>>, %arg18: memref<!tpu.dma_semaphore, #tpu.memory_space<semaphore_mem>>, %arg19: memref<!tpu.dma_semaphore, #tpu.memory_space<semaphore_mem>>, %arg20: memref<!tpu.dma_semaphore, #tpu.memory_space<semaphore_mem>>, %arg21: memref<!tpu.dma_semaphore, #tpu.memory_space<semaphore_mem>>, %arg22: memref<!tpu.dma_semaphore, #tpu.memory_space<semaphore_mem>>, %arg23: memref<!tpu.dma_semaphore, #tpu.memory_space<semaphore_mem>>, %arg24: memref<!tpu.dma_semaphore, #tpu.memory_space<semaphore_mem>>, %arg25: memref<!tpu.dma_semaphore, #tpu.memory_space<semaphore_mem>>) attributes {dimension_semantics = [#tpu.dimension_semantics<core_parallel>, #tpu.dimension_semantics<subcore_parallel>], iteration_bounds = array<i64: 2, 16>, scalar_prefetch = 0 : i64, scratch_operands = 16 : i64, tpu.core_type = #tpu.core_type<sc_vector_subcore>, window_params = [{transform_indices = #map}, {transform_indices = #map1}, {transform_indices = #map1}, {transform_indices = #map1}, {transform_indices = #map}, {transform_indices = #map}, {transform_indices = #map}, {transform_indices = #map}]} {
    %scan3A = arith.constant 0 : i32
    %scan3A_0 = arith.constant 0 : i32
    %scan3A_1 = arith.constant 10 : i32
    %scan3A_2 = arith.addi %scan3A_0, %scan3A_1 : i32
    %scan3A_3 = arith.constant 1 : i32
    scf.for %scan3A_363 = %scan3A_0 to %scan3A_2 step %scan3A_3  : i32 {
      %mul3A = arith.constant 640 : i32
      %mul3A_364 = arith.muli %arg1, %mul3A : i32
      %mul3A_365 = arith.constant 64 : i32
      %mul3A_366 = arith.muli %scan3A_363, %mul3A_365 : i32
      %add3A = arith.addi %mul3A_364, %mul3A_366 : i32
      "tpu.region"() ({
        %run_scoped3A = tpu.sem_alloc : memref<!tpu.dma_semaphore, #tpu.memory_space<semaphore_mem>>
        %dma_start3A_367 = arith.constant 0 : i32
        %dma_start3A_368 = tpu.memref_slice %arg13[%add3A, %dma_start3A_367] : memref<10240x64xf32, #tpu.memory_space<vmem_shared>> -> memref<64x64xf32, #tpu.memory_space<vmem_shared>>
        tpu.enqueue_dma source(%arg6 : memref<64x64xf32, #tpu.memory_space<hbm>>) target(%dma_start3A_368 : memref<64x64xf32, #tpu.memory_space<vmem_shared>>) target_semaphore(%run_scoped3A : memref<!tpu.dma_semaphore, #tpu.memory_space<semaphore_mem>>)
        %dma_wait3A_369 = arith.constant 0 : i32
        %dma_wait3A_370 = tpu.memref_slice %arg13[%add3A, %dma_wait3A_369] : memref<10240x64xf32, #tpu.memory_space<vmem_shared>> -> memref<64x64xf32, #tpu.memory_space<vmem_shared>>
        tpu.wait_dma2 semaphore(%run_scoped3A : memref<!tpu.dma_semaphore, #tpu.memory_space<semaphore_mem>>) src(%arg6 : memref<64x64xf32, #tpu.memory_space<hbm>>) dst(%dma_wait3A_370 : memref<64x64xf32, #tpu.memory_space<vmem_shared>>)
        tpu.yield
      }) : () -> ()
    }
    %scan3A_4 = arith.constant 10 : i32
    %barrier3A = arith.constant 0 : index
    tpu.barrier barrier_id(%barrier3A)
    %eq3A = arith.constant 0 : i32
    %eq3A_5 = arith.cmpi eq, %arg0, %eq3A : i32
    %convert_element_type3A = arith.extui %eq3A_5 : i1 to i32
    %cond3A = arith.constant 0 : i32
    %cond3A_6 = arith.cmpi ne, %convert_element_type3A, %cond3A : i32
    scf.if %cond3A_6 {
      "tpu.region"() ({
        %run_scoped3A = tpu.sem_alloc : memref<!tpu.dma_semaphore, #tpu.memory_space<semaphore_mem>>
        %dma_start3A_363 = arith.constant 0 : i32
        %dma_start3A_364 = arith.constant 0 : i32
        %dma_start3A_365 = tpu.memref_slice %arg3[%arg1, %dma_start3A_363, %dma_start3A_364] : memref<16x157x128xi32, #tpu.memory_space<hbm>> -> memref<1x157x128xi32, #tpu.memory_space<hbm>>
        %dma_start3A_366 = tpu.memref_squeeze %dma_start3A_365 : memref<1x157x128xi32, #tpu.memory_space<hbm>> -> memref<157x128xi32, #tpu.memory_space<hbm>>
        %dma_start3A_367 = arith.constant 0 : i32
        %dma_start3A_368 = arith.constant 0 : i32
        %dma_start3A_369 = tpu.memref_slice %arg3[%arg1, %dma_start3A_367, %dma_start3A_368] : memref<16x157x128xi32, #tpu.memory_space<hbm>> -> memref<1x157x128xi32, #tpu.memory_space<hbm>>
        %dma_start3A_370 = tpu.memref_squeeze %dma_start3A_369 : memref<1x157x128xi32, #tpu.memory_space<hbm>> -> memref<157x128xi32, #tpu.memory_space<hbm>>
        tpu.enqueue_dma source(%dma_start3A_370 : memref<157x128xi32, #tpu.memory_space<hbm>>) target(%arg10 : memref<157x128xi32, #tpu.memory_space<vmem>>) target_semaphore(%run_scoped3A : memref<!tpu.dma_semaphore, #tpu.memory_space<semaphore_mem>>)
        %dma_wait3A_371 = arith.constant 0 : i32
        %dma_wait3A_372 = arith.constant 0 : i32
        %dma_wait3A_373 = tpu.memref_slice %arg3[%arg1, %dma_wait3A_371, %dma_wait3A_372] : memref<16x157x128xi32, #tpu.memory_space<hbm>> -> memref<1x157x128xi32, #tpu.memory_space<hbm>>
        %dma_wait3A_374 = tpu.memref_squeeze %dma_wait3A_373 : memref<1x157x128xi32, #tpu.memory_space<hbm>> -> memref<157x128xi32, #tpu.memory_space<hbm>>
        %dma_wait3A_375 = arith.constant 0 : i32
        %dma_wait3A_376 = arith.constant 0 : i32
        %dma_wait3A_377 = tpu.memref_slice %arg3[%arg1, %dma_wait3A_375, %dma_wait3A_376] : memref<16x157x128xi32, #tpu.memory_space<hbm>> -> memref<1x157x128xi32, #tpu.memory_space<hbm>>
        %dma_wait3A_378 = tpu.memref_squeeze %dma_wait3A_377 : memref<1x157x128xi32, #tpu.memory_space<hbm>> -> memref<157x128xi32, #tpu.memory_space<hbm>>
        tpu.wait_dma2 semaphore(%run_scoped3A : memref<!tpu.dma_semaphore, #tpu.memory_space<semaphore_mem>>) src(%dma_wait3A_378 : memref<157x128xi32, #tpu.memory_space<hbm>>) dst(%arg10 : memref<157x128xi32, #tpu.memory_space<vmem>>)
        tpu.yield
      }) : () -> ()
    } else {
    }
    %eq3A_7 = arith.constant 1 : i32
    %eq3A_8 = arith.cmpi eq, %arg0, %eq3A_7 : i32
    %convert_element_type3A_9 = arith.extui %eq3A_8 : i1 to i32
    %cond3A_10 = arith.constant 0 : i32
    %cond3A_11 = arith.cmpi ne, %convert_element_type3A_9, %cond3A_10 : i32
    scf.if %cond3A_11 {
      "tpu.region"() ({
        %run_scoped3A = tpu.sem_alloc : memref<!tpu.dma_semaphore, #tpu.memory_space<semaphore_mem>>
        %dma_start3A_363 = arith.constant 0 : i32
        %dma_start3A_364 = arith.constant 0 : i32
        %dma_start3A_365 = tpu.memref_slice %arg4[%arg1, %dma_start3A_363, %dma_start3A_364] : memref<16x157x128xi32, #tpu.memory_space<hbm>> -> memref<1x157x128xi32, #tpu.memory_space<hbm>>
        %dma_start3A_366 = tpu.memref_squeeze %dma_start3A_365 : memref<1x157x128xi32, #tpu.memory_space<hbm>> -> memref<157x128xi32, #tpu.memory_space<hbm>>
        %dma_start3A_367 = arith.constant 0 : i32
        %dma_start3A_368 = arith.constant 0 : i32
        %dma_start3A_369 = tpu.memref_slice %arg4[%arg1, %dma_start3A_367, %dma_start3A_368] : memref<16x157x128xi32, #tpu.memory_space<hbm>> -> memref<1x157x128xi32, #tpu.memory_space<hbm>>
        %dma_start3A_370 = tpu.memref_squeeze %dma_start3A_369 : memref<1x157x128xi32, #tpu.memory_space<hbm>> -> memref<157x128xi32, #tpu.memory_space<hbm>>
        tpu.enqueue_dma source(%dma_start3A_370 : memref<157x128xi32, #tpu.memory_space<hbm>>) target(%arg10 : memref<157x128xi32, #tpu.memory_space<vmem>>) target_semaphore(%run_scoped3A : memref<!tpu.dma_semaphore, #tpu.memory_space<semaphore_mem>>)
        %dma_wait3A_371 = arith.constant 0 : i32
        %dma_wait3A_372 = arith.constant 0 : i32
        %dma_wait3A_373 = tpu.memref_slice %arg4[%arg1, %dma_wait3A_371, %dma_wait3A_372] : memref<16x157x128xi32, #tpu.memory_space<hbm>> -> memref<1x157x128xi32, #tpu.memory_space<hbm>>
        %dma_wait3A_374 = tpu.memref_squeeze %dma_wait3A_373 : memref<1x157x128xi32, #tpu.memory_space<hbm>> -> memref<157x128xi32, #tpu.memory_space<hbm>>
        %dma_wait3A_375 = arith.constant 0 : i32
        %dma_wait3A_376 = arith.constant 0 : i32
        %dma_wait3A_377 = tpu.memref_slice %arg4[%arg1, %dma_wait3A_375, %dma_wait3A_376] : memref<16x157x128xi32, #tpu.memory_space<hbm>> -> memref<1x157x128xi32, #tpu.memory_space<hbm>>
        %dma_wait3A_378 = tpu.memref_squeeze %dma_wait3A_377 : memref<1x157x128xi32, #tpu.memory_space<hbm>> -> memref<157x128xi32, #tpu.memory_space<hbm>>
        tpu.wait_dma2 semaphore(%run_scoped3A : memref<!tpu.dma_semaphore, #tpu.memory_space<semaphore_mem>>) src(%dma_wait3A_378 : memref<157x128xi32, #tpu.memory_space<hbm>>) dst(%arg10 : memref<157x128xi32, #tpu.memory_space<vmem>>)
        tpu.yield
      }) : () -> ()
    } else {
    }
    "tpu.region"() ({
      %run_scoped3A = tpu.sem_alloc : memref<!tpu.dma_semaphore, #tpu.memory_space<semaphore_mem>>
      %dma_start3A_363 = arith.constant 0 : i32
      %dma_start3A_364 = arith.constant 0 : i32
      %dma_start3A_365 = tpu.memref_slice %arg5[%arg1, %dma_start3A_363, %dma_start3A_364] : memref<16x157x128xi32, #tpu.memory_space<hbm>> -> memref<1x157x128xi32, #tpu.memory_space<hbm>>
      %dma_start3A_366 = tpu.memref_squeeze %dma_start3A_365 : memref<1x157x128xi32, #tpu.memory_space<hbm>> -> memref<157x128xi32, #tpu.memory_space<hbm>>
      %dma_start3A_367 = arith.constant 0 : i32
      %dma_start3A_368 = arith.constant 0 : i32
      %dma_start3A_369 = tpu.memref_slice %arg5[%arg1, %dma_start3A_367, %dma_start3A_368] : memref<16x157x128xi32, #tpu.memory_space<hbm>> -> memref<1x157x128xi32, #tpu.memory_space<hbm>>
      %dma_start3A_370 = tpu.memref_squeeze %dma_start3A_369 : memref<1x157x128xi32, #tpu.memory_space<hbm>> -> memref<157x128xi32, #tpu.memory_space<hbm>>
      tpu.enqueue_dma source(%dma_start3A_370 : memref<157x128xi32, #tpu.memory_space<hbm>>) target(%arg11 : memref<157x128xi32, #tpu.memory_space<vmem>>) target_semaphore(%run_scoped3A : memref<!tpu.dma_semaphore, #tpu.memory_space<semaphore_mem>>)
      %dma_wait3A_371 = arith.constant 0 : i32
      %dma_wait3A_372 = arith.constant 0 : i32
      %dma_wait3A_373 = tpu.memref_slice %arg5[%arg1, %dma_wait3A_371, %dma_wait3A_372] : memref<16x157x128xi32, #tpu.memory_space<hbm>> -> memref<1x157x128xi32, #tpu.memory_space<hbm>>
      %dma_wait3A_374 = tpu.memref_squeeze %dma_wait3A_373 : memref<1x157x128xi32, #tpu.memory_space<hbm>> -> memref<157x128xi32, #tpu.memory_space<hbm>>
      %dma_wait3A_375 = arith.constant 0 : i32
      %dma_wait3A_376 = arith.constant 0 : i32
      %dma_wait3A_377 = tpu.memref_slice %arg5[%arg1, %dma_wait3A_375, %dma_wait3A_376] : memref<16x157x128xi32, #tpu.memory_space<hbm>> -> memref<1x157x128xi32, #tpu.memory_space<hbm>>
      %dma_wait3A_378 = tpu.memref_squeeze %dma_wait3A_377 : memref<1x157x128xi32, #tpu.memory_space<hbm>> -> memref<157x128xi32, #tpu.memory_space<hbm>>
      tpu.wait_dma2 semaphore(%run_scoped3A : memref<!tpu.dma_semaphore, #tpu.memory_space<semaphore_mem>>) src(%dma_wait3A_378 : memref<157x128xi32, #tpu.memory_space<hbm>>) dst(%arg11 : memref<157x128xi32, #tpu.memory_space<vmem>>)
      tpu.yield
    }) : () -> ()
    %dma_start3A = arith.constant 0 : i32
    %dma_start3A_12 = arith.constant 0 : i32
    %dma_start3A_13 = arith.constant 0 : i32
    %dma_start3A_14 = arith.constant 0 : i32
    %dma_start3A_15 = tpu.memref_slice %arg12[%dma_start3A_12, %dma_start3A_13, %dma_start3A_14] : memref<6x128x64xf32, #tpu.memory_space<vmem>> -> memref<1x128x64xf32, #tpu.memory_space<vmem>>
    %dma_start3A_16 = tpu.memref_squeeze %dma_start3A_15 : memref<1x128x64xf32, #tpu.memory_space<vmem>> -> memref<128x64xf32, #tpu.memory_space<vmem>>
    %dma_start3A_17 = arith.constant 0 : i32
    %dma_start3A_18 = tpu.memref_slice %arg10[%dma_start3A, %dma_start3A_17] : memref<157x128xi32, #tpu.memory_space<vmem>> -> memref<1x128xi32, #tpu.memory_space<vmem>>
    %dma_start3A_19 = tpu.memref_squeeze %dma_start3A_18 : memref<1x128xi32, #tpu.memory_space<vmem>> -> memref<128xi32, #tpu.memory_space<vmem>>
    %dma_start3A_20 = arith.constant 0 : i32
    %dma_start3A_21 = arith.constant 0 : i32
    %dma_start3A_22 = tpu.memref_slice %arg2[%dma_start3A_20, %dma_start3A_21] : memref<20000x64xf32, #tpu.memory_space<hbm>> -> memref<20000x64xf32, #tpu.memory_space<hbm>>
    tpu.enqueue_indirect_dma source(%dma_start3A_22 : memref<20000x64xf32, #tpu.memory_space<hbm>>) target(%dma_start3A_16 : memref<128x64xf32, #tpu.memory_space<vmem>>) offsets(%dma_start3A_19 : memref<128xi32, #tpu.memory_space<vmem>>) semaphore(%arg14 : memref<!tpu.dma_semaphore, #tpu.memory_space<semaphore_mem>>)
    %dma_start3A_23 = arith.constant 1 : i32
    %dma_start3A_24 = arith.constant 1 : i32
    %dma_start3A_25 = arith.constant 0 : i32
    %dma_start3A_26 = arith.constant 0 : i32
    %dma_start3A_27 = tpu.memref_slice %arg12[%dma_start3A_24, %dma_start3A_25, %dma_start3A_26] : memref<6x128x64xf32, #tpu.memory_space<vmem>> -> memref<1x128x64xf32, #tpu.memory_space<vmem>>
    %dma_start3A_28 = tpu.memref_squeeze %dma_start3A_27 : memref<1x128x64xf32, #tpu.memory_space<vmem>> -> memref<128x64xf32, #tpu.memory_space<vmem>>
    %dma_start3A_29 = arith.constant 0 : i32
    %dma_start3A_30 = tpu.memref_slice %arg10[%dma_start3A_23, %dma_start3A_29] : memref<157x128xi32, #tpu.memory_space<vmem>> -> memref<1x128xi32, #tpu.memory_space<vmem>>
    %dma_start3A_31 = tpu.memref_squeeze %dma_start3A_30 : memref<1x128xi32, #tpu.memory_space<vmem>> -> memref<128xi32, #tpu.memory_space<vmem>>
    %dma_start3A_32 = arith.constant 0 : i32
    %dma_start3A_33 = arith.constant 0 : i32
    %dma_start3A_34 = tpu.memref_slice %arg2[%dma_start3A_32, %dma_start3A_33] : memref<20000x64xf32, #tpu.memory_space<hbm>> -> memref<20000x64xf32, #tpu.memory_space<hbm>>
    tpu.enqueue_indirect_dma source(%dma_start3A_34 : memref<20000x64xf32, #tpu.memory_space<hbm>>) target(%dma_start3A_28 : memref<128x64xf32, #tpu.memory_space<vmem>>) offsets(%dma_start3A_31 : memref<128xi32, #tpu.memory_space<vmem>>) semaphore(%arg15 : memref<!tpu.dma_semaphore, #tpu.memory_space<semaphore_mem>>)
    %dma_start3A_35 = arith.constant 2 : i32
    %dma_start3A_36 = arith.constant 2 : i32
    %dma_start3A_37 = arith.constant 0 : i32
    %dma_start3A_38 = arith.constant 0 : i32
    %dma_start3A_39 = tpu.memref_slice %arg12[%dma_start3A_36, %dma_start3A_37, %dma_start3A_38] : memref<6x128x64xf32, #tpu.memory_space<vmem>> -> memref<1x128x64xf32, #tpu.memory_space<vmem>>
    %dma_start3A_40 = tpu.memref_squeeze %dma_start3A_39 : memref<1x128x64xf32, #tpu.memory_space<vmem>> -> memref<128x64xf32, #tpu.memory_space<vmem>>
    %dma_start3A_41 = arith.constant 0 : i32
    %dma_start3A_42 = tpu.memref_slice %arg10[%dma_start3A_35, %dma_start3A_41] : memref<157x128xi32, #tpu.memory_space<vmem>> -> memref<1x128xi32, #tpu.memory_space<vmem>>
    %dma_start3A_43 = tpu.memref_squeeze %dma_start3A_42 : memref<1x128xi32, #tpu.memory_space<vmem>> -> memref<128xi32, #tpu.memory_space<vmem>>
    %dma_start3A_44 = arith.constant 0 : i32
    %dma_start3A_45 = arith.constant 0 : i32
    %dma_start3A_46 = tpu.memref_slice %arg2[%dma_start3A_44, %dma_start3A_45] : memref<20000x64xf32, #tpu.memory_space<hbm>> -> memref<20000x64xf32, #tpu.memory_space<hbm>>
    tpu.enqueue_indirect_dma source(%dma_start3A_46 : memref<20000x64xf32, #tpu.memory_space<hbm>>) target(%dma_start3A_40 : memref<128x64xf32, #tpu.memory_space<vmem>>) offsets(%dma_start3A_43 : memref<128xi32, #tpu.memory_space<vmem>>) semaphore(%arg16 : memref<!tpu.dma_semaphore, #tpu.memory_space<semaphore_mem>>)
    %dma_wait3A = arith.constant 0 : i32
    %dma_wait3A_47 = arith.constant 0 : i32
    %dma_wait3A_48 = arith.constant 0 : i32
    %dma_wait3A_49 = arith.constant 0 : i32
    %dma_wait3A_50 = tpu.memref_slice %arg12[%dma_wait3A_47, %dma_wait3A_48, %dma_wait3A_49] : memref<6x128x64xf32, #tpu.memory_space<vmem>> -> memref<1x128x64xf32, #tpu.memory_space<vmem>>
    %dma_wait3A_51 = tpu.memref_squeeze %dma_wait3A_50 : memref<1x128x64xf32, #tpu.memory_space<vmem>> -> memref<128x64xf32, #tpu.memory_space<vmem>>
    %dma_wait3A_52 = arith.constant 0 : i32
    %dma_wait3A_53 = tpu.memref_slice %arg10[%dma_wait3A, %dma_wait3A_52] : memref<157x128xi32, #tpu.memory_space<vmem>> -> memref<1x128xi32, #tpu.memory_space<vmem>>
    %dma_wait3A_54 = tpu.memref_squeeze %dma_wait3A_53 : memref<1x128xi32, #tpu.memory_space<vmem>> -> memref<128xi32, #tpu.memory_space<vmem>>
    %dma_wait3A_55 = arith.constant 0 : i32
    %dma_wait3A_56 = arith.constant 0 : i32
    %dma_wait3A_57 = tpu.memref_slice %arg2[%dma_wait3A_55, %dma_wait3A_56] : memref<20000x64xf32, #tpu.memory_space<hbm>> -> memref<20000x64xf32, #tpu.memory_space<hbm>>
    tpu.wait_indirect_dma semaphore(%arg14 : memref<!tpu.dma_semaphore, #tpu.memory_space<semaphore_mem>>) src(%dma_wait3A_57 : memref<20000x64xf32, #tpu.memory_space<hbm>>) dst(%dma_wait3A_51 : memref<128x64xf32, #tpu.memory_space<vmem>>)
    %dma_start3A_58 = arith.constant 0 : i32
    %dma_start3A_59 = arith.constant 0 : i32
    %dma_start3A_60 = arith.constant 0 : i32
    %dma_start3A_61 = arith.constant 0 : i32
    %dma_start3A_62 = tpu.memref_slice %arg12[%dma_start3A_58, %dma_start3A_60, %dma_start3A_61] : memref<6x128x64xf32, #tpu.memory_space<vmem>> -> memref<1x128x64xf32, #tpu.memory_space<vmem>>
    %dma_start3A_63 = tpu.memref_squeeze %dma_start3A_62 : memref<1x128x64xf32, #tpu.memory_space<vmem>> -> memref<128x64xf32, #tpu.memory_space<vmem>>
    %dma_start3A_64 = arith.constant 0 : i32
    %dma_start3A_65 = tpu.memref_slice %arg11[%dma_start3A_59, %dma_start3A_64] : memref<157x128xi32, #tpu.memory_space<vmem>> -> memref<1x128xi32, #tpu.memory_space<vmem>>
    %dma_start3A_66 = tpu.memref_squeeze %dma_start3A_65 : memref<1x128xi32, #tpu.memory_space<vmem>> -> memref<128xi32, #tpu.memory_space<vmem>>
    %dma_start3A_67 = arith.constant 0 : i32
    %dma_start3A_68 = arith.constant 0 : i32
    %dma_start3A_69 = tpu.memref_slice %arg13[%dma_start3A_67, %dma_start3A_68] : memref<10240x64xf32, #tpu.memory_space<vmem_shared>> -> memref<10240x64xf32, #tpu.memory_space<vmem_shared>>
    tpu.enqueue_indirect_dma source(%dma_start3A_63 : memref<128x64xf32, #tpu.memory_space<vmem>>) target(%dma_start3A_69 : memref<10240x64xf32, #tpu.memory_space<vmem_shared>>) offsets(%dma_start3A_66 : memref<128xi32, #tpu.memory_space<vmem>>) semaphore(%arg20 : memref<!tpu.dma_semaphore, #tpu.memory_space<semaphore_mem>>) {add = true}
    %dma_start3A_70 = arith.constant 3 : i32
    %dma_start3A_71 = arith.constant 3 : i32
    %dma_start3A_72 = arith.constant 0 : i32
    %dma_start3A_73 = arith.constant 0 : i32
    %dma_start3A_74 = tpu.memref_slice %arg12[%dma_start3A_71, %dma_start3A_72, %dma_start3A_73] : memref<6x128x64xf32, #tpu.memory_space<vmem>> -> memref<1x128x64xf32, #tpu.memory_space<vmem>>
    %dma_start3A_75 = tpu.memref_squeeze %dma_start3A_74 : memref<1x128x64xf32, #tpu.memory_space<vmem>> -> memref<128x64xf32, #tpu.memory_space<vmem>>
    %dma_start3A_76 = arith.constant 0 : i32
    %dma_start3A_77 = tpu.memref_slice %arg10[%dma_start3A_70, %dma_start3A_76] : memref<157x128xi32, #tpu.memory_space<vmem>> -> memref<1x128xi32, #tpu.memory_space<vmem>>
    %dma_start3A_78 = tpu.memref_squeeze %dma_start3A_77 : memref<1x128xi32, #tpu.memory_space<vmem>> -> memref<128xi32, #tpu.memory_space<vmem>>
    %dma_start3A_79 = arith.constant 0 : i32
    %dma_start3A_80 = arith.constant 0 : i32
    %dma_start3A_81 = tpu.memref_slice %arg2[%dma_start3A_79, %dma_start3A_80] : memref<20000x64xf32, #tpu.memory_space<hbm>> -> memref<20000x64xf32, #tpu.memory_space<hbm>>
    tpu.enqueue_indirect_dma source(%dma_start3A_81 : memref<20000x64xf32, #tpu.memory_space<hbm>>) target(%dma_start3A_75 : memref<128x64xf32, #tpu.memory_space<vmem>>) offsets(%dma_start3A_78 : memref<128xi32, #tpu.memory_space<vmem>>) semaphore(%arg17 : memref<!tpu.dma_semaphore, #tpu.memory_space<semaphore_mem>>)
    %dma_wait3A_82 = arith.constant 1 : i32
    %dma_wait3A_83 = arith.constant 1 : i32
    %dma_wait3A_84 = arith.constant 0 : i32
    %dma_wait3A_85 = arith.constant 0 : i32
    %dma_wait3A_86 = tpu.memref_slice %arg12[%dma_wait3A_83, %dma_wait3A_84, %dma_wait3A_85] : memref<6x128x64xf32, #tpu.memory_space<vmem>> -> memref<1x128x64xf32, #tpu.memory_space<vmem>>
    %dma_wait3A_87 = tpu.memref_squeeze %dma_wait3A_86 : memref<1x128x64xf32, #tpu.memory_space<vmem>> -> memref<128x64xf32, #tpu.memory_space<vmem>>
    %dma_wait3A_88 = arith.constant 0 : i32
    %dma_wait3A_89 = tpu.memref_slice %arg10[%dma_wait3A_82, %dma_wait3A_88] : memref<157x128xi32, #tpu.memory_space<vmem>> -> memref<1x128xi32, #tpu.memory_space<vmem>>
    %dma_wait3A_90 = tpu.memref_squeeze %dma_wait3A_89 : memref<1x128xi32, #tpu.memory_space<vmem>> -> memref<128xi32, #tpu.memory_space<vmem>>
    %dma_wait3A_91 = arith.constant 0 : i32
    %dma_wait3A_92 = arith.constant 0 : i32
    %dma_wait3A_93 = tpu.memref_slice %arg2[%dma_wait3A_91, %dma_wait3A_92] : memref<20000x64xf32, #tpu.memory_space<hbm>> -> memref<20000x64xf32, #tpu.memory_space<hbm>>
    tpu.wait_indirect_dma semaphore(%arg15 : memref<!tpu.dma_semaphore, #tpu.memory_space<semaphore_mem>>) src(%dma_wait3A_93 : memref<20000x64xf32, #tpu.memory_space<hbm>>) dst(%dma_wait3A_87 : memref<128x64xf32, #tpu.memory_space<vmem>>)
    %dma_start3A_94 = arith.constant 1 : i32
    %dma_start3A_95 = arith.constant 1 : i32
    %dma_start3A_96 = arith.constant 0 : i32
    %dma_start3A_97 = arith.constant 0 : i32
    %dma_start3A_98 = tpu.memref_slice %arg12[%dma_start3A_94, %dma_start3A_96, %dma_start3A_97] : memref<6x128x64xf32, #tpu.memory_space<vmem>> -> memref<1x128x64xf32, #tpu.memory_space<vmem>>
    %dma_start3A_99 = tpu.memref_squeeze %dma_start3A_98 : memref<1x128x64xf32, #tpu.memory_space<vmem>> -> memref<128x64xf32, #tpu.memory_space<vmem>>
    %dma_start3A_100 = arith.constant 0 : i32
    %dma_start3A_101 = tpu.memref_slice %arg11[%dma_start3A_95, %dma_start3A_100] : memref<157x128xi32, #tpu.memory_space<vmem>> -> memref<1x128xi32, #tpu.memory_space<vmem>>
    %dma_start3A_102 = tpu.memref_squeeze %dma_start3A_101 : memref<1x128xi32, #tpu.memory_space<vmem>> -> memref<128xi32, #tpu.memory_space<vmem>>
    %dma_start3A_103 = arith.constant 0 : i32
    %dma_start3A_104 = arith.constant 0 : i32
    %dma_start3A_105 = tpu.memref_slice %arg13[%dma_start3A_103, %dma_start3A_104] : memref<10240x64xf32, #tpu.memory_space<vmem_shared>> -> memref<10240x64xf32, #tpu.memory_space<vmem_shared>>
    tpu.enqueue_indirect_dma source(%dma_start3A_99 : memref<128x64xf32, #tpu.memory_space<vmem>>) target(%dma_start3A_105 : memref<10240x64xf32, #tpu.memory_space<vmem_shared>>) offsets(%dma_start3A_102 : memref<128xi32, #tpu.memory_space<vmem>>) semaphore(%arg21 : memref<!tpu.dma_semaphore, #tpu.memory_space<semaphore_mem>>) {add = true}
    %dma_start3A_106 = arith.constant 4 : i32
    %dma_start3A_107 = arith.constant 4 : i32
    %dma_start3A_108 = arith.constant 0 : i32
    %dma_start3A_109 = arith.constant 0 : i32
    %dma_start3A_110 = tpu.memref_slice %arg12[%dma_start3A_107, %dma_start3A_108, %dma_start3A_109] : memref<6x128x64xf32, #tpu.memory_space<vmem>> -> memref<1x128x64xf32, #tpu.memory_space<vmem>>
    %dma_start3A_111 = tpu.memref_squeeze %dma_start3A_110 : memref<1x128x64xf32, #tpu.memory_space<vmem>> -> memref<128x64xf32, #tpu.memory_space<vmem>>
    %dma_start3A_112 = arith.constant 0 : i32
    %dma_start3A_113 = tpu.memref_slice %arg10[%dma_start3A_106, %dma_start3A_112] : memref<157x128xi32, #tpu.memory_space<vmem>> -> memref<1x128xi32, #tpu.memory_space<vmem>>
    %dma_start3A_114 = tpu.memref_squeeze %dma_start3A_113 : memref<1x128xi32, #tpu.memory_space<vmem>> -> memref<128xi32, #tpu.memory_space<vmem>>
    %dma_start3A_115 = arith.constant 0 : i32
    %dma_start3A_116 = arith.constant 0 : i32
    %dma_start3A_117 = tpu.memref_slice %arg2[%dma_start3A_115, %dma_start3A_116] : memref<20000x64xf32, #tpu.memory_space<hbm>> -> memref<20000x64xf32, #tpu.memory_space<hbm>>
    tpu.enqueue_indirect_dma source(%dma_start3A_117 : memref<20000x64xf32, #tpu.memory_space<hbm>>) target(%dma_start3A_111 : memref<128x64xf32, #tpu.memory_space<vmem>>) offsets(%dma_start3A_114 : memref<128xi32, #tpu.memory_space<vmem>>) semaphore(%arg18 : memref<!tpu.dma_semaphore, #tpu.memory_space<semaphore_mem>>)
    %dma_wait3A_118 = arith.constant 2 : i32
    %dma_wait3A_119 = arith.constant 2 : i32
    %dma_wait3A_120 = arith.constant 0 : i32
    %dma_wait3A_121 = arith.constant 0 : i32
    %dma_wait3A_122 = tpu.memref_slice %arg12[%dma_wait3A_119, %dma_wait3A_120, %dma_wait3A_121] : memref<6x128x64xf32, #tpu.memory_space<vmem>> -> memref<1x128x64xf32, #tpu.memory_space<vmem>>
    %dma_wait3A_123 = tpu.memref_squeeze %dma_wait3A_122 : memref<1x128x64xf32, #tpu.memory_space<vmem>> -> memref<128x64xf32, #tpu.memory_space<vmem>>
    %dma_wait3A_124 = arith.constant 0 : i32
    %dma_wait3A_125 = tpu.memref_slice %arg10[%dma_wait3A_118, %dma_wait3A_124] : memref<157x128xi32, #tpu.memory_space<vmem>> -> memref<1x128xi32, #tpu.memory_space<vmem>>
    %dma_wait3A_126 = tpu.memref_squeeze %dma_wait3A_125 : memref<1x128xi32, #tpu.memory_space<vmem>> -> memref<128xi32, #tpu.memory_space<vmem>>
    %dma_wait3A_127 = arith.constant 0 : i32
    %dma_wait3A_128 = arith.constant 0 : i32
    %dma_wait3A_129 = tpu.memref_slice %arg2[%dma_wait3A_127, %dma_wait3A_128] : memref<20000x64xf32, #tpu.memory_space<hbm>> -> memref<20000x64xf32, #tpu.memory_space<hbm>>
    tpu.wait_indirect_dma semaphore(%arg16 : memref<!tpu.dma_semaphore, #tpu.memory_space<semaphore_mem>>) src(%dma_wait3A_129 : memref<20000x64xf32, #tpu.memory_space<hbm>>) dst(%dma_wait3A_123 : memref<128x64xf32, #tpu.memory_space<vmem>>)
    %dma_start3A_130 = arith.constant 2 : i32
    %dma_start3A_131 = arith.constant 2 : i32
    %dma_start3A_132 = arith.constant 0 : i32
    %dma_start3A_133 = arith.constant 0 : i32
    %dma_start3A_134 = tpu.memref_slice %arg12[%dma_start3A_130, %dma_start3A_132, %dma_start3A_133] : memref<6x128x64xf32, #tpu.memory_space<vmem>> -> memref<1x128x64xf32, #tpu.memory_space<vmem>>
    %dma_start3A_135 = tpu.memref_squeeze %dma_start3A_134 : memref<1x128x64xf32, #tpu.memory_space<vmem>> -> memref<128x64xf32, #tpu.memory_space<vmem>>
    %dma_start3A_136 = arith.constant 0 : i32
    %dma_start3A_137 = tpu.memref_slice %arg11[%dma_start3A_131, %dma_start3A_136] : memref<157x128xi32, #tpu.memory_space<vmem>> -> memref<1x128xi32, #tpu.memory_space<vmem>>
    %dma_start3A_138 = tpu.memref_squeeze %dma_start3A_137 : memref<1x128xi32, #tpu.memory_space<vmem>> -> memref<128xi32, #tpu.memory_space<vmem>>
    %dma_start3A_139 = arith.constant 0 : i32
    %dma_start3A_140 = arith.constant 0 : i32
    %dma_start3A_141 = tpu.memref_slice %arg13[%dma_start3A_139, %dma_start3A_140] : memref<10240x64xf32, #tpu.memory_space<vmem_shared>> -> memref<10240x64xf32, #tpu.memory_space<vmem_shared>>
    tpu.enqueue_indirect_dma source(%dma_start3A_135 : memref<128x64xf32, #tpu.memory_space<vmem>>) target(%dma_start3A_141 : memref<10240x64xf32, #tpu.memory_space<vmem_shared>>) offsets(%dma_start3A_138 : memref<128xi32, #tpu.memory_space<vmem>>) semaphore(%arg22 : memref<!tpu.dma_semaphore, #tpu.memory_space<semaphore_mem>>) {add = true}
    %dma_start3A_142 = arith.constant 5 : i32
    %dma_start3A_143 = arith.constant 5 : i32
    %dma_start3A_144 = arith.constant 0 : i32
    %dma_start3A_145 = arith.constant 0 : i32
    %dma_start3A_146 = tpu.memref_slice %arg12[%dma_start3A_143, %dma_start3A_144, %dma_start3A_145] : memref<6x128x64xf32, #tpu.memory_space<vmem>> -> memref<1x128x64xf32, #tpu.memory_space<vmem>>
    %dma_start3A_147 = tpu.memref_squeeze %dma_start3A_146 : memref<1x128x64xf32, #tpu.memory_space<vmem>> -> memref<128x64xf32, #tpu.memory_space<vmem>>
    %dma_start3A_148 = arith.constant 0 : i32
    %dma_start3A_149 = tpu.memref_slice %arg10[%dma_start3A_142, %dma_start3A_148] : memref<157x128xi32, #tpu.memory_space<vmem>> -> memref<1x128xi32, #tpu.memory_space<vmem>>
    %dma_start3A_150 = tpu.memref_squeeze %dma_start3A_149 : memref<1x128xi32, #tpu.memory_space<vmem>> -> memref<128xi32, #tpu.memory_space<vmem>>
    %dma_start3A_151 = arith.constant 0 : i32
    %dma_start3A_152 = arith.constant 0 : i32
    %dma_start3A_153 = tpu.memref_slice %arg2[%dma_start3A_151, %dma_start3A_152] : memref<20000x64xf32, #tpu.memory_space<hbm>> -> memref<20000x64xf32, #tpu.memory_space<hbm>>
    tpu.enqueue_indirect_dma source(%dma_start3A_153 : memref<20000x64xf32, #tpu.memory_space<hbm>>) target(%dma_start3A_147 : memref<128x64xf32, #tpu.memory_space<vmem>>) offsets(%dma_start3A_150 : memref<128xi32, #tpu.memory_space<vmem>>) semaphore(%arg19 : memref<!tpu.dma_semaphore, #tpu.memory_space<semaphore_mem>>)
    %scan3A_154 = arith.constant 0 : i32
    %scan3A_155 = arith.constant 0 : i32
    %scan3A_156 = arith.constant 25 : i32
    %scan3A_157 = arith.addi %scan3A_155, %scan3A_156 : i32
    %scan3A_158 = arith.constant 1 : i32
    scf.for %scan3A_363 = %scan3A_155 to %scan3A_157 step %scan3A_158  : i32 {
      %mul3A = arith.constant 6 : i32
      %mul3A_364 = arith.muli %scan3A_363, %mul3A : i32
      %add3A = arith.constant 3 : i32
      %add3A_365 = arith.addi %add3A, %mul3A_364 : i32
      %add3A_366 = arith.constant 0 : i32
      %add3A_367 = arith.addi %add3A_365, %add3A_366 : i32
      %dma_wait3A_368 = arith.constant 3 : i32
      %dma_wait3A_369 = arith.constant 0 : i32
      %dma_wait3A_370 = arith.constant 0 : i32
      %dma_wait3A_371 = tpu.memref_slice %arg12[%dma_wait3A_368, %dma_wait3A_369, %dma_wait3A_370] : memref<6x128x64xf32, #tpu.memory_space<vmem>> -> memref<1x128x64xf32, #tpu.memory_space<vmem>>
      %dma_wait3A_372 = tpu.memref_squeeze %dma_wait3A_371 : memref<1x128x64xf32, #tpu.memory_space<vmem>> -> memref<128x64xf32, #tpu.memory_space<vmem>>
      %dma_wait3A_373 = arith.constant 0 : i32
      %dma_wait3A_374 = tpu.memref_slice %arg10[%add3A_367, %dma_wait3A_373] : memref<157x128xi32, #tpu.memory_space<vmem>> -> memref<1x128xi32, #tpu.memory_space<vmem>>
      %dma_wait3A_375 = tpu.memref_squeeze %dma_wait3A_374 : memref<1x128xi32, #tpu.memory_space<vmem>> -> memref<128xi32, #tpu.memory_space<vmem>>
      %dma_wait3A_376 = arith.constant 0 : i32
      %dma_wait3A_377 = arith.constant 0 : i32
      %dma_wait3A_378 = tpu.memref_slice %arg2[%dma_wait3A_376, %dma_wait3A_377] : memref<20000x64xf32, #tpu.memory_space<hbm>> -> memref<20000x64xf32, #tpu.memory_space<hbm>>
      tpu.wait_indirect_dma semaphore(%arg17 : memref<!tpu.dma_semaphore, #tpu.memory_space<semaphore_mem>>) src(%dma_wait3A_378 : memref<20000x64xf32, #tpu.memory_space<hbm>>) dst(%dma_wait3A_372 : memref<128x64xf32, #tpu.memory_space<vmem>>)
      %dma_start3A_379 = arith.constant 3 : i32
      %dma_start3A_380 = arith.constant 0 : i32
      %dma_start3A_381 = arith.constant 0 : i32
      %dma_start3A_382 = tpu.memref_slice %arg12[%dma_start3A_379, %dma_start3A_380, %dma_start3A_381] : memref<6x128x64xf32, #tpu.memory_space<vmem>> -> memref<1x128x64xf32, #tpu.memory_space<vmem>>
      %dma_start3A_383 = tpu.memref_squeeze %dma_start3A_382 : memref<1x128x64xf32, #tpu.memory_space<vmem>> -> memref<128x64xf32, #tpu.memory_space<vmem>>
      %dma_start3A_384 = arith.constant 0 : i32
      %dma_start3A_385 = tpu.memref_slice %arg11[%add3A_367, %dma_start3A_384] : memref<157x128xi32, #tpu.memory_space<vmem>> -> memref<1x128xi32, #tpu.memory_space<vmem>>
      %dma_start3A_386 = tpu.memref_squeeze %dma_start3A_385 : memref<1x128xi32, #tpu.memory_space<vmem>> -> memref<128xi32, #tpu.memory_space<vmem>>
      %dma_start3A_387 = arith.constant 0 : i32
      %dma_start3A_388 = arith.constant 0 : i32
      %dma_start3A_389 = tpu.memref_slice %arg13[%dma_start3A_387, %dma_start3A_388] : memref<10240x64xf32, #tpu.memory_space<vmem_shared>> -> memref<10240x64xf32, #tpu.memory_space<vmem_shared>>
      tpu.enqueue_indirect_dma source(%dma_start3A_383 : memref<128x64xf32, #tpu.memory_space<vmem>>) target(%dma_start3A_389 : memref<10240x64xf32, #tpu.memory_space<vmem_shared>>) offsets(%dma_start3A_386 : memref<128xi32, #tpu.memory_space<vmem>>) semaphore(%arg23 : memref<!tpu.dma_semaphore, #tpu.memory_space<semaphore_mem>>) {add = true}
      %sub3A = arith.constant 3 : i32
      %sub3A_390 = arith.subi %add3A_367, %sub3A : i32
      %dma_wait3A_391 = arith.constant 0 : i32
      %dma_wait3A_392 = arith.constant 0 : i32
      %dma_wait3A_393 = arith.constant 0 : i32
      %dma_wait3A_394 = tpu.memref_slice %arg12[%dma_wait3A_391, %dma_wait3A_392, %dma_wait3A_393] : memref<6x128x64xf32, #tpu.memory_space<vmem>> -> memref<1x128x64xf32, #tpu.memory_space<vmem>>
      %dma_wait3A_395 = tpu.memref_squeeze %dma_wait3A_394 : memref<1x128x64xf32, #tpu.memory_space<vmem>> -> memref<128x64xf32, #tpu.memory_space<vmem>>
      %dma_wait3A_396 = arith.constant 0 : i32
      %dma_wait3A_397 = tpu.memref_slice %arg11[%sub3A_390, %dma_wait3A_396] : memref<157x128xi32, #tpu.memory_space<vmem>> -> memref<1x128xi32, #tpu.memory_space<vmem>>
      %dma_wait3A_398 = tpu.memref_squeeze %dma_wait3A_397 : memref<1x128xi32, #tpu.memory_space<vmem>> -> memref<128xi32, #tpu.memory_space<vmem>>
      %dma_wait3A_399 = arith.constant 0 : i32
      %dma_wait3A_400 = arith.constant 0 : i32
      %dma_wait3A_401 = tpu.memref_slice %arg13[%dma_wait3A_399, %dma_wait3A_400] : memref<10240x64xf32, #tpu.memory_space<vmem_shared>> -> memref<10240x64xf32, #tpu.memory_space<vmem_shared>>
      tpu.wait_indirect_dma semaphore(%arg20 : memref<!tpu.dma_semaphore, #tpu.memory_space<semaphore_mem>>) src(%dma_wait3A_395 : memref<128x64xf32, #tpu.memory_space<vmem>>) dst(%dma_wait3A_401 : memref<10240x64xf32, #tpu.memory_space<vmem_shared>>)
      %add3A_402 = arith.constant 3 : i32
      %add3A_403 = arith.addi %add3A_367, %add3A_402 : i32
      %dma_start3A_404 = arith.constant 0 : i32
      %dma_start3A_405 = arith.constant 0 : i32
      %dma_start3A_406 = arith.constant 0 : i32
      %dma_start3A_407 = tpu.memref_slice %arg12[%dma_start3A_404, %dma_start3A_405, %dma_start3A_406] : memref<6x128x64xf32, #tpu.memory_space<vmem>> -> memref<1x128x64xf32, #tpu.memory_space<vmem>>
      %dma_start3A_408 = tpu.memref_squeeze %dma_start3A_407 : memref<1x128x64xf32, #tpu.memory_space<vmem>> -> memref<128x64xf32, #tpu.memory_space<vmem>>
      %dma_start3A_409 = arith.constant 0 : i32
      %dma_start3A_410 = tpu.memref_slice %arg10[%add3A_403, %dma_start3A_409] : memref<157x128xi32, #tpu.memory_space<vmem>> -> memref<1x128xi32, #tpu.memory_space<vmem>>
      %dma_start3A_411 = tpu.memref_squeeze %dma_start3A_410 : memref<1x128xi32, #tpu.memory_space<vmem>> -> memref<128xi32, #tpu.memory_space<vmem>>
      %dma_start3A_412 = arith.constant 0 : i32
      %dma_start3A_413 = arith.constant 0 : i32
      %dma_start3A_414 = tpu.memref_slice %arg2[%dma_start3A_412, %dma_start3A_413] : memref<20000x64xf32, #tpu.memory_space<hbm>> -> memref<20000x64xf32, #tpu.memory_space<hbm>>
      tpu.enqueue_indirect_dma source(%dma_start3A_414 : memref<20000x64xf32, #tpu.memory_space<hbm>>) target(%dma_start3A_408 : memref<128x64xf32, #tpu.memory_space<vmem>>) offsets(%dma_start3A_411 : memref<128xi32, #tpu.memory_space<vmem>>) semaphore(%arg14 : memref<!tpu.dma_semaphore, #tpu.memory_space<semaphore_mem>>)
      %mul3A_415 = arith.constant 6 : i32
      %mul3A_416 = arith.muli %scan3A_363, %mul3A_415 : i32
      %add3A_417 = arith.constant 3 : i32
      %add3A_418 = arith.addi %add3A_417, %mul3A_416 : i32
      %add3A_419 = arith.constant 1 : i32
      %add3A_420 = arith.addi %add3A_418, %add3A_419 : i32
      %dma_wait3A_421 = arith.constant 4 : i32
      %dma_wait3A_422 = arith.constant 0 : i32
      %dma_wait3A_423 = arith.constant 0 : i32
      %dma_wait3A_424 = tpu.memref_slice %arg12[%dma_wait3A_421, %dma_wait3A_422, %dma_wait3A_423] : memref<6x128x64xf32, #tpu.memory_space<vmem>> -> memref<1x128x64xf32, #tpu.memory_space<vmem>>
      %dma_wait3A_425 = tpu.memref_squeeze %dma_wait3A_424 : memref<1x128x64xf32, #tpu.memory_space<vmem>> -> memref<128x64xf32, #tpu.memory_space<vmem>>
      %dma_wait3A_426 = arith.constant 0 : i32
      %dma_wait3A_427 = tpu.memref_slice %arg10[%add3A_420, %dma_wait3A_426] : memref<157x128xi32, #tpu.memory_space<vmem>> -> memref<1x128xi32, #tpu.memory_space<vmem>>
      %dma_wait3A_428 = tpu.memref_squeeze %dma_wait3A_427 : memref<1x128xi32, #tpu.memory_space<vmem>> -> memref<128xi32, #tpu.memory_space<vmem>>
      %dma_wait3A_429 = arith.constant 0 : i32
      %dma_wait3A_430 = arith.constant 0 : i32
      %dma_wait3A_431 = tpu.memref_slice %arg2[%dma_wait3A_429, %dma_wait3A_430] : memref<20000x64xf32, #tpu.memory_space<hbm>> -> memref<20000x64xf32, #tpu.memory_space<hbm>>
      tpu.wait_indirect_dma semaphore(%arg18 : memref<!tpu.dma_semaphore, #tpu.memory_space<semaphore_mem>>) src(%dma_wait3A_431 : memref<20000x64xf32, #tpu.memory_space<hbm>>) dst(%dma_wait3A_425 : memref<128x64xf32, #tpu.memory_space<vmem>>)
      %dma_start3A_432 = arith.constant 4 : i32
      %dma_start3A_433 = arith.constant 0 : i32
      %dma_start3A_434 = arith.constant 0 : i32
      %dma_start3A_435 = tpu.memref_slice %arg12[%dma_start3A_432, %dma_start3A_433, %dma_start3A_434] : memref<6x128x64xf32, #tpu.memory_space<vmem>> -> memref<1x128x64xf32, #tpu.memory_space<vmem>>
      %dma_start3A_436 = tpu.memref_squeeze %dma_start3A_435 : memref<1x128x64xf32, #tpu.memory_space<vmem>> -> memref<128x64xf32, #tpu.memory_space<vmem>>
      %dma_start3A_437 = arith.constant 0 : i32
      %dma_start3A_438 = tpu.memref_slice %arg11[%add3A_420, %dma_start3A_437] : memref<157x128xi32, #tpu.memory_space<vmem>> -> memref<1x128xi32, #tpu.memory_space<vmem>>
      %dma_start3A_439 = tpu.memref_squeeze %dma_start3A_438 : memref<1x128xi32, #tpu.memory_space<vmem>> -> memref<128xi32, #tpu.memory_space<vmem>>
      %dma_start3A_440 = arith.constant 0 : i32
      %dma_start3A_441 = arith.constant 0 : i32
      %dma_start3A_442 = tpu.memref_slice %arg13[%dma_start3A_440, %dma_start3A_441] : memref<10240x64xf32, #tpu.memory_space<vmem_shared>> -> memref<10240x64xf32, #tpu.memory_space<vmem_shared>>
      tpu.enqueue_indirect_dma source(%dma_start3A_436 : memref<128x64xf32, #tpu.memory_space<vmem>>) target(%dma_start3A_442 : memref<10240x64xf32, #tpu.memory_space<vmem_shared>>) offsets(%dma_start3A_439 : memref<128xi32, #tpu.memory_space<vmem>>) semaphore(%arg24 : memref<!tpu.dma_semaphore, #tpu.memory_space<semaphore_mem>>) {add = true}
      %sub3A_443 = arith.constant 3 : i32
      %sub3A_444 = arith.subi %add3A_420, %sub3A_443 : i32
      %dma_wait3A_445 = arith.constant 1 : i32
      %dma_wait3A_446 = arith.constant 0 : i32
      %dma_wait3A_447 = arith.constant 0 : i32
      %dma_wait3A_448 = tpu.memref_slice %arg12[%dma_wait3A_445, %dma_wait3A_446, %dma_wait3A_447] : memref<6x128x64xf32, #tpu.memory_space<vmem>> -> memref<1x128x64xf32, #tpu.memory_space<vmem>>
      %dma_wait3A_449 = tpu.memref_squeeze %dma_wait3A_448 : memref<1x128x64xf32, #tpu.memory_space<vmem>> -> memref<128x64xf32, #tpu.memory_space<vmem>>
      %dma_wait3A_450 = arith.constant 0 : i32
      %dma_wait3A_451 = tpu.memref_slice %arg11[%sub3A_444, %dma_wait3A_450] : memref<157x128xi32, #tpu.memory_space<vmem>> -> memref<1x128xi32, #tpu.memory_space<vmem>>
      %dma_wait3A_452 = tpu.memref_squeeze %dma_wait3A_451 : memref<1x128xi32, #tpu.memory_space<vmem>> -> memref<128xi32, #tpu.memory_space<vmem>>
      %dma_wait3A_453 = arith.constant 0 : i32
      %dma_wait3A_454 = arith.constant 0 : i32
      %dma_wait3A_455 = tpu.memref_slice %arg13[%dma_wait3A_453, %dma_wait3A_454] : memref<10240x64xf32, #tpu.memory_space<vmem_shared>> -> memref<10240x64xf32, #tpu.memory_space<vmem_shared>>
      tpu.wait_indirect_dma semaphore(%arg21 : memref<!tpu.dma_semaphore, #tpu.memory_space<semaphore_mem>>) src(%dma_wait3A_449 : memref<128x64xf32, #tpu.memory_space<vmem>>) dst(%dma_wait3A_455 : memref<10240x64xf32, #tpu.memory_space<vmem_shared>>)
      %add3A_456 = arith.constant 3 : i32
      %add3A_457 = arith.addi %add3A_420, %add3A_456 : i32
      %dma_start3A_458 = arith.constant 1 : i32
      %dma_start3A_459 = arith.constant 0 : i32
      %dma_start3A_460 = arith.constant 0 : i32
      %dma_start3A_461 = tpu.memref_slice %arg12[%dma_start3A_458, %dma_start3A_459, %dma_start3A_460] : memref<6x128x64xf32, #tpu.memory_space<vmem>> -> memref<1x128x64xf32, #tpu.memory_space<vmem>>
      %dma_start3A_462 = tpu.memref_squeeze %dma_start3A_461 : memref<1x128x64xf32, #tpu.memory_space<vmem>> -> memref<128x64xf32, #tpu.memory_space<vmem>>
      %dma_start3A_463 = arith.constant 0 : i32
      %dma_start3A_464 = tpu.memref_slice %arg10[%add3A_457, %dma_start3A_463] : memref<157x128xi32, #tpu.memory_space<vmem>> -> memref<1x128xi32, #tpu.memory_space<vmem>>
      %dma_start3A_465 = tpu.memref_squeeze %dma_start3A_464 : memref<1x128xi32, #tpu.memory_space<vmem>> -> memref<128xi32, #tpu.memory_space<vmem>>
      %dma_start3A_466 = arith.constant 0 : i32
      %dma_start3A_467 = arith.constant 0 : i32
      %dma_start3A_468 = tpu.memref_slice %arg2[%dma_start3A_466, %dma_start3A_467] : memref<20000x64xf32, #tpu.memory_space<hbm>> -> memref<20000x64xf32, #tpu.memory_space<hbm>>
      tpu.enqueue_indirect_dma source(%dma_start3A_468 : memref<20000x64xf32, #tpu.memory_space<hbm>>) target(%dma_start3A_462 : memref<128x64xf32, #tpu.memory_space<vmem>>) offsets(%dma_start3A_465 : memref<128xi32, #tpu.memory_space<vmem>>) semaphore(%arg15 : memref<!tpu.dma_semaphore, #tpu.memory_space<semaphore_mem>>)
      %mul3A_469 = arith.constant 6 : i32
      %mul3A_470 = arith.muli %scan3A_363, %mul3A_469 : i32
      %add3A_471 = arith.constant 3 : i32
      %add3A_472 = arith.addi %add3A_471, %mul3A_470 : i32
      %add3A_473 = arith.constant 2 : i32
      %add3A_474 = arith.addi %add3A_472, %add3A_473 : i32
      %dma_wait3A_475 = arith.constant 5 : i32
      %dma_wait3A_476 = arith.constant 0 : i32
      %dma_wait3A_477 = arith.constant 0 : i32
      %dma_wait3A_478 = tpu.memref_slice %arg12[%dma_wait3A_475, %dma_wait3A_476, %dma_wait3A_477] : memref<6x128x64xf32, #tpu.memory_space<vmem>> -> memref<1x128x64xf32, #tpu.memory_space<vmem>>
      %dma_wait3A_479 = tpu.memref_squeeze %dma_wait3A_478 : memref<1x128x64xf32, #tpu.memory_space<vmem>> -> memref<128x64xf32, #tpu.memory_space<vmem>>
      %dma_wait3A_480 = arith.constant 0 : i32
      %dma_wait3A_481 = tpu.memref_slice %arg10[%add3A_474, %dma_wait3A_480] : memref<157x128xi32, #tpu.memory_space<vmem>> -> memref<1x128xi32, #tpu.memory_space<vmem>>
      %dma_wait3A_482 = tpu.memref_squeeze %dma_wait3A_481 : memref<1x128xi32, #tpu.memory_space<vmem>> -> memref<128xi32, #tpu.memory_space<vmem>>
      %dma_wait3A_483 = arith.constant 0 : i32
      %dma_wait3A_484 = arith.constant 0 : i32
      %dma_wait3A_485 = tpu.memref_slice %arg2[%dma_wait3A_483, %dma_wait3A_484] : memref<20000x64xf32, #tpu.memory_space<hbm>> -> memref<20000x64xf32, #tpu.memory_space<hbm>>
      tpu.wait_indirect_dma semaphore(%arg19 : memref<!tpu.dma_semaphore, #tpu.memory_space<semaphore_mem>>) src(%dma_wait3A_485 : memref<20000x64xf32, #tpu.memory_space<hbm>>) dst(%dma_wait3A_479 : memref<128x64xf32, #tpu.memory_space<vmem>>)
      %dma_start3A_486 = arith.constant 5 : i32
      %dma_start3A_487 = arith.constant 0 : i32
      %dma_start3A_488 = arith.constant 0 : i32
      %dma_start3A_489 = tpu.memref_slice %arg12[%dma_start3A_486, %dma_start3A_487, %dma_start3A_488] : memref<6x128x64xf32, #tpu.memory_space<vmem>> -> memref<1x128x64xf32, #tpu.memory_space<vmem>>
      %dma_start3A_490 = tpu.memref_squeeze %dma_start3A_489 : memref<1x128x64xf32, #tpu.memory_space<vmem>> -> memref<128x64xf32, #tpu.memory_space<vmem>>
      %dma_start3A_491 = arith.constant 0 : i32
      %dma_start3A_492 = tpu.memref_slice %arg11[%add3A_474, %dma_start3A_491] : memref<157x128xi32, #tpu.memory_space<vmem>> -> memref<1x128xi32, #tpu.memory_space<vmem>>
      %dma_start3A_493 = tpu.memref_squeeze %dma_start3A_492 : memref<1x128xi32, #tpu.memory_space<vmem>> -> memref<128xi32, #tpu.memory_space<vmem>>
      %dma_start3A_494 = arith.constant 0 : i32
      %dma_start3A_495 = arith.constant 0 : i32
      %dma_start3A_496 = tpu.memref_slice %arg13[%dma_start3A_494, %dma_start3A_495] : memref<10240x64xf32, #tpu.memory_space<vmem_shared>> -> memref<10240x64xf32, #tpu.memory_space<vmem_shared>>
      tpu.enqueue_indirect_dma source(%dma_start3A_490 : memref<128x64xf32, #tpu.memory_space<vmem>>) target(%dma_start3A_496 : memref<10240x64xf32, #tpu.memory_space<vmem_shared>>) offsets(%dma_start3A_493 : memref<128xi32, #tpu.memory_space<vmem>>) semaphore(%arg25 : memref<!tpu.dma_semaphore, #tpu.memory_space<semaphore_mem>>) {add = true}
      %sub3A_497 = arith.constant 3 : i32
      %sub3A_498 = arith.subi %add3A_474, %sub3A_497 : i32
      %dma_wait3A_499 = arith.constant 2 : i32
      %dma_wait3A_500 = arith.constant 0 : i32
      %dma_wait3A_501 = arith.constant 0 : i32
      %dma_wait3A_502 = tpu.memref_slice %arg12[%dma_wait3A_499, %dma_wait3A_500, %dma_wait3A_501] : memref<6x128x64xf32, #tpu.memory_space<vmem>> -> memref<1x128x64xf32, #tpu.memory_space<vmem>>
      %dma_wait3A_503 = tpu.memref_squeeze %dma_wait3A_502 : memref<1x128x64xf32, #tpu.memory_space<vmem>> -> memref<128x64xf32, #tpu.memory_space<vmem>>
      %dma_wait3A_504 = arith.constant 0 : i32
      %dma_wait3A_505 = tpu.memref_slice %arg11[%sub3A_498, %dma_wait3A_504] : memref<157x128xi32, #tpu.memory_space<vmem>> -> memref<1x128xi32, #tpu.memory_space<vmem>>
      %dma_wait3A_506 = tpu.memref_squeeze %dma_wait3A_505 : memref<1x128xi32, #tpu.memory_space<vmem>> -> memref<128xi32, #tpu.memory_space<vmem>>
      %dma_wait3A_507 = arith.constant 0 : i32
      %dma_wait3A_508 = arith.constant 0 : i32
      %dma_wait3A_509 = tpu.memref_slice %arg13[%dma_wait3A_507, %dma_wait3A_508] : memref<10240x64xf32, #tpu.memory_space<vmem_shared>> -> memref<10240x64xf32, #tpu.memory_space<vmem_shared>>
      tpu.wait_indirect_dma semaphore(%arg22 : memref<!tpu.dma_semaphore, #tpu.memory_space<semaphore_mem>>) src(%dma_wait3A_503 : memref<128x64xf32, #tpu.memory_space<vmem>>) dst(%dma_wait3A_509 : memref<10240x64xf32, #tpu.memory_space<vmem_shared>>)
      %add3A_510 = arith.constant 3 : i32
      %add3A_511 = arith.addi %add3A_474, %add3A_510 : i32
      %dma_start3A_512 = arith.constant 2 : i32
      %dma_start3A_513 = arith.constant 0 : i32
      %dma_start3A_514 = arith.constant 0 : i32
      %dma_start3A_515 = tpu.memref_slice %arg12[%dma_start3A_512, %dma_start3A_513, %dma_start3A_514] : memref<6x128x64xf32, #tpu.memory_space<vmem>> -> memref<1x128x64xf32, #tpu.memory_space<vmem>>
      %dma_start3A_516 = tpu.memref_squeeze %dma_start3A_515 : memref<1x128x64xf32, #tpu.memory_space<vmem>> -> memref<128x64xf32, #tpu.memory_space<vmem>>
      %dma_start3A_517 = arith.constant 0 : i32
      %dma_start3A_518 = tpu.memref_slice %arg10[%add3A_511, %dma_start3A_517] : memref<157x128xi32, #tpu.memory_space<vmem>> -> memref<1x128xi32, #tpu.memory_space<vmem>>
      %dma_start3A_519 = tpu.memref_squeeze %dma_start3A_518 : memref<1x128xi32, #tpu.memory_space<vmem>> -> memref<128xi32, #tpu.memory_space<vmem>>
      %dma_start3A_520 = arith.constant 0 : i32
      %dma_start3A_521 = arith.constant 0 : i32
      %dma_start3A_522 = tpu.memref_slice %arg2[%dma_start3A_520, %dma_start3A_521] : memref<20000x64xf32, #tpu.memory_space<hbm>> -> memref<20000x64xf32, #tpu.memory_space<hbm>>
      tpu.enqueue_indirect_dma source(%dma_start3A_522 : memref<20000x64xf32, #tpu.memory_space<hbm>>) target(%dma_start3A_516 : memref<128x64xf32, #tpu.memory_space<vmem>>) offsets(%dma_start3A_519 : memref<128xi32, #tpu.memory_space<vmem>>) semaphore(%arg16 : memref<!tpu.dma_semaphore, #tpu.memory_space<semaphore_mem>>)
      %mul3A_523 = arith.constant 6 : i32
      %mul3A_524 = arith.muli %scan3A_363, %mul3A_523 : i32
      %add3A_525 = arith.constant 3 : i32
      %add3A_526 = arith.addi %add3A_525, %mul3A_524 : i32
      %add3A_527 = arith.constant 3 : i32
      %add3A_528 = arith.addi %add3A_526, %add3A_527 : i32
      %dma_wait3A_529 = arith.constant 0 : i32
      %dma_wait3A_530 = arith.constant 0 : i32
      %dma_wait3A_531 = arith.constant 0 : i32
      %dma_wait3A_532 = tpu.memref_slice %arg12[%dma_wait3A_529, %dma_wait3A_530, %dma_wait3A_531] : memref<6x128x64xf32, #tpu.memory_space<vmem>> -> memref<1x128x64xf32, #tpu.memory_space<vmem>>
      %dma_wait3A_533 = tpu.memref_squeeze %dma_wait3A_532 : memref<1x128x64xf32, #tpu.memory_space<vmem>> -> memref<128x64xf32, #tpu.memory_space<vmem>>
      %dma_wait3A_534 = arith.constant 0 : i32
      %dma_wait3A_535 = tpu.memref_slice %arg10[%add3A_528, %dma_wait3A_534] : memref<157x128xi32, #tpu.memory_space<vmem>> -> memref<1x128xi32, #tpu.memory_space<vmem>>
      %dma_wait3A_536 = tpu.memref_squeeze %dma_wait3A_535 : memref<1x128xi32, #tpu.memory_space<vmem>> -> memref<128xi32, #tpu.memory_space<vmem>>
      %dma_wait3A_537 = arith.constant 0 : i32
      %dma_wait3A_538 = arith.constant 0 : i32
      %dma_wait3A_539 = tpu.memref_slice %arg2[%dma_wait3A_537, %dma_wait3A_538] : memref<20000x64xf32, #tpu.memory_space<hbm>> -> memref<20000x64xf32, #tpu.memory_space<hbm>>
      tpu.wait_indirect_dma semaphore(%arg14 : memref<!tpu.dma_semaphore, #tpu.memory_space<semaphore_mem>>) src(%dma_wait3A_539 : memref<20000x64xf32, #tpu.memory_space<hbm>>) dst(%dma_wait3A_533 : memref<128x64xf32, #tpu.memory_space<vmem>>)
      %dma_start3A_540 = arith.constant 0 : i32
      %dma_start3A_541 = arith.constant 0 : i32
      %dma_start3A_542 = arith.constant 0 : i32
      %dma_start3A_543 = tpu.memref_slice %arg12[%dma_start3A_540, %dma_start3A_541, %dma_start3A_542] : memref<6x128x64xf32, #tpu.memory_space<vmem>> -> memref<1x128x64xf32, #tpu.memory_space<vmem>>
      %dma_start3A_544 = tpu.memref_squeeze %dma_start3A_543 : memref<1x128x64xf32, #tpu.memory_space<vmem>> -> memref<128x64xf32, #tpu.memory_space<vmem>>
      %dma_start3A_545 = arith.constant 0 : i32
      %dma_start3A_546 = tpu.memref_slice %arg11[%add3A_528, %dma_start3A_545] : memref<157x128xi32, #tpu.memory_space<vmem>> -> memref<1x128xi32, #tpu.memory_space<vmem>>
      %dma_start3A_547 = tpu.memref_squeeze %dma_start3A_546 : memref<1x128xi32, #tpu.memory_space<vmem>> -> memref<128xi32, #tpu.memory_space<vmem>>
      %dma_start3A_548 = arith.constant 0 : i32
      %dma_start3A_549 = arith.constant 0 : i32
      %dma_start3A_550 = tpu.memref_slice %arg13[%dma_start3A_548, %dma_start3A_549] : memref<10240x64xf32, #tpu.memory_space<vmem_shared>> -> memref<10240x64xf32, #tpu.memory_space<vmem_shared>>
      tpu.enqueue_indirect_dma source(%dma_start3A_544 : memref<128x64xf32, #tpu.memory_space<vmem>>) target(%dma_start3A_550 : memref<10240x64xf32, #tpu.memory_space<vmem_shared>>) offsets(%dma_start3A_547 : memref<128xi32, #tpu.memory_space<vmem>>) semaphore(%arg20 : memref<!tpu.dma_semaphore, #tpu.memory_space<semaphore_mem>>) {add = true}
      %sub3A_551 = arith.constant 3 : i32
      %sub3A_552 = arith.subi %add3A_528, %sub3A_551 : i32
      %dma_wait3A_553 = arith.constant 3 : i32
      %dma_wait3A_554 = arith.constant 0 : i32
      %dma_wait3A_555 = arith.constant 0 : i32
      %dma_wait3A_556 = tpu.memref_slice %arg12[%dma_wait3A_553, %dma_wait3A_554, %dma_wait3A_555] : memref<6x128x64xf32, #tpu.memory_space<vmem>> -> memref<1x128x64xf32, #tpu.memory_space<vmem>>
      %dma_wait3A_557 = tpu.memref_squeeze %dma_wait3A_556 : memref<1x128x64xf32, #tpu.memory_space<vmem>> -> memref<128x64xf32, #tpu.memory_space<vmem>>
      %dma_wait3A_558 = arith.constant 0 : i32
      %dma_wait3A_559 = tpu.memref_slice %arg11[%sub3A_552, %dma_wait3A_558] : memref<157x128xi32, #tpu.memory_space<vmem>> -> memref<1x128xi32, #tpu.memory_space<vmem>>
      %dma_wait3A_560 = tpu.memref_squeeze %dma_wait3A_559 : memref<1x128xi32, #tpu.memory_space<vmem>> -> memref<128xi32, #tpu.memory_space<vmem>>
      %dma_wait3A_561 = arith.constant 0 : i32
      %dma_wait3A_562 = arith.constant 0 : i32
      %dma_wait3A_563 = tpu.memref_slice %arg13[%dma_wait3A_561, %dma_wait3A_562] : memref<10240x64xf32, #tpu.memory_space<vmem_shared>> -> memref<10240x64xf32, #tpu.memory_space<vmem_shared>>
      tpu.wait_indirect_dma semaphore(%arg23 : memref<!tpu.dma_semaphore, #tpu.memory_space<semaphore_mem>>) src(%dma_wait3A_557 : memref<128x64xf32, #tpu.memory_space<vmem>>) dst(%dma_wait3A_563 : memref<10240x64xf32, #tpu.memory_space<vmem_shared>>)
      %add3A_564 = arith.constant 3 : i32
      %add3A_565 = arith.addi %add3A_528, %add3A_564 : i32
      %dma_start3A_566 = arith.constant 3 : i32
      %dma_start3A_567 = arith.constant 0 : i32
      %dma_start3A_568 = arith.constant 0 : i32
      %dma_start3A_569 = tpu.memref_slice %arg12[%dma_start3A_566, %dma_start3A_567, %dma_start3A_568] : memref<6x128x64xf32, #tpu.memory_space<vmem>> -> memref<1x128x64xf32, #tpu.memory_space<vmem>>
      %dma_start3A_570 = tpu.memref_squeeze %dma_start3A_569 : memref<1x128x64xf32, #tpu.memory_space<vmem>> -> memref<128x64xf32, #tpu.memory_space<vmem>>
      %dma_start3A_571 = arith.constant 0 : i32
      %dma_start3A_572 = tpu.memref_slice %arg10[%add3A_565, %dma_start3A_571] : memref<157x128xi32, #tpu.memory_space<vmem>> -> memref<1x128xi32, #tpu.memory_space<vmem>>
      %dma_start3A_573 = tpu.memref_squeeze %dma_start3A_572 : memref<1x128xi32, #tpu.memory_space<vmem>> -> memref<128xi32, #tpu.memory_space<vmem>>
      %dma_start3A_574 = arith.constant 0 : i32
      %dma_start3A_575 = arith.constant 0 : i32
      %dma_start3A_576 = tpu.memref_slice %arg2[%dma_start3A_574, %dma_start3A_575] : memref<20000x64xf32, #tpu.memory_space<hbm>> -> memref<20000x64xf32, #tpu.memory_space<hbm>>
      tpu.enqueue_indirect_dma source(%dma_start3A_576 : memref<20000x64xf32, #tpu.memory_space<hbm>>) target(%dma_start3A_570 : memref<128x64xf32, #tpu.memory_space<vmem>>) offsets(%dma_start3A_573 : memref<128xi32, #tpu.memory_space<vmem>>) semaphore(%arg17 : memref<!tpu.dma_semaphore, #tpu.memory_space<semaphore_mem>>)
      %mul3A_577 = arith.constant 6 : i32
      %mul3A_578 = arith.muli %scan3A_363, %mul3A_577 : i32
      %add3A_579 = arith.constant 3 : i32
      %add3A_580 = arith.addi %add3A_579, %mul3A_578 : i32
      %add3A_581 = arith.constant 4 : i32
      %add3A_582 = arith.addi %add3A_580, %add3A_581 : i32
      %dma_wait3A_583 = arith.constant 1 : i32
      %dma_wait3A_584 = arith.constant 0 : i32
      %dma_wait3A_585 = arith.constant 0 : i32
      %dma_wait3A_586 = tpu.memref_slice %arg12[%dma_wait3A_583, %dma_wait3A_584, %dma_wait3A_585] : memref<6x128x64xf32, #tpu.memory_space<vmem>> -> memref<1x128x64xf32, #tpu.memory_space<vmem>>
      %dma_wait3A_587 = tpu.memref_squeeze %dma_wait3A_586 : memref<1x128x64xf32, #tpu.memory_space<vmem>> -> memref<128x64xf32, #tpu.memory_space<vmem>>
      %dma_wait3A_588 = arith.constant 0 : i32
      %dma_wait3A_589 = tpu.memref_slice %arg10[%add3A_582, %dma_wait3A_588] : memref<157x128xi32, #tpu.memory_space<vmem>> -> memref<1x128xi32, #tpu.memory_space<vmem>>
      %dma_wait3A_590 = tpu.memref_squeeze %dma_wait3A_589 : memref<1x128xi32, #tpu.memory_space<vmem>> -> memref<128xi32, #tpu.memory_space<vmem>>
      %dma_wait3A_591 = arith.constant 0 : i32
      %dma_wait3A_592 = arith.constant 0 : i32
      %dma_wait3A_593 = tpu.memref_slice %arg2[%dma_wait3A_591, %dma_wait3A_592] : memref<20000x64xf32, #tpu.memory_space<hbm>> -> memref<20000x64xf32, #tpu.memory_space<hbm>>
      tpu.wait_indirect_dma semaphore(%arg15 : memref<!tpu.dma_semaphore, #tpu.memory_space<semaphore_mem>>) src(%dma_wait3A_593 : memref<20000x64xf32, #tpu.memory_space<hbm>>) dst(%dma_wait3A_587 : memref<128x64xf32, #tpu.memory_space<vmem>>)
      %dma_start3A_594 = arith.constant 1 : i32
      %dma_start3A_595 = arith.constant 0 : i32
      %dma_start3A_596 = arith.constant 0 : i32
      %dma_start3A_597 = tpu.memref_slice %arg12[%dma_start3A_594, %dma_start3A_595, %dma_start3A_596] : memref<6x128x64xf32, #tpu.memory_space<vmem>> -> memref<1x128x64xf32, #tpu.memory_space<vmem>>
      %dma_start3A_598 = tpu.memref_squeeze %dma_start3A_597 : memref<1x128x64xf32, #tpu.memory_space<vmem>> -> memref<128x64xf32, #tpu.memory_space<vmem>>
      %dma_start3A_599 = arith.constant 0 : i32
      %dma_start3A_600 = tpu.memref_slice %arg11[%add3A_582, %dma_start3A_599] : memref<157x128xi32, #tpu.memory_space<vmem>> -> memref<1x128xi32, #tpu.memory_space<vmem>>
      %dma_start3A_601 = tpu.memref_squeeze %dma_start3A_600 : memref<1x128xi32, #tpu.memory_space<vmem>> -> memref<128xi32, #tpu.memory_space<vmem>>
      %dma_start3A_602 = arith.constant 0 : i32
      %dma_start3A_603 = arith.constant 0 : i32
      %dma_start3A_604 = tpu.memref_slice %arg13[%dma_start3A_602, %dma_start3A_603] : memref<10240x64xf32, #tpu.memory_space<vmem_shared>> -> memref<10240x64xf32, #tpu.memory_space<vmem_shared>>
      tpu.enqueue_indirect_dma source(%dma_start3A_598 : memref<128x64xf32, #tpu.memory_space<vmem>>) target(%dma_start3A_604 : memref<10240x64xf32, #tpu.memory_space<vmem_shared>>) offsets(%dma_start3A_601 : memref<128xi32, #tpu.memory_space<vmem>>) semaphore(%arg21 : memref<!tpu.dma_semaphore, #tpu.memory_space<semaphore_mem>>) {add = true}
      %sub3A_605 = arith.constant 3 : i32
      %sub3A_606 = arith.subi %add3A_582, %sub3A_605 : i32
      %dma_wait3A_607 = arith.constant 4 : i32
      %dma_wait3A_608 = arith.constant 0 : i32
      %dma_wait3A_609 = arith.constant 0 : i32
      %dma_wait3A_610 = tpu.memref_slice %arg12[%dma_wait3A_607, %dma_wait3A_608, %dma_wait3A_609] : memref<6x128x64xf32, #tpu.memory_space<vmem>> -> memref<1x128x64xf32, #tpu.memory_space<vmem>>
      %dma_wait3A_611 = tpu.memref_squeeze %dma_wait3A_610 : memref<1x128x64xf32, #tpu.memory_space<vmem>> -> memref<128x64xf32, #tpu.memory_space<vmem>>
      %dma_wait3A_612 = arith.constant 0 : i32
      %dma_wait3A_613 = tpu.memref_slice %arg11[%sub3A_606, %dma_wait3A_612] : memref<157x128xi32, #tpu.memory_space<vmem>> -> memref<1x128xi32, #tpu.memory_space<vmem>>
      %dma_wait3A_614 = tpu.memref_squeeze %dma_wait3A_613 : memref<1x128xi32, #tpu.memory_space<vmem>> -> memref<128xi32, #tpu.memory_space<vmem>>
      %dma_wait3A_615 = arith.constant 0 : i32
      %dma_wait3A_616 = arith.constant 0 : i32
      %dma_wait3A_617 = tpu.memref_slice %arg13[%dma_wait3A_615, %dma_wait3A_616] : memref<10240x64xf32, #tpu.memory_space<vmem_shared>> -> memref<10240x64xf32, #tpu.memory_space<vmem_shared>>
      tpu.wait_indirect_dma semaphore(%arg24 : memref<!tpu.dma_semaphore, #tpu.memory_space<semaphore_mem>>) src(%dma_wait3A_611 : memref<128x64xf32, #tpu.memory_space<vmem>>) dst(%dma_wait3A_617 : memref<10240x64xf32, #tpu.memory_space<vmem_shared>>)
      %add3A_618 = arith.constant 3 : i32
      %add3A_619 = arith.addi %add3A_582, %add3A_618 : i32
      %dma_start3A_620 = arith.constant 4 : i32
      %dma_start3A_621 = arith.constant 0 : i32
      %dma_start3A_622 = arith.constant 0 : i32
      %dma_start3A_623 = tpu.memref_slice %arg12[%dma_start3A_620, %dma_start3A_621, %dma_start3A_622] : memref<6x128x64xf32, #tpu.memory_space<vmem>> -> memref<1x128x64xf32, #tpu.memory_space<vmem>>
      %dma_start3A_624 = tpu.memref_squeeze %dma_start3A_623 : memref<1x128x64xf32, #tpu.memory_space<vmem>> -> memref<128x64xf32, #tpu.memory_space<vmem>>
      %dma_start3A_625 = arith.constant 0 : i32
      %dma_start3A_626 = tpu.memref_slice %arg10[%add3A_619, %dma_start3A_625] : memref<157x128xi32, #tpu.memory_space<vmem>> -> memref<1x128xi32, #tpu.memory_space<vmem>>
      %dma_start3A_627 = tpu.memref_squeeze %dma_start3A_626 : memref<1x128xi32, #tpu.memory_space<vmem>> -> memref<128xi32, #tpu.memory_space<vmem>>
      %dma_start3A_628 = arith.constant 0 : i32
      %dma_start3A_629 = arith.constant 0 : i32
      %dma_start3A_630 = tpu.memref_slice %arg2[%dma_start3A_628, %dma_start3A_629] : memref<20000x64xf32, #tpu.memory_space<hbm>> -> memref<20000x64xf32, #tpu.memory_space<hbm>>
      tpu.enqueue_indirect_dma source(%dma_start3A_630 : memref<20000x64xf32, #tpu.memory_space<hbm>>) target(%dma_start3A_624 : memref<128x64xf32, #tpu.memory_space<vmem>>) offsets(%dma_start3A_627 : memref<128xi32, #tpu.memory_space<vmem>>) semaphore(%arg18 : memref<!tpu.dma_semaphore, #tpu.memory_space<semaphore_mem>>)
      %mul3A_631 = arith.constant 6 : i32
      %mul3A_632 = arith.muli %scan3A_363, %mul3A_631 : i32
      %add3A_633 = arith.constant 3 : i32
      %add3A_634 = arith.addi %add3A_633, %mul3A_632 : i32
      %add3A_635 = arith.constant 5 : i32
      %add3A_636 = arith.addi %add3A_634, %add3A_635 : i32
      %dma_wait3A_637 = arith.constant 2 : i32
      %dma_wait3A_638 = arith.constant 0 : i32
      %dma_wait3A_639 = arith.constant 0 : i32
      %dma_wait3A_640 = tpu.memref_slice %arg12[%dma_wait3A_637, %dma_wait3A_638, %dma_wait3A_639] : memref<6x128x64xf32, #tpu.memory_space<vmem>> -> memref<1x128x64xf32, #tpu.memory_space<vmem>>
      %dma_wait3A_641 = tpu.memref_squeeze %dma_wait3A_640 : memref<1x128x64xf32, #tpu.memory_space<vmem>> -> memref<128x64xf32, #tpu.memory_space<vmem>>
      %dma_wait3A_642 = arith.constant 0 : i32
      %dma_wait3A_643 = tpu.memref_slice %arg10[%add3A_636, %dma_wait3A_642] : memref<157x128xi32, #tpu.memory_space<vmem>> -> memref<1x128xi32, #tpu.memory_space<vmem>>
      %dma_wait3A_644 = tpu.memref_squeeze %dma_wait3A_643 : memref<1x128xi32, #tpu.memory_space<vmem>> -> memref<128xi32, #tpu.memory_space<vmem>>
      %dma_wait3A_645 = arith.constant 0 : i32
      %dma_wait3A_646 = arith.constant 0 : i32
      %dma_wait3A_647 = tpu.memref_slice %arg2[%dma_wait3A_645, %dma_wait3A_646] : memref<20000x64xf32, #tpu.memory_space<hbm>> -> memref<20000x64xf32, #tpu.memory_space<hbm>>
      tpu.wait_indirect_dma semaphore(%arg16 : memref<!tpu.dma_semaphore, #tpu.memory_space<semaphore_mem>>) src(%dma_wait3A_647 : memref<20000x64xf32, #tpu.memory_space<hbm>>) dst(%dma_wait3A_641 : memref<128x64xf32, #tpu.memory_space<vmem>>)
      %dma_start3A_648 = arith.constant 2 : i32
      %dma_start3A_649 = arith.constant 0 : i32
      %dma_start3A_650 = arith.constant 0 : i32
      %dma_start3A_651 = tpu.memref_slice %arg12[%dma_start3A_648, %dma_start3A_649, %dma_start3A_650] : memref<6x128x64xf32, #tpu.memory_space<vmem>> -> memref<1x128x64xf32, #tpu.memory_space<vmem>>
      %dma_start3A_652 = tpu.memref_squeeze %dma_start3A_651 : memref<1x128x64xf32, #tpu.memory_space<vmem>> -> memref<128x64xf32, #tpu.memory_space<vmem>>
      %dma_start3A_653 = arith.constant 0 : i32
      %dma_start3A_654 = tpu.memref_slice %arg11[%add3A_636, %dma_start3A_653] : memref<157x128xi32, #tpu.memory_space<vmem>> -> memref<1x128xi32, #tpu.memory_space<vmem>>
      %dma_start3A_655 = tpu.memref_squeeze %dma_start3A_654 : memref<1x128xi32, #tpu.memory_space<vmem>> -> memref<128xi32, #tpu.memory_space<vmem>>
      %dma_start3A_656 = arith.constant 0 : i32
      %dma_start3A_657 = arith.constant 0 : i32
      %dma_start3A_658 = tpu.memref_slice %arg13[%dma_start3A_656, %dma_start3A_657] : memref<10240x64xf32, #tpu.memory_space<vmem_shared>> -> memref<10240x64xf32, #tpu.memory_space<vmem_shared>>
      tpu.enqueue_indirect_dma source(%dma_start3A_652 : memref<128x64xf32, #tpu.memory_space<vmem>>) target(%dma_start3A_658 : memref<10240x64xf32, #tpu.memory_space<vmem_shared>>) offsets(%dma_start3A_655 : memref<128xi32, #tpu.memory_space<vmem>>) semaphore(%arg22 : memref<!tpu.dma_semaphore, #tpu.memory_space<semaphore_mem>>) {add = true}
      %sub3A_659 = arith.constant 3 : i32
      %sub3A_660 = arith.subi %add3A_636, %sub3A_659 : i32
      %dma_wait3A_661 = arith.constant 5 : i32
      %dma_wait3A_662 = arith.constant 0 : i32
      %dma_wait3A_663 = arith.constant 0 : i32
      %dma_wait3A_664 = tpu.memref_slice %arg12[%dma_wait3A_661, %dma_wait3A_662, %dma_wait3A_663] : memref<6x128x64xf32, #tpu.memory_space<vmem>> -> memref<1x128x64xf32, #tpu.memory_space<vmem>>
      %dma_wait3A_665 = tpu.memref_squeeze %dma_wait3A_664 : memref<1x128x64xf32, #tpu.memory_space<vmem>> -> memref<128x64xf32, #tpu.memory_space<vmem>>
      %dma_wait3A_666 = arith.constant 0 : i32
      %dma_wait3A_667 = tpu.memref_slice %arg11[%sub3A_660, %dma_wait3A_666] : memref<157x128xi32, #tpu.memory_space<vmem>> -> memref<1x128xi32, #tpu.memory_space<vmem>>
      %dma_wait3A_668 = tpu.memref_squeeze %dma_wait3A_667 : memref<1x128xi32, #tpu.memory_space<vmem>> -> memref<128xi32, #tpu.memory_space<vmem>>
      %dma_wait3A_669 = arith.constant 0 : i32
      %dma_wait3A_670 = arith.constant 0 : i32
      %dma_wait3A_671 = tpu.memref_slice %arg13[%dma_wait3A_669, %dma_wait3A_670] : memref<10240x64xf32, #tpu.memory_space<vmem_shared>> -> memref<10240x64xf32, #tpu.memory_space<vmem_shared>>
      tpu.wait_indirect_dma semaphore(%arg25 : memref<!tpu.dma_semaphore, #tpu.memory_space<semaphore_mem>>) src(%dma_wait3A_665 : memref<128x64xf32, #tpu.memory_space<vmem>>) dst(%dma_wait3A_671 : memref<10240x64xf32, #tpu.memory_space<vmem_shared>>)
      %add3A_672 = arith.constant 3 : i32
      %add3A_673 = arith.addi %add3A_636, %add3A_672 : i32
      %dma_start3A_674 = arith.constant 5 : i32
      %dma_start3A_675 = arith.constant 0 : i32
      %dma_start3A_676 = arith.constant 0 : i32
      %dma_start3A_677 = tpu.memref_slice %arg12[%dma_start3A_674, %dma_start3A_675, %dma_start3A_676] : memref<6x128x64xf32, #tpu.memory_space<vmem>> -> memref<1x128x64xf32, #tpu.memory_space<vmem>>
      %dma_start3A_678 = tpu.memref_squeeze %dma_start3A_677 : memref<1x128x64xf32, #tpu.memory_space<vmem>> -> memref<128x64xf32, #tpu.memory_space<vmem>>
      %dma_start3A_679 = arith.constant 0 : i32
      %dma_start3A_680 = tpu.memref_slice %arg10[%add3A_673, %dma_start3A_679] : memref<157x128xi32, #tpu.memory_space<vmem>> -> memref<1x128xi32, #tpu.memory_space<vmem>>
      %dma_start3A_681 = tpu.memref_squeeze %dma_start3A_680 : memref<1x128xi32, #tpu.memory_space<vmem>> -> memref<128xi32, #tpu.memory_space<vmem>>
      %dma_start3A_682 = arith.constant 0 : i32
      %dma_start3A_683 = arith.constant 0 : i32
      %dma_start3A_684 = tpu.memref_slice %arg2[%dma_start3A_682, %dma_start3A_683] : memref<20000x64xf32, #tpu.memory_space<hbm>> -> memref<20000x64xf32, #tpu.memory_space<hbm>>
      tpu.enqueue_indirect_dma source(%dma_start3A_684 : memref<20000x64xf32, #tpu.memory_space<hbm>>) target(%dma_start3A_678 : memref<128x64xf32, #tpu.memory_space<vmem>>) offsets(%dma_start3A_681 : memref<128xi32, #tpu.memory_space<vmem>>) semaphore(%arg19 : memref<!tpu.dma_semaphore, #tpu.memory_space<semaphore_mem>>)
    }
    %scan3A_159 = arith.constant 25 : i32
    %dma_wait3A_160 = arith.constant 153 : i32
    %dma_wait3A_161 = arith.constant 3 : i32
    %dma_wait3A_162 = arith.constant 0 : i32
    %dma_wait3A_163 = arith.constant 0 : i32
    %dma_wait3A_164 = tpu.memref_slice %arg12[%dma_wait3A_161, %dma_wait3A_162, %dma_wait3A_163] : memref<6x128x64xf32, #tpu.memory_space<vmem>> -> memref<1x128x64xf32, #tpu.memory_space<vmem>>
    %dma_wait3A_165 = tpu.memref_squeeze %dma_wait3A_164 : memref<1x128x64xf32, #tpu.memory_space<vmem>> -> memref<128x64xf32, #tpu.memory_space<vmem>>
    %dma_wait3A_166 = arith.constant 0 : i32
    %dma_wait3A_167 = tpu.memref_slice %arg10[%dma_wait3A_160, %dma_wait3A_166] : memref<157x128xi32, #tpu.memory_space<vmem>> -> memref<1x128xi32, #tpu.memory_space<vmem>>
    %dma_wait3A_168 = tpu.memref_squeeze %dma_wait3A_167 : memref<1x128xi32, #tpu.memory_space<vmem>> -> memref<128xi32, #tpu.memory_space<vmem>>
    %dma_wait3A_169 = arith.constant 0 : i32
    %dma_wait3A_170 = arith.constant 0 : i32
    %dma_wait3A_171 = tpu.memref_slice %arg2[%dma_wait3A_169, %dma_wait3A_170] : memref<20000x64xf32, #tpu.memory_space<hbm>> -> memref<20000x64xf32, #tpu.memory_space<hbm>>
    tpu.wait_indirect_dma semaphore(%arg17 : memref<!tpu.dma_semaphore, #tpu.memory_space<semaphore_mem>>) src(%dma_wait3A_171 : memref<20000x64xf32, #tpu.memory_space<hbm>>) dst(%dma_wait3A_165 : memref<128x64xf32, #tpu.memory_space<vmem>>)
    %dma_start3A_172 = arith.constant 3 : i32
    %dma_start3A_173 = arith.constant 153 : i32
    %dma_start3A_174 = arith.constant 0 : i32
    %dma_start3A_175 = arith.constant 0 : i32
    %dma_start3A_176 = tpu.memref_slice %arg12[%dma_start3A_172, %dma_start3A_174, %dma_start3A_175] : memref<6x128x64xf32, #tpu.memory_space<vmem>> -> memref<1x128x64xf32, #tpu.memory_space<vmem>>
    %dma_start3A_177 = tpu.memref_squeeze %dma_start3A_176 : memref<1x128x64xf32, #tpu.memory_space<vmem>> -> memref<128x64xf32, #tpu.memory_space<vmem>>
    %dma_start3A_178 = arith.constant 0 : i32
    %dma_start3A_179 = tpu.memref_slice %arg11[%dma_start3A_173, %dma_start3A_178] : memref<157x128xi32, #tpu.memory_space<vmem>> -> memref<1x128xi32, #tpu.memory_space<vmem>>
    %dma_start3A_180 = tpu.memref_squeeze %dma_start3A_179 : memref<1x128xi32, #tpu.memory_space<vmem>> -> memref<128xi32, #tpu.memory_space<vmem>>
    %dma_start3A_181 = arith.constant 0 : i32
    %dma_start3A_182 = arith.constant 0 : i32
    %dma_start3A_183 = tpu.memref_slice %arg13[%dma_start3A_181, %dma_start3A_182] : memref<10240x64xf32, #tpu.memory_space<vmem_shared>> -> memref<10240x64xf32, #tpu.memory_space<vmem_shared>>
    tpu.enqueue_indirect_dma source(%dma_start3A_177 : memref<128x64xf32, #tpu.memory_space<vmem>>) target(%dma_start3A_183 : memref<10240x64xf32, #tpu.memory_space<vmem_shared>>) offsets(%dma_start3A_180 : memref<128xi32, #tpu.memory_space<vmem>>) semaphore(%arg23 : memref<!tpu.dma_semaphore, #tpu.memory_space<semaphore_mem>>) {add = true}
    %dma_wait3A_184 = arith.constant 0 : i32
    %dma_wait3A_185 = arith.constant 150 : i32
    %dma_wait3A_186 = arith.constant 0 : i32
    %dma_wait3A_187 = arith.constant 0 : i32
    %dma_wait3A_188 = tpu.memref_slice %arg12[%dma_wait3A_184, %dma_wait3A_186, %dma_wait3A_187] : memref<6x128x64xf32, #tpu.memory_space<vmem>> -> memref<1x128x64xf32, #tpu.memory_space<vmem>>
    %dma_wait3A_189 = tpu.memref_squeeze %dma_wait3A_188 : memref<1x128x64xf32, #tpu.memory_space<vmem>> -> memref<128x64xf32, #tpu.memory_space<vmem>>
    %dma_wait3A_190 = arith.constant 0 : i32
    %dma_wait3A_191 = tpu.memref_slice %arg11[%dma_wait3A_185, %dma_wait3A_190] : memref<157x128xi32, #tpu.memory_space<vmem>> -> memref<1x128xi32, #tpu.memory_space<vmem>>
    %dma_wait3A_192 = tpu.memref_squeeze %dma_wait3A_191 : memref<1x128xi32, #tpu.memory_space<vmem>> -> memref<128xi32, #tpu.memory_space<vmem>>
    %dma_wait3A_193 = arith.constant 0 : i32
    %dma_wait3A_194 = arith.constant 0 : i32
    %dma_wait3A_195 = tpu.memref_slice %arg13[%dma_wait3A_193, %dma_wait3A_194] : memref<10240x64xf32, #tpu.memory_space<vmem_shared>> -> memref<10240x64xf32, #tpu.memory_space<vmem_shared>>
    tpu.wait_indirect_dma semaphore(%arg20 : memref<!tpu.dma_semaphore, #tpu.memory_space<semaphore_mem>>) src(%dma_wait3A_189 : memref<128x64xf32, #tpu.memory_space<vmem>>) dst(%dma_wait3A_195 : memref<10240x64xf32, #tpu.memory_space<vmem_shared>>)
    %dma_start3A_196 = arith.constant 156 : i32
    %dma_start3A_197 = arith.constant 0 : i32
    %dma_start3A_198 = arith.constant 0 : i32
    %dma_start3A_199 = arith.constant 0 : i32
    %dma_start3A_200 = tpu.memref_slice %arg12[%dma_start3A_197, %dma_start3A_198, %dma_start3A_199] : memref<6x128x64xf32, #tpu.memory_space<vmem>> -> memref<1x128x64xf32, #tpu.memory_space<vmem>>
    %dma_start3A_201 = tpu.memref_squeeze %dma_start3A_200 : memref<1x128x64xf32, #tpu.memory_space<vmem>> -> memref<128x64xf32, #tpu.memory_space<vmem>>
    %dma_start3A_202 = arith.constant 0 : i32
    %dma_start3A_203 = tpu.memref_slice %arg10[%dma_start3A_196, %dma_start3A_202] : memref<157x128xi32, #tpu.memory_space<vmem>> -> memref<1x128xi32, #tpu.memory_space<vmem>>
    %dma_start3A_204 = tpu.memref_squeeze %dma_start3A_203 : memref<1x128xi32, #tpu.memory_space<vmem>> -> memref<128xi32, #tpu.memory_space<vmem>>
    %dma_start3A_205 = arith.constant 0 : i32
    %dma_start3A_206 = arith.constant 0 : i32
    %dma_start3A_207 = tpu.memref_slice %arg2[%dma_start3A_205, %dma_start3A_206] : memref<20000x64xf32, #tpu.memory_space<hbm>> -> memref<20000x64xf32, #tpu.memory_space<hbm>>
    tpu.enqueue_indirect_dma source(%dma_start3A_207 : memref<20000x64xf32, #tpu.memory_space<hbm>>) target(%dma_start3A_201 : memref<128x64xf32, #tpu.memory_space<vmem>>) offsets(%dma_start3A_204 : memref<128xi32, #tpu.memory_space<vmem>>) semaphore(%arg14 : memref<!tpu.dma_semaphore, #tpu.memory_space<semaphore_mem>>)
    %dma_wait3A_208 = arith.constant 154 : i32
    %dma_wait3A_209 = arith.constant 4 : i32
    %dma_wait3A_210 = arith.constant 0 : i32
    %dma_wait3A_211 = arith.constant 0 : i32
    %dma_wait3A_212 = tpu.memref_slice %arg12[%dma_wait3A_209, %dma_wait3A_210, %dma_wait3A_211] : memref<6x128x64xf32, #tpu.memory_space<vmem>> -> memref<1x128x64xf32, #tpu.memory_space<vmem>>
    %dma_wait3A_213 = tpu.memref_squeeze %dma_wait3A_212 : memref<1x128x64xf32, #tpu.memory_space<vmem>> -> memref<128x64xf32, #tpu.memory_space<vmem>>
    %dma_wait3A_214 = arith.constant 0 : i32
    %dma_wait3A_215 = tpu.memref_slice %arg10[%dma_wait3A_208, %dma_wait3A_214] : memref<157x128xi32, #tpu.memory_space<vmem>> -> memref<1x128xi32, #tpu.memory_space<vmem>>
    %dma_wait3A_216 = tpu.memref_squeeze %dma_wait3A_215 : memref<1x128xi32, #tpu.memory_space<vmem>> -> memref<128xi32, #tpu.memory_space<vmem>>
    %dma_wait3A_217 = arith.constant 0 : i32
    %dma_wait3A_218 = arith.constant 0 : i32
    %dma_wait3A_219 = tpu.memref_slice %arg2[%dma_wait3A_217, %dma_wait3A_218] : memref<20000x64xf32, #tpu.memory_space<hbm>> -> memref<20000x64xf32, #tpu.memory_space<hbm>>
    tpu.wait_indirect_dma semaphore(%arg18 : memref<!tpu.dma_semaphore, #tpu.memory_space<semaphore_mem>>) src(%dma_wait3A_219 : memref<20000x64xf32, #tpu.memory_space<hbm>>) dst(%dma_wait3A_213 : memref<128x64xf32, #tpu.memory_space<vmem>>)
    %dma_start3A_220 = arith.constant 4 : i32
    %dma_start3A_221 = arith.constant 154 : i32
    %dma_start3A_222 = arith.constant 0 : i32
    %dma_start3A_223 = arith.constant 0 : i32
    %dma_start3A_224 = tpu.memref_slice %arg12[%dma_start3A_220, %dma_start3A_222, %dma_start3A_223] : memref<6x128x64xf32, #tpu.memory_space<vmem>> -> memref<1x128x64xf32, #tpu.memory_space<vmem>>
    %dma_start3A_225 = tpu.memref_squeeze %dma_start3A_224 : memref<1x128x64xf32, #tpu.memory_space<vmem>> -> memref<128x64xf32, #tpu.memory_space<vmem>>
    %dma_start3A_226 = arith.constant 0 : i32
    %dma_start3A_227 = tpu.memref_slice %arg11[%dma_start3A_221, %dma_start3A_226] : memref<157x128xi32, #tpu.memory_space<vmem>> -> memref<1x128xi32, #tpu.memory_space<vmem>>
    %dma_start3A_228 = tpu.memref_squeeze %dma_start3A_227 : memref<1x128xi32, #tpu.memory_space<vmem>> -> memref<128xi32, #tpu.memory_space<vmem>>
    %dma_start3A_229 = arith.constant 0 : i32
    %dma_start3A_230 = arith.constant 0 : i32
    %dma_start3A_231 = tpu.memref_slice %arg13[%dma_start3A_229, %dma_start3A_230] : memref<10240x64xf32, #tpu.memory_space<vmem_shared>> -> memref<10240x64xf32, #tpu.memory_space<vmem_shared>>
    tpu.enqueue_indirect_dma source(%dma_start3A_225 : memref<128x64xf32, #tpu.memory_space<vmem>>) target(%dma_start3A_231 : memref<10240x64xf32, #tpu.memory_space<vmem_shared>>) offsets(%dma_start3A_228 : memref<128xi32, #tpu.memory_space<vmem>>) semaphore(%arg24 : memref<!tpu.dma_semaphore, #tpu.memory_space<semaphore_mem>>) {add = true}
    %dma_wait3A_232 = arith.constant 155 : i32
    %dma_wait3A_233 = arith.constant 5 : i32
    %dma_wait3A_234 = arith.constant 0 : i32
    %dma_wait3A_235 = arith.constant 0 : i32
    %dma_wait3A_236 = tpu.memref_slice %arg12[%dma_wait3A_233, %dma_wait3A_234, %dma_wait3A_235] : memref<6x128x64xf32, #tpu.memory_space<vmem>> -> memref<1x128x64xf32, #tpu.memory_space<vmem>>
    %dma_wait3A_237 = tpu.memref_squeeze %dma_wait3A_236 : memref<1x128x64xf32, #tpu.memory_space<vmem>> -> memref<128x64xf32, #tpu.memory_space<vmem>>
    %dma_wait3A_238 = arith.constant 0 : i32
    %dma_wait3A_239 = tpu.memref_slice %arg10[%dma_wait3A_232, %dma_wait3A_238] : memref<157x128xi32, #tpu.memory_space<vmem>> -> memref<1x128xi32, #tpu.memory_space<vmem>>
    %dma_wait3A_240 = tpu.memref_squeeze %dma_wait3A_239 : memref<1x128xi32, #tpu.memory_space<vmem>> -> memref<128xi32, #tpu.memory_space<vmem>>
    %dma_wait3A_241 = arith.constant 0 : i32
    %dma_wait3A_242 = arith.constant 0 : i32
    %dma_wait3A_243 = tpu.memref_slice %arg2[%dma_wait3A_241, %dma_wait3A_242] : memref<20000x64xf32, #tpu.memory_space<hbm>> -> memref<20000x64xf32, #tpu.memory_space<hbm>>
    tpu.wait_indirect_dma semaphore(%arg19 : memref<!tpu.dma_semaphore, #tpu.memory_space<semaphore_mem>>) src(%dma_wait3A_243 : memref<20000x64xf32, #tpu.memory_space<hbm>>) dst(%dma_wait3A_237 : memref<128x64xf32, #tpu.memory_space<vmem>>)
    %dma_start3A_244 = arith.constant 5 : i32
    %dma_start3A_245 = arith.constant 155 : i32
    %dma_start3A_246 = arith.constant 0 : i32
    %dma_start3A_247 = arith.constant 0 : i32
    %dma_start3A_248 = tpu.memref_slice %arg12[%dma_start3A_244, %dma_start3A_246, %dma_start3A_247] : memref<6x128x64xf32, #tpu.memory_space<vmem>> -> memref<1x128x64xf32, #tpu.memory_space<vmem>>
    %dma_start3A_249 = tpu.memref_squeeze %dma_start3A_248 : memref<1x128x64xf32, #tpu.memory_space<vmem>> -> memref<128x64xf32, #tpu.memory_space<vmem>>
    %dma_start3A_250 = arith.constant 0 : i32
    %dma_start3A_251 = tpu.memref_slice %arg11[%dma_start3A_245, %dma_start3A_250] : memref<157x128xi32, #tpu.memory_space<vmem>> -> memref<1x128xi32, #tpu.memory_space<vmem>>
    %dma_start3A_252 = tpu.memref_squeeze %dma_start3A_251 : memref<1x128xi32, #tpu.memory_space<vmem>> -> memref<128xi32, #tpu.memory_space<vmem>>
    %dma_start3A_253 = arith.constant 0 : i32
    %dma_start3A_254 = arith.constant 0 : i32
    %dma_start3A_255 = tpu.memref_slice %arg13[%dma_start3A_253, %dma_start3A_254] : memref<10240x64xf32, #tpu.memory_space<vmem_shared>> -> memref<10240x64xf32, #tpu.memory_space<vmem_shared>>
    tpu.enqueue_indirect_dma source(%dma_start3A_249 : memref<128x64xf32, #tpu.memory_space<vmem>>) target(%dma_start3A_255 : memref<10240x64xf32, #tpu.memory_space<vmem_shared>>) offsets(%dma_start3A_252 : memref<128xi32, #tpu.memory_space<vmem>>) semaphore(%arg25 : memref<!tpu.dma_semaphore, #tpu.memory_space<semaphore_mem>>) {add = true}
    %dma_wait3A_256 = arith.constant 156 : i32
    %dma_wait3A_257 = arith.constant 0 : i32
    %dma_wait3A_258 = arith.constant 0 : i32
    %dma_wait3A_259 = arith.constant 0 : i32
    %dma_wait3A_260 = tpu.memref_slice %arg12[%dma_wait3A_257, %dma_wait3A_258, %dma_wait3A_259] : memref<6x128x64xf32, #tpu.memory_space<vmem>> -> memref<1x128x64xf32, #tpu.memory_space<vmem>>
    %dma_wait3A_261 = tpu.memref_squeeze %dma_wait3A_260 : memref<1x128x64xf32, #tpu.memory_space<vmem>> -> memref<128x64xf32, #tpu.memory_space<vmem>>
    %dma_wait3A_262 = arith.constant 0 : i32
    %dma_wait3A_263 = tpu.memref_slice %arg10[%dma_wait3A_256, %dma_wait3A_262] : memref<157x128xi32, #tpu.memory_space<vmem>> -> memref<1x128xi32, #tpu.memory_space<vmem>>
    %dma_wait3A_264 = tpu.memref_squeeze %dma_wait3A_263 : memref<1x128xi32, #tpu.memory_space<vmem>> -> memref<128xi32, #tpu.memory_space<vmem>>
    %dma_wait3A_265 = arith.constant 0 : i32
    %dma_wait3A_266 = arith.constant 0 : i32
    %dma_wait3A_267 = tpu.memref_slice %arg2[%dma_wait3A_265, %dma_wait3A_266] : memref<20000x64xf32, #tpu.memory_space<hbm>> -> memref<20000x64xf32, #tpu.memory_space<hbm>>
    tpu.wait_indirect_dma semaphore(%arg14 : memref<!tpu.dma_semaphore, #tpu.memory_space<semaphore_mem>>) src(%dma_wait3A_267 : memref<20000x64xf32, #tpu.memory_space<hbm>>) dst(%dma_wait3A_261 : memref<128x64xf32, #tpu.memory_space<vmem>>)
    %dma_start3A_268 = arith.constant 0 : i32
    %dma_start3A_269 = arith.constant 156 : i32
    %dma_start3A_270 = arith.constant 0 : i32
    %dma_start3A_271 = arith.constant 0 : i32
    %dma_start3A_272 = tpu.memref_slice %arg12[%dma_start3A_268, %dma_start3A_270, %dma_start3A_271] : memref<6x128x64xf32, #tpu.memory_space<vmem>> -> memref<1x128x64xf32, #tpu.memory_space<vmem>>
    %dma_start3A_273 = tpu.memref_squeeze %dma_start3A_272 : memref<1x128x64xf32, #tpu.memory_space<vmem>> -> memref<128x64xf32, #tpu.memory_space<vmem>>
    %dma_start3A_274 = arith.constant 0 : i32
    %dma_start3A_275 = tpu.memref_slice %arg11[%dma_start3A_269, %dma_start3A_274] : memref<157x128xi32, #tpu.memory_space<vmem>> -> memref<1x128xi32, #tpu.memory_space<vmem>>
    %dma_start3A_276 = tpu.memref_squeeze %dma_start3A_275 : memref<1x128xi32, #tpu.memory_space<vmem>> -> memref<128xi32, #tpu.memory_space<vmem>>
    %dma_start3A_277 = arith.constant 0 : i32
    %dma_start3A_278 = arith.constant 0 : i32
    %dma_start3A_279 = tpu.memref_slice %arg13[%dma_start3A_277, %dma_start3A_278] : memref<10240x64xf32, #tpu.memory_space<vmem_shared>> -> memref<10240x64xf32, #tpu.memory_space<vmem_shared>>
    tpu.enqueue_indirect_dma source(%dma_start3A_273 : memref<128x64xf32, #tpu.memory_space<vmem>>) target(%dma_start3A_279 : memref<10240x64xf32, #tpu.memory_space<vmem_shared>>) offsets(%dma_start3A_276 : memref<128xi32, #tpu.memory_space<vmem>>) semaphore(%arg20 : memref<!tpu.dma_semaphore, #tpu.memory_space<semaphore_mem>>) {add = true}
    %dma_wait3A_280 = arith.constant 1 : i32
    %dma_wait3A_281 = arith.constant 151 : i32
    %dma_wait3A_282 = arith.constant 0 : i32
    %dma_wait3A_283 = arith.constant 0 : i32
    %dma_wait3A_284 = tpu.memref_slice %arg12[%dma_wait3A_280, %dma_wait3A_282, %dma_wait3A_283] : memref<6x128x64xf32, #tpu.memory_space<vmem>> -> memref<1x128x64xf32, #tpu.memory_space<vmem>>
    %dma_wait3A_285 = tpu.memref_squeeze %dma_wait3A_284 : memref<1x128x64xf32, #tpu.memory_space<vmem>> -> memref<128x64xf32, #tpu.memory_space<vmem>>
    %dma_wait3A_286 = arith.constant 0 : i32
    %dma_wait3A_287 = tpu.memref_slice %arg11[%dma_wait3A_281, %dma_wait3A_286] : memref<157x128xi32, #tpu.memory_space<vmem>> -> memref<1x128xi32, #tpu.memory_space<vmem>>
    %dma_wait3A_288 = tpu.memref_squeeze %dma_wait3A_287 : memref<1x128xi32, #tpu.memory_space<vmem>> -> memref<128xi32, #tpu.memory_space<vmem>>
    %dma_wait3A_289 = arith.constant 0 : i32
    %dma_wait3A_290 = arith.constant 0 : i32
    %dma_wait3A_291 = tpu.memref_slice %arg13[%dma_wait3A_289, %dma_wait3A_290] : memref<10240x64xf32, #tpu.memory_space<vmem_shared>> -> memref<10240x64xf32, #tpu.memory_space<vmem_shared>>
    tpu.wait_indirect_dma semaphore(%arg21 : memref<!tpu.dma_semaphore, #tpu.memory_space<semaphore_mem>>) src(%dma_wait3A_285 : memref<128x64xf32, #tpu.memory_space<vmem>>) dst(%dma_wait3A_291 : memref<10240x64xf32, #tpu.memory_space<vmem_shared>>)
    %dma_wait3A_292 = arith.constant 2 : i32
    %dma_wait3A_293 = arith.constant 152 : i32
    %dma_wait3A_294 = arith.constant 0 : i32
    %dma_wait3A_295 = arith.constant 0 : i32
    %dma_wait3A_296 = tpu.memref_slice %arg12[%dma_wait3A_292, %dma_wait3A_294, %dma_wait3A_295] : memref<6x128x64xf32, #tpu.memory_space<vmem>> -> memref<1x128x64xf32, #tpu.memory_space<vmem>>
    %dma_wait3A_297 = tpu.memref_squeeze %dma_wait3A_296 : memref<1x128x64xf32, #tpu.memory_space<vmem>> -> memref<128x64xf32, #tpu.memory_space<vmem>>
    %dma_wait3A_298 = arith.constant 0 : i32
    %dma_wait3A_299 = tpu.memref_slice %arg11[%dma_wait3A_293, %dma_wait3A_298] : memref<157x128xi32, #tpu.memory_space<vmem>> -> memref<1x128xi32, #tpu.memory_space<vmem>>
    %dma_wait3A_300 = tpu.memref_squeeze %dma_wait3A_299 : memref<1x128xi32, #tpu.memory_space<vmem>> -> memref<128xi32, #tpu.memory_space<vmem>>
    %dma_wait3A_301 = arith.constant 0 : i32
    %dma_wait3A_302 = arith.constant 0 : i32
    %dma_wait3A_303 = tpu.memref_slice %arg13[%dma_wait3A_301, %dma_wait3A_302] : memref<10240x64xf32, #tpu.memory_space<vmem_shared>> -> memref<10240x64xf32, #tpu.memory_space<vmem_shared>>
    tpu.wait_indirect_dma semaphore(%arg22 : memref<!tpu.dma_semaphore, #tpu.memory_space<semaphore_mem>>) src(%dma_wait3A_297 : memref<128x64xf32, #tpu.memory_space<vmem>>) dst(%dma_wait3A_303 : memref<10240x64xf32, #tpu.memory_space<vmem_shared>>)
    %dma_wait3A_304 = arith.constant 3 : i32
    %dma_wait3A_305 = arith.constant 153 : i32
    %dma_wait3A_306 = arith.constant 0 : i32
    %dma_wait3A_307 = arith.constant 0 : i32
    %dma_wait3A_308 = tpu.memref_slice %arg12[%dma_wait3A_304, %dma_wait3A_306, %dma_wait3A_307] : memref<6x128x64xf32, #tpu.memory_space<vmem>> -> memref<1x128x64xf32, #tpu.memory_space<vmem>>
    %dma_wait3A_309 = tpu.memref_squeeze %dma_wait3A_308 : memref<1x128x64xf32, #tpu.memory_space<vmem>> -> memref<128x64xf32, #tpu.memory_space<vmem>>
    %dma_wait3A_310 = arith.constant 0 : i32
    %dma_wait3A_311 = tpu.memref_slice %arg11[%dma_wait3A_305, %dma_wait3A_310] : memref<157x128xi32, #tpu.memory_space<vmem>> -> memref<1x128xi32, #tpu.memory_space<vmem>>
    %dma_wait3A_312 = tpu.memref_squeeze %dma_wait3A_311 : memref<1x128xi32, #tpu.memory_space<vmem>> -> memref<128xi32, #tpu.memory_space<vmem>>
    %dma_wait3A_313 = arith.constant 0 : i32
    %dma_wait3A_314 = arith.constant 0 : i32
    %dma_wait3A_315 = tpu.memref_slice %arg13[%dma_wait3A_313, %dma_wait3A_314] : memref<10240x64xf32, #tpu.memory_space<vmem_shared>> -> memref<10240x64xf32, #tpu.memory_space<vmem_shared>>
    tpu.wait_indirect_dma semaphore(%arg23 : memref<!tpu.dma_semaphore, #tpu.memory_space<semaphore_mem>>) src(%dma_wait3A_309 : memref<128x64xf32, #tpu.memory_space<vmem>>) dst(%dma_wait3A_315 : memref<10240x64xf32, #tpu.memory_space<vmem_shared>>)
    %dma_wait3A_316 = arith.constant 4 : i32
    %dma_wait3A_317 = arith.constant 154 : i32
    %dma_wait3A_318 = arith.constant 0 : i32
    %dma_wait3A_319 = arith.constant 0 : i32
    %dma_wait3A_320 = tpu.memref_slice %arg12[%dma_wait3A_316, %dma_wait3A_318, %dma_wait3A_319] : memref<6x128x64xf32, #tpu.memory_space<vmem>> -> memref<1x128x64xf32, #tpu.memory_space<vmem>>
    %dma_wait3A_321 = tpu.memref_squeeze %dma_wait3A_320 : memref<1x128x64xf32, #tpu.memory_space<vmem>> -> memref<128x64xf32, #tpu.memory_space<vmem>>
    %dma_wait3A_322 = arith.constant 0 : i32
    %dma_wait3A_323 = tpu.memref_slice %arg11[%dma_wait3A_317, %dma_wait3A_322] : memref<157x128xi32, #tpu.memory_space<vmem>> -> memref<1x128xi32, #tpu.memory_space<vmem>>
    %dma_wait3A_324 = tpu.memref_squeeze %dma_wait3A_323 : memref<1x128xi32, #tpu.memory_space<vmem>> -> memref<128xi32, #tpu.memory_space<vmem>>
    %dma_wait3A_325 = arith.constant 0 : i32
    %dma_wait3A_326 = arith.constant 0 : i32
    %dma_wait3A_327 = tpu.memref_slice %arg13[%dma_wait3A_325, %dma_wait3A_326] : memref<10240x64xf32, #tpu.memory_space<vmem_shared>> -> memref<10240x64xf32, #tpu.memory_space<vmem_shared>>
    tpu.wait_indirect_dma semaphore(%arg24 : memref<!tpu.dma_semaphore, #tpu.memory_space<semaphore_mem>>) src(%dma_wait3A_321 : memref<128x64xf32, #tpu.memory_space<vmem>>) dst(%dma_wait3A_327 : memref<10240x64xf32, #tpu.memory_space<vmem_shared>>)
    %dma_wait3A_328 = arith.constant 5 : i32
    %dma_wait3A_329 = arith.constant 155 : i32
    %dma_wait3A_330 = arith.constant 0 : i32
    %dma_wait3A_331 = arith.constant 0 : i32
    %dma_wait3A_332 = tpu.memref_slice %arg12[%dma_wait3A_328, %dma_wait3A_330, %dma_wait3A_331] : memref<6x128x64xf32, #tpu.memory_space<vmem>> -> memref<1x128x64xf32, #tpu.memory_space<vmem>>
    %dma_wait3A_333 = tpu.memref_squeeze %dma_wait3A_332 : memref<1x128x64xf32, #tpu.memory_space<vmem>> -> memref<128x64xf32, #tpu.memory_space<vmem>>
    %dma_wait3A_334 = arith.constant 0 : i32
    %dma_wait3A_335 = tpu.memref_slice %arg11[%dma_wait3A_329, %dma_wait3A_334] : memref<157x128xi32, #tpu.memory_space<vmem>> -> memref<1x128xi32, #tpu.memory_space<vmem>>
    %dma_wait3A_336 = tpu.memref_squeeze %dma_wait3A_335 : memref<1x128xi32, #tpu.memory_space<vmem>> -> memref<128xi32, #tpu.memory_space<vmem>>
    %dma_wait3A_337 = arith.constant 0 : i32
    %dma_wait3A_338 = arith.constant 0 : i32
    %dma_wait3A_339 = tpu.memref_slice %arg13[%dma_wait3A_337, %dma_wait3A_338] : memref<10240x64xf32, #tpu.memory_space<vmem_shared>> -> memref<10240x64xf32, #tpu.memory_space<vmem_shared>>
    tpu.wait_indirect_dma semaphore(%arg25 : memref<!tpu.dma_semaphore, #tpu.memory_space<semaphore_mem>>) src(%dma_wait3A_333 : memref<128x64xf32, #tpu.memory_space<vmem>>) dst(%dma_wait3A_339 : memref<10240x64xf32, #tpu.memory_space<vmem_shared>>)
    %dma_wait3A_340 = arith.constant 0 : i32
    %dma_wait3A_341 = arith.constant 156 : i32
    %dma_wait3A_342 = arith.constant 0 : i32
    %dma_wait3A_343 = arith.constant 0 : i32
    %dma_wait3A_344 = tpu.memref_slice %arg12[%dma_wait3A_340, %dma_wait3A_342, %dma_wait3A_343] : memref<6x128x64xf32, #tpu.memory_space<vmem>> -> memref<1x128x64xf32, #tpu.memory_space<vmem>>
    %dma_wait3A_345 = tpu.memref_squeeze %dma_wait3A_344 : memref<1x128x64xf32, #tpu.memory_space<vmem>> -> memref<128x64xf32, #tpu.memory_space<vmem>>
    %dma_wait3A_346 = arith.constant 0 : i32
    %dma_wait3A_347 = tpu.memref_slice %arg11[%dma_wait3A_341, %dma_wait3A_346] : memref<157x128xi32, #tpu.memory_space<vmem>> -> memref<1x128xi32, #tpu.memory_space<vmem>>
    %dma_wait3A_348 = tpu.memref_squeeze %dma_wait3A_347 : memref<1x128xi32, #tpu.memory_space<vmem>> -> memref<128xi32, #tpu.memory_space<vmem>>
    %dma_wait3A_349 = arith.constant 0 : i32
    %dma_wait3A_350 = arith.constant 0 : i32
    %dma_wait3A_351 = tpu.memref_slice %arg13[%dma_wait3A_349, %dma_wait3A_350] : memref<10240x64xf32, #tpu.memory_space<vmem_shared>> -> memref<10240x64xf32, #tpu.memory_space<vmem_shared>>
    tpu.wait_indirect_dma semaphore(%arg20 : memref<!tpu.dma_semaphore, #tpu.memory_space<semaphore_mem>>) src(%dma_wait3A_345 : memref<128x64xf32, #tpu.memory_space<vmem>>) dst(%dma_wait3A_351 : memref<10240x64xf32, #tpu.memory_space<vmem_shared>>)
    %barrier3A_352 = arith.constant 0 : index
    tpu.barrier barrier_id(%barrier3A_352)
    %eq3A_353 = arith.constant 0 : i32
    %eq3A_354 = arith.cmpi eq, %arg0, %eq3A_353 : i32
    %convert_element_type3A_355 = arith.extui %eq3A_354 : i1 to i32
    %cond3A_356 = arith.constant 0 : i32
    %cond3A_357 = arith.cmpi ne, %convert_element_type3A_355, %cond3A_356 : i32
    scf.if %cond3A_357 {
      %mul3A = arith.constant 640 : i32
      %mul3A_363 = arith.muli %arg1, %mul3A : i32
      %mul3A_364 = arith.constant 640 : i32
      %mul3A_365 = arith.muli %arg1, %mul3A_364 : i32
      "tpu.region"() ({
        %run_scoped3A = tpu.sem_alloc : memref<!tpu.dma_semaphore, #tpu.memory_space<semaphore_mem>>
        %dma_start3A_366 = arith.constant 0 : i32
        %dma_start3A_367 = tpu.memref_slice %arg9[%mul3A_365, %dma_start3A_366] : memref<10240x128xf32, #tpu.memory_space<hbm>> -> memref<640x64xf32, #tpu.memory_space<hbm>>
        %dma_start3A_368 = arith.constant 0 : i32
        %dma_start3A_369 = tpu.memref_slice %arg13[%mul3A_363, %dma_start3A_368] : memref<10240x64xf32, #tpu.memory_space<vmem_shared>> -> memref<640x64xf32, #tpu.memory_space<vmem_shared>>
        tpu.enqueue_dma source(%dma_start3A_369 : memref<640x64xf32, #tpu.memory_space<vmem_shared>>) target(%dma_start3A_367 : memref<640x64xf32, #tpu.memory_space<hbm>>) target_semaphore(%run_scoped3A : memref<!tpu.dma_semaphore, #tpu.memory_space<semaphore_mem>>)
        %dma_wait3A_370 = arith.constant 0 : i32
        %dma_wait3A_371 = tpu.memref_slice %arg9[%mul3A_365, %dma_wait3A_370] : memref<10240x128xf32, #tpu.memory_space<hbm>> -> memref<640x64xf32, #tpu.memory_space<hbm>>
        %dma_wait3A_372 = arith.constant 0 : i32
        %dma_wait3A_373 = tpu.memref_slice %arg13[%mul3A_363, %dma_wait3A_372] : memref<10240x64xf32, #tpu.memory_space<vmem_shared>> -> memref<640x64xf32, #tpu.memory_space<vmem_shared>>
        tpu.wait_dma2 semaphore(%run_scoped3A : memref<!tpu.dma_semaphore, #tpu.memory_space<semaphore_mem>>) src(%dma_wait3A_373 : memref<640x64xf32, #tpu.memory_space<vmem_shared>>) dst(%dma_wait3A_371 : memref<640x64xf32, #tpu.memory_space<hbm>>)
        tpu.yield
      }) : () -> ()
    } else {
    }
    %eq3A_358 = arith.constant 1 : i32
    %eq3A_359 = arith.cmpi eq, %arg0, %eq3A_358 : i32
    %convert_element_type3A_360 = arith.extui %eq3A_359 : i1 to i32
    %cond3A_361 = arith.constant 0 : i32
    %cond3A_362 = arith.cmpi ne, %convert_element_type3A_360, %cond3A_361 : i32
    scf.if %cond3A_362 {
      %mul3A = arith.constant 640 : i32
      %mul3A_363 = arith.muli %arg1, %mul3A : i32
      %mul3A_364 = arith.constant 640 : i32
      %mul3A_365 = arith.muli %arg1, %mul3A_364 : i32
      "tpu.region"() ({
        %run_scoped3A = tpu.sem_alloc : memref<!tpu.dma_semaphore, #tpu.memory_space<semaphore_mem>>
        %dma_start3A_366 = arith.constant 64 : i32
        %dma_start3A_367 = tpu.memref_slice %arg9[%mul3A_365, %dma_start3A_366] : memref<10240x128xf32, #tpu.memory_space<hbm>> -> memref<640x64xf32, #tpu.memory_space<hbm>>
        %dma_start3A_368 = arith.constant 0 : i32
        %dma_start3A_369 = tpu.memref_slice %arg13[%mul3A_363, %dma_start3A_368] : memref<10240x64xf32, #tpu.memory_space<vmem_shared>> -> memref<640x64xf32, #tpu.memory_space<vmem_shared>>
        tpu.enqueue_dma source(%dma_start3A_369 : memref<640x64xf32, #tpu.memory_space<vmem_shared>>) target(%dma_start3A_367 : memref<640x64xf32, #tpu.memory_space<hbm>>) target_semaphore(%run_scoped3A : memref<!tpu.dma_semaphore, #tpu.memory_space<semaphore_mem>>)
        %dma_wait3A_370 = arith.constant 64 : i32
        %dma_wait3A_371 = tpu.memref_slice %arg9[%mul3A_365, %dma_wait3A_370] : memref<10240x128xf32, #tpu.memory_space<hbm>> -> memref<640x64xf32, #tpu.memory_space<hbm>>
        %dma_wait3A_372 = arith.constant 0 : i32
        %dma_wait3A_373 = tpu.memref_slice %arg13[%mul3A_363, %dma_wait3A_372] : memref<10240x64xf32, #tpu.memory_space<vmem_shared>> -> memref<640x64xf32, #tpu.memory_space<vmem_shared>>
        tpu.wait_dma2 semaphore(%run_scoped3A : memref<!tpu.dma_semaphore, #tpu.memory_space<semaphore_mem>>) src(%dma_wait3A_373 : memref<640x64xf32, #tpu.memory_space<vmem_shared>>) dst(%dma_wait3A_371 : memref<640x64xf32, #tpu.memory_space<hbm>>)
        tpu.yield
      }) : () -> ()
    } else {
    }
    return
  }
}

module attributes {stable_mosaic.version = 14 : i64} {
  func.func @_tc_fwd_body(%arg0: memref<10000x128xf32, #tpu.memory_space<vmem>>, %arg1: memref<10240x128xf32, #tpu.memory_space<vmem>>, %arg2: memref<20480x16xf32, #tpu.memory_space<vmem>>, %arg3: memref<1x128xf32, #tpu.memory_space<vmem>>, %arg4: memref<128x128xf32, #tpu.memory_space<vmem>>, %arg5: memref<1x128xf32, #tpu.memory_space<vmem>>, %arg6: memref<128x128xf32, #tpu.memory_space<vmem>>, %arg7: memref<1x128xf32, #tpu.memory_space<vmem>>, %arg8: memref<1x128xf32, #tpu.memory_space<vmem>>, %arg9: memref<256x128xf32, #tpu.memory_space<vmem>>, %arg10: memref<1x256xf32, #tpu.memory_space<vmem>>, %arg11: memref<1x256xf32, #tpu.memory_space<vmem>>, %arg12: memref<1x256xf32, #tpu.memory_space<vmem>>, %arg13: memref<128x256xf32, #tpu.memory_space<vmem>>, %arg14: memref<1x128xf32, #tpu.memory_space<vmem>>, %arg15: memref<1x128xf32, #tpu.memory_space<vmem>>, %arg16: memref<1x128xf32, #tpu.memory_space<vmem>>, %arg17: memref<10000x128xf32, #tpu.memory_space<vmem>>, %arg18: memref<1x128xf32, #tpu.memory_space<vmem>>) attributes {dimension_semantics = [], scalar_prefetch = 0 : i64, scratch_operands = 0 : i64, tpu.core_type = #tpu.core_type<tc>} {
    %get3A = arith.constant 0 : index
    %get3A_0 = arith.constant 0 : index
    %get3A_1 = vector.load %arg2[%get3A, %get3A_0] : memref<20480x16xf32, #tpu.memory_space<vmem>>, vector<10000x1xf32>
    %get3A_2 = arith.constant 10240 : index
    %get3A_3 = arith.constant 0 : index
    %get3A_4 = vector.load %arg2[%get3A_2, %get3A_3] : memref<20480x16xf32, #tpu.memory_space<vmem>>, vector<10000x1xf32>
    %add3A = arith.addf %get3A_1, %get3A_4 : vector<10000x1xf32>
    %max3A = arith.constant 1.000000e+00 : f32
    %max3A_5 = vector.broadcast %max3A : f32 to vector<10000x1xf32>
    %max3A_6 = arith.maximumf %add3A, %max3A_5 : vector<10000x1xf32>
    %div3A = arith.constant 1.000000e+00 : f32
    %div3A_7 = vector.broadcast %div3A : f32 to vector<10000x1xf32>
    %div3A_8 = arith.divf %div3A_7, %max3A_6 : vector<10000x1xf32>
    %mul3A = arith.mulf %add3A, %div3A_8 : vector<10000x1xf32>
    %get3A_9 = arith.constant 0 : index
    %get3A_10 = arith.constant 0 : index
    %get3A_11 = vector.load %arg3[%get3A_9, %get3A_10] : memref<1x128xf32, #tpu.memory_space<vmem>>, vector<1x128xf32>
    %get3A_12 = arith.constant 0 : index
    %get3A_13 = arith.constant 0 : index
    %get3A_14 = vector.load %arg0[%get3A_12, %get3A_13] : memref<10000x128xf32, #tpu.memory_space<vmem>>, vector<10000x128xf32>
    %get3A_15 = arith.constant 0 : index
    %get3A_16 = arith.constant 0 : index
    %get3A_17 = vector.load %arg4[%get3A_15, %get3A_16] : memref<128x128xf32, #tpu.memory_space<vmem>>, vector<128x128xf32>
    %get3A_18 = arith.constant 0 : index
    %get3A_19 = arith.constant 0 : index
    %get3A_20 = vector.load %arg5[%get3A_18, %get3A_19] : memref<1x128xf32, #tpu.memory_space<vmem>>, vector<1x128xf32>
    %get3A_21 = arith.constant 0 : index
    %get3A_22 = arith.constant 0 : index
    %get3A_23 = vector.load %arg6[%get3A_21, %get3A_22] : memref<128x128xf32, #tpu.memory_space<vmem>>, vector<128x128xf32>
    %get3A_24 = arith.constant 0 : index
    %get3A_25 = arith.constant 0 : index
    %get3A_26 = vector.load %arg1[%get3A_24, %get3A_25] : memref<10240x128xf32, #tpu.memory_space<vmem>>, vector<10000x128xf32>
    %mul3A_27 = vector.broadcast %div3A_8 : vector<10000x1xf32> to vector<10000x128xf32>
    %mul3A_28 = arith.mulf %get3A_26, %mul3A_27 : vector<10000x128xf32>
    %mul3A_29 = vector.broadcast %mul3A : vector<10000x1xf32> to vector<10000x128xf32>
    %mul3A_30 = vector.broadcast %get3A_11 : vector<1x128xf32> to vector<10000x128xf32>
    %mul3A_31 = arith.mulf %mul3A_29, %mul3A_30 : vector<10000x128xf32>
    %add3A_32 = arith.addf %mul3A_28, %mul3A_31 : vector<10000x128xf32>
    %dot_general3A = arith.constant dense<0.000000e+00> : vector<10000x128xf32>
    %dot_general3A_33 = tpu.matmul %add3A_32, %get3A_17, %dot_general3A {dimension_numbers = #tpu.dot_dimension_numbers<[1], [1], [0], [0], [0, 0, 1, 0], [], []>, transpose_lhs_hint = false} : vector<10000x128xf32>, vector<128x128xf32>, vector<10000x128xf32> -> vector<10000x128xf32>
    %dot_general3A_34 = arith.constant dense<0.000000e+00> : vector<10000x128xf32>
    %dot_general3A_35 = tpu.matmul %get3A_14, %get3A_23, %dot_general3A_34 {dimension_numbers = #tpu.dot_dimension_numbers<[1], [1], [0], [0], [0, 0, 1, 0], [], []>, transpose_lhs_hint = false} : vector<10000x128xf32>, vector<128x128xf32>, vector<10000x128xf32> -> vector<10000x128xf32>
    %add3A_36 = arith.addf %dot_general3A_33, %dot_general3A_35 : vector<10000x128xf32>
    %add3A_37 = vector.broadcast %get3A_20 : vector<1x128xf32> to vector<10000x128xf32>
    %add3A_38 = arith.addf %add3A_36, %add3A_37 : vector<10000x128xf32>
    %dot_general3A_39 = arith.constant dense<0.000000e+00> : vector<1x128xf32>
    %dot_general3A_40 = tpu.matmul %get3A_11, %get3A_23, %dot_general3A_39 {dimension_numbers = #tpu.dot_dimension_numbers<[1], [1], [0], [0], [0, 0, 1, 0], [], []>, transpose_lhs_hint = false} : vector<1x128xf32>, vector<128x128xf32>, vector<1x128xf32> -> vector<1x128xf32>
    %add3A_41 = vector.broadcast %dot_general3A_40 : vector<1x128xf32> to vector<10000x128xf32>
    %add3A_42 = arith.addf %add3A_38, %add3A_41 : vector<10000x128xf32>
    %get3A_43 = arith.constant 0 : index
    %get3A_44 = arith.constant 0 : index
    %get3A_45 = vector.load %arg7[%get3A_43, %get3A_44] : memref<1x128xf32, #tpu.memory_space<vmem>>, vector<1x128xf32>
    %get3A_46 = arith.constant 0 : index
    %get3A_47 = arith.constant 0 : index
    %get3A_48 = vector.load %arg8[%get3A_46, %get3A_47] : memref<1x128xf32, #tpu.memory_space<vmem>>, vector<1x128xf32>
    %reduce_sum3A = arith.constant dense<0.000000e+00> : vector<128xf32>
    %reduce_sum3A_49 = vector.multi_reduction <add>, %add3A_42, %reduce_sum3A [0] : vector<10000x128xf32> to vector<128xf32>
    %broadcast_in_dim3A = vector.shape_cast %reduce_sum3A_49 : vector<128xf32> to vector<1x128xf32>
    %div3A_50 = arith.constant 1.000000e+04 : f32
    %div3A_51 = vector.broadcast %div3A_50 : f32 to vector<1x128xf32>
    %div3A_52 = arith.divf %broadcast_in_dim3A, %div3A_51 : vector<1x128xf32>
    %mul3A_53 = arith.mulf %add3A_42, %add3A_42 : vector<10000x128xf32>
    %reduce_sum3A_54 = arith.constant dense<0.000000e+00> : vector<128xf32>
    %reduce_sum3A_55 = vector.multi_reduction <add>, %mul3A_53, %reduce_sum3A_54 [0] : vector<10000x128xf32> to vector<128xf32>
    %broadcast_in_dim3A_56 = vector.shape_cast %reduce_sum3A_55 : vector<128xf32> to vector<1x128xf32>
    %div3A_57 = arith.constant 1.000000e+04 : f32
    %div3A_58 = vector.broadcast %div3A_57 : f32 to vector<1x128xf32>
    %div3A_59 = arith.divf %broadcast_in_dim3A_56, %div3A_58 : vector<1x128xf32>
    %mul3A_60 = arith.mulf %div3A_52, %div3A_52 : vector<1x128xf32>
    %sub3A = arith.subf %div3A_59, %mul3A_60 : vector<1x128xf32>
    %sub3A_61 = vector.broadcast %div3A_52 : vector<1x128xf32> to vector<10000x128xf32>
    %sub3A_62 = arith.subf %add3A_42, %sub3A_61 : vector<10000x128xf32>
    %add3A_63 = arith.constant 9.99999974E-6 : f32
    %add3A_64 = vector.broadcast %add3A_63 : f32 to vector<1x128xf32>
    %add3A_65 = arith.addf %sub3A, %add3A_64 : vector<1x128xf32>
    %rsqrt3A = math.rsqrt %add3A_65 : vector<1x128xf32>
    %mul3A_66 = vector.broadcast %rsqrt3A : vector<1x128xf32> to vector<10000x128xf32>
    %mul3A_67 = arith.mulf %sub3A_62, %mul3A_66 : vector<10000x128xf32>
    %mul3A_68 = vector.broadcast %get3A_45 : vector<1x128xf32> to vector<10000x128xf32>
    %mul3A_69 = arith.mulf %mul3A_67, %mul3A_68 : vector<10000x128xf32>
    %add3A_70 = vector.broadcast %get3A_48 : vector<1x128xf32> to vector<10000x128xf32>
    %add3A_71 = arith.addf %mul3A_69, %add3A_70 : vector<10000x128xf32>
    %max3A_72 = arith.constant 0.000000e+00 : f32
    %max3A_73 = vector.broadcast %max3A_72 : f32 to vector<10000x128xf32>
    %max3A_74 = arith.maximumf %add3A_71, %max3A_73 : vector<10000x128xf32>
    %swap3A = arith.constant 0 : index
    %swap3A_75 = arith.constant 0 : index
    %swap3A_76 = vector.load %arg17[%swap3A, %swap3A_75] : memref<10000x128xf32, #tpu.memory_space<vmem>>, vector<10000x128xf32>
    tpu.vector_store %arg17[%swap3A, %swap3A_75], %max3A_74 {strides = array<i32>} : memref<10000x128xf32, #tpu.memory_space<vmem>>, vector<10000x128xf32>,
    %reduce_sum3A_77 = arith.constant dense<0.000000e+00> : vector<128xf32>
    %reduce_sum3A_78 = vector.multi_reduction <add>, %get3A_14, %reduce_sum3A_77 [0] : vector<10000x128xf32> to vector<128xf32>
    %broadcast_in_dim3A_79 = vector.shape_cast %reduce_sum3A_78 : vector<128xf32> to vector<1x128xf32>
    %add3A_80 = arith.addf %broadcast_in_dim3A_79, %get3A_11 : vector<1x128xf32>
    %get3A_81 = arith.constant 0 : index
    %get3A_82 = arith.constant 0 : index
    %get3A_83 = vector.load %arg9[%get3A_81, %get3A_82] : memref<256x128xf32, #tpu.memory_space<vmem>>, vector<256x128xf32>
    %get3A_84 = arith.constant 0 : index
    %get3A_85 = arith.constant 0 : index
    %get3A_86 = vector.load %arg10[%get3A_84, %get3A_85] : memref<1x256xf32, #tpu.memory_space<vmem>>, vector<1x256xf32>
    %get3A_87 = arith.constant 0 : index
    %get3A_88 = arith.constant 0 : index
    %get3A_89 = vector.load %arg11[%get3A_87, %get3A_88] : memref<1x256xf32, #tpu.memory_space<vmem>>, vector<1x256xf32>
    %get3A_90 = arith.constant 0 : index
    %get3A_91 = arith.constant 0 : index
    %get3A_92 = vector.load %arg12[%get3A_90, %get3A_91] : memref<1x256xf32, #tpu.memory_space<vmem>>, vector<1x256xf32>
    %get3A_93 = arith.constant 0 : index
    %get3A_94 = arith.constant 0 : index
    %get3A_95 = vector.load %arg13[%get3A_93, %get3A_94] : memref<128x256xf32, #tpu.memory_space<vmem>>, vector<128x256xf32>
    %get3A_96 = arith.constant 0 : index
    %get3A_97 = arith.constant 0 : index
    %get3A_98 = vector.load %arg14[%get3A_96, %get3A_97] : memref<1x128xf32, #tpu.memory_space<vmem>>, vector<1x128xf32>
    %get3A_99 = arith.constant 0 : index
    %get3A_100 = arith.constant 0 : index
    %get3A_101 = vector.load %arg15[%get3A_99, %get3A_100] : memref<1x128xf32, #tpu.memory_space<vmem>>, vector<1x128xf32>
    %get3A_102 = arith.constant 0 : index
    %get3A_103 = arith.constant 0 : index
    %get3A_104 = vector.load %arg16[%get3A_102, %get3A_103] : memref<1x128xf32, #tpu.memory_space<vmem>>, vector<1x128xf32>
    %dot_general3A_105 = arith.constant dense<0.000000e+00> : vector<1x256xf32>
    %dot_general3A_106 = tpu.matmul %add3A_80, %get3A_83, %dot_general3A_105 {dimension_numbers = #tpu.dot_dimension_numbers<[1], [1], [0], [0], [0, 0, 1, 0], [], []>, transpose_lhs_hint = false} : vector<1x128xf32>, vector<256x128xf32>, vector<1x256xf32> -> vector<1x256xf32>
    %add3A_107 = arith.addf %dot_general3A_106, %get3A_86 : vector<1x256xf32>
    %max3A_108 = arith.constant 0.000000e+00 : f32
    %max3A_109 = vector.broadcast %max3A_108 : f32 to vector<1x256xf32>
    %max3A_110 = arith.maximumf %add3A_107, %max3A_109 : vector<1x256xf32>
    %reduce_sum3A_111 = arith.constant dense<0.000000e+00> : vector<1xf32>
    %reduce_sum3A_112 = vector.multi_reduction <add>, %max3A_110, %reduce_sum3A_111 [1] : vector<1x256xf32> to vector<1xf32>
    %broadcast_in_dim3A_113 = vector.shape_cast %reduce_sum3A_112 : vector<1xf32> to vector<1x1xf32>
    %div3A_114 = arith.constant 2.560000e+02 : f32
    %div3A_115 = vector.broadcast %div3A_114 : f32 to vector<1x1xf32>
    %div3A_116 = arith.divf %broadcast_in_dim3A_113, %div3A_115 : vector<1x1xf32>
    %mul3A_117 = arith.mulf %max3A_110, %max3A_110 : vector<1x256xf32>
    %reduce_sum3A_118 = arith.constant dense<0.000000e+00> : vector<1xf32>
    %reduce_sum3A_119 = vector.multi_reduction <add>, %mul3A_117, %reduce_sum3A_118 [1] : vector<1x256xf32> to vector<1xf32>
    %broadcast_in_dim3A_120 = vector.shape_cast %reduce_sum3A_119 : vector<1xf32> to vector<1x1xf32>
    %div3A_121 = arith.constant 2.560000e+02 : f32
    %div3A_122 = vector.broadcast %div3A_121 : f32 to vector<1x1xf32>
    %div3A_123 = arith.divf %broadcast_in_dim3A_120, %div3A_122 : vector<1x1xf32>
    %mul3A_124 = arith.mulf %div3A_116, %div3A_116 : vector<1x1xf32>
    %sub3A_125 = arith.subf %div3A_123, %mul3A_124 : vector<1x1xf32>
    %sub3A_126 = vector.broadcast %div3A_116 : vector<1x1xf32> to vector<1x256xf32>
    %sub3A_127 = arith.subf %max3A_110, %sub3A_126 : vector<1x256xf32>
    %add3A_128 = arith.constant 9.99999974E-6 : f32
    %add3A_129 = vector.broadcast %add3A_128 : f32 to vector<1x1xf32>
    %add3A_130 = arith.addf %sub3A_125, %add3A_129 : vector<1x1xf32>
    %rsqrt3A_131 = math.rsqrt %add3A_130 : vector<1x1xf32>
    %mul3A_132 = vector.broadcast %rsqrt3A_131 : vector<1x1xf32> to vector<1x256xf32>
    %mul3A_133 = arith.mulf %sub3A_127, %mul3A_132 : vector<1x256xf32>
    %mul3A_134 = arith.mulf %mul3A_133, %get3A_89 : vector<1x256xf32>
    %add3A_135 = arith.addf %mul3A_134, %get3A_92 : vector<1x256xf32>
    %dot_general3A_136 = arith.constant dense<0.000000e+00> : vector<1x128xf32>
    %dot_general3A_137 = tpu.matmul %add3A_135, %get3A_95, %dot_general3A_136 {dimension_numbers = #tpu.dot_dimension_numbers<[1], [1], [0], [0], [0, 0, 1, 0], [], []>, transpose_lhs_hint = false} : vector<1x256xf32>, vector<128x256xf32>, vector<1x128xf32> -> vector<1x128xf32>
    %add3A_138 = arith.addf %dot_general3A_137, %get3A_98 : vector<1x128xf32>
    %max3A_139 = arith.constant 0.000000e+00 : f32
    %max3A_140 = vector.broadcast %max3A_139 : f32 to vector<1x128xf32>
    %max3A_141 = arith.maximumf %add3A_138, %max3A_140 : vector<1x128xf32>
    %reduce_sum3A_142 = arith.constant dense<0.000000e+00> : vector<1xf32>
    %reduce_sum3A_143 = vector.multi_reduction <add>, %max3A_141, %reduce_sum3A_142 [1] : vector<1x128xf32> to vector<1xf32>
    %broadcast_in_dim3A_144 = vector.shape_cast %reduce_sum3A_143 : vector<1xf32> to vector<1x1xf32>
    %div3A_145 = arith.constant 1.280000e+02 : f32
    %div3A_146 = vector.broadcast %div3A_145 : f32 to vector<1x1xf32>
    %div3A_147 = arith.divf %broadcast_in_dim3A_144, %div3A_146 : vector<1x1xf32>
    %mul3A_148 = arith.mulf %max3A_141, %max3A_141 : vector<1x128xf32>
    %reduce_sum3A_149 = arith.constant dense<0.000000e+00> : vector<1xf32>
    %reduce_sum3A_150 = vector.multi_reduction <add>, %mul3A_148, %reduce_sum3A_149 [1] : vector<1x128xf32> to vector<1xf32>
    %broadcast_in_dim3A_151 = vector.shape_cast %reduce_sum3A_150 : vector<1xf32> to vector<1x1xf32>
    %div3A_152 = arith.constant 1.280000e+02 : f32
    %div3A_153 = vector.broadcast %div3A_152 : f32 to vector<1x1xf32>
    %div3A_154 = arith.divf %broadcast_in_dim3A_151, %div3A_153 : vector<1x1xf32>
    %mul3A_155 = arith.mulf %div3A_147, %div3A_147 : vector<1x1xf32>
    %sub3A_156 = arith.subf %div3A_154, %mul3A_155 : vector<1x1xf32>
    %sub3A_157 = vector.broadcast %div3A_147 : vector<1x1xf32> to vector<1x128xf32>
    %sub3A_158 = arith.subf %max3A_141, %sub3A_157 : vector<1x128xf32>
    %add3A_159 = arith.constant 9.99999974E-6 : f32
    %add3A_160 = vector.broadcast %add3A_159 : f32 to vector<1x1xf32>
    %add3A_161 = arith.addf %sub3A_156, %add3A_160 : vector<1x1xf32>
    %rsqrt3A_162 = math.rsqrt %add3A_161 : vector<1x1xf32>
    %mul3A_163 = vector.broadcast %rsqrt3A_162 : vector<1x1xf32> to vector<1x128xf32>
    %mul3A_164 = arith.mulf %sub3A_158, %mul3A_163 : vector<1x128xf32>
    %mul3A_165 = arith.mulf %mul3A_164, %get3A_101 : vector<1x128xf32>
    %add3A_166 = arith.addf %mul3A_165, %get3A_104 : vector<1x128xf32>
    %swap3A_167 = arith.constant 0 : index
    %swap3A_168 = arith.constant 0 : index
    %swap3A_169 = vector.load %arg18[%swap3A_167, %swap3A_168] : memref<1x128xf32, #tpu.memory_space<vmem>>, vector<1x128xf32>
    tpu.vector_store %arg18[%swap3A_167, %swap3A_168], %add3A_166 {strides = array<i32>} : memref<1x128xf32, #tpu.memory_space<vmem>>, vector<1x128xf32>,
    return
  }
}

module attributes {stable_mosaic.version = 14 : i64} {
  func.func @_tc_last_body(%arg0: memref<10000x128xf32, #tpu.memory_space<vmem>>, %arg1: memref<10240x128xf32, #tpu.memory_space<vmem>>, %arg2: memref<20480x16xf32, #tpu.memory_space<vmem>>, %arg3: memref<1x128xf32, #tpu.memory_space<vmem>>, %arg4: memref<128x128xf32, #tpu.memory_space<vmem>>, %arg5: memref<1x128xf32, #tpu.memory_space<vmem>>, %arg6: memref<128x128xf32, #tpu.memory_space<vmem>>, %arg7: memref<1x128xf32, #tpu.memory_space<vmem>>, %arg8: memref<1x128xf32, #tpu.memory_space<vmem>>, %arg9: memref<10000x128xf32, #tpu.memory_space<vmem>>) attributes {dimension_semantics = [], scalar_prefetch = 0 : i64, scratch_operands = 0 : i64, tpu.core_type = #tpu.core_type<tc>} {
    %get3A = arith.constant 0 : index
    %get3A_0 = arith.constant 0 : index
    %get3A_1 = vector.load %arg2[%get3A, %get3A_0] : memref<20480x16xf32, #tpu.memory_space<vmem>>, vector<10000x1xf32>
    %get3A_2 = arith.constant 10240 : index
    %get3A_3 = arith.constant 0 : index
    %get3A_4 = vector.load %arg2[%get3A_2, %get3A_3] : memref<20480x16xf32, #tpu.memory_space<vmem>>, vector<10000x1xf32>
    %add3A = arith.addf %get3A_1, %get3A_4 : vector<10000x1xf32>
    %max3A = arith.constant 1.000000e+00 : f32
    %max3A_5 = vector.broadcast %max3A : f32 to vector<10000x1xf32>
    %max3A_6 = arith.maximumf %add3A, %max3A_5 : vector<10000x1xf32>
    %div3A = arith.constant 1.000000e+00 : f32
    %div3A_7 = vector.broadcast %div3A : f32 to vector<10000x1xf32>
    %div3A_8 = arith.divf %div3A_7, %max3A_6 : vector<10000x1xf32>
    %mul3A = arith.mulf %add3A, %div3A_8 : vector<10000x1xf32>
    %get3A_9 = arith.constant 0 : index
    %get3A_10 = arith.constant 0 : index
    %get3A_11 = vector.load %arg3[%get3A_9, %get3A_10] : memref<1x128xf32, #tpu.memory_space<vmem>>, vector<1x128xf32>
    %get3A_12 = arith.constant 0 : index
    %get3A_13 = arith.constant 0 : index
    %get3A_14 = vector.load %arg0[%get3A_12, %get3A_13] : memref<10000x128xf32, #tpu.memory_space<vmem>>, vector<10000x128xf32>
    %get3A_15 = arith.constant 0 : index
    %get3A_16 = arith.constant 0 : index
    %get3A_17 = vector.load %arg4[%get3A_15, %get3A_16] : memref<128x128xf32, #tpu.memory_space<vmem>>, vector<128x128xf32>
    %get3A_18 = arith.constant 0 : index
    %get3A_19 = arith.constant 0 : index
    %get3A_20 = vector.load %arg5[%get3A_18, %get3A_19] : memref<1x128xf32, #tpu.memory_space<vmem>>, vector<1x128xf32>
    %get3A_21 = arith.constant 0 : index
    %get3A_22 = arith.constant 0 : index
    %get3A_23 = vector.load %arg6[%get3A_21, %get3A_22] : memref<128x128xf32, #tpu.memory_space<vmem>>, vector<128x128xf32>
    %get3A_24 = arith.constant 0 : index
    %get3A_25 = arith.constant 0 : index
    %get3A_26 = vector.load %arg1[%get3A_24, %get3A_25] : memref<10240x128xf32, #tpu.memory_space<vmem>>, vector<10000x128xf32>
    %mul3A_27 = vector.broadcast %div3A_8 : vector<10000x1xf32> to vector<10000x128xf32>
    %mul3A_28 = arith.mulf %get3A_26, %mul3A_27 : vector<10000x128xf32>
    %mul3A_29 = vector.broadcast %mul3A : vector<10000x1xf32> to vector<10000x128xf32>
    %mul3A_30 = vector.broadcast %get3A_11 : vector<1x128xf32> to vector<10000x128xf32>
    %mul3A_31 = arith.mulf %mul3A_29, %mul3A_30 : vector<10000x128xf32>
    %add3A_32 = arith.addf %mul3A_28, %mul3A_31 : vector<10000x128xf32>
    %dot_general3A = arith.constant dense<0.000000e+00> : vector<10000x128xf32>
    %dot_general3A_33 = tpu.matmul %add3A_32, %get3A_17, %dot_general3A {dimension_numbers = #tpu.dot_dimension_numbers<[1], [1], [0], [0], [0, 0, 1, 0], [], []>, transpose_lhs_hint = false} : vector<10000x128xf32>, vector<128x128xf32>, vector<10000x128xf32> -> vector<10000x128xf32>
    %dot_general3A_34 = arith.constant dense<0.000000e+00> : vector<10000x128xf32>
    %dot_general3A_35 = tpu.matmul %get3A_14, %get3A_23, %dot_general3A_34 {dimension_numbers = #tpu.dot_dimension_numbers<[1], [1], [0], [0], [0, 0, 1, 0], [], []>, transpose_lhs_hint = false} : vector<10000x128xf32>, vector<128x128xf32>, vector<10000x128xf32> -> vector<10000x128xf32>
    %add3A_36 = arith.addf %dot_general3A_33, %dot_general3A_35 : vector<10000x128xf32>
    %add3A_37 = vector.broadcast %get3A_20 : vector<1x128xf32> to vector<10000x128xf32>
    %add3A_38 = arith.addf %add3A_36, %add3A_37 : vector<10000x128xf32>
    %dot_general3A_39 = arith.constant dense<0.000000e+00> : vector<1x128xf32>
    %dot_general3A_40 = tpu.matmul %get3A_11, %get3A_23, %dot_general3A_39 {dimension_numbers = #tpu.dot_dimension_numbers<[1], [1], [0], [0], [0, 0, 1, 0], [], []>, transpose_lhs_hint = false} : vector<1x128xf32>, vector<128x128xf32>, vector<1x128xf32> -> vector<1x128xf32>
    %add3A_41 = vector.broadcast %dot_general3A_40 : vector<1x128xf32> to vector<10000x128xf32>
    %add3A_42 = arith.addf %add3A_38, %add3A_41 : vector<10000x128xf32>
    %get3A_43 = arith.constant 0 : index
    %get3A_44 = arith.constant 0 : index
    %get3A_45 = vector.load %arg7[%get3A_43, %get3A_44] : memref<1x128xf32, #tpu.memory_space<vmem>>, vector<1x128xf32>
    %get3A_46 = arith.constant 0 : index
    %get3A_47 = arith.constant 0 : index
    %get3A_48 = vector.load %arg8[%get3A_46, %get3A_47] : memref<1x128xf32, #tpu.memory_space<vmem>>, vector<1x128xf32>
    %reduce_sum3A = arith.constant dense<0.000000e+00> : vector<128xf32>
    %reduce_sum3A_49 = vector.multi_reduction <add>, %add3A_42, %reduce_sum3A [0] : vector<10000x128xf32> to vector<128xf32>
    %broadcast_in_dim3A = vector.shape_cast %reduce_sum3A_49 : vector<128xf32> to vector<1x128xf32>
    %div3A_50 = arith.constant 1.000000e+04 : f32
    %div3A_51 = vector.broadcast %div3A_50 : f32 to vector<1x128xf32>
    %div3A_52 = arith.divf %broadcast_in_dim3A, %div3A_51 : vector<1x128xf32>
    %mul3A_53 = arith.mulf %add3A_42, %add3A_42 : vector<10000x128xf32>
    %reduce_sum3A_54 = arith.constant dense<0.000000e+00> : vector<128xf32>
    %reduce_sum3A_55 = vector.multi_reduction <add>, %mul3A_53, %reduce_sum3A_54 [0] : vector<10000x128xf32> to vector<128xf32>
    %broadcast_in_dim3A_56 = vector.shape_cast %reduce_sum3A_55 : vector<128xf32> to vector<1x128xf32>
    %div3A_57 = arith.constant 1.000000e+04 : f32
    %div3A_58 = vector.broadcast %div3A_57 : f32 to vector<1x128xf32>
    %div3A_59 = arith.divf %broadcast_in_dim3A_56, %div3A_58 : vector<1x128xf32>
    %mul3A_60 = arith.mulf %div3A_52, %div3A_52 : vector<1x128xf32>
    %sub3A = arith.subf %div3A_59, %mul3A_60 : vector<1x128xf32>
    %sub3A_61 = vector.broadcast %div3A_52 : vector<1x128xf32> to vector<10000x128xf32>
    %sub3A_62 = arith.subf %add3A_42, %sub3A_61 : vector<10000x128xf32>
    %add3A_63 = arith.constant 9.99999974E-6 : f32
    %add3A_64 = vector.broadcast %add3A_63 : f32 to vector<1x128xf32>
    %add3A_65 = arith.addf %sub3A, %add3A_64 : vector<1x128xf32>
    %rsqrt3A = math.rsqrt %add3A_65 : vector<1x128xf32>
    %mul3A_66 = vector.broadcast %rsqrt3A : vector<1x128xf32> to vector<10000x128xf32>
    %mul3A_67 = arith.mulf %sub3A_62, %mul3A_66 : vector<10000x128xf32>
    %mul3A_68 = vector.broadcast %get3A_45 : vector<1x128xf32> to vector<10000x128xf32>
    %mul3A_69 = arith.mulf %mul3A_67, %mul3A_68 : vector<10000x128xf32>
    %add3A_70 = vector.broadcast %get3A_48 : vector<1x128xf32> to vector<10000x128xf32>
    %add3A_71 = arith.addf %mul3A_69, %add3A_70 : vector<10000x128xf32>
    %swap3A = arith.constant 0 : index
    %swap3A_72 = arith.constant 0 : index
    %swap3A_73 = vector.load %arg9[%swap3A, %swap3A_72] : memref<10000x128xf32, #tpu.memory_space<vmem>>, vector<10000x128xf32>
    tpu.vector_store %arg9[%swap3A, %swap3A_72], %add3A_71 {strides = array<i32>} : memref<10000x128xf32, #tpu.memory_space<vmem>>, vector<10000x128xf32>,
    return
  }
}

</mosaic_0001>

<sc_bundles>
// kernel: kernel.11.cloned.1.call-start
scs
__scs_entry_jumppad:
0x0: {  	(pc) =	sbr.rel $0x88, $3  }
0x1: {  	(tag) =	ssettag $0x0;
	lr =	simm.s32 $0x1  }
0x2: {  	[smem:$0x3F7F] =	sst lr;
	_ =	strace $0xD0000000  }
0x3: {  	_ = 	snop  }
0x4: {  	_ = 	snop  }
0x5: {  	_ = 	snop  }
0x6: {  	_ = 	snop  }
0x7: {  	_ = 	snop  }
__scs_overlays_trampoline_lowered:
0x8: {  	[smem:$0x3F8E] =	sst s0  }
0x9: {  	[smem:$0x3F8F] =	sst s1  }
0xa: {  	[smem:$0x3F90] =	sst s2  }
0xb: {  	[smem:$0x3F91] =	sst s3  }
0xc: {  	[smem:$0x3F92] =	sst s4  }
0xd: {  	[smem:$0x3F93] =	sst s5  }
0xe: {  	[smem:$0x3F94] =	sst s6  }
0xf: {  	[smem:$0x3F95] =	sst s7  }
0x10: {  	[smem:$0x3F96] =	sst s8  }
0x11: {  	[smem:$0x3F97] =	sst s9;
	s0 =	simm.s32 @!p0 $0x0  }
0x12: {  	s1 =	sld [smem:$0x3F7D];
	s0 =	simm.s32 @p0 $0x1  }
0x13: {  	[smem:$0x3F98] =	sst s0;
	s0 =	simm.s32 @!p1 $0x0  }
0x14: {  	s2 =	sld [smem:$0x3F7C];
	s0 =	simm.s32 @p1 $0x1  }
0x15: {  	[smem:$0x3F99] =	sst s0;
	s0 =	simm.s32 @!p2 $0x0  }
0x16: {  	s3 =	sld [smem:$0x3FDB];
	s0 =	simm.s32 @p2 $0x1  }
0x17: {  	s4 =	simm.s32 $0x1BF5;
	[smem:$0x3F9B] =	sst s0  }
0x18: {  	s0 =	sld [smem:$0x3F7E];
	_ =	swait.ge [sflag:s4], $0x0  }
0x19: {  	s7 =	sld [smem:$0x3F7F]  }
0x1a: {  	s8 =	sadd.s32 $0xFFFFE003, lr  }
0x1b: {  	s9 =	sadd.s32 $0xFFFFFEF7, lr;
	s5 =	simm.s32 $0xFFFFFFFF;
	p2 =	slt.u32 s8, $0xFFFFF086  }
0x1c: {  	p1 =	slt.u32 s9, $0xF7A;
	s5 =	simm.s32 @!p2 $0x0  }
0x1d: {  	s5 =	simm.s32 @p1 $0x1;
	p0 =	seq.s32 s7, s2  }
0x1e: {  	s7 =	smul.u32 @!p0 $0xF7A, s2;
	p2 =	seq.s32 @!p0 s5, $0x0  }
0x1f: {  	s9 =	smul.u32 $0xF7A, s1;
	s8 =	simm.s32 @!p0 $0x1BF5;
	p2 =	por !p2, p0  }
0x20: {  	[sflag:s8] =	ssyncset.s32 @!p0 $0xFFFFF086;
	s6 =	sadd.s32 @!p0 s3, s7;
	s7 =	simm.s32 @!p0 $0x108  }
0x21: {  	s3 =	sadd.s32 s3, s9;
	s6 =	sadd.s32 @!p0 $0x88, s6;
	s7 =	simm.s32 @p2 $0x1082  }
0x22: {  	[simem:s7], [sflag:s8] =	dma.local @!p0 [hbm:s6], $0xF7A  }
0x23: {  	s9 =	sor.u32 $0xD0000000, s2;
	s6 =	simm.s32 $0x108;
	_ =	swait.ge @!p0 [sflag:s8], $0x0  }
0x24: {  	s3 =	sadd.s32 $0x88, s3;
	s6 =	simm.s32 @!p1 $0x1082;
	[sflag:s4] =	ssyncset.s32 $0xFFFFF086  }
0x25: {  	[simem:s6], [sflag:s4] =	dma.local [hbm:s3], $0xF7A  }
0x26: {  	[smem:$0x3F7F] =	sst s1;
	(tag) =	ssettag s2;
	_ =	strace s9  }
0x27: {  	s1 =	sld [smem:$0x3F8F]  }
0x28: {  	s2 =	sld [smem:$0x3F90]  }
0x29: {  	s4 =	sld [smem:$0x3F92]  }
0x2a: {  	p0 =	seq.s32 s5, $0x0;
	s5 =	sld [smem:$0x3F93]  }
0x2b: {  	s6 =	sld [smem:$0x3F94]  }
0x2c: {  	s7 =	sld [smem:$0x3F95]  }
0x2d: {  	s3 =	simm.s32 $0x108;
	s8 =	sld [smem:$0x3F96]  }
0x2e: {  	s3 =	simm.s32 @!p0 $0x1082;
	s9 =	sld [smem:$0x3F97]  }
0x2f: {  	lr =	sadd.s32 s0, s3;
	s0 =	sld [smem:$0x3F8E]  }
0x30: {  	s3 =	sld [smem:$0x3F91]  }
0x31: {  	[smem:$0x3F9A] =	sst s10  }
0x32: {  	s10 =	sld [smem:$0x3F98];
	_ =	sdelay $0x3  }
0x33: {  	p0 =	seq.s32 s10, $0x1;
	s10 =	sld [smem:$0x3F9A];
	_ =	sdelay $0x3  }
0x34: {  	[smem:$0x3F9A] =	sst s10  }
0x35: {  	s10 =	sld [smem:$0x3F99];
	_ =	sdelay $0x3  }
0x36: {  	p1 =	seq.s32 s10, $0x1;
	s10 =	sld [smem:$0x3F9A];
	_ =	sdelay $0x3  }
0x37: {  	[smem:$0x3F9A] =	sst s10  }
0x38: {  	s10 =	sld [smem:$0x3F9B]  }
0x39: {  	_ = 	snop;
	(pc) =	sbr.ind lr, $3  }
0x3a: {  	_ = 	snop  }
0x3b: {  	_ = 	snop  }
0x3c: {  	p2 =	seq.s32 s10, $0x1;
	s10 =	sld [smem:$0x3F9A]  }
0x3d: {  	_ =	shalt  }
0x3e: {  	_ =	shalt  }
0x3f: {  	_ =	shalt  }
0x40: {  	_ =	shalt  }
0x41: {  	_ =	shalt  }
0x42: {  	_ =	shalt  }
0x43: {  	_ =	shalt  }
0x44: {  	_ =	shalt  }
0x45: {  	_ =	shalt  }
0x46: {  	_ =	shalt  }
0x47: {  	_ =	shalt  }
0x48: {  	_ =	shalt  }
0x49: {  	_ =	shalt  }
0x4a: {  	_ =	shalt  }
0x4b: {  	_ =	shalt  }
0x4c: {  	_ =	shalt  }
0x4d: {  	_ =	shalt  }
0x4e: {  	_ =	shalt  }
0x4f: {  	_ =	shalt  }
0x50: {  	_ =	shalt  }
0x51: {  	_ =	shalt  }
0x52: {  	_ =	shalt  }
0x53: {  	_ =	shalt  }
0x54: {  	_ =	shalt  }
0x55: {  	_ =	shalt  }
0x56: {  	_ =	shalt  }
0x57: {  	_ =	shalt  }
0x58: {  	_ =	shalt  }
0x59: {  	_ =	shalt  }
0x5a: {  	_ =	shalt  }
0x5b: {  	_ =	shalt  }
0x5c: {  	_ =	shalt  }
0x5d: {  	_ =	shalt  }
0x5e: {  	_ =	shalt  }
0x5f: {  	_ =	shalt  }
0x60: {  	_ =	shalt  }
0x61: {  	_ =	shalt  }
0x62: {  	_ =	shalt  }
0x63: {  	_ =	shalt  }
0x64: {  	_ =	shalt  }
0x65: {  	_ =	shalt  }
0x66: {  	_ =	shalt  }
0x67: {  	_ =	shalt  }
0x68: {  	_ =	shalt  }
0x69: {  	_ =	shalt  }
0x6a: {  	_ =	shalt  }
0x6b: {  	_ =	shalt  }
0x6c: {  	_ =	shalt  }
0x6d: {  	_ =	shalt  }
0x6e: {  	_ =	shalt  }
0x6f: {  	_ =	shalt  }
0x70: {  	_ =	shalt  }
0x71: {  	_ =	shalt  }
0x72: {  	_ =	shalt  }
0x73: {  	_ =	shalt  }
0x74: {  	_ =	shalt  }
0x75: {  	_ =	shalt  }
0x76: {  	_ =	shalt  }
0x77: {  	_ =	shalt  }
0x78: {  	_ =	shalt  }
0x79: {  	_ =	shalt  }
0x7a: {  	_ =	shalt  }
0x7b: {  	_ =	shalt  }
0x7c: {  	_ =	shalt  }
0x7d: {  	_ =	shalt  }
0x7e: {  	_ =	shalt  }
0x7f: {  	_ =	shalt  }
0x80: {  	_ =	shalt  }
0x81: {  	_ =	shalt  }
0x82: {  	_ =	shalt  }
0x83: {  	_ =	shalt  }
0x84: {  	_ =	shalt  }
0x85: {  	_ =	shalt  }
0x86: {  	_ =	shalt  }
0x87: {  	_ =	shalt  }
.Lfunc_end0:
.L_simem_size_0:
called_computation.1_lowered:
.L_overlay_start_0:
0x88: {  	s2 =	sld [smem:$0x3FD9]  }
0x89: {  	s3 =	sld [smem:$0x3FFE];
	_ =	sdelay $0x1  }
0x8a: {  	s1 =	srdreg.scid  }
0x8b: {  	s0 =	sand.u32 $0x1, s1  }
0x8c: {  	s17 =	sshll.u32 s0, $0xA;
	s2 =	sadd.s32 s3, s2  }
0x8d: {  	s2 =	sadd.s32 s2, s17  }
0x8e: {  	[smem:$0x3FA6] =	sst s2  }
0x8f: {  	_ = 	snop  }
0x90: {  	s2 =	sld [smem:$0x3FD0];
	(tm) =	ssettm $0x1  }
0x91: {  	s18 =	sld [smem:$0x3FFB];
	_ =	sdelay $0x3  }
0x92: {  	_ =	strace s18  }
0x93: {  	s3 =	sld [smem:$0x3FFC];
	_ =	sdelay $0x3  }
0x94: {  	_ =	strace s3  }
0x95: {  	s3 =	sld [smem:$0x3FFD];
	_ =	sdelay $0x3  }
0x96: {  	_ =	strace s3  }
0x97: {  	_ =	strace $0x8FFFFFFF  }
0x98: {  	s19 =	sld [smem:$0x3FDB];
	_ =	sdelay $0x1  }
0x99: {  	s4 =	simm.s32 $_scs_section_size  }
0x9a: {  	s5 =	simm.s32 $_size__tile_overlayer_lowered;
	s6 =	simm.s32 $_tile_overlayer_lowered  }
0x9b: {  	s22 =	simm.s32 $0x1BFF;
	s21 =	sshll.u32 s6, $0x1;
	s3 =	sadd.s32 s4, s19  }
0x9c: {  	s7 =	simm.s32 $0x0;
	s20 =	sshll.u32 s5, $0x1;
	s5 =	sadd.s32 s21, s3  }
0x9d: {  	[timem:s7], [sflag:s22] =	dma.local [hbm:s5], s20  }
0x9e: {  	_ =	swait.ge [sflag:s22], s20  }
0x9f: {  	s4 =	ssub.s32 $0x0, s20;
	[sflag:s22] =	ssyncset.done $0x0  }
0xa0: {  	[sflag:s22] =	ssyncadd.s32 s4;
	_ =	sdelay $0x1  }
0xa1: {  	s23 =	simm.s32 $0x1B8B  }
0xa2: {  	_ =	swait.ge [sflag:s23], $0x1  }
0xa3: {  	[sflag:s23] =	ssyncset.done $0x0  }
0xa4: {  	s25 =	simm.s32 $0x1B8E;
	s24 =	sld [smem:$0x3FFE];
	[sflag:s23] =	ssyncadd.s32 $0xFFFFFFFF  }
0xa5: {  	s26 =	simm.s32 $execute0_lowered;
	[smem:$0x3FD2] =	sst s25  }
0xa6: {  	s5 =	sshll.u32 s26, $0x1;
	_ =	strace $0x80000049;
	[dreg:$0x1] =	wrdreg $0xFFFFFFFF  }
0xa7: {  	s28 =	simm.s32 $_size_execute0_lowered;
	s3 =	sadd.s32 s3, s5;
	[dreg:$0x0] =	wrdreg $0x0  }
0xa8: {  	s5 =	sshll.u32 s28, $0x1;
	[dreg:$0x2] =	wrdreg s3  }
0xa9: {  	[dreg:$0x3] =	wrdreg s5  }
0xaa: {  	[dreg:$0x4] =	wrdreg $0xC0  }
0xab: {  	_ =	task [dreg:s7], $0x5FFFF  }
0xac: {  	[dreg:$0x1] =	wrdreg $0xFFFFFFFF  }
0xad: {  	[dreg:$0x0] =	wrdreg $0x60  }
0xae: {  	[dreg:$0x2] =	wrdreg s2  }
0xaf: {  	[dreg:$0x3] =	wrdreg s24  }
0xb0: {  	[dreg:$0x4] =	wrdreg $0x15D000  }
0xb1: {  	[dreg:$0x5] =	wrdreg $0x9  }
0xb2: {  	_ =	task.clear_ibuf [dreg:s7], $0x6FFFF;
	_ =	strace $0x90000049  }
0xb3: {  	s29 =	simm.s32 $0x9;
	_ =	strace $0x8000004B  }
0xb4: {  	_ =	swait.ge [sflag:s29], $0x1  }
0xb5: {  	[sflag:s29] =	ssyncadd.s32 $0xFFFFFFFF  }
0xb6: {  	_ =	strace $0x9000004B  }
0xb7: {  	_ =	sfence  }
0xb8: {  	s30 =	sld [smem:$0x0];
	_ =	sdelay $0x2  }
0xb9: {  	s31 =	sshll.u32 s1, $0xD;
	s1 =	sshrl.u32 s1, $0x2  }
0xba: {  	s3 =	sand.u32 $0x4000, s31;
	s1 =	sadd.s32 s1, s30  }
0xbb: {  	s0 =	sor.u32 s3, s0;
	s1 =	sshll.u32 s1, $0x11  }
0xbc: {  	s0 =	sor.u32 s1, s0  }
0xbd: {  	s0 =	sadd.s32 $0x8F2B, s0  }
0xbe: {  	[sflag:s0] =	ssyncadd.remote.s32 $0x1  }
0xbf: {  	_ =	sfence.sel $0xFFFF  }
0xc0: {  	[dreg:$0x0] =	wrdreg $0xFFFFFFFF;
	(pc) =	sbr.abs _section_cstart, $3  }
0xc1: {  	[dreg:$0x1] =	wrdreg $0xFFFFFFFF  }
0xc2: {  	_ =	task.clear_ibuf [dreg:s7], $0x2FFFF;
	_ =	strace $0x9FFFFFFF  }
0xc3: {  	(tm) =	ssettm $0x7FFFFFFF  }
tec
execute0_lowered:
.L_overlay_start_1:
0x0: {  	(tag) =	ssettag $0x1  }
0x1: {  	s1 =	rddreg [dreg:$0x0]  }
0x2: {  	s0 =	rddreg [dreg:$0x1]  }
0x3: {  	s3 =	rddreg [dreg:$0x2];
	s4 =	simm.s32 $0x0;
	s10 =	stileid.u32  }
0x4: {  	s5 =	srdreg.scid;
	s11 =	simm.s32 $0x11C00;
	s12 =	simm.s32 $0xD  }
0x5: {  	s28 =	simm.s32 $0xDD00;
	s29 =	simm.s32 $0x1;
	s31 =	simm.s32 $0xFD00  }
0x6: {  	s30 =	simm.s32 $0x11D00;
	[smem:$0x7FF] =	sst s4;
	s2 =	smul.u32 $0x9D0, s10  }
0x7: {  	s7 =	sand.u32 $0x1, s5;
	s6 =	smul.u32 $0x28000, s10;
	s5 =	sadd.s32 $0x25A00, s0  }
0x8: {  	s22 =	sshll.u32 s10, $0x6;
	s24 =	smul.u32 $0x2800, s10;
	s10 =	simm.s32 $0x8  }
0x9: {  	_ =	strace $0x8000004A;
	s8 =	sshll.u32 s7, $0x3;
	s9 =	ssub.s32 $0x2, s7  }
0xa: {  	p0 =	seq.s32 s7, $0x0;
	s7 =	simm.s32 $0x4;
	s2 =	sadd.s32 s2, s0  }
0xb: {  	s0 =	sadd.s32 s8, s0;
	s20 =	sshrl.u32 s9, $0x1;
	s6 =	sshrl.u32 s6, $0x2  }
0xc: {  	s11 =	simm.s32 @!p0 $0x1BA00;
	s8 =	ssub.s32 s9, s20;
	s21 =	sadd.s32 s6, s3  }
0xd: {  	s6 =	sor.u32 $0x1C0D, s22;
	s23 =	sadd.s32 $0x7E00, s2;
	s2 =	sadd.s32 s11, s2  }
0xe: {  	s0 =	sadd.s32 s24, s0;
	[dreg:$0x4] =	wrdreg s23;
	s8 =	smax.u32 s8, $0x1  }
0xf: {  	s25 =	sadd.s32 $0x1000, s21;
	s26 =	sadd.s32 $0x2000, s21;
	s13 =	sadd.s32 $0x3000, s21  }
0x10: {  	s14 =	sadd.s32 $0x4000, s21;
	s15 =	sadd.s32 $0x5000, s21;
	s16 =	sadd.s32 $0x6000, s21  }
0x11: {  	s17 =	sadd.s32 $0x7000, s21;
	s18 =	sadd.s32 $0x8000, s21;
	[dreg:$0x6] =	wrdreg s2  }
0x12: {  	s19 =	sadd.s32 $0x9000, s21;
	s0 =	sadd.s32 $0x26200, s0;
	[dreg:$0x5] =	wrdreg s8  }
0x13: {  	s11 =	sshrl.u32 s21, $0x3;
	[dreg:$0x7] =	wrdreg s0;
	s9 =	sshrl.u32 s25, $0x3  }
0x14: {  	s2 =	simm.s32 $0x3;
	s20 =	sshrl.u32 s26, $0x3;
	[dreg:$0x8] =	wrdreg s9  }
0x15: {  	s21 =	sshrl.u32 s13, $0x3;
	s22 =	sshrl.u32 s14, $0x3;
	[dreg:$0x9] =	wrdreg s20  }
0x16: {  	s23 =	sshrl.u32 s15, $0x3;
	s24 =	sshrl.u32 s16, $0x3;
	[dreg:$0xa] =	wrdreg s21  }
0x17: {  	s25 =	sshrl.u32 s17, $0x3;
	s26 =	sshrl.u32 s18, $0x3;
	[dreg:$0xb] =	wrdreg s22  }
0x18: {  	s0 =	simm.s32 $0x2;
	s8 =	simm.s32 $0x7;
	[dreg:$0xc] =	wrdreg s23  }
0x19: {  	s13 =	simm.s32 $0x6;
	s14 =	simm.s32 $0x9;
	[dreg:$0xd] =	wrdreg s24  }
0x1a: {  	s15 =	simm.s32 $0xA;
	s16 =	simm.s32 $0xB;
	[dreg:$0xe] =	wrdreg s25  }
0x1b: {  	s17 =	simm.s32 $0x0;
	[dreg:$0xf] =	wrdreg s26;
	s21 =	sshrl.u32 s19, $0x3  }
0x1c: {  	s23 =	simm.s32 $0x80;
	s24 =	simm.s32 $0x9D00;
	s25 =	simm.s32 $0xBD00  }
0x1d: {  	s26 =	simm.s32 $0x13D00;
	s9 =	simm.s32 $0x5;
	s22 =	simm.s32 $0xC  }
.LBB2_1:
0x1e: {  	[spmem:s11], [sflag:s6] =	dma.local [hbm:s5], $0x200  }
0x1f: {  	_ =	swait.ge [sflag:s12], $0x200  }
0x20: {  	[sflag:s12] =	ssyncset.done $0x0  }
0x21: {  	s18 =	rddreg [dreg:$0x8];
	[sflag:s12] =	ssyncadd.s32 $0xFFFFFE00  }
0x22: {  	[spmem:s18], [sflag:s6] =	dma.local [hbm:s5], $0x200  }
0x23: {  	_ =	swait.ge [sflag:s12], $0x200  }
0x24: {  	[sflag:s12] =	ssyncset.done $0x0  }
0x25: {  	s20 =	rddreg [dreg:$0x9];
	[sflag:s12] =	ssyncadd.s32 $0xFFFFFE00  }
0x26: {  	[spmem:s20], [sflag:s6] =	dma.local [hbm:s5], $0x200  }
0x27: {  	_ =	swait.ge [sflag:s12], $0x200  }
0x28: {  	[sflag:s12] =	ssyncset.done $0x0  }
0x29: {  	s19 =	rddreg [dreg:$0xa];
	[sflag:s12] =	ssyncadd.s32 $0xFFFFFE00  }
0x2a: {  	[spmem:s19], [sflag:s6] =	dma.local [hbm:s5], $0x200  }
0x2b: {  	_ =	swait.ge [sflag:s12], $0x200  }
0x2c: {  	[sflag:s12] =	ssyncset.done $0x0  }
0x2d: {  	s20 =	rddreg [dreg:$0xb];
	[sflag:s12] =	ssyncadd.s32 $0xFFFFFE00  }
0x2e: {  	[spmem:s20], [sflag:s6] =	dma.local [hbm:s5], $0x200  }
0x2f: {  	_ =	swait.ge [sflag:s12], $0x200  }
0x30: {  	[sflag:s12] =	ssyncset.done $0x0  }
0x31: {  	s19 =	rddreg [dreg:$0xc];
	[sflag:s12] =	ssyncadd.s32 $0xFFFFFE00  }
0x32: {  	[spmem:s19], [sflag:s6] =	dma.local [hbm:s5], $0x200  }
0x33: {  	_ =	swait.ge [sflag:s12], $0x200  }
0x34: {  	[sflag:s12] =	ssyncset.done $0x0  }
0x35: {  	s20 =	rddreg [dreg:$0xd];
	[sflag:s12] =	ssyncadd.s32 $0xFFFFFE00  }
0x36: {  	[spmem:s20], [sflag:s6] =	dma.local [hbm:s5], $0x200  }
0x37: {  	_ =	swait.ge [sflag:s12], $0x200  }
0x38: {  	[sflag:s12] =	ssyncset.done $0x0  }
0x39: {  	s19 =	rddreg [dreg:$0xe];
	[sflag:s12] =	ssyncadd.s32 $0xFFFFFE00  }
0x3a: {  	[spmem:s19], [sflag:s6] =	dma.local [hbm:s5], $0x200  }
0x3b: {  	_ =	swait.ge [sflag:s12], $0x200  }
0x3c: {  	[sflag:s12] =	ssyncset.done $0x0  }
0x3d: {  	s20 =	rddreg [dreg:$0xf];
	[sflag:s12] =	ssyncadd.s32 $0xFFFFFE00  }
0x3e: {  	[spmem:s20], [sflag:s6] =	dma.local [hbm:s5], $0x200  }
0x3f: {  	_ =	swait.ge [sflag:s12], $0x200  }
0x40: {  	[sflag:s12] =	ssyncset.done $0x0  }
0x41: {  	[sflag:s12] =	ssyncadd.s32 $0xFFFFFE00  }
0x42: {  	[spmem:s21], [sflag:s6] =	dma.local [hbm:s5], $0x200  }
0x43: {  	_ =	swait.ge [sflag:s12], $0x200  }
0x44: {  	[sflag:s12] =	ssyncset.done $0x0  }
0x45: {  	[sflag:s12] =	ssyncadd.s32 $0xFFFFFE00  }
0x46: {  	[bflag:$0x0] =	sbarrier.arrive $0xFFFF  }
0x47: {  	s19 =	rddreg [dreg:$0x6]  }
0x48: {  	[tilespmem:s4], [sflag:$0xD] =	stream.linear.gather [hbm4b:s19+s4], $0x4E80, $0x38;
	[tilespmem:$0x1FD00] =	vst v63  }
0x49: {  	_ =	swait.ge [sflag:s12], $0x4E80  }
0x4a: {  	[sflag:s12] =	ssyncset.done $0x0  }
0x4b: {  	s19 =	simm.s32 $0x4E80;
	s20 =	rddreg [dreg:$0x4];
	[sflag:s12] =	ssyncadd.s32 $0xFFFFB180  }
0x4c: {  	[tilespmem:s19], [sflag:$0xD] =	stream.linear.gather [hbm4b:s20+s4], $0x4E80, $0x38;
	[tilespmem:$0x1FD00] =	vst v63  }
0x4d: {  	_ =	swait.ge [sflag:s12], $0x4E80  }
0x4e: {  	[sflag:s12] =	ssyncset.done $0x0  }
0x4f: {  	[sflag:s12] =	ssyncadd.s32 $0xFFFFB180  }
0x50: {  	[tilespmem:s24], [sflag:$0x1] =	stream.indirect.gather [hbm4b:s1+s23], $0x40, s4, s23, $0xb8;
	[tilespmem:$0x1FD00] =	vst v63  }
0x51: {  	_ = 	snop  }
0x52: {  	[tilespmem:s25], [sflag:$0x2] =	stream.indirect.gather [hbm4b:s1+s23], $0x40, s23, s23, $0xb8;
	[tilespmem:$0x1FD00] =	vst v63  }
0x53: {  	s20 =	simm.s32 $0x100  }
0x54: {  	[tilespmem:s28], [sflag:$0x3] =	stream.indirect.gather [hbm4b:s1+s23], $0x40, s20, s23, $0xb8;
	[tilespmem:$0x1FD00] =	vst v63  }
0x55: {  	_ =	swait.ge [sflag:s29], $0x2000  }
0x56: {  	[sflag:s29] =	ssyncset.done $0x0  }
0x57: {  	[sflag:s29] =	ssyncadd.s32 $0xFFFFE000  }
0x58: {  	[spmem:s3] =	stream.indirect.scatter.add.f32 [tilespmem:s24], [sflag:$0x7], $0x40, s19, s23, $0xb8;
	[tilespmem:$0x1FD00] =	vst v63  }
0x59: {  	s19 =	simm.s32 $0x180  }
0x5a: {  	[tilespmem:s31], [sflag:$0x4] =	stream.indirect.gather [hbm4b:s1+s23], $0x40, s19, s23, $0xb8;
	[tilespmem:$0x1FD00] =	vst v63  }
0x5b: {  	_ =	swait.ge [sflag:s0], $0x2000  }
0x5c: {  	[sflag:s0] =	ssyncset.done $0x0  }
0x5d: {  	s20 =	simm.s32 $0x4F00;
	[sflag:s0] =	ssyncadd.s32 $0xFFFFE000  }
0x5e: {  	[spmem:s3] =	stream.indirect.scatter.add.f32 [tilespmem:s25], [sflag:$0x8], $0x40, s20, s23, $0xb8;
	[tilespmem:$0x1FD00] =	vst v63  }
0x5f: {  	s19 =	simm.s32 $0x200  }
0x60: {  	[tilespmem:s30], [sflag:$0x5] =	stream.indirect.gather [hbm4b:s1+s23], $0x40, s19, s23, $0xb8;
	[tilespmem:$0x1FD00] =	vst v63  }
0x61: {  	_ =	swait.ge [sflag:s2], $0x2000  }
0x62: {  	[sflag:s2] =	ssyncset.done $0x0  }
0x63: {  	s20 =	simm.s32 $0x4F80;
	[sflag:s2] =	ssyncadd.s32 $0xFFFFE000  }
0x64: {  	[spmem:s3] =	stream.indirect.scatter.add.f32 [tilespmem:s28], [sflag:$0x9], $0x40, s20, s23, $0xb8;
	[tilespmem:$0x1FD00] =	vst v63  }
0x65: {  	s19 =	simm.s32 $0x280  }
0x66: {  	[tilespmem:s26], [sflag:$0x6] =	stream.indirect.gather [hbm4b:s1+s23], $0x40, s19, s23, $0xb8;
	[tilespmem:$0x1FD00] =	vst v63  }
0x67: {  	_ =	swait.ge [sflag:s7], $0x2000  }
0x68: {  	[sflag:s7] =	ssyncset.done $0x0  }
0x69: {  	s20 =	simm.s32 $0x5000;
	[sflag:s7] =	ssyncadd.s32 $0xFFFFE000  }
0x6a: {  	[spmem:s3] =	stream.indirect.scatter.add.f32 [tilespmem:s31], [sflag:$0xA], $0x40, s20, s23, $0xb8;
	[tilespmem:$0x1FD00] =	vst v63  }
0x6b: {  	_ =	swait.ge [sflag:s8], $0x2000  }
0x6c: {  	[sflag:s8] =	ssyncset.done $0x0  }
0x6d: {  	s19 =	simm.s32 $0x300;
	[sflag:s8] =	ssyncadd.s32 $0xFFFFE000  }
0x6e: {  	[tilespmem:s24], [sflag:$0x1] =	stream.indirect.gather [hbm4b:s1+s23], $0x40, s19, s23, $0xb8;
	[tilespmem:$0x1FD00] =	vst v63  }
0x6f: {  	_ =	swait.ge [sflag:s9], $0x2000  }
0x70: {  	[sflag:s9] =	ssyncset.done $0x0  }
0x71: {  	s20 =	simm.s32 $0x5080;
	[sflag:s9] =	ssyncadd.s32 $0xFFFFE000  }
0x72: {  	[spmem:s3] =	stream.indirect.scatter.add.f32 [tilespmem:s30], [sflag:$0xB], $0x40, s20, s23, $0xb8;
	[tilespmem:$0x1FD00] =	vst v63  }
0x73: {  	_ =	swait.ge [sflag:s10], $0x2000  }
0x74: {  	[sflag:s10] =	ssyncset.done $0x0  }
0x75: {  	s19 =	simm.s32 $0x380;
	[sflag:s10] =	ssyncadd.s32 $0xFFFFE000  }
0x76: {  	[tilespmem:s25], [sflag:$0x2] =	stream.indirect.gather [hbm4b:s1+s23], $0x40, s19, s23, $0xb8;
	[tilespmem:$0x1FD00] =	vst v63  }
0x77: {  	_ =	swait.ge [sflag:s13], $0x2000  }
0x78: {  	[sflag:s13] =	ssyncset.done $0x0  }
0x79: {  	s20 =	simm.s32 $0x5100;
	[sflag:s13] =	ssyncadd.s32 $0xFFFFE000  }
0x7a: {  	[spmem:s3] =	stream.indirect.scatter.add.f32 [tilespmem:s26], [sflag:$0xC], $0x40, s20, s23, $0xb8;
	[tilespmem:$0x1FD00] =	vst v63  }
0x7b: {  	_ =	swait.ge [sflag:s14], $0x2000  }
0x7c: {  	[sflag:s14] =	ssyncset.done $0x0  }
0x7d: {  	s19 =	simm.s32 $0x400;
	[sflag:s14] =	ssyncadd.s32 $0xFFFFE000  }
0x7e: {  	[tilespmem:s28], [sflag:$0x3] =	stream.indirect.gather [hbm4b:s1+s23], $0x40, s19, s23, $0xb8;
	[tilespmem:$0x1FD00] =	vst v63  }
0x7f: {  	_ =	swait.ge [sflag:s29], $0x2000  }
0x80: {  	[sflag:s29] =	ssyncset.done $0x0  }
0x81: {  	s20 =	simm.s32 $0x5180;
	[sflag:s29] =	ssyncadd.s32 $0xFFFFE000  }
0x82: {  	[spmem:s3] =	stream.indirect.scatter.add.f32 [tilespmem:s24], [sflag:$0x7], $0x40, s20, s23, $0xb8;
	[tilespmem:$0x1FD00] =	vst v63  }
0x83: {  	_ =	swait.ge [sflag:s15], $0x2000  }
0x84: {  	[sflag:s15] =	ssyncset.done $0x0  }
0x85: {  	s19 =	simm.s32 $0x480;
	[sflag:s15] =	ssyncadd.s32 $0xFFFFE000  }
0x86: {  	[tilespmem:s31], [sflag:$0x4] =	stream.indirect.gather [hbm4b:s1+s23], $0x40, s19, s23, $0xb8;
	[tilespmem:$0x1FD00] =	vst v63  }
0x87: {  	_ =	swait.ge [sflag:s0], $0x2000  }
0x88: {  	[sflag:s0] =	ssyncset.done $0x0  }
0x89: {  	s20 =	simm.s32 $0x5200;
	[sflag:s0] =	ssyncadd.s32 $0xFFFFE000  }
0x8a: {  	[spmem:s3] =	stream.indirect.scatter.add.f32 [tilespmem:s25], [sflag:$0x8], $0x40, s20, s23, $0xb8;
	[tilespmem:$0x1FD00] =	vst v63  }
0x8b: {  	_ =	swait.ge [sflag:s16], $0x2000  }
0x8c: {  	[sflag:s16] =	ssyncset.done $0x0  }
0x8d: {  	s19 =	simm.s32 $0x500;
	[sflag:s16] =	ssyncadd.s32 $0xFFFFE000  }
0x8e: {  	[tilespmem:s30], [sflag:$0x5] =	stream.indirect.gather [hbm4b:s1+s23], $0x40, s19, s23, $0xb8;
	[tilespmem:$0x1FD00] =	vst v63  }
0x8f: {  	_ =	swait.ge [sflag:s2], $0x2000  }
0x90: {  	[sflag:s2] =	ssyncset.done $0x0  }
0x91: {  	s20 =	simm.s32 $0x5280;
	[sflag:s2] =	ssyncadd.s32 $0xFFFFE000  }
0x92: {  	[spmem:s3] =	stream.indirect.scatter.add.f32 [tilespmem:s28], [sflag:$0x9], $0x40, s20, s23, $0xb8;
	[tilespmem:$0x1FD00] =	vst v63  }
0x93: {  	_ =	swait.ge [sflag:s22], $0x2000  }
0x94: {  	[sflag:s22] =	ssyncset.done $0x0  }
0x95: {  	s18 =	simm.s32 $0xC00;
	s19 =	simm.s32 $0x580;
	[sflag:s22] =	ssyncadd.s32 $0xFFFFE000  }
.LBB2_2:
0x96: {  	[tilespmem:s26], [sflag:$0x6] =	stream.indirect.gather [hbm4b:s1+s23], $0x40, s19, s23, $0xb8;
	[tilespmem:$0x1FD00] =	vst v63  }
0x97: {  	s19 =	smov.u32 s18  }
0x98: {  	p0 =	sne.s32 s18, $0x12000;
	s18 =	sadd.s32 $0xC00, s18;
	_ =	swait.ge [sflag:s7], $0x2000  }
0x99: {  	s19 =	sshra.s32 s19, $0x2;
	[sflag:s7] =	ssyncset.done $0x0  }
0x9a: {  	s20 =	sadd.s32 $0x5000, s19;
	[sflag:s7] =	ssyncadd.s32 $0xFFFFE000  }
0x9b: {  	[spmem:s3] =	stream.indirect.scatter.add.f32 [tilespmem:s31], [sflag:$0xA], $0x40, s20, s23, $0xb8;
	[tilespmem:$0x1FD00] =	vst v63  }
0x9c: {  	_ =	swait.ge [sflag:s8], $0x2000  }
0x9d: {  	[sflag:s8] =	ssyncset.done $0x0  }
0x9e: {  	s20 =	sadd.s32 $0x300, s19;
	[sflag:s8] =	ssyncadd.s32 $0xFFFFE000  }
0x9f: {  	[tilespmem:s24], [sflag:$0x1] =	stream.indirect.gather [hbm4b:s1+s23], $0x40, s20, s23, $0xb8;
	[tilespmem:$0x1FD00] =	vst v63  }
0xa0: {  	_ =	swait.ge [sflag:s9], $0x2000  }
0xa1: {  	[sflag:s9] =	ssyncset.done $0x0  }
0xa2: {  	s20 =	sadd.s32 $0x5080, s19;
	[sflag:s9] =	ssyncadd.s32 $0xFFFFE000  }
0xa3: {  	[spmem:s3] =	stream.indirect.scatter.add.f32 [tilespmem:s30], [sflag:$0xB], $0x40, s20, s23, $0xb8;
	[tilespmem:$0x1FD00] =	vst v63  }
0xa4: {  	_ =	swait.ge [sflag:s10], $0x2000  }
0xa5: {  	[sflag:s10] =	ssyncset.done $0x0  }
0xa6: {  	s20 =	sadd.s32 $0x380, s19;
	[sflag:s10] =	ssyncadd.s32 $0xFFFFE000  }
0xa7: {  	[tilespmem:s25], [sflag:$0x2] =	stream.indirect.gather [hbm4b:s1+s23], $0x40, s20, s23, $0xb8;
	[tilespmem:$0x1FD00] =	vst v63  }
0xa8: {  	_ =	swait.ge [sflag:s13], $0x2000  }
0xa9: {  	[sflag:s13] =	ssyncset.done $0x0  }
0xaa: {  	s20 =	sadd.s32 $0x5100, s19;
	[sflag:s13] =	ssyncadd.s32 $0xFFFFE000  }
0xab: {  	[spmem:s3] =	stream.indirect.scatter.add.f32 [tilespmem:s26], [sflag:$0xC], $0x40, s20, s23, $0xb8;
	[tilespmem:$0x1FD00] =	vst v63  }
0xac: {  	_ =	swait.ge [sflag:s14], $0x2000  }
0xad: {  	[sflag:s14] =	ssyncset.done $0x0  }
0xae: {  	s20 =	sadd.s32 $0x400, s19;
	[sflag:s14] =	ssyncadd.s32 $0xFFFFE000  }
0xaf: {  	[tilespmem:s28], [sflag:$0x3] =	stream.indirect.gather [hbm4b:s1+s23], $0x40, s20, s23, $0xb8;
	[tilespmem:$0x1FD00] =	vst v63  }
0xb0: {  	_ =	swait.ge [sflag:s29], $0x2000  }
0xb1: {  	[sflag:s29] =	ssyncset.done $0x0  }
0xb2: {  	s20 =	sadd.s32 $0x5180, s19;
	[sflag:s29] =	ssyncadd.s32 $0xFFFFE000  }
0xb3: {  	[spmem:s3] =	stream.indirect.scatter.add.f32 [tilespmem:s24], [sflag:$0x7], $0x40, s20, s23, $0xb8;
	[tilespmem:$0x1FD00] =	vst v63  }
0xb4: {  	_ =	swait.ge [sflag:s15], $0x2000  }
0xb5: {  	[sflag:s15] =	ssyncset.done $0x0  }
0xb6: {  	s20 =	sadd.s32 $0x480, s19;
	[sflag:s15] =	ssyncadd.s32 $0xFFFFE000  }
0xb7: {  	[tilespmem:s31], [sflag:$0x4] =	stream.indirect.gather [hbm4b:s1+s23], $0x40, s20, s23, $0xb8;
	[tilespmem:$0x1FD00] =	vst v63  }
0xb8: {  	_ =	swait.ge [sflag:s0], $0x2000  }
0xb9: {  	[sflag:s0] =	ssyncset.done $0x0  }
0xba: {  	s20 =	sadd.s32 $0x5200, s19;
	[sflag:s0] =	ssyncadd.s32 $0xFFFFE000  }
0xbb: {  	[spmem:s3] =	stream.indirect.scatter.add.f32 [tilespmem:s25], [sflag:$0x8], $0x40, s20, s23, $0xb8;
	[tilespmem:$0x1FD00] =	vst v63  }
0xbc: {  	_ =	swait.ge [sflag:s16], $0x2000  }
0xbd: {  	[sflag:s16] =	ssyncset.done $0x0  }
0xbe: {  	s20 =	sadd.s32 $0x500, s19;
	[sflag:s16] =	ssyncadd.s32 $0xFFFFE000  }
0xbf: {  	[tilespmem:s30], [sflag:$0x5] =	stream.indirect.gather [hbm4b:s1+s23], $0x40, s20, s23, $0xb8;
	[tilespmem:$0x1FD00] =	vst v63  }
0xc0: {  	_ =	swait.ge [sflag:s2], $0x2000  }
0xc1: {  	[sflag:s2] =	ssyncset.done $0x0  }
.Ltmp0:
0xc2: {  	s20 =	sadd.s32 $0x5280, s19;
	[sflag:s2] =	ssyncadd.s32 $0xFFFFE000;
	(pc) =	sbr.rel @p0 .LBB2_2-.Ltmp0, $4  }
0xc3: {  	[spmem:s3] =	stream.indirect.scatter.add.f32 [tilespmem:s28], [sflag:$0x9], $0x40, s20, s23, $0xb8;
	[tilespmem:$0x1FD00] =	vst v63  }
0xc4: {  	_ =	swait.ge [sflag:s22], $0x2000  }
0xc5: {  	[sflag:s22] =	ssyncset.done $0x0  }
0xc6: {  	s19 =	sadd.s32 $0x580, s19;
	[sflag:s22] =	ssyncadd.s32 $0xFFFFE000  }
0xc7: {  	[tilespmem:s26], [sflag:$0x6] =	stream.indirect.gather [hbm4b:s1+s23], $0x40, s19, s23, $0xb8;
	[tilespmem:$0x1FD00] =	vst v63  }
0xc8: {  	_ =	swait.ge [sflag:s7], $0x2000  }
0xc9: {  	[sflag:s7] =	ssyncset.done $0x0  }
0xca: {  	s18 =	simm.s32 $0x9B00;
	[sflag:s7] =	ssyncadd.s32 $0xFFFFE000  }
0xcb: {  	[spmem:s3] =	stream.indirect.scatter.add.f32 [tilespmem:s31], [sflag:$0xA], $0x40, s18, s23, $0xb8;
	[tilespmem:$0x1FD00] =	vst v63  }
0xcc: {  	_ =	swait.ge [sflag:s8], $0x2000  }
0xcd: {  	[sflag:s8] =	ssyncset.done $0x0  }
0xce: {  	s19 =	simm.s32 $0x4E00;
	[sflag:s8] =	ssyncadd.s32 $0xFFFFE000  }
0xcf: {  	[tilespmem:s24], [sflag:$0x1] =	stream.indirect.gather [hbm4b:s1+s23], $0x40, s19, s23, $0xb8;
	[tilespmem:$0x1FD00] =	vst v63  }
0xd0: {  	_ =	swait.ge [sflag:s9], $0x2000  }
0xd1: {  	[sflag:s9] =	ssyncset.done $0x0  }
0xd2: {  	s20 =	simm.s32 $0x9B80;
	[sflag:s9] =	ssyncadd.s32 $0xFFFFE000  }
0xd3: {  	[spmem:s3] =	stream.indirect.scatter.add.f32 [tilespmem:s30], [sflag:$0xB], $0x40, s20, s23, $0xb8;
	[tilespmem:$0x1FD00] =	vst v63  }
0xd4: {  	_ =	swait.ge [sflag:s13], $0x2000  }
0xd5: {  	[sflag:s13] =	ssyncset.done $0x0  }
0xd6: {  	s19 =	simm.s32 $0x9C00;
	[sflag:s13] =	ssyncadd.s32 $0xFFFFE000  }
0xd7: {  	[spmem:s3] =	stream.indirect.scatter.add.f32 [tilespmem:s26], [sflag:$0xC], $0x40, s19, s23, $0xb8;
	[tilespmem:$0x1FD00] =	vst v63  }
0xd8: {  	_ =	swait.ge [sflag:s29], $0x2000  }
0xd9: {  	[sflag:s29] =	ssyncset.done $0x0  }
0xda: {  	s20 =	simm.s32 $0x9C80;
	[sflag:s29] =	ssyncadd.s32 $0xFFFFE000  }
0xdb: {  	[spmem:s3] =	stream.indirect.scatter.add.f32 [tilespmem:s24], [sflag:$0x7], $0x40, s20, s23, $0xb8;
	[tilespmem:$0x1FD00] =	vst v63  }
0xdc: {  	_ =	swait.ge [sflag:s10], $0x2000  }
0xdd: {  	[sflag:s10] =	ssyncset.done $0x0  }
0xde: {  	[sflag:s10] =	ssyncadd.s32 $0xFFFFE000  }
0xdf: {  	_ =	swait.ge [sflag:s14], $0x2000  }
0xe0: {  	[sflag:s14] =	ssyncset.done $0x0  }
0xe1: {  	[sflag:s14] =	ssyncadd.s32 $0xFFFFE000  }
0xe2: {  	_ =	swait.ge [sflag:s15], $0x2000  }
0xe3: {  	[sflag:s15] =	ssyncset.done $0x0  }
0xe4: {  	[sflag:s15] =	ssyncadd.s32 $0xFFFFE000  }
0xe5: {  	_ =	swait.ge [sflag:s16], $0x2000  }
0xe6: {  	[sflag:s16] =	ssyncset.done $0x0  }
0xe7: {  	[sflag:s16] =	ssyncadd.s32 $0xFFFFE000  }
0xe8: {  	_ =	swait.ge [sflag:s22], $0x2000  }
0xe9: {  	[sflag:s22] =	ssyncset.done $0x0  }
0xea: {  	[sflag:s22] =	ssyncadd.s32 $0xFFFFE000  }
0xeb: {  	_ =	swait.ge [sflag:s8], $0x2000  }
0xec: {  	[sflag:s8] =	ssyncset.done $0x0  }
0xed: {  	[sflag:s8] =	ssyncadd.s32 $0xFFFFE000  }
0xee: {  	[bflag:$0x0] =	sbarrier.arrive $0xFFFF  }
0xef: {  	s20 =	simm.s32 $0x10;
	s19 =	rddreg [dreg:$0x7]  }
0xf0: {  	[hbm:s19@s20], [sflag:s6] =	dma.strided [spmem:s11@s10], $0x1400, s29, $0x8   }
0xf1: {  	_ =	swait.ge [sflag:s12], $0x1400  }
0xf2: {  	s17 =	sadd.s32 $0x1, s17;
	s20 =	rddreg [dreg:$0x5]  }
0xf3: {  	p0 =	sne.s32 s17, s20  }
.Ltmp1:
0xf4: {  	_ = 	snop;
	(pc) =	sbr.rel @p0 .LBB2_1-.Ltmp1, $3  }
0xf5: {  	_ =	sdelay $0x1  }
0xf6: {  	[sflag:s12] =	ssyncset.done $0x0  }
0xf7: {  	[sflag:s12] =	ssyncadd.s32 $0xFFFFEC00  }
0xf8: {  	_ =	sfence.sel $0x180000  }
0xf9: {  	[bflag:$0x0] =	sbarrier.arrive $0xFFFF  }
0xfa: {  	_ =	strace $0x9000004A  }
0xfb: {  	s0 =	stileid.u32;
	[bflag:$0x2] =	sbarrier.arrive $0xFFFF  }
0xfc: {  	p0 =	sne.s32 s0, $0x0;
	s0 =	rddreg [dreg:$0x3]  }
0xfd: {  	s0 =	sadd.s32 @!p0 $0x100000, s0  }
0xfe: {  	[sflag:s0] =	ssyncadd.tile.s32 @!p0 $0x1;
	_ =	shalt  }
.Lfunc_end2:
_tile_overlayer_lowered:
.L_overlay_start_2:
0xff: {  	(tag) =	ssettag $0x2  }
0x100: {  	s0 =	rddreg [dreg:$0x0];
	s2 =	stileid.u32  }
0x101: {  	s1 =	rddreg [dreg:$0x1];
	p0 =	sne.s32 s2, $0x0  }
0x102: {  	s3 =	rddreg [dreg:$0x2];
	[bflag:$0x3] =	sbarrier.arrive $0xFFFF;
	s2 =	simm.s32 @!p0 $0x1C0D  }
0x103: {  	[timem:s3], [sflag:s2] =	dma.local @!p0 [hbm:s0], s1  }
0x104: {  	s0 =	simm.s32 @!p0 $0xD  }
0x105: {  	_ =	swait.ge @!p0 [sflag:s0], s1  }
0x106: {  	s1 =	ssub.s32 @!p0 $0x0, s1;
	[sflag:s0] =	ssyncset.done @!p0 $0x0  }
0x107: {  	[sflag:s0] =	ssyncadd.s32 @!p0 s1  }
0x108: {  	[bflag:$0x3] =	sbarrier.arrive $0xFFFF  }
0x109: {  	_ =	shalt  }

// kernel: kernel.14.cloned.1.call-start
scs
__scs_entry_jumppad:
0x0: {  	(pc) =	sbr.rel $0x88, $3  }
0x1: {  	(tag) =	ssettag $0x0;
	lr =	simm.s32 $0x1  }
0x2: {  	[smem:$0x3F7F] =	sst lr;
	_ =	strace $0xD0000000  }
0x3: {  	_ = 	snop  }
0x4: {  	_ = 	snop  }
0x5: {  	_ = 	snop  }
0x6: {  	_ = 	snop  }
0x7: {  	_ = 	snop  }
__scs_overlays_trampoline_lowered:
0x8: {  	[smem:$0x3F8E] =	sst s0  }
0x9: {  	[smem:$0x3F8F] =	sst s1  }
0xa: {  	[smem:$0x3F90] =	sst s2  }
0xb: {  	[smem:$0x3F91] =	sst s3  }
0xc: {  	[smem:$0x3F92] =	sst s4  }
0xd: {  	[smem:$0x3F93] =	sst s5  }
0xe: {  	[smem:$0x3F94] =	sst s6  }
0xf: {  	[smem:$0x3F95] =	sst s7  }
0x10: {  	[smem:$0x3F96] =	sst s8  }
0x11: {  	[smem:$0x3F97] =	sst s9;
	s0 =	simm.s32 @!p0 $0x0  }
0x12: {  	s1 =	sld [smem:$0x3F7D];
	s0 =	simm.s32 @p0 $0x1  }
0x13: {  	[smem:$0x3F98] =	sst s0;
	s0 =	simm.s32 @!p1 $0x0  }
0x14: {  	s2 =	sld [smem:$0x3F7C];
	s0 =	simm.s32 @p1 $0x1  }
0x15: {  	[smem:$0x3F99] =	sst s0;
	s0 =	simm.s32 @!p2 $0x0  }
0x16: {  	s3 =	sld [smem:$0x3FDB];
	s0 =	simm.s32 @p2 $0x1  }
0x17: {  	s4 =	simm.s32 $0x1BF5;
	[smem:$0x3F9B] =	sst s0  }
0x18: {  	s0 =	sld [smem:$0x3F7E];
	_ =	swait.ge [sflag:s4], $0x0  }
0x19: {  	s7 =	sld [smem:$0x3F7F]  }
0x1a: {  	s8 =	sadd.s32 $0xFFFFE003, lr  }
0x1b: {  	s9 =	sadd.s32 $0xFFFFFEF7, lr;
	s5 =	simm.s32 $0xFFFFFFFF;
	p2 =	slt.u32 s8, $0xFFFFF086  }
0x1c: {  	p1 =	slt.u32 s9, $0xF7A;
	s5 =	simm.s32 @!p2 $0x0  }
0x1d: {  	s5 =	simm.s32 @p1 $0x1;
	p0 =	seq.s32 s7, s2  }
0x1e: {  	s7 =	smul.u32 @!p0 $0xF7A, s2;
	p2 =	seq.s32 @!p0 s5, $0x0  }
0x1f: {  	s9 =	smul.u32 $0xF7A, s1;
	s8 =	simm.s32 @!p0 $0x1BF5;
	p2 =	por !p2, p0  }
0x20: {  	[sflag:s8] =	ssyncset.s32 @!p0 $0xFFFFF086;
	s6 =	sadd.s32 @!p0 s3, s7;
	s7 =	simm.s32 @!p0 $0x108  }
0x21: {  	s3 =	sadd.s32 s3, s9;
	s6 =	sadd.s32 @!p0 $0x88, s6;
	s7 =	simm.s32 @p2 $0x1082  }
0x22: {  	[simem:s7], [sflag:s8] =	dma.local @!p0 [hbm:s6], $0xF7A  }
0x23: {  	s9 =	sor.u32 $0xD0000000, s2;
	s6 =	simm.s32 $0x108;
	_ =	swait.ge @!p0 [sflag:s8], $0x0  }
0x24: {  	s3 =	sadd.s32 $0x88, s3;
	s6 =	simm.s32 @!p1 $0x1082;
	[sflag:s4] =	ssyncset.s32 $0xFFFFF086  }
0x25: {  	[simem:s6], [sflag:s4] =	dma.local [hbm:s3], $0xF7A  }
0x26: {  	[smem:$0x3F7F] =	sst s1;
	(tag) =	ssettag s2;
	_ =	strace s9  }
0x27: {  	s1 =	sld [smem:$0x3F8F]  }
0x28: {  	s2 =	sld [smem:$0x3F90]  }
0x29: {  	s4 =	sld [smem:$0x3F92]  }
0x2a: {  	p0 =	seq.s32 s5, $0x0;
	s5 =	sld [smem:$0x3F93]  }
0x2b: {  	s6 =	sld [smem:$0x3F94]  }
0x2c: {  	s7 =	sld [smem:$0x3F95]  }
0x2d: {  	s3 =	simm.s32 $0x108;
	s8 =	sld [smem:$0x3F96]  }
0x2e: {  	s3 =	simm.s32 @!p0 $0x1082;
	s9 =	sld [smem:$0x3F97]  }
0x2f: {  	lr =	sadd.s32 s0, s3;
	s0 =	sld [smem:$0x3F8E]  }
0x30: {  	s3 =	sld [smem:$0x3F91]  }
0x31: {  	[smem:$0x3F9A] =	sst s10  }
0x32: {  	s10 =	sld [smem:$0x3F98];
	_ =	sdelay $0x3  }
0x33: {  	p0 =	seq.s32 s10, $0x1;
	s10 =	sld [smem:$0x3F9A];
	_ =	sdelay $0x3  }
0x34: {  	[smem:$0x3F9A] =	sst s10  }
0x35: {  	s10 =	sld [smem:$0x3F99];
	_ =	sdelay $0x3  }
0x36: {  	p1 =	seq.s32 s10, $0x1;
	s10 =	sld [smem:$0x3F9A];
	_ =	sdelay $0x3  }
0x37: {  	[smem:$0x3F9A] =	sst s10  }
0x38: {  	s10 =	sld [smem:$0x3F9B]  }
0x39: {  	_ = 	snop;
	(pc) =	sbr.ind lr, $3  }
0x3a: {  	_ = 	snop  }
0x3b: {  	_ = 	snop  }
0x3c: {  	p2 =	seq.s32 s10, $0x1;
	s10 =	sld [smem:$0x3F9A]  }
0x3d: {  	_ =	shalt  }
0x3e: {  	_ =	shalt  }
0x3f: {  	_ =	shalt  }
0x40: {  	_ =	shalt  }
0x41: {  	_ =	shalt  }
0x42: {  	_ =	shalt  }
0x43: {  	_ =	shalt  }
0x44: {  	_ =	shalt  }
0x45: {  	_ =	shalt  }
0x46: {  	_ =	shalt  }
0x47: {  	_ =	shalt  }
0x48: {  	_ =	shalt  }
0x49: {  	_ =	shalt  }
0x4a: {  	_ =	shalt  }
0x4b: {  	_ =	shalt  }
0x4c: {  	_ =	shalt  }
0x4d: {  	_ =	shalt  }
0x4e: {  	_ =	shalt  }
0x4f: {  	_ =	shalt  }
0x50: {  	_ =	shalt  }
0x51: {  	_ =	shalt  }
0x52: {  	_ =	shalt  }
0x53: {  	_ =	shalt  }
0x54: {  	_ =	shalt  }
0x55: {  	_ =	shalt  }
0x56: {  	_ =	shalt  }
0x57: {  	_ =	shalt  }
0x58: {  	_ =	shalt  }
0x59: {  	_ =	shalt  }
0x5a: {  	_ =	shalt  }
0x5b: {  	_ =	shalt  }
0x5c: {  	_ =	shalt  }
0x5d: {  	_ =	shalt  }
0x5e: {  	_ =	shalt  }
0x5f: {  	_ =	shalt  }
0x60: {  	_ =	shalt  }
0x61: {  	_ =	shalt  }
0x62: {  	_ =	shalt  }
0x63: {  	_ =	shalt  }
0x64: {  	_ =	shalt  }
0x65: {  	_ =	shalt  }
0x66: {  	_ =	shalt  }
0x67: {  	_ =	shalt  }
0x68: {  	_ =	shalt  }
0x69: {  	_ =	shalt  }
0x6a: {  	_ =	shalt  }
0x6b: {  	_ =	shalt  }
0x6c: {  	_ =	shalt  }
0x6d: {  	_ =	shalt  }
0x6e: {  	_ =	shalt  }
0x6f: {  	_ =	shalt  }
0x70: {  	_ =	shalt  }
0x71: {  	_ =	shalt  }
0x72: {  	_ =	shalt  }
0x73: {  	_ =	shalt  }
0x74: {  	_ =	shalt  }
0x75: {  	_ =	shalt  }
0x76: {  	_ =	shalt  }
0x77: {  	_ =	shalt  }
0x78: {  	_ =	shalt  }
0x79: {  	_ =	shalt  }
0x7a: {  	_ =	shalt  }
0x7b: {  	_ =	shalt  }
0x7c: {  	_ =	shalt  }
0x7d: {  	_ =	shalt  }
0x7e: {  	_ =	shalt  }
0x7f: {  	_ =	shalt  }
0x80: {  	_ =	shalt  }
0x81: {  	_ =	shalt  }
0x82: {  	_ =	shalt  }
0x83: {  	_ =	shalt  }
0x84: {  	_ =	shalt  }
0x85: {  	_ =	shalt  }
0x86: {  	_ =	shalt  }
0x87: {  	_ =	shalt  }
.Lfunc_end0:
.L_simem_size_0:
called_computation.2_lowered:
.L_overlay_start_0:
0x88: {  	s2 =	sld [smem:$0x3FD9]  }
0x89: {  	s3 =	sld [smem:$0x3FFE];
	_ =	sdelay $0x1  }
0x8a: {  	s1 =	srdreg.scid  }
0x8b: {  	s0 =	sand.u32 $0x1, s1  }
0x8c: {  	s17 =	sshll.u32 s0, $0xA;
	s2 =	sadd.s32 s3, s2  }
0x8d: {  	s2 =	sadd.s32 s2, s17  }
0x8e: {  	[smem:$0x3FA6] =	sst s2  }
0x8f: {  	_ = 	snop  }
0x90: {  	s2 =	sld [smem:$0x3FD0];
	(tm) =	ssettm $0x1  }
0x91: {  	s18 =	sld [smem:$0x3FFB];
	_ =	sdelay $0x3  }
0x92: {  	_ =	strace s18  }
0x93: {  	s3 =	sld [smem:$0x3FFC];
	_ =	sdelay $0x3  }
0x94: {  	_ =	strace s3  }
0x95: {  	s3 =	sld [smem:$0x3FFD];
	_ =	sdelay $0x3  }
0x96: {  	_ =	strace s3  }
0x97: {  	_ =	strace $0x8FFFFFFF  }
0x98: {  	s19 =	sld [smem:$0x3FDB];
	_ =	sdelay $0x1  }
0x99: {  	s4 =	simm.s32 $_scs_section_size  }
0x9a: {  	s5 =	simm.s32 $_size__tile_overlayer_lowered;
	s6 =	simm.s32 $_tile_overlayer_lowered  }
0x9b: {  	s22 =	simm.s32 $0x1BFF;
	s21 =	sshll.u32 s6, $0x1;
	s3 =	sadd.s32 s4, s19  }
0x9c: {  	s7 =	simm.s32 $0x0;
	s20 =	sshll.u32 s5, $0x1;
	s5 =	sadd.s32 s21, s3  }
0x9d: {  	[timem:s7], [sflag:s22] =	dma.local [hbm:s5], s20  }
0x9e: {  	_ =	swait.ge [sflag:s22], s20  }
0x9f: {  	s4 =	ssub.s32 $0x0, s20;
	[sflag:s22] =	ssyncset.done $0x0  }
0xa0: {  	[sflag:s22] =	ssyncadd.s32 s4;
	_ =	sdelay $0x1  }
0xa1: {  	s23 =	simm.s32 $0x1B8B  }
0xa2: {  	_ =	swait.ge [sflag:s23], $0x1  }
0xa3: {  	[sflag:s23] =	ssyncset.done $0x0  }
0xa4: {  	s25 =	simm.s32 $0x1B8E;
	s24 =	sld [smem:$0x3FFE];
	[sflag:s23] =	ssyncadd.s32 $0xFFFFFFFF  }
0xa5: {  	s26 =	simm.s32 $execute0_lowered;
	[smem:$0x3FD2] =	sst s25  }
0xa6: {  	s5 =	sshll.u32 s26, $0x1;
	_ =	strace $0x8000004C;
	[dreg:$0x1] =	wrdreg $0xFFFFFFFF  }
0xa7: {  	s28 =	simm.s32 $_size_execute0_lowered;
	s3 =	sadd.s32 s3, s5;
	[dreg:$0x0] =	wrdreg $0x0  }
0xa8: {  	s5 =	sshll.u32 s28, $0x1;
	[dreg:$0x2] =	wrdreg s3  }
0xa9: {  	[dreg:$0x3] =	wrdreg s5  }
0xaa: {  	[dreg:$0x4] =	wrdreg $0xC0  }
0xab: {  	_ =	task [dreg:s7], $0x5FFFF  }
0xac: {  	[dreg:$0x1] =	wrdreg $0xFFFFFFFF  }
0xad: {  	[dreg:$0x0] =	wrdreg $0x60  }
0xae: {  	[dreg:$0x2] =	wrdreg s2  }
0xaf: {  	[dreg:$0x3] =	wrdreg s24  }
0xb0: {  	[dreg:$0x4] =	wrdreg $0x15D000  }
0xb1: {  	[dreg:$0x5] =	wrdreg $0x9  }
0xb2: {  	_ =	task.clear_ibuf [dreg:s7], $0x6FFFF;
	_ =	strace $0x9000004C  }
0xb3: {  	s29 =	simm.s32 $0x9;
	_ =	strace $0x8000004E  }
0xb4: {  	_ =	swait.ge [sflag:s29], $0x1  }
0xb5: {  	[sflag:s29] =	ssyncadd.s32 $0xFFFFFFFF  }
0xb6: {  	_ =	strace $0x9000004E  }
0xb7: {  	_ =	sfence  }
0xb8: {  	s30 =	sld [smem:$0x0];
	_ =	sdelay $0x2  }
0xb9: {  	s31 =	sshll.u32 s1, $0xD;
	s1 =	sshrl.u32 s1, $0x2  }
0xba: {  	s3 =	sand.u32 $0x4000, s31;
	s1 =	sadd.s32 s1, s30  }
0xbb: {  	s0 =	sor.u32 s3, s0;
	s1 =	sshll.u32 s1, $0x11  }
0xbc: {  	s0 =	sor.u32 s1, s0  }
0xbd: {  	s0 =	sadd.s32 $0x8F2B, s0  }
0xbe: {  	[sflag:s0] =	ssyncadd.remote.s32 $0x1  }
0xbf: {  	_ =	sfence.sel $0xFFFF  }
0xc0: {  	[dreg:$0x0] =	wrdreg $0xFFFFFFFF;
	(pc) =	sbr.abs _section_cstart, $3  }
0xc1: {  	[dreg:$0x1] =	wrdreg $0xFFFFFFFF  }
0xc2: {  	_ =	task.clear_ibuf [dreg:s7], $0x2FFFF;
	_ =	strace $0x9FFFFFFF  }
0xc3: {  	(tm) =	ssettm $0x7FFFFFFF  }
tec
execute0_lowered:
.L_overlay_start_1:
0x0: {  	(tag) =	ssettag $0x1  }
0x1: {  	s1 =	rddreg [dreg:$0x0]  }
0x2: {  	s0 =	rddreg [dreg:$0x1]  }
0x3: {  	s3 =	rddreg [dreg:$0x2];
	s4 =	simm.s32 $0x0;
	s10 =	stileid.u32  }
0x4: {  	s5 =	srdreg.scid;
	s11 =	simm.s32 $0x11C00;
	s12 =	simm.s32 $0xD  }
0x5: {  	s28 =	simm.s32 $0xDD00;
	s29 =	simm.s32 $0x1;
	s31 =	simm.s32 $0xFD00  }
0x6: {  	s30 =	simm.s32 $0x11D00;
	[smem:$0x7FF] =	sst s4;
	s2 =	smul.u32 $0x9D0, s10  }
0x7: {  	s7 =	sand.u32 $0x1, s5;
	s6 =	smul.u32 $0x28000, s10;
	s5 =	sadd.s32 $0x25A00, s0  }
0x8: {  	s22 =	sshll.u32 s10, $0x6;
	s24 =	smul.u32 $0x2800, s10;
	s10 =	simm.s32 $0x8  }
0x9: {  	_ =	strace $0x8000004D;
	s8 =	sshll.u32 s7, $0x3;
	s9 =	ssub.s32 $0x2, s7  }
0xa: {  	p0 =	seq.s32 s7, $0x0;
	s7 =	simm.s32 $0x4;
	s2 =	sadd.s32 s2, s0  }
0xb: {  	s0 =	sadd.s32 s8, s0;
	s20 =	sshrl.u32 s9, $0x1;
	s6 =	sshrl.u32 s6, $0x2  }
0xc: {  	s11 =	simm.s32 @!p0 $0x1BA00;
	s8 =	ssub.s32 s9, s20;
	s21 =	sadd.s32 s6, s3  }
0xd: {  	s6 =	sor.u32 $0x1C0D, s22;
	s23 =	sadd.s32 $0x7E00, s2;
	s2 =	sadd.s32 s11, s2  }
0xe: {  	s0 =	sadd.s32 s24, s0;
	[dreg:$0x4] =	wrdreg s23;
	s8 =	smax.u32 s8, $0x1  }
0xf: {  	s25 =	sadd.s32 $0x1000, s21;
	s26 =	sadd.s32 $0x2000, s21;
	s13 =	sadd.s32 $0x3000, s21  }
0x10: {  	s14 =	sadd.s32 $0x4000, s21;
	s15 =	sadd.s32 $0x5000, s21;
	s16 =	sadd.s32 $0x6000, s21  }
0x11: {  	s17 =	sadd.s32 $0x7000, s21;
	s18 =	sadd.s32 $0x8000, s21;
	[dreg:$0x6] =	wrdreg s2  }
0x12: {  	s19 =	sadd.s32 $0x9000, s21;
	s0 =	sadd.s32 $0x26200, s0;
	[dreg:$0x5] =	wrdreg s8  }
0x13: {  	s11 =	sshrl.u32 s21, $0x3;
	[dreg:$0x7] =	wrdreg s0;
	s9 =	sshrl.u32 s25, $0x3  }
0x14: {  	s2 =	simm.s32 $0x3;
	s20 =	sshrl.u32 s26, $0x3;
	[dreg:$0x8] =	wrdreg s9  }
0x15: {  	s21 =	sshrl.u32 s13, $0x3;
	s22 =	sshrl.u32 s14, $0x3;
	[dreg:$0x9] =	wrdreg s20  }
0x16: {  	s23 =	sshrl.u32 s15, $0x3;
	s24 =	sshrl.u32 s16, $0x3;
	[dreg:$0xa] =	wrdreg s21  }
0x17: {  	s25 =	sshrl.u32 s17, $0x3;
	s26 =	sshrl.u32 s18, $0x3;
	[dreg:$0xb] =	wrdreg s22  }
0x18: {  	s0 =	simm.s32 $0x2;
	s8 =	simm.s32 $0x7;
	[dreg:$0xc] =	wrdreg s23  }
0x19: {  	s13 =	simm.s32 $0x6;
	s14 =	simm.s32 $0x9;
	[dreg:$0xd] =	wrdreg s24  }
0x1a: {  	s15 =	simm.s32 $0xA;
	s16 =	simm.s32 $0xB;
	[dreg:$0xe] =	wrdreg s25  }
0x1b: {  	s17 =	simm.s32 $0x0;
	[dreg:$0xf] =	wrdreg s26;
	s21 =	sshrl.u32 s19, $0x3  }
0x1c: {  	s23 =	simm.s32 $0x80;
	s24 =	simm.s32 $0x9D00;
	s25 =	simm.s32 $0xBD00  }
0x1d: {  	s26 =	simm.s32 $0x13D00;
	s9 =	simm.s32 $0x5;
	s22 =	simm.s32 $0xC  }
.LBB2_1:
0x1e: {  	[spmem:s11], [sflag:s6] =	dma.local [hbm:s5], $0x200  }
0x1f: {  	_ =	swait.ge [sflag:s12], $0x200  }
0x20: {  	[sflag:s12] =	ssyncset.done $0x0  }
0x21: {  	s18 =	rddreg [dreg:$0x8];
	[sflag:s12] =	ssyncadd.s32 $0xFFFFFE00  }
0x22: {  	[spmem:s18], [sflag:s6] =	dma.local [hbm:s5], $0x200  }
0x23: {  	_ =	swait.ge [sflag:s12], $0x200  }
0x24: {  	[sflag:s12] =	ssyncset.done $0x0  }
0x25: {  	s20 =	rddreg [dreg:$0x9];
	[sflag:s12] =	ssyncadd.s32 $0xFFFFFE00  }
0x26: {  	[spmem:s20], [sflag:s6] =	dma.local [hbm:s5], $0x200  }
0x27: {  	_ =	swait.ge [sflag:s12], $0x200  }
0x28: {  	[sflag:s12] =	ssyncset.done $0x0  }
0x29: {  	s19 =	rddreg [dreg:$0xa];
	[sflag:s12] =	ssyncadd.s32 $0xFFFFFE00  }
0x2a: {  	[spmem:s19], [sflag:s6] =	dma.local [hbm:s5], $0x200  }
0x2b: {  	_ =	swait.ge [sflag:s12], $0x200  }
0x2c: {  	[sflag:s12] =	ssyncset.done $0x0  }
0x2d: {  	s20 =	rddreg [dreg:$0xb];
	[sflag:s12] =	ssyncadd.s32 $0xFFFFFE00  }
0x2e: {  	[spmem:s20], [sflag:s6] =	dma.local [hbm:s5], $0x200  }
0x2f: {  	_ =	swait.ge [sflag:s12], $0x200  }
0x30: {  	[sflag:s12] =	ssyncset.done $0x0  }
0x31: {  	s19 =	rddreg [dreg:$0xc];
	[sflag:s12] =	ssyncadd.s32 $0xFFFFFE00  }
0x32: {  	[spmem:s19], [sflag:s6] =	dma.local [hbm:s5], $0x200  }
0x33: {  	_ =	swait.ge [sflag:s12], $0x200  }
0x34: {  	[sflag:s12] =	ssyncset.done $0x0  }
0x35: {  	s20 =	rddreg [dreg:$0xd];
	[sflag:s12] =	ssyncadd.s32 $0xFFFFFE00  }
0x36: {  	[spmem:s20], [sflag:s6] =	dma.local [hbm:s5], $0x200  }
0x37: {  	_ =	swait.ge [sflag:s12], $0x200  }
0x38: {  	[sflag:s12] =	ssyncset.done $0x0  }
0x39: {  	s19 =	rddreg [dreg:$0xe];
	[sflag:s12] =	ssyncadd.s32 $0xFFFFFE00  }
0x3a: {  	[spmem:s19], [sflag:s6] =	dma.local [hbm:s5], $0x200  }
0x3b: {  	_ =	swait.ge [sflag:s12], $0x200  }
0x3c: {  	[sflag:s12] =	ssyncset.done $0x0  }
0x3d: {  	s20 =	rddreg [dreg:$0xf];
	[sflag:s12] =	ssyncadd.s32 $0xFFFFFE00  }
0x3e: {  	[spmem:s20], [sflag:s6] =	dma.local [hbm:s5], $0x200  }
0x3f: {  	_ =	swait.ge [sflag:s12], $0x200  }
0x40: {  	[sflag:s12] =	ssyncset.done $0x0  }
0x41: {  	[sflag:s12] =	ssyncadd.s32 $0xFFFFFE00  }
0x42: {  	[spmem:s21], [sflag:s6] =	dma.local [hbm:s5], $0x200  }
0x43: {  	_ =	swait.ge [sflag:s12], $0x200  }
0x44: {  	[sflag:s12] =	ssyncset.done $0x0  }
0x45: {  	[sflag:s12] =	ssyncadd.s32 $0xFFFFFE00  }
0x46: {  	[bflag:$0x0] =	sbarrier.arrive $0xFFFF  }
0x47: {  	s19 =	rddreg [dreg:$0x6]  }
0x48: {  	[tilespmem:s4], [sflag:$0xD] =	stream.linear.gather [hbm4b:s19+s4], $0x4E80, $0x38;
	[tilespmem:$0x1FD00] =	vst v63  }
0x49: {  	_ =	swait.ge [sflag:s12], $0x4E80  }
0x4a: {  	[sflag:s12] =	ssyncset.done $0x0  }
0x4b: {  	s19 =	simm.s32 $0x4E80;
	s20 =	rddreg [dreg:$0x4];
	[sflag:s12] =	ssyncadd.s32 $0xFFFFB180  }
0x4c: {  	[tilespmem:s19], [sflag:$0xD] =	stream.linear.gather [hbm4b:s20+s4], $0x4E80, $0x38;
	[tilespmem:$0x1FD00] =	vst v63  }
0x4d: {  	_ =	swait.ge [sflag:s12], $0x4E80  }
0x4e: {  	[sflag:s12] =	ssyncset.done $0x0  }
0x4f: {  	[sflag:s12] =	ssyncadd.s32 $0xFFFFB180  }
0x50: {  	[tilespmem:s24], [sflag:$0x1] =	stream.indirect.gather [hbm4b:s1+s23], $0x40, s4, s23, $0xb8;
	[tilespmem:$0x1FD00] =	vst v63  }
0x51: {  	_ = 	snop  }
0x52: {  	[tilespmem:s25], [sflag:$0x2] =	stream.indirect.gather [hbm4b:s1+s23], $0x40, s23, s23, $0xb8;
	[tilespmem:$0x1FD00] =	vst v63  }
0x53: {  	s20 =	simm.s32 $0x100  }
0x54: {  	[tilespmem:s28], [sflag:$0x3] =	stream.indirect.gather [hbm4b:s1+s23], $0x40, s20, s23, $0xb8;
	[tilespmem:$0x1FD00] =	vst v63  }
0x55: {  	_ =	swait.ge [sflag:s29], $0x2000  }
0x56: {  	[sflag:s29] =	ssyncset.done $0x0  }
0x57: {  	[sflag:s29] =	ssyncadd.s32 $0xFFFFE000  }
0x58: {  	[spmem:s3] =	stream.indirect.scatter.add.f32 [tilespmem:s24], [sflag:$0x7], $0x40, s19, s23, $0xb8;
	[tilespmem:$0x1FD00] =	vst v63  }
0x59: {  	s19 =	simm.s32 $0x180  }
0x5a: {  	[tilespmem:s31], [sflag:$0x4] =	stream.indirect.gather [hbm4b:s1+s23], $0x40, s19, s23, $0xb8;
	[tilespmem:$0x1FD00] =	vst v63  }
0x5b: {  	_ =	swait.ge [sflag:s0], $0x2000  }
0x5c: {  	[sflag:s0] =	ssyncset.done $0x0  }
0x5d: {  	s20 =	simm.s32 $0x4F00;
	[sflag:s0] =	ssyncadd.s32 $0xFFFFE000  }
0x5e: {  	[spmem:s3] =	stream.indirect.scatter.add.f32 [tilespmem:s25], [sflag:$0x8], $0x40, s20, s23, $0xb8;
	[tilespmem:$0x1FD00] =	vst v63  }
0x5f: {  	s19 =	simm.s32 $0x200  }
0x60: {  	[tilespmem:s30], [sflag:$0x5] =	stream.indirect.gather [hbm4b:s1+s23], $0x40, s19, s23, $0xb8;
	[tilespmem:$0x1FD00] =	vst v63  }
0x61: {  	_ =	swait.ge [sflag:s2], $0x2000  }
0x62: {  	[sflag:s2] =	ssyncset.done $0x0  }
0x63: {  	s20 =	simm.s32 $0x4F80;
	[sflag:s2] =	ssyncadd.s32 $0xFFFFE000  }
0x64: {  	[spmem:s3] =	stream.indirect.scatter.add.f32 [tilespmem:s28], [sflag:$0x9], $0x40, s20, s23, $0xb8;
	[tilespmem:$0x1FD00] =	vst v63  }
0x65: {  	s19 =	simm.s32 $0x280  }
0x66: {  	[tilespmem:s26], [sflag:$0x6] =	stream.indirect.gather [hbm4b:s1+s23], $0x40, s19, s23, $0xb8;
	[tilespmem:$0x1FD00] =	vst v63  }
0x67: {  	_ =	swait.ge [sflag:s7], $0x2000  }
0x68: {  	[sflag:s7] =	ssyncset.done $0x0  }
0x69: {  	s20 =	simm.s32 $0x5000;
	[sflag:s7] =	ssyncadd.s32 $0xFFFFE000  }
0x6a: {  	[spmem:s3] =	stream.indirect.scatter.add.f32 [tilespmem:s31], [sflag:$0xA], $0x40, s20, s23, $0xb8;
	[tilespmem:$0x1FD00] =	vst v63  }
0x6b: {  	_ =	swait.ge [sflag:s8], $0x2000  }
0x6c: {  	[sflag:s8] =	ssyncset.done $0x0  }
0x6d: {  	s19 =	simm.s32 $0x300;
	[sflag:s8] =	ssyncadd.s32 $0xFFFFE000  }
0x6e: {  	[tilespmem:s24], [sflag:$0x1] =	stream.indirect.gather [hbm4b:s1+s23], $0x40, s19, s23, $0xb8;
	[tilespmem:$0x1FD00] =	vst v63  }
0x6f: {  	_ =	swait.ge [sflag:s9], $0x2000  }
0x70: {  	[sflag:s9] =	ssyncset.done $0x0  }
0x71: {  	s20 =	simm.s32 $0x5080;
	[sflag:s9] =	ssyncadd.s32 $0xFFFFE000  }
0x72: {  	[spmem:s3] =	stream.indirect.scatter.add.f32 [tilespmem:s30], [sflag:$0xB], $0x40, s20, s23, $0xb8;
	[tilespmem:$0x1FD00] =	vst v63  }
0x73: {  	_ =	swait.ge [sflag:s10], $0x2000  }
0x74: {  	[sflag:s10] =	ssyncset.done $0x0  }
0x75: {  	s19 =	simm.s32 $0x380;
	[sflag:s10] =	ssyncadd.s32 $0xFFFFE000  }
0x76: {  	[tilespmem:s25], [sflag:$0x2] =	stream.indirect.gather [hbm4b:s1+s23], $0x40, s19, s23, $0xb8;
	[tilespmem:$0x1FD00] =	vst v63  }
0x77: {  	_ =	swait.ge [sflag:s13], $0x2000  }
0x78: {  	[sflag:s13] =	ssyncset.done $0x0  }
0x79: {  	s20 =	simm.s32 $0x5100;
	[sflag:s13] =	ssyncadd.s32 $0xFFFFE000  }
0x7a: {  	[spmem:s3] =	stream.indirect.scatter.add.f32 [tilespmem:s26], [sflag:$0xC], $0x40, s20, s23, $0xb8;
	[tilespmem:$0x1FD00] =	vst v63  }
0x7b: {  	_ =	swait.ge [sflag:s14], $0x2000  }
0x7c: {  	[sflag:s14] =	ssyncset.done $0x0  }
0x7d: {  	s19 =	simm.s32 $0x400;
	[sflag:s14] =	ssyncadd.s32 $0xFFFFE000  }
0x7e: {  	[tilespmem:s28], [sflag:$0x3] =	stream.indirect.gather [hbm4b:s1+s23], $0x40, s19, s23, $0xb8;
	[tilespmem:$0x1FD00] =	vst v63  }
0x7f: {  	_ =	swait.ge [sflag:s29], $0x2000  }
0x80: {  	[sflag:s29] =	ssyncset.done $0x0  }
0x81: {  	s20 =	simm.s32 $0x5180;
	[sflag:s29] =	ssyncadd.s32 $0xFFFFE000  }
0x82: {  	[spmem:s3] =	stream.indirect.scatter.add.f32 [tilespmem:s24], [sflag:$0x7], $0x40, s20, s23, $0xb8;
	[tilespmem:$0x1FD00] =	vst v63  }
0x83: {  	_ =	swait.ge [sflag:s15], $0x2000  }
0x84: {  	[sflag:s15] =	ssyncset.done $0x0  }
0x85: {  	s19 =	simm.s32 $0x480;
	[sflag:s15] =	ssyncadd.s32 $0xFFFFE000  }
0x86: {  	[tilespmem:s31], [sflag:$0x4] =	stream.indirect.gather [hbm4b:s1+s23], $0x40, s19, s23, $0xb8;
	[tilespmem:$0x1FD00] =	vst v63  }
0x87: {  	_ =	swait.ge [sflag:s0], $0x2000  }
0x88: {  	[sflag:s0] =	ssyncset.done $0x0  }
0x89: {  	s20 =	simm.s32 $0x5200;
	[sflag:s0] =	ssyncadd.s32 $0xFFFFE000  }
0x8a: {  	[spmem:s3] =	stream.indirect.scatter.add.f32 [tilespmem:s25], [sflag:$0x8], $0x40, s20, s23, $0xb8;
	[tilespmem:$0x1FD00] =	vst v63  }
0x8b: {  	_ =	swait.ge [sflag:s16], $0x2000  }
0x8c: {  	[sflag:s16] =	ssyncset.done $0x0  }
0x8d: {  	s19 =	simm.s32 $0x500;
	[sflag:s16] =	ssyncadd.s32 $0xFFFFE000  }
0x8e: {  	[tilespmem:s30], [sflag:$0x5] =	stream.indirect.gather [hbm4b:s1+s23], $0x40, s19, s23, $0xb8;
	[tilespmem:$0x1FD00] =	vst v63  }
0x8f: {  	_ =	swait.ge [sflag:s2], $0x2000  }
0x90: {  	[sflag:s2] =	ssyncset.done $0x0  }
0x91: {  	s20 =	simm.s32 $0x5280;
	[sflag:s2] =	ssyncadd.s32 $0xFFFFE000  }
0x92: {  	[spmem:s3] =	stream.indirect.scatter.add.f32 [tilespmem:s28], [sflag:$0x9], $0x40, s20, s23, $0xb8;
	[tilespmem:$0x1FD00] =	vst v63  }
0x93: {  	_ =	swait.ge [sflag:s22], $0x2000  }
0x94: {  	[sflag:s22] =	ssyncset.done $0x0  }
0x95: {  	s18 =	simm.s32 $0xC00;
	s19 =	simm.s32 $0x580;
	[sflag:s22] =	ssyncadd.s32 $0xFFFFE000  }
.LBB2_2:
0x96: {  	[tilespmem:s26], [sflag:$0x6] =	stream.indirect.gather [hbm4b:s1+s23], $0x40, s19, s23, $0xb8;
	[tilespmem:$0x1FD00] =	vst v63  }
0x97: {  	s19 =	smov.u32 s18  }
0x98: {  	p0 =	sne.s32 s18, $0x12000;
	s18 =	sadd.s32 $0xC00, s18;
	_ =	swait.ge [sflag:s7], $0x2000  }
0x99: {  	s19 =	sshra.s32 s19, $0x2;
	[sflag:s7] =	ssyncset.done $0x0  }
0x9a: {  	s20 =	sadd.s32 $0x5000, s19;
	[sflag:s7] =	ssyncadd.s32 $0xFFFFE000  }
0x9b: {  	[spmem:s3] =	stream.indirect.scatter.add.f32 [tilespmem:s31], [sflag:$0xA], $0x40, s20, s23, $0xb8;
	[tilespmem:$0x1FD00] =	vst v63  }
0x9c: {  	_ =	swait.ge [sflag:s8], $0x2000  }
0x9d: {  	[sflag:s8] =	ssyncset.done $0x0  }
0x9e: {  	s20 =	sadd.s32 $0x300, s19;
	[sflag:s8] =	ssyncadd.s32 $0xFFFFE000  }
0x9f: {  	[tilespmem:s24], [sflag:$0x1] =	stream.indirect.gather [hbm4b:s1+s23], $0x40, s20, s23, $0xb8;
	[tilespmem:$0x1FD00] =	vst v63  }
0xa0: {  	_ =	swait.ge [sflag:s9], $0x2000  }
0xa1: {  	[sflag:s9] =	ssyncset.done $0x0  }
0xa2: {  	s20 =	sadd.s32 $0x5080, s19;
	[sflag:s9] =	ssyncadd.s32 $0xFFFFE000  }
0xa3: {  	[spmem:s3] =	stream.indirect.scatter.add.f32 [tilespmem:s30], [sflag:$0xB], $0x40, s20, s23, $0xb8;
	[tilespmem:$0x1FD00] =	vst v63  }
0xa4: {  	_ =	swait.ge [sflag:s10], $0x2000  }
0xa5: {  	[sflag:s10] =	ssyncset.done $0x0  }
0xa6: {  	s20 =	sadd.s32 $0x380, s19;
	[sflag:s10] =	ssyncadd.s32 $0xFFFFE000  }
0xa7: {  	[tilespmem:s25], [sflag:$0x2] =	stream.indirect.gather [hbm4b:s1+s23], $0x40, s20, s23, $0xb8;
	[tilespmem:$0x1FD00] =	vst v63  }
0xa8: {  	_ =	swait.ge [sflag:s13], $0x2000  }
0xa9: {  	[sflag:s13] =	ssyncset.done $0x0  }
0xaa: {  	s20 =	sadd.s32 $0x5100, s19;
	[sflag:s13] =	ssyncadd.s32 $0xFFFFE000  }
0xab: {  	[spmem:s3] =	stream.indirect.scatter.add.f32 [tilespmem:s26], [sflag:$0xC], $0x40, s20, s23, $0xb8;
	[tilespmem:$0x1FD00] =	vst v63  }
0xac: {  	_ =	swait.ge [sflag:s14], $0x2000  }
0xad: {  	[sflag:s14] =	ssyncset.done $0x0  }
0xae: {  	s20 =	sadd.s32 $0x400, s19;
	[sflag:s14] =	ssyncadd.s32 $0xFFFFE000  }
0xaf: {  	[tilespmem:s28], [sflag:$0x3] =	stream.indirect.gather [hbm4b:s1+s23], $0x40, s20, s23, $0xb8;
	[tilespmem:$0x1FD00] =	vst v63  }
0xb0: {  	_ =	swait.ge [sflag:s29], $0x2000  }
0xb1: {  	[sflag:s29] =	ssyncset.done $0x0  }
0xb2: {  	s20 =	sadd.s32 $0x5180, s19;
	[sflag:s29] =	ssyncadd.s32 $0xFFFFE000  }
0xb3: {  	[spmem:s3] =	stream.indirect.scatter.add.f32 [tilespmem:s24], [sflag:$0x7], $0x40, s20, s23, $0xb8;
	[tilespmem:$0x1FD00] =	vst v63  }
0xb4: {  	_ =	swait.ge [sflag:s15], $0x2000  }
0xb5: {  	[sflag:s15] =	ssyncset.done $0x0  }
0xb6: {  	s20 =	sadd.s32 $0x480, s19;
	[sflag:s15] =	ssyncadd.s32 $0xFFFFE000  }
0xb7: {  	[tilespmem:s31], [sflag:$0x4] =	stream.indirect.gather [hbm4b:s1+s23], $0x40, s20, s23, $0xb8;
	[tilespmem:$0x1FD00] =	vst v63  }
0xb8: {  	_ =	swait.ge [sflag:s0], $0x2000  }
0xb9: {  	[sflag:s0] =	ssyncset.done $0x0  }
0xba: {  	s20 =	sadd.s32 $0x5200, s19;
	[sflag:s0] =	ssyncadd.s32 $0xFFFFE000  }
0xbb: {  	[spmem:s3] =	stream.indirect.scatter.add.f32 [tilespmem:s25], [sflag:$0x8], $0x40, s20, s23, $0xb8;
	[tilespmem:$0x1FD00] =	vst v63  }
0xbc: {  	_ =	swait.ge [sflag:s16], $0x2000  }
0xbd: {  	[sflag:s16] =	ssyncset.done $0x0  }
0xbe: {  	s20 =	sadd.s32 $0x500, s19;
	[sflag:s16] =	ssyncadd.s32 $0xFFFFE000  }
0xbf: {  	[tilespmem:s30], [sflag:$0x5] =	stream.indirect.gather [hbm4b:s1+s23], $0x40, s20, s23, $0xb8;
	[tilespmem:$0x1FD00] =	vst v63  }
0xc0: {  	_ =	swait.ge [sflag:s2], $0x2000  }
0xc1: {  	[sflag:s2] =	ssyncset.done $0x0  }
.Ltmp0:
0xc2: {  	s20 =	sadd.s32 $0x5280, s19;
	[sflag:s2] =	ssyncadd.s32 $0xFFFFE000;
	(pc) =	sbr.rel @p0 .LBB2_2-.Ltmp0, $4  }
0xc3: {  	[spmem:s3] =	stream.indirect.scatter.add.f32 [tilespmem:s28], [sflag:$0x9], $0x40, s20, s23, $0xb8;
	[tilespmem:$0x1FD00] =	vst v63  }
0xc4: {  	_ =	swait.ge [sflag:s22], $0x2000  }
0xc5: {  	[sflag:s22] =	ssyncset.done $0x0  }
0xc6: {  	s19 =	sadd.s32 $0x580, s19;
	[sflag:s22] =	ssyncadd.s32 $0xFFFFE000  }
0xc7: {  	[tilespmem:s26], [sflag:$0x6] =	stream.indirect.gather [hbm4b:s1+s23], $0x40, s19, s23, $0xb8;
	[tilespmem:$0x1FD00] =	vst v63  }
0xc8: {  	_ =	swait.ge [sflag:s7], $0x2000  }
0xc9: {  	[sflag:s7] =	ssyncset.done $0x0  }
0xca: {  	s18 =	simm.s32 $0x9B00;
	[sflag:s7] =	ssyncadd.s32 $0xFFFFE000  }
0xcb: {  	[spmem:s3] =	stream.indirect.scatter.add.f32 [tilespmem:s31], [sflag:$0xA], $0x40, s18, s23, $0xb8;
	[tilespmem:$0x1FD00] =	vst v63  }
0xcc: {  	_ =	swait.ge [sflag:s8], $0x2000  }
0xcd: {  	[sflag:s8] =	ssyncset.done $0x0  }
0xce: {  	s19 =	simm.s32 $0x4E00;
	[sflag:s8] =	ssyncadd.s32 $0xFFFFE000  }
0xcf: {  	[tilespmem:s24], [sflag:$0x1] =	stream.indirect.gather [hbm4b:s1+s23], $0x40, s19, s23, $0xb8;
	[tilespmem:$0x1FD00] =	vst v63  }
0xd0: {  	_ =	swait.ge [sflag:s9], $0x2000  }
0xd1: {  	[sflag:s9] =	ssyncset.done $0x0  }
0xd2: {  	s20 =	simm.s32 $0x9B80;
	[sflag:s9] =	ssyncadd.s32 $0xFFFFE000  }
0xd3: {  	[spmem:s3] =	stream.indirect.scatter.add.f32 [tilespmem:s30], [sflag:$0xB], $0x40, s20, s23, $0xb8;
	[tilespmem:$0x1FD00] =	vst v63  }
0xd4: {  	_ =	swait.ge [sflag:s13], $0x2000  }
0xd5: {  	[sflag:s13] =	ssyncset.done $0x0  }
0xd6: {  	s19 =	simm.s32 $0x9C00;
	[sflag:s13] =	ssyncadd.s32 $0xFFFFE000  }
0xd7: {  	[spmem:s3] =	stream.indirect.scatter.add.f32 [tilespmem:s26], [sflag:$0xC], $0x40, s19, s23, $0xb8;
	[tilespmem:$0x1FD00] =	vst v63  }
0xd8: {  	_ =	swait.ge [sflag:s29], $0x2000  }
0xd9: {  	[sflag:s29] =	ssyncset.done $0x0  }
0xda: {  	s20 =	simm.s32 $0x9C80;
	[sflag:s29] =	ssyncadd.s32 $0xFFFFE000  }
0xdb: {  	[spmem:s3] =	stream.indirect.scatter.add.f32 [tilespmem:s24], [sflag:$0x7], $0x40, s20, s23, $0xb8;
	[tilespmem:$0x1FD00] =	vst v63  }
0xdc: {  	_ =	swait.ge [sflag:s10], $0x2000  }
0xdd: {  	[sflag:s10] =	ssyncset.done $0x0  }
0xde: {  	[sflag:s10] =	ssyncadd.s32 $0xFFFFE000  }
0xdf: {  	_ =	swait.ge [sflag:s14], $0x2000  }
0xe0: {  	[sflag:s14] =	ssyncset.done $0x0  }
0xe1: {  	[sflag:s14] =	ssyncadd.s32 $0xFFFFE000  }
0xe2: {  	_ =	swait.ge [sflag:s15], $0x2000  }
0xe3: {  	[sflag:s15] =	ssyncset.done $0x0  }
0xe4: {  	[sflag:s15] =	ssyncadd.s32 $0xFFFFE000  }
0xe5: {  	_ =	swait.ge [sflag:s16], $0x2000  }
0xe6: {  	[sflag:s16] =	ssyncset.done $0x0  }
0xe7: {  	[sflag:s16] =	ssyncadd.s32 $0xFFFFE000  }
0xe8: {  	_ =	swait.ge [sflag:s22], $0x2000  }
0xe9: {  	[sflag:s22] =	ssyncset.done $0x0  }
0xea: {  	[sflag:s22] =	ssyncadd.s32 $0xFFFFE000  }
0xeb: {  	_ =	swait.ge [sflag:s8], $0x2000  }
0xec: {  	[sflag:s8] =	ssyncset.done $0x0  }
0xed: {  	[sflag:s8] =	ssyncadd.s32 $0xFFFFE000  }
0xee: {  	[bflag:$0x0] =	sbarrier.arrive $0xFFFF  }
0xef: {  	s20 =	simm.s32 $0x10;
	s19 =	rddreg [dreg:$0x7]  }
0xf0: {  	[hbm:s19@s20], [sflag:s6] =	dma.strided [spmem:s11@s10], $0x1400, s29, $0x8   }
0xf1: {  	_ =	swait.ge [sflag:s12], $0x1400  }
0xf2: {  	s17 =	sadd.s32 $0x1, s17;
	s20 =	rddreg [dreg:$0x5]  }
0xf3: {  	p0 =	sne.s32 s17, s20  }
.Ltmp1:
0xf4: {  	_ = 	snop;
	(pc) =	sbr.rel @p0 .LBB2_1-.Ltmp1, $3  }
0xf5: {  	_ =	sdelay $0x1  }
0xf6: {  	[sflag:s12] =	ssyncset.done $0x0  }
0xf7: {  	[sflag:s12] =	ssyncadd.s32 $0xFFFFEC00  }
0xf8: {  	_ =	sfence.sel $0x180000  }
0xf9: {  	[bflag:$0x0] =	sbarrier.arrive $0xFFFF  }
0xfa: {  	_ =	strace $0x9000004D  }
0xfb: {  	s0 =	stileid.u32;
	[bflag:$0x2] =	sbarrier.arrive $0xFFFF  }
0xfc: {  	p0 =	sne.s32 s0, $0x0;
	s0 =	rddreg [dreg:$0x3]  }
0xfd: {  	s0 =	sadd.s32 @!p0 $0x100000, s0  }
0xfe: {  	[sflag:s0] =	ssyncadd.tile.s32 @!p0 $0x1;
	_ =	shalt  }
.Lfunc_end2:
_tile_overlayer_lowered:
.L_overlay_start_2:
0xff: {  	(tag) =	ssettag $0x2  }
0x100: {  	s0 =	rddreg [dreg:$0x0];
	s2 =	stileid.u32  }
0x101: {  	s1 =	rddreg [dreg:$0x1];
	p0 =	sne.s32 s2, $0x0  }
0x102: {  	s3 =	rddreg [dreg:$0x2];
	[bflag:$0x3] =	sbarrier.arrive $0xFFFF;
	s2 =	simm.s32 @!p0 $0x1C0D  }
0x103: {  	[timem:s3], [sflag:s2] =	dma.local @!p0 [hbm:s0], s1  }
0x104: {  	s0 =	simm.s32 @!p0 $0xD  }
0x105: {  	_ =	swait.ge @!p0 [sflag:s0], s1  }
0x106: {  	s1 =	ssub.s32 @!p0 $0x0, s1;
	[sflag:s0] =	ssyncset.done @!p0 $0x0  }
0x107: {  	[sflag:s0] =	ssyncadd.s32 @!p0 s1  }
0x108: {  	[bflag:$0x3] =	sbarrier.arrive $0xFFFF  }
0x109: {  	_ =	shalt  }

// kernel: kernel.8.cloned.1.call-start
scs
__scs_entry_jumppad:
0x0: {  	(pc) =	sbr.rel $0x88, $3  }
0x1: {  	(tag) =	ssettag $0x0;
	lr =	simm.s32 $0x1  }
0x2: {  	[smem:$0x3F7F] =	sst lr;
	_ =	strace $0xD0000000  }
0x3: {  	_ = 	snop  }
0x4: {  	_ = 	snop  }
0x5: {  	_ = 	snop  }
0x6: {  	_ = 	snop  }
0x7: {  	_ = 	snop  }
__scs_overlays_trampoline_lowered:
0x8: {  	[smem:$0x3F8E] =	sst s0  }
0x9: {  	[smem:$0x3F8F] =	sst s1  }
0xa: {  	[smem:$0x3F90] =	sst s2  }
0xb: {  	[smem:$0x3F91] =	sst s3  }
0xc: {  	[smem:$0x3F92] =	sst s4  }
0xd: {  	[smem:$0x3F93] =	sst s5  }
0xe: {  	[smem:$0x3F94] =	sst s6  }
0xf: {  	[smem:$0x3F95] =	sst s7  }
0x10: {  	[smem:$0x3F96] =	sst s8  }
0x11: {  	[smem:$0x3F97] =	sst s9;
	s0 =	simm.s32 @!p0 $0x0  }
0x12: {  	s1 =	sld [smem:$0x3F7D];
	s0 =	simm.s32 @p0 $0x1  }
0x13: {  	[smem:$0x3F98] =	sst s0;
	s0 =	simm.s32 @!p1 $0x0  }
0x14: {  	s2 =	sld [smem:$0x3F7C];
	s0 =	simm.s32 @p1 $0x1  }
0x15: {  	[smem:$0x3F99] =	sst s0;
	s0 =	simm.s32 @!p2 $0x0  }
0x16: {  	s3 =	sld [smem:$0x3FDB];
	s0 =	simm.s32 @p2 $0x1  }
0x17: {  	s4 =	simm.s32 $0x1BF5;
	[smem:$0x3F9B] =	sst s0  }
0x18: {  	s0 =	sld [smem:$0x3F7E];
	_ =	swait.ge [sflag:s4], $0x0  }
0x19: {  	s7 =	sld [smem:$0x3F7F]  }
0x1a: {  	s8 =	sadd.s32 $0xFFFFE003, lr  }
0x1b: {  	s9 =	sadd.s32 $0xFFFFFEF7, lr;
	s5 =	simm.s32 $0xFFFFFFFF;
	p2 =	slt.u32 s8, $0xFFFFF086  }
0x1c: {  	p1 =	slt.u32 s9, $0xF7A;
	s5 =	simm.s32 @!p2 $0x0  }
0x1d: {  	s5 =	simm.s32 @p1 $0x1;
	p0 =	seq.s32 s7, s2  }
0x1e: {  	s7 =	smul.u32 @!p0 $0xF7A, s2;
	p2 =	seq.s32 @!p0 s5, $0x0  }
0x1f: {  	s9 =	smul.u32 $0xF7A, s1;
	s8 =	simm.s32 @!p0 $0x1BF5;
	p2 =	por !p2, p0  }
0x20: {  	[sflag:s8] =	ssyncset.s32 @!p0 $0xFFFFF086;
	s6 =	sadd.s32 @!p0 s3, s7;
	s7 =	simm.s32 @!p0 $0x108  }
0x21: {  	s3 =	sadd.s32 s3, s9;
	s6 =	sadd.s32 @!p0 $0x88, s6;
	s7 =	simm.s32 @p2 $0x1082  }
0x22: {  	[simem:s7], [sflag:s8] =	dma.local @!p0 [hbm:s6], $0xF7A  }
0x23: {  	s9 =	sor.u32 $0xD0000000, s2;
	s6 =	simm.s32 $0x108;
	_ =	swait.ge @!p0 [sflag:s8], $0x0  }
0x24: {  	s3 =	sadd.s32 $0x88, s3;
	s6 =	simm.s32 @!p1 $0x1082;
	[sflag:s4] =	ssyncset.s32 $0xFFFFF086  }
0x25: {  	[simem:s6], [sflag:s4] =	dma.local [hbm:s3], $0xF7A  }
0x26: {  	[smem:$0x3F7F] =	sst s1;
	(tag) =	ssettag s2;
	_ =	strace s9  }
0x27: {  	s1 =	sld [smem:$0x3F8F]  }
0x28: {  	s2 =	sld [smem:$0x3F90]  }
0x29: {  	s4 =	sld [smem:$0x3F92]  }
0x2a: {  	p0 =	seq.s32 s5, $0x0;
	s5 =	sld [smem:$0x3F93]  }
0x2b: {  	s6 =	sld [smem:$0x3F94]  }
0x2c: {  	s7 =	sld [smem:$0x3F95]  }
0x2d: {  	s3 =	simm.s32 $0x108;
	s8 =	sld [smem:$0x3F96]  }
0x2e: {  	s3 =	simm.s32 @!p0 $0x1082;
	s9 =	sld [smem:$0x3F97]  }
0x2f: {  	lr =	sadd.s32 s0, s3;
	s0 =	sld [smem:$0x3F8E]  }
0x30: {  	s3 =	sld [smem:$0x3F91]  }
0x31: {  	[smem:$0x3F9A] =	sst s10  }
0x32: {  	s10 =	sld [smem:$0x3F98];
	_ =	sdelay $0x3  }
0x33: {  	p0 =	seq.s32 s10, $0x1;
	s10 =	sld [smem:$0x3F9A];
	_ =	sdelay $0x3  }
0x34: {  	[smem:$0x3F9A] =	sst s10  }
0x35: {  	s10 =	sld [smem:$0x3F99];
	_ =	sdelay $0x3  }
0x36: {  	p1 =	seq.s32 s10, $0x1;
	s10 =	sld [smem:$0x3F9A];
	_ =	sdelay $0x3  }
0x37: {  	[smem:$0x3F9A] =	sst s10  }
0x38: {  	s10 =	sld [smem:$0x3F9B]  }
0x39: {  	_ = 	snop;
	(pc) =	sbr.ind lr, $3  }
0x3a: {  	_ = 	snop  }
0x3b: {  	_ = 	snop  }
0x3c: {  	p2 =	seq.s32 s10, $0x1;
	s10 =	sld [smem:$0x3F9A]  }
0x3d: {  	_ =	shalt  }
0x3e: {  	_ =	shalt  }
0x3f: {  	_ =	shalt  }
0x40: {  	_ =	shalt  }
0x41: {  	_ =	shalt  }
0x42: {  	_ =	shalt  }
0x43: {  	_ =	shalt  }
0x44: {  	_ =	shalt  }
0x45: {  	_ =	shalt  }
0x46: {  	_ =	shalt  }
0x47: {  	_ =	shalt  }
0x48: {  	_ =	shalt  }
0x49: {  	_ =	shalt  }
0x4a: {  	_ =	shalt  }
0x4b: {  	_ =	shalt  }
0x4c: {  	_ =	shalt  }
0x4d: {  	_ =	shalt  }
0x4e: {  	_ =	shalt  }
0x4f: {  	_ =	shalt  }
0x50: {  	_ =	shalt  }
0x51: {  	_ =	shalt  }
0x52: {  	_ =	shalt  }
0x53: {  	_ =	shalt  }
0x54: {  	_ =	shalt  }
0x55: {  	_ =	shalt  }
0x56: {  	_ =	shalt  }
0x57: {  	_ =	shalt  }
0x58: {  	_ =	shalt  }
0x59: {  	_ =	shalt  }
0x5a: {  	_ =	shalt  }
0x5b: {  	_ =	shalt  }
0x5c: {  	_ =	shalt  }
0x5d: {  	_ =	shalt  }
0x5e: {  	_ =	shalt  }
0x5f: {  	_ =	shalt  }
0x60: {  	_ =	shalt  }
0x61: {  	_ =	shalt  }
0x62: {  	_ =	shalt  }
0x63: {  	_ =	shalt  }
0x64: {  	_ =	shalt  }
0x65: {  	_ =	shalt  }
0x66: {  	_ =	shalt  }
0x67: {  	_ =	shalt  }
0x68: {  	_ =	shalt  }
0x69: {  	_ =	shalt  }
0x6a: {  	_ =	shalt  }
0x6b: {  	_ =	shalt  }
0x6c: {  	_ =	shalt  }
0x6d: {  	_ =	shalt  }
0x6e: {  	_ =	shalt  }
0x6f: {  	_ =	shalt  }
0x70: {  	_ =	shalt  }
0x71: {  	_ =	shalt  }
0x72: {  	_ =	shalt  }
0x73: {  	_ =	shalt  }
0x74: {  	_ =	shalt  }
0x75: {  	_ =	shalt  }
0x76: {  	_ =	shalt  }
0x77: {  	_ =	shalt  }
0x78: {  	_ =	shalt  }
0x79: {  	_ =	shalt  }
0x7a: {  	_ =	shalt  }
0x7b: {  	_ =	shalt  }
0x7c: {  	_ =	shalt  }
0x7d: {  	_ =	shalt  }
0x7e: {  	_ =	shalt  }
0x7f: {  	_ =	shalt  }
0x80: {  	_ =	shalt  }
0x81: {  	_ =	shalt  }
0x82: {  	_ =	shalt  }
0x83: {  	_ =	shalt  }
0x84: {  	_ =	shalt  }
0x85: {  	_ =	shalt  }
0x86: {  	_ =	shalt  }
0x87: {  	_ =	shalt  }
.Lfunc_end0:
.L_simem_size_0:
called_computation_lowered:
.L_overlay_start_0:
0x88: {  	s2 =	sld [smem:$0x3FD9]  }
0x89: {  	s3 =	sld [smem:$0x3FFE];
	_ =	sdelay $0x1  }
0x8a: {  	s1 =	srdreg.scid  }
0x8b: {  	s0 =	sand.u32 $0x1, s1  }
0x8c: {  	s17 =	sshll.u32 s0, $0xA;
	s2 =	sadd.s32 s3, s2  }
0x8d: {  	s2 =	sadd.s32 s2, s17  }
0x8e: {  	[smem:$0x3FA6] =	sst s2  }
0x8f: {  	_ = 	snop  }
0x90: {  	s2 =	sld [smem:$0x3FC9]  }
0x91: {  	s18 =	sld [smem:$0x3FD0];
	(tm) =	ssettm $0x1  }
0x92: {  	s4 =	sld [smem:$0x3FFB];
	_ =	sdelay $0x3  }
0x93: {  	_ =	strace s4  }
0x94: {  	s4 =	sld [smem:$0x3FFC];
	_ =	sdelay $0x3  }
0x95: {  	_ =	strace s4  }
0x96: {  	s4 =	sld [smem:$0x3FFD];
	_ =	sdelay $0x3  }
0x97: {  	_ =	strace s4  }
0x98: {  	_ =	strace $0x8FFFFFFF  }
0x99: {  	s19 =	sld [smem:$0x3FDB];
	_ =	sdelay $0x1  }
0x9a: {  	s5 =	simm.s32 $_scs_section_size  }
0x9b: {  	s6 =	simm.s32 $_size__tile_overlayer_lowered;
	s7 =	simm.s32 $_tile_overlayer_lowered  }
0x9c: {  	s22 =	simm.s32 $0x1BFF;
	s21 =	sshll.u32 s7, $0x1;
	s4 =	sadd.s32 s5, s19  }
0x9d: {  	s8 =	simm.s32 $0x0;
	s20 =	sshll.u32 s6, $0x1;
	s6 =	sadd.s32 s21, s4  }
0x9e: {  	[timem:s8], [sflag:s22] =	dma.local [hbm:s6], s20  }
0x9f: {  	_ =	swait.ge [sflag:s22], s20  }
0xa0: {  	s5 =	ssub.s32 $0x0, s20;
	[sflag:s22] =	ssyncset.done $0x0  }
0xa1: {  	[sflag:s22] =	ssyncadd.s32 s5;
	_ =	sdelay $0x1  }
0xa2: {  	s23 =	simm.s32 $0x1B8B  }
0xa3: {  	_ =	swait.ge [sflag:s23], $0x1  }
0xa4: {  	[sflag:s23] =	ssyncset.done $0x0  }
0xa5: {  	s25 =	simm.s32 $0x1B8E;
	s24 =	sld [smem:$0x3FFE];
	[sflag:s23] =	ssyncadd.s32 $0xFFFFFFFF  }
0xa6: {  	s26 =	simm.s32 $execute0_lowered;
	[smem:$0x3FD2] =	sst s25  }
0xa7: {  	s6 =	sshll.u32 s26, $0x1;
	_ =	strace $0x80000046;
	[dreg:$0x1] =	wrdreg $0xFFFFFFFF  }
0xa8: {  	s28 =	simm.s32 $_size_execute0_lowered;
	s4 =	sadd.s32 s4, s6;
	[dreg:$0x0] =	wrdreg $0x0  }
0xa9: {  	s6 =	sshll.u32 s28, $0x1;
	[dreg:$0x2] =	wrdreg s4  }
0xaa: {  	[dreg:$0x3] =	wrdreg s6  }
0xab: {  	[dreg:$0x4] =	wrdreg $0xC0  }
0xac: {  	_ =	task [dreg:s8], $0x5FFFF  }
0xad: {  	[dreg:$0x1] =	wrdreg $0xFFFFFFFF  }
0xae: {  	[dreg:$0x0] =	wrdreg $0x60  }
0xaf: {  	[dreg:$0x2] =	wrdreg s2  }
0xb0: {  	[dreg:$0x3] =	wrdreg s24  }
0xb1: {  	[dreg:$0x4] =	wrdreg s18  }
0xb2: {  	[dreg:$0x5] =	wrdreg $0x11D000  }
0xb3: {  	[dreg:$0x6] =	wrdreg $0x1C5000  }
0xb4: {  	[dreg:$0x7] =	wrdreg $0x9  }
0xb5: {  	_ =	task.clear_ibuf [dreg:s8], $0x8FFFF;
	_ =	strace $0x90000046  }
0xb6: {  	s29 =	simm.s32 $0x9;
	_ =	strace $0x80000048  }
0xb7: {  	_ =	swait.ge [sflag:s29], $0x1  }
0xb8: {  	[sflag:s29] =	ssyncadd.s32 $0xFFFFFFFF  }
0xb9: {  	_ =	strace $0x90000048  }
0xba: {  	_ =	sfence  }
0xbb: {  	s30 =	sld [smem:$0x0];
	_ =	sdelay $0x2  }
0xbc: {  	s31 =	sshll.u32 s1, $0xD;
	s1 =	sshrl.u32 s1, $0x2  }
0xbd: {  	s3 =	sand.u32 $0x4000, s31;
	s1 =	sadd.s32 s1, s30  }
0xbe: {  	s0 =	sor.u32 s3, s0;
	s1 =	sshll.u32 s1, $0x11  }
0xbf: {  	s0 =	sor.u32 s1, s0  }
0xc0: {  	s0 =	sadd.s32 $0x8F2B, s0  }
0xc1: {  	[sflag:s0] =	ssyncadd.remote.s32 $0x1  }
0xc2: {  	_ =	sfence.sel $0xFFFF  }
0xc3: {  	[dreg:$0x0] =	wrdreg $0xFFFFFFFF;
	(pc) =	sbr.abs _section_cstart, $3  }
0xc4: {  	[dreg:$0x1] =	wrdreg $0xFFFFFFFF  }
0xc5: {  	_ =	task.clear_ibuf [dreg:s8], $0x2FFFF;
	_ =	strace $0x9FFFFFFF  }
0xc6: {  	(tm) =	ssettm $0x7FFFFFFF  }
0xc7: {  	_ =	shalt  }
tec
execute0_lowered:
.L_overlay_start_1:
0x0: {  	(tag) =	ssettag $0x1  }
0x1: {  	s1 =	rddreg [dreg:$0x0]  }
0x2: {  	s0 =	rddreg [dreg:$0x1]  }
0x3: {  	s2 =	rddreg [dreg:$0x2]  }
0x4: {  	s3 =	rddreg [dreg:$0x3]  }
0x5: {  	s4 =	rddreg [dreg:$0x4];
	s6 =	simm.s32 $0x0;
	s5 =	stileid.u32  }
0x6: {  	s7 =	srdreg.scid;
	s30 =	simm.s32 $0x80;
	s15 =	smul.u32 $0x9D0, s5  }
0x7: {  	s31 =	simm.s32 $0x9D00;
	s28 =	simm.s32 $0xFD00;
	s10 =	smul.u32 $0x28000, s5  }
0x8: {  	[smem:$0x7FF] =	sst s6;
	s6 =	sadd.s32 $0x25A00, s0;
	s12 =	smul.u32 $0xA000, s5  }
0x9: {  	s7 =	sand.u32 $0x1, s7;
	s9 =	sadd.s32 $0x25C00, s0;
	s13 =	smul.u32 $0x500, s5  }
0xa: {  	s11 =	sadd.s32 $0x25800, s0;
	s19 =	sshll.u32 s5, $0x6;
	s21 =	smul.u32 $0x2800, s5  }
0xb: {  	_ =	strace $0x80000047;
	[dreg:$0x6] =	wrdreg s9;
	s16 =	sshll.u32 s7, $0x3  }
0xc: {  	[dreg:$0x7] =	wrdreg s11;
	s17 =	ssub.s32 $0x2, s7;
	s14 =	smul.u32 $0x5000, s7  }
0xd: {  	s9 =	sor.u32 $0x1C09, s19;
	p0 =	seq.s32 s7, $0x0;
	p1 =	sne.s32 s7, $0x0  }
0xe: {  	s7 =	simm.s32 $0x3;
	s8 =	sadd.s32 s15, s0;
	s0 =	sadd.s32 s16, s0  }
0xf: {  	s18 =	sshrl.u32 s17, $0x1;
	s10 =	sshrl.u32 s10, $0x2;
	s12 =	sshrl.u32 s12, $0x2  }
0x10: {  	s11 =	ssub.s32 s17, s18;
	s10 =	sadd.s32 s10, s3;
	s12 =	sadd.s32 s12, s4  }
0x11: {  	s20 =	sadd.s32 $0x7E00, s8;
	s13 =	sadd.s32 s13, s14;
	[dreg:$0x8] =	wrdreg s12  }
0x12: {  	s14 =	simm.s32 $0x11C00;
	s0 =	sadd.s32 s21, s0;
	[dreg:$0x9] =	wrdreg s20  }
0x13: {  	s2 =	sadd.s32 s2, s13;
	s22 =	smax.u32 s11, $0x1;
	s23 =	sadd.s32 $0x1000, s10  }
0x14: {  	s24 =	sadd.s32 $0x2000, s10;
	s25 =	sadd.s32 $0x3000, s10;
	s15 =	sadd.s32 $0x4000, s10  }
0x15: {  	s17 =	sadd.s32 $0x5000, s10;
	s14 =	simm.s32 @!p0 $0x1BA00;
	s18 =	sadd.s32 $0x6000, s10  }
0x16: {  	s29 =	sadd.s32 $0x7000, s10;
	s5 =	sadd.s32 $0x8000, s10;
	[dreg:$0xa] =	wrdreg s2  }
0x17: {  	s0 =	sadd.s32 $0x26200, s0;
	s16 =	sshrl.u32 s10, $0x3;
	[dreg:$0xb] =	wrdreg s22  }
0x18: {  	s11 =	simm.s32 $0x4;
	s26 =	sadd.s32 s14, s8;
	[dreg:$0xd] =	wrdreg s0  }
0x19: {  	s12 =	simm.s32 $0x6;
	s19 =	sshrl.u32 s23, $0x3;
	[dreg:$0xc] =	wrdreg s26  }
0x1a: {  	s13 =	simm.s32 $0x7;
	s20 =	sshrl.u32 s24, $0x3;
	[dreg:$0xe] =	wrdreg s19  }
0x1b: {  	s14 =	sadd.s32 $0x9000, s10;
	s21 =	sshrl.u32 s25, $0x3;
	[dreg:$0xf] =	wrdreg s20  }
0x1c: {  	s22 =	sshrl.u32 s15, $0x3;
	s23 =	sshrl.u32 s17, $0x3;
	[dreg:$0x10] =	wrdreg s21  }
0x1d: {  	s24 =	sshrl.u32 s18, $0x3;
	s25 =	sshrl.u32 s29, $0x3;
	[dreg:$0x11] =	wrdreg s22  }
0x1e: {  	s0 =	simm.s32 $0xBD00;
	s2 =	simm.s32 $0x1;
	[dreg:$0x12] =	wrdreg s23  }
0x1f: {  	s8 =	simm.s32 $0xDD00;
	s10 =	simm.s32 $0x5;
	[dreg:$0x13] =	wrdreg s24  }
0x20: {  	s15 =	simm.s32 $0x8;
	[dreg:$0x14] =	wrdreg s25;
	s26 =	sshrl.u32 s5, $0x3  }
0x21: {  	s17 =	simm.s32 $0x0;
	s29 =	sshrl.u32 s14, $0x3;
	[dreg:$0x15] =	wrdreg s26  }
0x22: {  	s14 =	simm.s32 $0x2;
	[dreg:$0x16] =	wrdreg s29;
	s26 =	simm.s32 $0x9  }
.LBB2_1:
0x23: {  	[spmem:s16], [sflag:s9] =	dma.local [hbm:s6], $0x200  }
0x24: {  	_ =	swait.ge [sflag:s26], $0x200  }
0x25: {  	[sflag:s26] =	ssyncset.done $0x0  }
0x26: {  	s5 =	rddreg [dreg:$0xe];
	[sflag:s26] =	ssyncadd.s32 $0xFFFFFE00  }
0x27: {  	[spmem:s5], [sflag:s9] =	dma.local [hbm:s6], $0x200  }
0x28: {  	_ =	swait.ge [sflag:s26], $0x200  }
0x29: {  	[sflag:s26] =	ssyncset.done $0x0  }
0x2a: {  	s22 =	rddreg [dreg:$0xf];
	[sflag:s26] =	ssyncadd.s32 $0xFFFFFE00  }
0x2b: {  	[spmem:s22], [sflag:s9] =	dma.local [hbm:s6], $0x200  }
0x2c: {  	_ =	swait.ge [sflag:s26], $0x200  }
0x2d: {  	[sflag:s26] =	ssyncset.done $0x0  }
0x2e: {  	s23 =	rddreg [dreg:$0x10];
	[sflag:s26] =	ssyncadd.s32 $0xFFFFFE00  }
0x2f: {  	[spmem:s23], [sflag:s9] =	dma.local [hbm:s6], $0x200  }
0x30: {  	_ =	swait.ge [sflag:s26], $0x200  }
0x31: {  	[sflag:s26] =	ssyncset.done $0x0  }
0x32: {  	s24 =	rddreg [dreg:$0x11];
	[sflag:s26] =	ssyncadd.s32 $0xFFFFFE00  }
0x33: {  	[spmem:s24], [sflag:s9] =	dma.local [hbm:s6], $0x200  }
0x34: {  	_ =	swait.ge [sflag:s26], $0x200  }
0x35: {  	[sflag:s26] =	ssyncset.done $0x0  }
0x36: {  	s25 =	rddreg [dreg:$0x12];
	[sflag:s26] =	ssyncadd.s32 $0xFFFFFE00  }
0x37: {  	[spmem:s25], [sflag:s9] =	dma.local [hbm:s6], $0x200  }
0x38: {  	_ =	swait.ge [sflag:s26], $0x200  }
0x39: {  	[sflag:s26] =	ssyncset.done $0x0  }
0x3a: {  	s18 =	rddreg [dreg:$0x13];
	[sflag:s26] =	ssyncadd.s32 $0xFFFFFE00  }
0x3b: {  	[spmem:s18], [sflag:s9] =	dma.local [hbm:s6], $0x200  }
0x3c: {  	_ =	swait.ge [sflag:s26], $0x200  }
0x3d: {  	[sflag:s26] =	ssyncset.done $0x0  }
0x3e: {  	s19 =	rddreg [dreg:$0x14];
	[sflag:s26] =	ssyncadd.s32 $0xFFFFFE00  }
0x3f: {  	[spmem:s19], [sflag:s9] =	dma.local [hbm:s6], $0x200  }
0x40: {  	_ =	swait.ge [sflag:s26], $0x200  }
0x41: {  	[sflag:s26] =	ssyncset.done $0x0  }
0x42: {  	s20 =	rddreg [dreg:$0x15];
	[sflag:s26] =	ssyncadd.s32 $0xFFFFFE00  }
0x43: {  	[spmem:s20], [sflag:s9] =	dma.local [hbm:s6], $0x200  }
0x44: {  	_ =	swait.ge [sflag:s26], $0x200  }
0x45: {  	[sflag:s26] =	ssyncset.done $0x0  }
0x46: {  	s21 =	rddreg [dreg:$0x16];
	[sflag:s26] =	ssyncadd.s32 $0xFFFFFE00  }
0x47: {  	[spmem:s21], [sflag:s9] =	dma.local [hbm:s6], $0x200  }
0x48: {  	_ =	swait.ge [sflag:s26], $0x200  }
0x49: {  	[sflag:s26] =	ssyncset.done $0x0;
	s22 =	rddreg [dreg:$0x8]  }
0x4a: {  	s23 =	rddreg [dreg:$0x6];
	[sflag:s26] =	ssyncadd.s32 $0xFFFFFE00;
	s18 =	sshrl.u32 s22, $0x3  }
0x4b: {  	[spmem:s18], [sflag:s9] =	dma.local [hbm:s23], $0x500  }
0x4c: {  	_ =	swait.ge [sflag:s26], $0x500  }
0x4d: {  	s24 =	simm.s32 $0x0;
	[sflag:s26] =	ssyncset.done $0x0  }
0x4e: {  	s20 =	simm.s32 $0x1BD00;
	s19 =	rddreg [dreg:$0x7];
	[sflag:s26] =	ssyncadd.s32 $0xFFFFFB00  }
0x4f: {  	[tilespmem:s20], [sflag:$0x9] =	stream.linear.gather [hbm4b:s19+s24], $0x800, $0x38;
	[tilespmem:$0x1ED00] =	vst v63  }
0x50: {  	_ =	swait.ge [sflag:s26], $0x800  }
0x51: {  	[sflag:s26] =	ssyncset.done $0x0  }
0x52: {  	[sflag:s26] =	ssyncadd.s32 $0xFFFFF800  }
0x53: {  	[bflag:$0x0] =	sbarrier.arrive $0xFFFF  }
0x54: {  	s25 =	rddreg [dreg:$0xc]  }
0x55: {  	[tilespmem:s24], [sflag:$0x9] =	stream.linear.gather [hbm4b:s25+s24], $0x4E80, $0x38;
	[tilespmem:$0x1ED00] =	vst v63  }
0x56: {  	_ =	swait.ge [sflag:s26], $0x4E80  }
0x57: {  	[sflag:s26] =	ssyncset.done $0x0  }
0x58: {  	s21 =	simm.s32 $0x4E80;
	s20 =	rddreg [dreg:$0x9];
	[sflag:s26] =	ssyncadd.s32 $0xFFFFB180  }
0x59: {  	[tilespmem:s21], [sflag:$0x9] =	stream.linear.gather [hbm4b:s20+s24], $0x4E80, $0x38;
	[tilespmem:$0x1ED00] =	vst v63  }
0x5a: {  	_ =	swait.ge [sflag:s26], $0x4E80  }
0x5b: {  	[sflag:s26] =	ssyncset.done $0x0  }
0x5c: {  	[sflag:s26] =	ssyncadd.s32 $0xFFFFB180  }
0x5d: {  	[tilespmem:s31], [sflag:$0x1] =	stream.indirect.gather [hbm4b:s1+s30], $0x40, s24, s30, $0xb8;
	[tilespmem:$0x1ED00] =	vst v63  }
0x5e: {  	_ = 	snop  }
0x5f: {  	[tilespmem:s0], [sflag:$0x2] =	stream.indirect.gather [hbm4b:s1+s30], $0x40, s30, s30, $0xb8;
	[tilespmem:$0x1ED00] =	vst v63  }
0x60: {  	_ =	swait.ge [sflag:s2], $0x2000  }
0x61: {  	[sflag:s2] =	ssyncset.done $0x0  }
0x62: {  	[sflag:s2] =	ssyncadd.s32 $0xFFFFE000  }
0x63: {  	[spmem:s3] =	stream.indirect.scatter.add.f32 [tilespmem:s31], [sflag:$0x5], $0x40, s21, s30, $0xb8;
	[tilespmem:$0x1ED00] =	vst v63  }
0x64: {  	s19 =	simm.s32 @p1 $0x80;
	s20 =	simm.s32 @p1 $0x100;
	s21 =	simm.s32 @p1 $0xDD00  }
0x65: {  	[tilespmem:s21], [sflag:$0x3] =	stream.indirect.gather @p1 [hbm4b:s1+s19], $0x40, s20, s19, $0xb8;
	[tilespmem:$0x1ED00] =	vst v63  }
0x66: {  	s20 =	simm.s32 @p1 $0x2  }
0x67: {  	_ =	swait.ge @p1 [sflag:s20], $0x2000  }
0x68: {  	[sflag:s20] =	ssyncset.done @p1 $0x0  }
0x69: {  	s21 =	simm.s32 @p1 $0xBD00;
	[sflag:s20] =	ssyncadd.s32 @p1 $0xFFFFE000;
	s20 =	simm.s32 @p1 $0x4F00  }
0x6a: {  	[spmem:s3] =	stream.indirect.scatter.add.f32 @p1 [tilespmem:s21], [sflag:$0x6], $0x40, s20, s19, $0xb8;
	[tilespmem:$0x1ED00] =	vst v63  }
0x6b: {  	s19 =	simm.s32 @!p1 $0x80;
	s20 =	simm.s32 @!p1 $0x4E80;
	s21 =	simm.s32 @!p1 $0x1BD00  }
0x6c: {  	[spmem:s4] =	stream.indirect.scatter.add.f32 @!p1 [tilespmem:s21], [sflag:$0x9], $0x10, s20, s19, $0xb8;
	[tilespmem:$0x1ED00] =	vst v63  }
0x6d: {  	s20 =	simm.s32 @!p1 $0x9  }
0x6e: {  	_ =	swait.ge @!p1 [sflag:s20], $0x800  }
0x6f: {  	[sflag:s20] =	ssyncset.done @!p1 $0x0  }
0x70: {  	s29 =	simm.s32 @!p1 $0xDD00;
	s22 =	simm.s32 @!p1 $0x100;
	[sflag:s20] =	ssyncadd.s32 @!p1 $0xFFFFF800  }
0x71: {  	[tilespmem:s29], [sflag:$0x3] =	stream.indirect.gather @!p1 [hbm4b:s1+s19], $0x40, s22, s19, $0xb8;
	[tilespmem:$0x1ED00] =	vst v63  }
0x72: {  	s22 =	simm.s32 @!p1 $0x2  }
0x73: {  	_ =	swait.ge @!p1 [sflag:s22], $0x2000  }
0x74: {  	[sflag:s22] =	ssyncset.done @!p1 $0x0  }
0x75: {  	s29 =	simm.s32 @!p1 $0xBD00;
	[sflag:s22] =	ssyncadd.s32 @!p1 $0xFFFFE000;
	s22 =	simm.s32 @!p1 $0x4F00  }
0x76: {  	[spmem:s3] =	stream.indirect.scatter.add.f32 @!p1 [tilespmem:s29], [sflag:$0x6], $0x40, s22, s19, $0xb8;
	[tilespmem:$0x1ED00] =	vst v63  }
0x77: {  	_ = 	snop  }
0x78: {  	[spmem:s4] =	stream.indirect.scatter.add.f32 @!p1 [tilespmem:s21], [sflag:$0x9], $0x10, s22, s19, $0xb8;
	[tilespmem:$0x1ED00] =	vst v63  }
0x79: {  	_ =	swait.ge @!p1 [sflag:s20], $0x800  }
0x7a: {  	[sflag:s20] =	ssyncset.done @!p1 $0x0  }
0x7b: {  	p2 =	por $0x0, $0x0;
	s22 =	simm.s32 $0x180;
	[sflag:s20] =	ssyncadd.s32 @!p1 $0xFFFFF800  }
0x7c: {  	[tilespmem:s28], [sflag:$0x4] =	stream.indirect.gather [hbm4b:s1+s30], $0x40, s22, s30, $0xb8;
	[tilespmem:$0x1ED00] =	vst v63  }
0x7d: {  	s19 =	simm.s32 $0x1;
	s20 =	simm.s32 $0x1;
	_ =	swait.ge [sflag:s7], $0x2000  }
0x7e: {  	s19 =	simm.s32 @!p0 $0x0;
	s20 =	simm.s32 @!p2 $0x0;
	[sflag:s7] =	ssyncset.done $0x0  }
0x7f: {  	s21 =	simm.s32 $0x4F80;
	p2 =	seq.s32 s19, s20;
	[sflag:s7] =	ssyncadd.s32 $0xFFFFE000  }
0x80: {  	[spmem:s3] =	stream.indirect.scatter.add.f32 [tilespmem:s8], [sflag:$0x7], $0x40, s21, s30, $0xb8;
	[tilespmem:$0x1ED00] =	vst v63  }
0x81: {  	s20 =	simm.s32 @!p2 $0x80;
	s22 =	simm.s32 @!p2 $0x1BD00;
	s29 =	simm.s32 @!p2 $0x9  }
0x82: {  	[spmem:s4] =	stream.indirect.scatter.add.f32 @!p2 [tilespmem:s22], [sflag:$0x9], $0x10, s21, s20, $0xb8;
	[tilespmem:$0x1ED00] =	vst v63  }
0x83: {  	_ =	swait.ge @!p2 [sflag:s29], $0x800  }
0x84: {  	[sflag:s29] =	ssyncset.done @!p2 $0x0  }
0x85: {  	[sflag:s29] =	ssyncadd.s32 @!p2 $0xFFFFF800  }
0x86: {  	_ =	swait.ge [sflag:s10], $0x2000  }
0x87: {  	[sflag:s10] =	ssyncset.done $0x0  }
0x88: {  	s23 =	simm.s32 $0x200;
	[sflag:s10] =	ssyncadd.s32 $0xFFFFE000  }
0x89: {  	[tilespmem:s31], [sflag:$0x1] =	stream.indirect.gather [hbm4b:s1+s30], $0x40, s23, s30, $0xb8;
	[tilespmem:$0x1ED00] =	vst v63  }
0x8a: {  	s20 =	simm.s32 $0x1;
	p2 =	por $0x0, $0x0;
	_ =	swait.ge [sflag:s11], $0x2000  }
0x8b: {  	s20 =	simm.s32 @!p2 $0x0;
	[sflag:s11] =	ssyncset.done $0x0  }
0x8c: {  	s21 =	simm.s32 $0x5000;
	p2 =	seq.s32 s19, s20;
	[sflag:s11] =	ssyncadd.s32 $0xFFFFE000  }
0x8d: {  	[spmem:s3] =	stream.indirect.scatter.add.f32 [tilespmem:s28], [sflag:$0x8], $0x40, s21, s30, $0xb8;
	[tilespmem:$0x1ED00] =	vst v63  }
0x8e: {  	s20 =	simm.s32 @!p2 $0x80;
	s22 =	simm.s32 @!p2 $0x1BD00;
	s29 =	simm.s32 @!p2 $0x9  }
0x8f: {  	[spmem:s4] =	stream.indirect.scatter.add.f32 @!p2 [tilespmem:s22], [sflag:$0x9], $0x10, s21, s20, $0xb8;
	[tilespmem:$0x1ED00] =	vst v63  }
0x90: {  	_ =	swait.ge @!p2 [sflag:s29], $0x800  }
0x91: {  	[sflag:s29] =	ssyncset.done @!p2 $0x0  }
0x92: {  	[sflag:s29] =	ssyncadd.s32 @!p2 $0xFFFFF800  }
0x93: {  	_ =	swait.ge [sflag:s12], $0x2000  }
0x94: {  	[sflag:s12] =	ssyncset.done $0x0  }
0x95: {  	s24 =	simm.s32 $0x280;
	[sflag:s12] =	ssyncadd.s32 $0xFFFFE000  }
0x96: {  	[tilespmem:s0], [sflag:$0x2] =	stream.indirect.gather [hbm4b:s1+s30], $0x40, s24, s30, $0xb8;
	[tilespmem:$0x1ED00] =	vst v63  }
0x97: {  	s20 =	simm.s32 $0x1;
	p2 =	por $0x0, $0x0;
	_ =	swait.ge [sflag:s2], $0x2000  }
0x98: {  	s20 =	simm.s32 @!p2 $0x0;
	[sflag:s2] =	ssyncset.done $0x0  }
0x99: {  	s21 =	simm.s32 $0x5080;
	p3 =	seq.s32 s19, s20;
	[sflag:s2] =	ssyncadd.s32 $0xFFFFE000  }
0x9a: {  	[spmem:s3] =	stream.indirect.scatter.add.f32 [tilespmem:s31], [sflag:$0x5], $0x40, s21, s30, $0xb8;
	[tilespmem:$0x1ED00] =	vst v63  }
0x9b: {  	s20 =	simm.s32 @!p3 $0x80;
	s22 =	simm.s32 @!p3 $0x1BD00;
	s29 =	simm.s32 @!p3 $0x9  }
0x9c: {  	[spmem:s4] =	stream.indirect.scatter.add.f32 @!p3 [tilespmem:s22], [sflag:$0x9], $0x10, s21, s20, $0xb8;
	[tilespmem:$0x1ED00] =	vst v63  }
0x9d: {  	_ =	swait.ge @!p3 [sflag:s29], $0x800  }
0x9e: {  	[sflag:s29] =	ssyncset.done @!p3 $0x0  }
0x9f: {  	[sflag:s29] =	ssyncadd.s32 @!p3 $0xFFFFF800  }
0xa0: {  	_ =	swait.ge [sflag:s13], $0x2000  }
0xa1: {  	[sflag:s13] =	ssyncset.done $0x0  }
0xa2: {  	s25 =	simm.s32 $0x300;
	[sflag:s13] =	ssyncadd.s32 $0xFFFFE000  }
0xa3: {  	[tilespmem:s8], [sflag:$0x3] =	stream.indirect.gather [hbm4b:s1+s30], $0x40, s25, s30, $0xb8;
	[tilespmem:$0x1ED00] =	vst v63  }
0xa4: {  	_ =	swait.ge [sflag:s14], $0x2000  }
0xa5: {  	p3 =	por !p2, !p2;
	[sflag:s14] =	ssyncset.done $0x0  }
0xa6: {  	s20 =	simm.s32 $0x5100;
	p3 =	por @!p0 p2, p2;
	[sflag:s14] =	ssyncadd.s32 $0xFFFFE000  }
0xa7: {  	[spmem:s3] =	stream.indirect.scatter.add.f32 [tilespmem:s0], [sflag:$0x6], $0x40, s20, s30, $0xb8;
	[tilespmem:$0x1ED00] =	vst v63  }
0xa8: {  	s21 =	simm.s32 @p3 $0x80;
	s22 =	simm.s32 @p3 $0x1BD00;
	s29 =	simm.s32 @p3 $0x9  }
0xa9: {  	[spmem:s4] =	stream.indirect.scatter.add.f32 @p3 [tilespmem:s22], [sflag:$0x9], $0x10, s20, s21, $0xb8;
	[tilespmem:$0x1ED00] =	vst v63  }
0xaa: {  	_ =	swait.ge @p3 [sflag:s29], $0x800  }
0xab: {  	s20 =	simm.s32 $0x800;
	s21 =	simm.s32 $0x0;
	[sflag:s29] =	ssyncset.done @p3 $0x0  }
0xac: {  	s22 =	simm.s32 $0x7;
	[sflag:s29] =	ssyncadd.s32 @p3 $0xFFFFF800;
	s29 =	simm.s32 $0x1  }
.LBB2_2:
0xad: {  	_ =	swait.ge [sflag:s15], $0x2000  }
0xae: {  	s23 =	sadd.s32 $0x380, s21;
	s21 =	smov.u32 s20;
	s20 =	sadd.s32 $0x800, s20  }
0xaf: {  	s24 =	sadd.s32 $0xFFFFFFFF, s22;
	[sflag:s15] =	ssyncset.done $0x0;
	s21 =	sshra.s32 s21, $0x2  }
0xb0: {  	p2 =	sgt.u32 s24, $0x4D;
	s24 =	simm.s32 $0x1;
	[sflag:s15] =	ssyncadd.s32 $0xFFFFE000  }
0xb1: {  	[tilespmem:s28], [sflag:$0x4] =	stream.indirect.gather [hbm4b:s1+s30], $0x40, s23, s30, $0xb8;
	[tilespmem:$0x1ED00] =	vst v63  }
0xb2: {  	s24 =	simm.s32 @!p2 $0x0;
	s23 =	sadd.s32 $0x4F80, s21;
	_ =	swait.ge [sflag:s7], $0x2000  }
0xb3: {  	p2 =	sne.s32 s20, $0x13000;
	p3 =	seq.s32 s19, s24;
	[sflag:s7] =	ssyncset.done $0x0  }
0xb4: {  	[sflag:s7] =	ssyncadd.s32 $0xFFFFE000  }
0xb5: {  	[spmem:s3] =	stream.indirect.scatter.add.f32 [tilespmem:s8], [sflag:$0x7], $0x40, s23, s30, $0xb8;
	[tilespmem:$0x1ED00] =	vst v63  }
0xb6: {  	s24 =	simm.s32 @!p3 $0x80;
	s25 =	simm.s32 @!p3 $0x1BD00;
	s5 =	simm.s32 @!p3 $0x9  }
0xb7: {  	[spmem:s4] =	stream.indirect.scatter.add.f32 @!p3 [tilespmem:s25], [sflag:$0x9], $0x10, s23, s24, $0xb8;
	[tilespmem:$0x1ED00] =	vst v63  }
0xb8: {  	_ =	swait.ge @!p3 [sflag:s5], $0x800  }
0xb9: {  	[sflag:s5] =	ssyncset.done @!p3 $0x0  }
0xba: {  	[sflag:s5] =	ssyncadd.s32 @!p3 $0xFFFFF800  }
0xbb: {  	s5 =	sadd.s32 $0x200, s21;
	_ =	swait.ge [sflag:s10], $0x2000  }
0xbc: {  	[sflag:s10] =	ssyncset.done $0x0  }
0xbd: {  	s23 =	simm.s32 $0x1;
	p3 =	sgt.u32 s22, $0x4D;
	[sflag:s10] =	ssyncadd.s32 $0xFFFFE000  }
0xbe: {  	[tilespmem:s31], [sflag:$0x1] =	stream.indirect.gather [hbm4b:s1+s30], $0x40, s5, s30, $0xb8;
	[tilespmem:$0x1ED00] =	vst v63  }
0xbf: {  	s23 =	simm.s32 @!p3 $0x0;
	s5 =	sadd.s32 $0x5000, s21;
	_ =	swait.ge [sflag:s11], $0x2000  }
0xc0: {  	p3 =	seq.s32 s19, s23;
	[sflag:s11] =	ssyncset.done $0x0  }
0xc1: {  	s23 =	simm.s32 @!p3 $0x80;
	s24 =	simm.s32 @!p3 $0x1BD00;
	[sflag:s11] =	ssyncadd.s32 $0xFFFFE000  }
0xc2: {  	[spmem:s3] =	stream.indirect.scatter.add.f32 [tilespmem:s28], [sflag:$0x8], $0x40, s5, s30, $0xb8;
	[tilespmem:$0x1ED00] =	vst v63  }
0xc3: {  	s25 =	simm.s32 @!p3 $0x9  }
0xc4: {  	[spmem:s4] =	stream.indirect.scatter.add.f32 @!p3 [tilespmem:s24], [sflag:$0x9], $0x10, s5, s23, $0xb8;
	[tilespmem:$0x1ED00] =	vst v63  }
0xc5: {  	_ =	swait.ge @!p3 [sflag:s25], $0x800  }
0xc6: {  	[sflag:s25] =	ssyncset.done @!p3 $0x0  }
0xc7: {  	[sflag:s25] =	ssyncadd.s32 @!p3 $0xFFFFF800  }
0xc8: {  	_ =	swait.ge [sflag:s12], $0x2000  }
0xc9: {  	s5 =	sadd.s32 $0x280, s21;
	[sflag:s12] =	ssyncset.done $0x0  }
0xca: {  	[sflag:s12] =	ssyncadd.s32 $0xFFFFE000  }
0xcb: {  	[tilespmem:s0], [sflag:$0x2] =	stream.indirect.gather [hbm4b:s1+s30], $0x40, s5, s30, $0xb8;
	[tilespmem:$0x1ED00] =	vst v63  }
0xcc: {  	p4 =	sgt.u32 s29, $0x12;
	s23 =	simm.s32 $0x1;
	_ =	swait.ge [sflag:s2], $0x2000  }
0xcd: {  	s23 =	simm.s32 @!p4 $0x0;
	s5 =	sadd.s32 $0x5080, s21;
	[sflag:s2] =	ssyncset.done $0x0  }
0xce: {  	p5 =	seq.s32 s19, s23;
	p3 =	por !p4, !p4;
	[sflag:s2] =	ssyncadd.s32 $0xFFFFE000  }
0xcf: {  	s23 =	simm.s32 @!p5 $0x80;
	s24 =	simm.s32 @!p5 $0x1BD00  }
0xd0: {  	[spmem:s3] =	stream.indirect.scatter.add.f32 [tilespmem:s31], [sflag:$0x5], $0x40, s5, s30, $0xb8;
	[tilespmem:$0x1ED00] =	vst v63  }
0xd1: {  	s25 =	simm.s32 @!p5 $0x9  }
0xd2: {  	[spmem:s4] =	stream.indirect.scatter.add.f32 @!p5 [tilespmem:s24], [sflag:$0x9], $0x10, s5, s23, $0xb8;
	[tilespmem:$0x1ED00] =	vst v63  }
0xd3: {  	_ =	swait.ge @!p5 [sflag:s25], $0x800  }
0xd4: {  	[sflag:s25] =	ssyncset.done @!p5 $0x0  }
0xd5: {  	[sflag:s25] =	ssyncadd.s32 @!p5 $0xFFFFF800  }
0xd6: {  	_ =	swait.ge [sflag:s13], $0x2000  }
0xd7: {  	s5 =	sadd.s32 $0x300, s21;
	[sflag:s13] =	ssyncset.done $0x0  }
0xd8: {  	[sflag:s13] =	ssyncadd.s32 $0xFFFFE000  }
0xd9: {  	[tilespmem:s8], [sflag:$0x3] =	stream.indirect.gather [hbm4b:s1+s30], $0x40, s5, s30, $0xb8;
	[tilespmem:$0x1ED00] =	vst v63  }
0xda: {  	_ =	swait.ge [sflag:s14], $0x2000  }
0xdb: {  	p3 =	por @!p0 p4, p4;
	s5 =	sadd.s32 $0x5100, s21;
	[sflag:s14] =	ssyncset.done $0x0  }
0xdc: {  	s23 =	simm.s32 @p3 $0x80;
	s24 =	simm.s32 @p3 $0x1BD00;
	[sflag:s14] =	ssyncadd.s32 $0xFFFFE000  }
0xdd: {  	[spmem:s3] =	stream.indirect.scatter.add.f32 [tilespmem:s0], [sflag:$0x6], $0x40, s5, s30, $0xb8;
	[tilespmem:$0x1ED00] =	vst v63  }
.Ltmp0:
0xde: {  	s25 =	simm.s32 @p3 $0x9;
	(pc) =	sbr.rel @p2 .LBB2_2-.Ltmp0, $4  }
0xdf: {  	[spmem:s4] =	stream.indirect.scatter.add.f32 @p3 [tilespmem:s24], [sflag:$0x9], $0x10, s5, s23, $0xb8;
	[tilespmem:$0x1ED00] =	vst v63  }
0xe0: {  	_ =	swait.ge @p3 [sflag:s25], $0x800  }
0xe1: {  	[sflag:s25] =	ssyncset.done @p3 $0x0  }
0xe2: {  	s29 =	sadd.s32 $0x1, s29;
	s22 =	sadd.s32 $0x4, s22;
	[sflag:s25] =	ssyncadd.s32 @p3 $0xFFFFF800  }
0xe3: {  	_ =	swait.ge [sflag:s15], $0x2000  }
0xe4: {  	[sflag:s15] =	ssyncset.done $0x0  }
0xe5: {  	s5 =	sadd.s32 $0x380, s21;
	[sflag:s15] =	ssyncadd.s32 $0xFFFFE000  }
0xe6: {  	[tilespmem:s28], [sflag:$0x4] =	stream.indirect.gather [hbm4b:s1+s30], $0x40, s5, s30, $0xb8;
	[tilespmem:$0x1ED00] =	vst v63  }
0xe7: {  	_ =	swait.ge [sflag:s7], $0x2000  }
0xe8: {  	[sflag:s7] =	ssyncset.done $0x0  }
0xe9: {  	s21 =	simm.s32 $0x9B80;
	s5 =	simm.s32 @p0 $0x5;
	[sflag:s7] =	ssyncadd.s32 $0xFFFFE000  }
0xea: {  	[spmem:s3] =	stream.indirect.scatter.add.f32 [tilespmem:s8], [sflag:$0x7], $0x40, s21, s30, $0xb8;
	[tilespmem:$0x1ED00] =	vst v63  }
0xeb: {  	_ =	swait.ge @p0 [sflag:s5], $0x2000  }
0xec: {  	s19 =	simm.s32 @p0 $0x4E00;
	[sflag:s5] =	ssyncset.done @p0 $0x0  }
0xed: {  	s20 =	simm.s32 @p0 $0x9D00;
	[sflag:s5] =	ssyncadd.s32 @p0 $0xFFFFE000;
	s5 =	simm.s32 @p0 $0x80  }
0xee: {  	[tilespmem:s20], [sflag:$0x1] =	stream.indirect.gather @p0 [hbm4b:s1+s5], $0x40, s19, s5, $0xb8;
	[tilespmem:$0x1ED00] =	vst v63  }
0xef: {  	s19 =	simm.s32 @p0 $0x4  }
0xf0: {  	_ =	swait.ge @p0 [sflag:s19], $0x2000  }
0xf1: {  	[sflag:s19] =	ssyncset.done @p0 $0x0  }
0xf2: {  	s20 =	simm.s32 @p0 $0xFD00;
	[sflag:s19] =	ssyncadd.s32 @p0 $0xFFFFE000;
	s19 =	simm.s32 @p0 $0x9C00  }
0xf3: {  	[spmem:s3] =	stream.indirect.scatter.add.f32 @p0 [tilespmem:s20], [sflag:$0x8], $0x40, s19, s5, $0xb8;
	[tilespmem:$0x1ED00] =	vst v63  }
0xf4: {  	s5 =	simm.s32 @!p0 $0x80;
	s19 =	simm.s32 @!p0 $0x9B80;
	s20 =	simm.s32 @!p0 $0x1BD00  }
0xf5: {  	[spmem:s4] =	stream.indirect.scatter.add.f32 @!p0 [tilespmem:s20], [sflag:$0x9], $0x10, s19, s5, $0xb8;
	[tilespmem:$0x1ED00] =	vst v63  }
0xf6: {  	s19 =	simm.s32 @!p0 $0x9  }
0xf7: {  	_ =	swait.ge @!p0 [sflag:s19], $0x800  }
0xf8: {  	[sflag:s19] =	ssyncset.done @!p0 $0x0  }
0xf9: {  	s21 =	simm.s32 @!p0 $0x5;
	[sflag:s19] =	ssyncadd.s32 @!p0 $0xFFFFF800  }
0xfa: {  	_ =	swait.ge @!p0 [sflag:s21], $0x2000  }
0xfb: {  	[sflag:s21] =	ssyncset.done @!p0 $0x0  }
0xfc: {  	s22 =	simm.s32 @!p0 $0x9D00;
	[sflag:s21] =	ssyncadd.s32 @!p0 $0xFFFFE000;
	s21 =	simm.s32 @!p0 $0x4E00  }
0xfd: {  	[tilespmem:s22], [sflag:$0x1] =	stream.indirect.gather @!p0 [hbm4b:s1+s5], $0x40, s21, s5, $0xb8;
	[tilespmem:$0x1ED00] =	vst v63  }
0xfe: {  	s21 =	simm.s32 @!p0 $0x4  }
0xff: {  	_ =	swait.ge @!p0 [sflag:s21], $0x2000  }
0x100: {  	[sflag:s21] =	ssyncset.done @!p0 $0x0  }
0x101: {  	s22 =	simm.s32 @!p0 $0xFD00;
	[sflag:s21] =	ssyncadd.s32 @!p0 $0xFFFFE000;
	s21 =	simm.s32 @!p0 $0x9C00  }
0x102: {  	[spmem:s3] =	stream.indirect.scatter.add.f32 @!p0 [tilespmem:s22], [sflag:$0x8], $0x40, s21, s5, $0xb8;
	[tilespmem:$0x1ED00] =	vst v63  }
0x103: {  	_ = 	snop  }
0x104: {  	[spmem:s4] =	stream.indirect.scatter.add.f32 @!p0 [tilespmem:s20], [sflag:$0x9], $0x10, s21, s5, $0xb8;
	[tilespmem:$0x1ED00] =	vst v63  }
0x105: {  	_ =	swait.ge @!p0 [sflag:s19], $0x800  }
0x106: {  	[sflag:s19] =	ssyncset.done @!p0 $0x0  }
0x107: {  	[sflag:s19] =	ssyncadd.s32 @!p0 $0xFFFFF800  }
0x108: {  	_ =	swait.ge [sflag:s2], $0x2000  }
0x109: {  	[sflag:s2] =	ssyncset.done $0x0  }
0x10a: {  	s22 =	simm.s32 $0x9C80;
	[sflag:s2] =	ssyncadd.s32 $0xFFFFE000  }
0x10b: {  	[spmem:s3] =	stream.indirect.scatter.add.f32 [tilespmem:s31], [sflag:$0x5], $0x40, s22, s30, $0xb8;
	[tilespmem:$0x1ED00] =	vst v63  }
0x10c: {  	s21 =	simm.s32 @!p0 $0x9C80  }
0x10d: {  	[spmem:s4] =	stream.indirect.scatter.add.f32 @!p0 [tilespmem:s20], [sflag:$0x9], $0x10, s21, s5, $0xb8;
	[tilespmem:$0x1ED00] =	vst v63  }
0x10e: {  	_ =	swait.ge @!p0 [sflag:s19], $0x800  }
0x10f: {  	[sflag:s19] =	ssyncset.done @!p0 $0x0  }
0x110: {  	[sflag:s19] =	ssyncadd.s32 @!p0 $0xFFFFF800  }
0x111: {  	_ =	swait.ge [sflag:s12], $0x2000  }
0x112: {  	[sflag:s12] =	ssyncset.done $0x0  }
0x113: {  	[sflag:s12] =	ssyncadd.s32 $0xFFFFE000  }
0x114: {  	_ =	swait.ge [sflag:s13], $0x2000  }
0x115: {  	[sflag:s13] =	ssyncset.done $0x0  }
0x116: {  	[sflag:s13] =	ssyncadd.s32 $0xFFFFE000  }
0x117: {  	_ =	swait.ge [sflag:s15], $0x2000  }
0x118: {  	[sflag:s15] =	ssyncset.done $0x0  }
0x119: {  	[sflag:s15] =	ssyncadd.s32 $0xFFFFE000  }
0x11a: {  	_ =	swait.ge [sflag:s10], $0x2000  }
0x11b: {  	[sflag:s10] =	ssyncset.done $0x0  }
0x11c: {  	[sflag:s10] =	ssyncadd.s32 $0xFFFFE000  }
0x11d: {  	[bflag:$0x0] =	sbarrier.arrive $0xFFFF  }
0x11e: {  	s24 =	simm.s32 $0x10;
	s23 =	rddreg [dreg:$0xd]  }
0x11f: {  	[hbm:s23@s24], [sflag:s9] =	dma.strided [spmem:s16@s15], $0x1400, s2, $0x8   }
0x120: {  	_ =	swait.ge [sflag:s26], $0x1400  }
0x121: {  	[sflag:s26] =	ssyncset.done $0x0  }
0x122: {  	s25 =	rddreg [dreg:$0xa];
	[sflag:s26] =	ssyncadd.s32 $0xFFFFEC00  }
0x123: {  	[hbm:s25], [sflag:s9] =	dma.local [spmem:s18], $0x500  }
0x124: {  	_ =	swait.ge [sflag:s26], $0x500  }
0x125: {  	s17 =	sadd.s32 $0x1, s17;
	s29 =	rddreg [dreg:$0xb]  }
0x126: {  	p2 =	sne.s32 s17, s29  }
.Ltmp1:
0x127: {  	_ = 	snop;
	(pc) =	sbr.rel @p2 .LBB2_1-.Ltmp1, $3  }
0x128: {  	_ =	sdelay $0x1  }
0x129: {  	[sflag:s26] =	ssyncset.done $0x0  }
0x12a: {  	[sflag:s26] =	ssyncadd.s32 $0xFFFFFB00  }
0x12b: {  	_ =	sfence.sel $0x180000  }
0x12c: {  	[bflag:$0x0] =	sbarrier.arrive $0xFFFF  }
0x12d: {  	_ =	strace $0x90000047  }
0x12e: {  	s0 =	stileid.u32;
	[bflag:$0x2] =	sbarrier.arrive $0xFFFF  }
0x12f: {  	p0 =	sne.s32 s0, $0x0;
	s0 =	rddreg [dreg:$0x5]  }
0x130: {  	s0 =	sadd.s32 @!p0 $0x100000, s0  }
0x131: {  	[sflag:s0] =	ssyncadd.tile.s32 @!p0 $0x1;
	_ =	shalt  }
.Lfunc_end2:
_tile_overlayer_lowered:
.L_overlay_start_2:
0x132: {  	(tag) =	ssettag $0x2  }
0x133: {  	s0 =	rddreg [dreg:$0x0];
	s2 =	stileid.u32  }
0x134: {  	s1 =	rddreg [dreg:$0x1];
	p0 =	sne.s32 s2, $0x0  }
0x135: {  	s3 =	rddreg [dreg:$0x2];
	[bflag:$0x3] =	sbarrier.arrive $0xFFFF;
	s2 =	simm.s32 @!p0 $0x1C09  }
0x136: {  	[timem:s3], [sflag:s2] =	dma.local @!p0 [hbm:s0], s1  }
0x137: {  	s0 =	simm.s32 @!p0 $0x9  }
0x138: {  	_ =	swait.ge @!p0 [sflag:s0], s1  }
0x139: {  	s1 =	ssub.s32 @!p0 $0x0, s1;
	[sflag:s0] =	ssyncset.done @!p0 $0x0  }
0x13a: {  	[sflag:s0] =	ssyncadd.s32 @!p0 s1  }
0x13b: {  	[bflag:$0x3] =	sbarrier.arrive $0xFFFF  }
0x13c: {  	_ =	shalt  }

</sc_bundles>
